<compile_context>
chip_gen: v7x
topology: tpu7x:2x2x1
jax: 0.10.2.dev20260603
libtpu: 0.0.44.dev20260713+nightly
codegen_flags: <defaults>
</compile_context>

<pallas_src>
import math

import jax
import jax.numpy as jnp
import numpy as np
from jax import lax
from jax.experimental import pallas as pl
from jax.experimental.pallas import tpu as pltpu
from jax.experimental.pallas import tpu_sc as plsc

_N = 256
_ROWS = 32768
_NC = 2
_NS = 16
_NW = _NC * _NS
_TILE_ROWS = 32
_TILES_PER_W = _ROWS // (_NW * _TILE_ROWS)
_TILE_ELEMS = _TILE_ROWS * _N

_W16_RE = np.cos(-2.0 * math.pi * np.arange(16) / 16.0)
_W16_IM = np.sin(-2.0 * math.pi * np.arange(16) / 16.0)


def _br4(x):
    return ((x & 1) << 3) | ((x & 2) << 1) | ((x & 4) >> 1) | ((x & 8) >> 3)


def _fft16_regs(re, im):
    re = [re[_br4(a)] for a in range(16)]
    im = [im[_br4(a)] for a in range(16)]
    for s in range(4):
        stride = 1 << s
        tw_step = 8 >> s
        for g in range(0, 16, 2 * stride):
            for k in range(stride):
                p1 = g + k
                p2 = p1 + stride
                t = k * tw_step
                ar, ai = re[p1], im[p1]
                br, bi = re[p2], im[p2]
                if t == 0:
                    re[p1], im[p1] = ar + br, ai + bi
                    re[p2], im[p2] = ar - br, ai - bi
                elif t == 4:
                    re[p1], im[p1] = ar + bi, ai - br
                    re[p2], im[p2] = ar - bi, ai + br
                else:
                    wr = float(_W16_RE[t])
                    wi = float(_W16_IM[t])
                    wbr = br * wr - bi * wi
                    wbi = br * wi + bi * wr
                    re[p1], im[p1] = ar + wbr, ai + wbi
                    re[p2], im[p2] = ar - wbr, ai - wbi
    return re, im


def _host_tables():
    b = np.arange(16)
    tw_r = np.empty((16, 16), np.float32)
    tw_i = np.empty((16, 16), np.float32)
    for c in range(16):
        ang = -2.0 * math.pi * b * c / 256.0
        tw_r[c] = np.cos(ang)
        tw_i[c] = np.sin(ang)
    perm = np.empty((16, 16), np.int32)
    for c in range(16):
        perm[c] = (b + c) & 15
    return tw_r.reshape(-1), tw_i.reshape(-1), perm.reshape(-1)


def _sc_body(xr, xi, twr_h, twi_h, perm_h, yr, yi,
             inr0, ini0, inr1, ini1, outr0, outi0, outr1, outi1,
             tbr, tbi, twr, twi, permv,
             s_ir0, s_ii0, s_ir1, s_ii1, s_or0, s_oi0, s_or1, s_oi1):
    c = lax.axis_index("c")
    s = lax.axis_index("s")
    wid = s * _NC + c
    pltpu.sync_copy(twr_h, twr)
    pltpu.sync_copy(twi_h, twi)
    pltpu.sync_copy(perm_h, permv)

    ins = ((inr0, ini0, s_ir0, s_ii0), (inr1, ini1, s_ir1, s_ii1))
    outs = ((outr0, outi0, s_or0, s_oi0), (outr1, outi1, s_or1, s_oi1))

    def base_of(t):
        return (wid * _TILES_PER_W + t) * _TILE_ELEMS

    def issue_in(t, b):
        @pl.when(t < _TILES_PER_W)
        def _():
            base = base_of(t)
            pltpu.async_copy(xr.at[pl.ds(base, _TILE_ELEMS)], b[0], b[2])
            pltpu.async_copy(xi.at[pl.ds(base, _TILE_ELEMS)], b[1], b[3])

    def wait_in(b):
        pltpu.make_async_copy(xr.at[pl.ds(0, _TILE_ELEMS)], b[0], b[2]).wait()
        pltpu.make_async_copy(xi.at[pl.ds(0, _TILE_ELEMS)], b[1], b[3]).wait()

    def drain_out(b):
        pltpu.make_async_copy(b[0], yr.at[pl.ds(0, _TILE_ELEMS)], b[2]).wait()
        pltpu.make_async_copy(b[1], yi.at[pl.ds(0, _TILE_ELEMS)], b[3]).wait()

    iota = lax.iota(jnp.int32, 16)
    i16v = iota * 16

    def phase_a(inr, ini, rbase):
        re = [inr[pl.ds(rbase + j * 16, 16)] for j in range(16)]
        im = [ini[pl.ds(rbase + j * 16, 16)] for j in range(16)]
        re, im = _fft16_regs(re, im)
        for cc in range(1, 16):
            wr = twr[pl.ds(cc * 16, 16)]
            wi = twi[pl.ds(cc * 16, 16)]
            tr = re[cc] * wr - im[cc] * wi
            ti = re[cc] * wi + im[cc] * wr
            re[cc], im[cc] = tr, ti
        sb = i16v + rbase
        for cc in range(16):
            sidx = sb + permv[pl.ds(cc * 16, 16)]
            plsc.store_scatter(tbr, [sidx], re[cc])
            plsc.store_scatter(tbi, [sidx], im[cc])

    def phase_b(outr, outi, rbase):
        re2 = []
        im2 = []
        for bb in range(16):
            gidx = permv[pl.ds(bb * 16, 16)] + (rbase + bb * 16)
            re2.append(plsc.load_gather(tbr, [gidx]))
            im2.append(plsc.load_gather(tbi, [gidx]))
        re2, im2 = _fft16_regs(re2, im2)
        for d in range(16):
            outr[pl.ds(rbase + d * 16, 16)] = re2[d]
            outi[pl.ds(rbase + d * 16, 16)] = im2[d]

    def process(t, par):
        b = ins[par]
        ob = outs[par]
        wait_in(b)
        issue_in(t + 1, ins[1 - par])

        @pl.when(t >= 2)
        def _():
            drain_out(ob)

        @plsc.parallel_loop(0, _TILE_ROWS, unroll=1)
        def _row_a(r):
            phase_a(b[0], b[1], r * _N)

        @plsc.parallel_loop(0, _TILE_ROWS, unroll=1)
        def _row_b(r):
            phase_b(ob[0], ob[1], r * _N)
        base = base_of(t)
        pltpu.async_copy(ob[0], yr.at[pl.ds(base, _TILE_ELEMS)], ob[2])
        pltpu.async_copy(ob[1], yi.at[pl.ds(base, _TILE_ELEMS)], ob[3])

    base0 = base_of(0)
    pltpu.async_copy(xr.at[pl.ds(base0, _TILE_ELEMS)], ins[0][0], ins[0][2])
    pltpu.async_copy(xi.at[pl.ds(base0, _TILE_ELEMS)], ins[0][1], ins[0][3])

    def pair(tt, carry):
        t0 = tt * 2
        process(t0, 0)
        process(t0 + 1, 1)
        return carry

    lax.fori_loop(0, _TILES_PER_W // 2, pair, 0)
    drain_out(outs[0])
    drain_out(outs[1])


def kernel(x_re, x_im):
    tw_r, tw_i, perm = _host_tables()
    mesh = plsc.VectorSubcoreMesh(core_axis_name="c", subcore_axis_name="s")
    f = pl.kernel(
        _sc_body,
        out_type=[
            jax.ShapeDtypeStruct((_ROWS * _N,), jnp.float32),
            jax.ShapeDtypeStruct((_ROWS * _N,), jnp.float32),
        ],
        mesh=mesh,
        compiler_params=pltpu.CompilerParams(needs_layout_passes=False),
        scratch_types=[
            pltpu.VMEM((_TILE_ELEMS,), jnp.float32),
            pltpu.VMEM((_TILE_ELEMS,), jnp.float32),
            pltpu.VMEM((_TILE_ELEMS,), jnp.float32),
            pltpu.VMEM((_TILE_ELEMS,), jnp.float32),
            pltpu.VMEM((_TILE_ELEMS,), jnp.float32),
            pltpu.VMEM((_TILE_ELEMS,), jnp.float32),
            pltpu.VMEM((_TILE_ELEMS,), jnp.float32),
            pltpu.VMEM((_TILE_ELEMS,), jnp.float32),
            pltpu.VMEM((_TILE_ELEMS,), jnp.float32),
            pltpu.VMEM((_TILE_ELEMS,), jnp.float32),
            pltpu.VMEM((_N,), jnp.float32),
            pltpu.VMEM((_N,), jnp.float32),
            pltpu.VMEM((_N,), jnp.int32),
            pltpu.SemaphoreType.DMA,
            pltpu.SemaphoreType.DMA,
            pltpu.SemaphoreType.DMA,
            pltpu.SemaphoreType.DMA,
            pltpu.SemaphoreType.DMA,
            pltpu.SemaphoreType.DMA,
            pltpu.SemaphoreType.DMA,
            pltpu.SemaphoreType.DMA,
        ],
    )
    yr, yi = f(x_re.reshape(-1), x_im.reshape(-1),
               jnp.asarray(tw_r), jnp.asarray(tw_i), jnp.asarray(perm))
    return (yr.reshape(_ROWS, _N), yi.reshape(_ROWS, _N))

# --- scband reference (transcript-rebuilt; emitter-appended) ---
"""Pipeline reference for scband-tri-xfft-53584011985642 (READ-ONLY COPY).

The authoritative reference and input builder live on the scoring server;
editing this copy changes nothing except your own understanding.
"""

import jax, jax.numpy as jnp
import numpy as np
import math


def bit_reverse_indices(N):
    bits = int(math.log2(N))
    idx = np.arange(N)
    rev = np.zeros(N, dtype=np.int64)
    for _ in range(bits):
        rev = (rev << 1) | (idx & 1)
        idx = idx >> 1
    return jnp.asarray(rev)


def setup_inputs(seed: int = 0) -> dict:
    key = jax.random.key(seed)
    k1, k2 = jax.random.split(key)
    x_re = jax.random.normal(k1, (32768, 256), dtype=jnp.float32)
    x_im = jax.random.normal(k2, (32768, 256), dtype=jnp.float32)
    return {"x_re": x_re, "x_im": x_im}


def reference(x_re, x_im):
    # Faithful Cooley-Tukey radix-2 DIT FFT matching TriXFFT.forward,
    # with per-stage butterflies vectorized (same math as the per-pair loop).
    N = x_re.shape[-1]
    num_stages = int(math.log2(N))
    # Twiddle factors W_k = e^{-2*pi*i*k/N}
    k = jnp.arange(N, dtype=jnp.float32)
    angles = -2.0 * math.pi * k / N
    w_re = jnp.cos(angles)
    w_im = jnp.sin(angles)
    # Bit-reversal permutation (gather)
    br = bit_reverse_indices(N)
    y_re = jnp.take(x_re, br, axis=-1)
    y_im = jnp.take(x_im, br, axis=-1)
    batch_shape = y_re.shape[:-1]
    for stage in range(num_stages):
        stride = 2 ** stage
        groups = N // (2 * stride)
        shp = batch_shape + (groups, 2, stride)
        yr = y_re.reshape(shp)
        yi = y_im.reshape(shp)
        a_re = yr[..., 0, :]
        b_re = yr[..., 1, :]
        a_im = yi[..., 0, :]
        b_im = yi[..., 1, :]
        # twiddle index for within-group position k is k * (N // group_size)
        tw_idx = jnp.arange(stride) * groups
        wk_re = w_re[tw_idx]
        wk_im = w_im[tw_idx]
        # W * b (complex multiply)
        wb_re = wk_re * b_re - wk_im * b_im
        wb_im = wk_re * b_im + wk_im * b_re
        o1_re = a_re + wb_re
        o1_im = a_im + wb_im
        o2_re = a_re - wb_re
        o2_im = a_im - wb_im
        y_re = jnp.stack([o1_re, o2_re], axis=-2).reshape(batch_shape + (N,))
        y_im = jnp.stack([o1_im, o2_im], axis=-2).reshape(batch_shape + (N,))
    return (y_re, y_im)

if __name__ == "__main__":
    import jax
    _d = setup_inputs()
    print(jax.jit(kernel)(*tuple(_d.values())))

</pallas_src>

<mosaic_0001>
#map = affine_map<(d0, d1) -> (0)>
module attributes {stable_mosaic.version = 14 : i64} {
  func.func @_sc_body(%arg0: i32, %arg1: i32, %arg2: memref<8388608xf32, #tpu.memory_space<hbm>>, %arg3: memref<8388608xf32, #tpu.memory_space<hbm>>, %arg4: memref<256xf32, #tpu.memory_space<hbm>>, %arg5: memref<256xf32, #tpu.memory_space<hbm>>, %arg6: memref<256xi32, #tpu.memory_space<hbm>>, %arg7: memref<8388608xf32, #tpu.memory_space<hbm>>, %arg8: memref<8388608xf32, #tpu.memory_space<hbm>>, %arg9: memref<8192xf32, #tpu.memory_space<vmem>>, %arg10: memref<8192xf32, #tpu.memory_space<vmem>>, %arg11: memref<8192xf32, #tpu.memory_space<vmem>>, %arg12: memref<8192xf32, #tpu.memory_space<vmem>>, %arg13: memref<8192xf32, #tpu.memory_space<vmem>>, %arg14: memref<8192xf32, #tpu.memory_space<vmem>>, %arg15: memref<8192xf32, #tpu.memory_space<vmem>>, %arg16: memref<8192xf32, #tpu.memory_space<vmem>>, %arg17: memref<8192xf32, #tpu.memory_space<vmem>>, %arg18: memref<8192xf32, #tpu.memory_space<vmem>>, %arg19: memref<256xf32, #tpu.memory_space<vmem>>, %arg20: memref<256xf32, #tpu.memory_space<vmem>>, %arg21: memref<256xi32, #tpu.memory_space<vmem>>, %arg22: memref<!tpu.dma_semaphore, #tpu.memory_space<semaphore_mem>>, %arg23: memref<!tpu.dma_semaphore, #tpu.memory_space<semaphore_mem>>, %arg24: memref<!tpu.dma_semaphore, #tpu.memory_space<semaphore_mem>>, %arg25: memref<!tpu.dma_semaphore, #tpu.memory_space<semaphore_mem>>, %arg26: memref<!tpu.dma_semaphore, #tpu.memory_space<semaphore_mem>>, %arg27: memref<!tpu.dma_semaphore, #tpu.memory_space<semaphore_mem>>, %arg28: memref<!tpu.dma_semaphore, #tpu.memory_space<semaphore_mem>>, %arg29: memref<!tpu.dma_semaphore, #tpu.memory_space<semaphore_mem>>) attributes {dimension_semantics = [#tpu.dimension_semantics<core_parallel>, #tpu.dimension_semantics<subcore_parallel>], iteration_bounds = array<i64: 2, 16>, scalar_prefetch = 0 : i64, scratch_operands = 21 : i64, tpu.core_type = #tpu.core_type<sc_vector_subcore>, window_params = [{transform_indices = #map}, {transform_indices = #map}, {transform_indices = #map}, {transform_indices = #map}, {transform_indices = #map}, {transform_indices = #map}, {transform_indices = #map}]} {
    %mul3A = arith.constant 2 : i32
    %mul3A_0 = arith.muli %arg1, %mul3A : i32
    %add3A = arith.addi %mul3A_0, %arg0 : i32
    "tpu.region"() ({
      %run_scoped3A = tpu.sem_alloc : memref<!tpu.dma_semaphore, #tpu.memory_space<semaphore_mem>>
      tpu.enqueue_dma source(%arg4 : memref<256xf32, #tpu.memory_space<hbm>>) target(%arg19 : memref<256xf32, #tpu.memory_space<vmem>>) target_semaphore(%run_scoped3A : memref<!tpu.dma_semaphore, #tpu.memory_space<semaphore_mem>>)
      tpu.wait_dma2 semaphore(%run_scoped3A : memref<!tpu.dma_semaphore, #tpu.memory_space<semaphore_mem>>) src(%arg4 : memref<256xf32, #tpu.memory_space<hbm>>) dst(%arg19 : memref<256xf32, #tpu.memory_space<vmem>>)
      tpu.yield
    }) : () -> ()
    "tpu.region"() ({
      %run_scoped3A = tpu.sem_alloc : memref<!tpu.dma_semaphore, #tpu.memory_space<semaphore_mem>>
      tpu.enqueue_dma source(%arg5 : memref<256xf32, #tpu.memory_space<hbm>>) target(%arg20 : memref<256xf32, #tpu.memory_space<vmem>>) target_semaphore(%run_scoped3A : memref<!tpu.dma_semaphore, #tpu.memory_space<semaphore_mem>>)
      tpu.wait_dma2 semaphore(%run_scoped3A : memref<!tpu.dma_semaphore, #tpu.memory_space<semaphore_mem>>) src(%arg5 : memref<256xf32, #tpu.memory_space<hbm>>) dst(%arg20 : memref<256xf32, #tpu.memory_space<vmem>>)
      tpu.yield
    }) : () -> ()
    "tpu.region"() ({
      %run_scoped3A = tpu.sem_alloc : memref<!tpu.dma_semaphore, #tpu.memory_space<semaphore_mem>>
      tpu.enqueue_dma source(%arg6 : memref<256xi32, #tpu.memory_space<hbm>>) target(%arg21 : memref<256xi32, #tpu.memory_space<vmem>>) target_semaphore(%run_scoped3A : memref<!tpu.dma_semaphore, #tpu.memory_space<semaphore_mem>>)
      tpu.wait_dma2 semaphore(%run_scoped3A : memref<!tpu.dma_semaphore, #tpu.memory_space<semaphore_mem>>) src(%arg6 : memref<256xi32, #tpu.memory_space<hbm>>) dst(%arg21 : memref<256xi32, #tpu.memory_space<vmem>>)
      tpu.yield
    }) : () -> ()
    %iota3A = tpu.iota {dimensions = array<i32: 0>} : vector<16xi32>
    %mul3A_1 = arith.constant 16 : i32
    %mul3A_2 = vector.broadcast %mul3A_1 : i32 to vector<16xi32>
    %mul3A_3 = arith.muli %iota3A, %mul3A_2 : vector<16xi32>
    %mul3A_4 = arith.constant 32 : i32
    %mul3A_5 = arith.muli %add3A, %mul3A_4 : i32
    %add3A_6 = arith.constant 0 : i32
    %add3A_7 = arith.addi %mul3A_5, %add3A_6 : i32
    %mul3A_8 = arith.constant 8192 : i32
    %mul3A_9 = arith.muli %add3A_7, %mul3A_8 : i32
    %dma_start3A = tpu.memref_slice %arg2[%mul3A_9] : memref<8388608xf32, #tpu.memory_space<hbm>> -> memref<8192xf32, #tpu.memory_space<hbm>>
    %dma_start3A_10 = tpu.memref_slice %arg2[%mul3A_9] : memref<8388608xf32, #tpu.memory_space<hbm>> -> memref<8192xf32, #tpu.memory_space<hbm>>
    tpu.enqueue_dma source(%dma_start3A_10 : memref<8192xf32, #tpu.memory_space<hbm>>) target(%arg9 : memref<8192xf32, #tpu.memory_space<vmem>>) target_semaphore(%arg22 : memref<!tpu.dma_semaphore, #tpu.memory_space<semaphore_mem>>)
    %dma_start3A_11 = tpu.memref_slice %arg3[%mul3A_9] : memref<8388608xf32, #tpu.memory_space<hbm>> -> memref<8192xf32, #tpu.memory_space<hbm>>
    %dma_start3A_12 = tpu.memref_slice %arg3[%mul3A_9] : memref<8388608xf32, #tpu.memory_space<hbm>> -> memref<8192xf32, #tpu.memory_space<hbm>>
    tpu.enqueue_dma source(%dma_start3A_12 : memref<8192xf32, #tpu.memory_space<hbm>>) target(%arg10 : memref<8192xf32, #tpu.memory_space<vmem>>) target_semaphore(%arg23 : memref<!tpu.dma_semaphore, #tpu.memory_space<semaphore_mem>>)
    %scan3A = arith.constant 0 : i32
    %scan3A_13 = arith.constant 0 : i32
    %scan3A_14 = arith.constant 16 : i32
    %scan3A_15 = arith.addi %scan3A_13, %scan3A_14 : i32
    %scan3A_16 = arith.constant 1 : i32
    scf.for %scan3A_33 = %scan3A_13 to %scan3A_15 step %scan3A_16  : i32 {
      %mul3A_34 = arith.constant 2 : i32
      %mul3A_35 = arith.muli %scan3A_33, %mul3A_34 : i32
      %dma_wait3A_36 = arith.constant 0 : i32
      %dma_wait3A_37 = tpu.memref_slice %arg2[%dma_wait3A_36] : memref<8388608xf32, #tpu.memory_space<hbm>> -> memref<8192xf32, #tpu.memory_space<hbm>>
      %dma_wait3A_38 = arith.constant 0 : i32
      %dma_wait3A_39 = tpu.memref_slice %arg2[%dma_wait3A_38] : memref<8388608xf32, #tpu.memory_space<hbm>> -> memref<8192xf32, #tpu.memory_space<hbm>>
      tpu.wait_dma2 semaphore(%arg22 : memref<!tpu.dma_semaphore, #tpu.memory_space<semaphore_mem>>) src(%dma_wait3A_39 : memref<8192xf32, #tpu.memory_space<hbm>>) dst(%arg9 : memref<8192xf32, #tpu.memory_space<vmem>>)
      %dma_wait3A_40 = arith.constant 0 : i32
      %dma_wait3A_41 = tpu.memref_slice %arg3[%dma_wait3A_40] : memref<8388608xf32, #tpu.memory_space<hbm>> -> memref<8192xf32, #tpu.memory_space<hbm>>
      %dma_wait3A_42 = arith.constant 0 : i32
      %dma_wait3A_43 = tpu.memref_slice %arg3[%dma_wait3A_42] : memref<8388608xf32, #tpu.memory_space<hbm>> -> memref<8192xf32, #tpu.memory_space<hbm>>
      tpu.wait_dma2 semaphore(%arg23 : memref<!tpu.dma_semaphore, #tpu.memory_space<semaphore_mem>>) src(%dma_wait3A_43 : memref<8192xf32, #tpu.memory_space<hbm>>) dst(%arg10 : memref<8192xf32, #tpu.memory_space<vmem>>)
      %add3A_44 = arith.constant 1 : i32
      %add3A_45 = arith.addi %mul3A_35, %add3A_44 : i32
      %lt3A = arith.constant 32 : i32
      %lt3A_46 = arith.cmpi slt, %add3A_45, %lt3A : i32
      %convert_element_type3A = arith.extui %lt3A_46 : i1 to i32
      %cond3A = arith.constant 0 : i32
      %cond3A_47 = arith.cmpi ne, %convert_element_type3A, %cond3A : i32
      scf.if %cond3A_47 {
        %mul3A_103 = arith.constant 32 : i32
        %mul3A_104 = arith.muli %add3A, %mul3A_103 : i32
        %add3A_105 = arith.addi %mul3A_104, %add3A_45 : i32
        %mul3A_106 = arith.constant 8192 : i32
        %mul3A_107 = arith.muli %add3A_105, %mul3A_106 : i32
        %dma_start3A_108 = tpu.memref_slice %arg2[%mul3A_107] : memref<8388608xf32, #tpu.memory_space<hbm>> -> memref<8192xf32, #tpu.memory_space<hbm>>
        %dma_start3A_109 = tpu.memref_slice %arg2[%mul3A_107] : memref<8388608xf32, #tpu.memory_space<hbm>> -> memref<8192xf32, #tpu.memory_space<hbm>>
        tpu.enqueue_dma source(%dma_start3A_109 : memref<8192xf32, #tpu.memory_space<hbm>>) target(%arg11 : memref<8192xf32, #tpu.memory_space<vmem>>) target_semaphore(%arg24 : memref<!tpu.dma_semaphore, #tpu.memory_space<semaphore_mem>>)
        %dma_start3A_110 = tpu.memref_slice %arg3[%mul3A_107] : memref<8388608xf32, #tpu.memory_space<hbm>> -> memref<8192xf32, #tpu.memory_space<hbm>>
        %dma_start3A_111 = tpu.memref_slice %arg3[%mul3A_107] : memref<8388608xf32, #tpu.memory_space<hbm>> -> memref<8192xf32, #tpu.memory_space<hbm>>
        tpu.enqueue_dma source(%dma_start3A_111 : memref<8192xf32, #tpu.memory_space<hbm>>) target(%arg12 : memref<8192xf32, #tpu.memory_space<vmem>>) target_semaphore(%arg25 : memref<!tpu.dma_semaphore, #tpu.memory_space<semaphore_mem>>)
      } else {
      }
      %ge3A = arith.constant 2 : i32
      %ge3A_48 = arith.cmpi sge, %mul3A_35, %ge3A : i32
      %convert_element_type3A_49 = arith.extui %ge3A_48 : i1 to i32
      %cond3A_50 = arith.constant 0 : i32
      %cond3A_51 = arith.cmpi ne, %convert_element_type3A_49, %cond3A_50 : i32
      scf.if %cond3A_51 {
        %dma_wait3A_103 = arith.constant 0 : i32
        %dma_wait3A_104 = tpu.memref_slice %arg7[%dma_wait3A_103] : memref<8388608xf32, #tpu.memory_space<hbm>> -> memref<8192xf32, #tpu.memory_space<hbm>>
        %dma_wait3A_105 = arith.constant 0 : i32
        %dma_wait3A_106 = tpu.memref_slice %arg7[%dma_wait3A_105] : memref<8388608xf32, #tpu.memory_space<hbm>> -> memref<8192xf32, #tpu.memory_space<hbm>>
        tpu.wait_dma2 semaphore(%arg26 : memref<!tpu.dma_semaphore, #tpu.memory_space<semaphore_mem>>) src(%arg13 : memref<8192xf32, #tpu.memory_space<vmem>>) dst(%dma_wait3A_106 : memref<8192xf32, #tpu.memory_space<hbm>>)
        %dma_wait3A_107 = arith.constant 0 : i32
        %dma_wait3A_108 = tpu.memref_slice %arg8[%dma_wait3A_107] : memref<8388608xf32, #tpu.memory_space<hbm>> -> memref<8192xf32, #tpu.memory_space<hbm>>
        %dma_wait3A_109 = arith.constant 0 : i32
        %dma_wait3A_110 = tpu.memref_slice %arg8[%dma_wait3A_109] : memref<8388608xf32, #tpu.memory_space<hbm>> -> memref<8192xf32, #tpu.memory_space<hbm>>
        tpu.wait_dma2 semaphore(%arg27 : memref<!tpu.dma_semaphore, #tpu.memory_space<semaphore_mem>>) src(%arg14 : memref<8192xf32, #tpu.memory_space<vmem>>) dst(%dma_wait3A_110 : memref<8192xf32, #tpu.memory_space<hbm>>)
      } else {
      }
      %parallel_loop3A = arith.constant 0 : i32
      %parallel_loop3A_52 = arith.constant 32 : i32
      %parallel_loop3A_53 = arith.constant 1 : i32
      scf.for %parallel_loop3A_103 = %parallel_loop3A to %parallel_loop3A_52 step %parallel_loop3A_53  : i32 {
        %parallel_loop3A_104 = arith.constant 256 : i32
        %parallel_loop3A_105 = arith.muli %parallel_loop3A_103, %parallel_loop3A_104 : i32
        %parallel_loop3A_106 = arith.constant 0 : i32
        %parallel_loop3A_107 = arith.addi %parallel_loop3A_105, %parallel_loop3A_106 : i32
        %parallel_loop3A_108 = arith.index_cast %parallel_loop3A_107 : i32 to index
        %parallel_loop3A_109 = tpu.vector_load %arg9[%parallel_loop3A_108] {strides = array<i32>} : memref<8192xf32, #tpu.memory_space<vmem>>, vector<16xf32>,
        %parallel_loop3A_110 = arith.constant 16 : i32
        %parallel_loop3A_111 = arith.addi %parallel_loop3A_105, %parallel_loop3A_110 : i32
        %parallel_loop3A_112 = arith.index_cast %parallel_loop3A_111 : i32 to index
        %parallel_loop3A_113 = tpu.vector_load %arg9[%parallel_loop3A_112] {strides = array<i32>} : memref<8192xf32, #tpu.memory_space<vmem>>, vector<16xf32>,
        %parallel_loop3A_114 = arith.constant 32 : i32
        %parallel_loop3A_115 = arith.addi %parallel_loop3A_105, %parallel_loop3A_114 : i32
        %parallel_loop3A_116 = arith.index_cast %parallel_loop3A_115 : i32 to index
        %parallel_loop3A_117 = tpu.vector_load %arg9[%parallel_loop3A_116] {strides = array<i32>} : memref<8192xf32, #tpu.memory_space<vmem>>, vector<16xf32>,
        %parallel_loop3A_118 = arith.constant 48 : i32
        %parallel_loop3A_119 = arith.addi %parallel_loop3A_105, %parallel_loop3A_118 : i32
        %parallel_loop3A_120 = arith.index_cast %parallel_loop3A_119 : i32 to index
        %parallel_loop3A_121 = tpu.vector_load %arg9[%parallel_loop3A_120] {strides = array<i32>} : memref<8192xf32, #tpu.memory_space<vmem>>, vector<16xf32>,
        %parallel_loop3A_122 = arith.constant 64 : i32
        %parallel_loop3A_123 = arith.addi %parallel_loop3A_105, %parallel_loop3A_122 : i32
        %parallel_loop3A_124 = arith.index_cast %parallel_loop3A_123 : i32 to index
        %parallel_loop3A_125 = tpu.vector_load %arg9[%parallel_loop3A_124] {strides = array<i32>} : memref<8192xf32, #tpu.memory_space<vmem>>, vector<16xf32>,
        %parallel_loop3A_126 = arith.constant 80 : i32
        %parallel_loop3A_127 = arith.addi %parallel_loop3A_105, %parallel_loop3A_126 : i32
        %parallel_loop3A_128 = arith.index_cast %parallel_loop3A_127 : i32 to index
        %parallel_loop3A_129 = tpu.vector_load %arg9[%parallel_loop3A_128] {strides = array<i32>} : memref<8192xf32, #tpu.memory_space<vmem>>, vector<16xf32>,
        %parallel_loop3A_130 = arith.constant 96 : i32
        %parallel_loop3A_131 = arith.addi %parallel_loop3A_105, %parallel_loop3A_130 : i32
        %parallel_loop3A_132 = arith.index_cast %parallel_loop3A_131 : i32 to index
        %parallel_loop3A_133 = tpu.vector_load %arg9[%parallel_loop3A_132] {strides = array<i32>} : memref<8192xf32, #tpu.memory_space<vmem>>, vector<16xf32>,
        %parallel_loop3A_134 = arith.constant 112 : i32
        %parallel_loop3A_135 = arith.addi %parallel_loop3A_105, %parallel_loop3A_134 : i32
        %parallel_loop3A_136 = arith.index_cast %parallel_loop3A_135 : i32 to index
        %parallel_loop3A_137 = tpu.vector_load %arg9[%parallel_loop3A_136] {strides = array<i32>} : memref<8192xf32, #tpu.memory_space<vmem>>, vector<16xf32>,
        %parallel_loop3A_138 = arith.constant 128 : i32
        %parallel_loop3A_139 = arith.addi %parallel_loop3A_105, %parallel_loop3A_138 : i32
        %parallel_loop3A_140 = arith.index_cast %parallel_loop3A_139 : i32 to index
        %parallel_loop3A_141 = tpu.vector_load %arg9[%parallel_loop3A_140] {strides = array<i32>} : memref<8192xf32, #tpu.memory_space<vmem>>, vector<16xf32>,
        %parallel_loop3A_142 = arith.constant 144 : i32
        %parallel_loop3A_143 = arith.addi %parallel_loop3A_105, %parallel_loop3A_142 : i32
        %parallel_loop3A_144 = arith.index_cast %parallel_loop3A_143 : i32 to index
        %parallel_loop3A_145 = tpu.vector_load %arg9[%parallel_loop3A_144] {strides = array<i32>} : memref<8192xf32, #tpu.memory_space<vmem>>, vector<16xf32>,
        %parallel_loop3A_146 = arith.constant 160 : i32
        %parallel_loop3A_147 = arith.addi %parallel_loop3A_105, %parallel_loop3A_146 : i32
        %parallel_loop3A_148 = arith.index_cast %parallel_loop3A_147 : i32 to index
        %parallel_loop3A_149 = tpu.vector_load %arg9[%parallel_loop3A_148] {strides = array<i32>} : memref<8192xf32, #tpu.memory_space<vmem>>, vector<16xf32>,
        %parallel_loop3A_150 = arith.constant 176 : i32
        %parallel_loop3A_151 = arith.addi %parallel_loop3A_105, %parallel_loop3A_150 : i32
        %parallel_loop3A_152 = arith.index_cast %parallel_loop3A_151 : i32 to index
        %parallel_loop3A_153 = tpu.vector_load %arg9[%parallel_loop3A_152] {strides = array<i32>} : memref<8192xf32, #tpu.memory_space<vmem>>, vector<16xf32>,
        %parallel_loop3A_154 = arith.constant 192 : i32
        %parallel_loop3A_155 = arith.addi %parallel_loop3A_105, %parallel_loop3A_154 : i32
        %parallel_loop3A_156 = arith.index_cast %parallel_loop3A_155 : i32 to index
        %parallel_loop3A_157 = tpu.vector_load %arg9[%parallel_loop3A_156] {strides = array<i32>} : memref<8192xf32, #tpu.memory_space<vmem>>, vector<16xf32>,
        %parallel_loop3A_158 = arith.constant 208 : i32
        %parallel_loop3A_159 = arith.addi %parallel_loop3A_105, %parallel_loop3A_158 : i32
        %parallel_loop3A_160 = arith.index_cast %parallel_loop3A_159 : i32 to index
        %parallel_loop3A_161 = tpu.vector_load %arg9[%parallel_loop3A_160] {strides = array<i32>} : memref<8192xf32, #tpu.memory_space<vmem>>, vector<16xf32>,
        %parallel_loop3A_162 = arith.constant 224 : i32
        %parallel_loop3A_163 = arith.addi %parallel_loop3A_105, %parallel_loop3A_162 : i32
        %parallel_loop3A_164 = arith.index_cast %parallel_loop3A_163 : i32 to index
        %parallel_loop3A_165 = tpu.vector_load %arg9[%parallel_loop3A_164] {strides = array<i32>} : memref<8192xf32, #tpu.memory_space<vmem>>, vector<16xf32>,
        %parallel_loop3A_166 = arith.constant 240 : i32
        %parallel_loop3A_167 = arith.addi %parallel_loop3A_105, %parallel_loop3A_166 : i32
        %parallel_loop3A_168 = arith.index_cast %parallel_loop3A_167 : i32 to index
        %parallel_loop3A_169 = tpu.vector_load %arg9[%parallel_loop3A_168] {strides = array<i32>} : memref<8192xf32, #tpu.memory_space<vmem>>, vector<16xf32>,
        %parallel_loop3A_170 = arith.constant 0 : i32
        %parallel_loop3A_171 = arith.addi %parallel_loop3A_105, %parallel_loop3A_170 : i32
        %parallel_loop3A_172 = arith.index_cast %parallel_loop3A_171 : i32 to index
        %parallel_loop3A_173 = tpu.vector_load %arg10[%parallel_loop3A_172] {strides = array<i32>} : memref<8192xf32, #tpu.memory_space<vmem>>, vector<16xf32>,
        %parallel_loop3A_174 = arith.constant 16 : i32
        %parallel_loop3A_175 = arith.addi %parallel_loop3A_105, %parallel_loop3A_174 : i32
        %parallel_loop3A_176 = arith.index_cast %parallel_loop3A_175 : i32 to index
        %parallel_loop3A_177 = tpu.vector_load %arg10[%parallel_loop3A_176] {strides = array<i32>} : memref<8192xf32, #tpu.memory_space<vmem>>, vector<16xf32>,
        %parallel_loop3A_178 = arith.constant 32 : i32
        %parallel_loop3A_179 = arith.addi %parallel_loop3A_105, %parallel_loop3A_178 : i32
        %parallel_loop3A_180 = arith.index_cast %parallel_loop3A_179 : i32 to index
        %parallel_loop3A_181 = tpu.vector_load %arg10[%parallel_loop3A_180] {strides = array<i32>} : memref<8192xf32, #tpu.memory_space<vmem>>, vector<16xf32>,
        %parallel_loop3A_182 = arith.constant 48 : i32
        %parallel_loop3A_183 = arith.addi %parallel_loop3A_105, %parallel_loop3A_182 : i32
        %parallel_loop3A_184 = arith.index_cast %parallel_loop3A_183 : i32 to index
        %parallel_loop3A_185 = tpu.vector_load %arg10[%parallel_loop3A_184] {strides = array<i32>} : memref<8192xf32, #tpu.memory_space<vmem>>, vector<16xf32>,
        %parallel_loop3A_186 = arith.constant 64 : i32
        %parallel_loop3A_187 = arith.addi %parallel_loop3A_105, %parallel_loop3A_186 : i32
        %parallel_loop3A_188 = arith.index_cast %parallel_loop3A_187 : i32 to index
        %parallel_loop3A_189 = tpu.vector_load %arg10[%parallel_loop3A_188] {strides = array<i32>} : memref<8192xf32, #tpu.memory_space<vmem>>, vector<16xf32>,
        %parallel_loop3A_190 = arith.constant 80 : i32
        %parallel_loop3A_191 = arith.addi %parallel_loop3A_105, %parallel_loop3A_190 : i32
        %parallel_loop3A_192 = arith.index_cast %parallel_loop3A_191 : i32 to index
        %parallel_loop3A_193 = tpu.vector_load %arg10[%parallel_loop3A_192] {strides = array<i32>} : memref<8192xf32, #tpu.memory_space<vmem>>, vector<16xf32>,
        %parallel_loop3A_194 = arith.constant 96 : i32
        %parallel_loop3A_195 = arith.addi %parallel_loop3A_105, %parallel_loop3A_194 : i32
        %parallel_loop3A_196 = arith.index_cast %parallel_loop3A_195 : i32 to index
        %parallel_loop3A_197 = tpu.vector_load %arg10[%parallel_loop3A_196] {strides = array<i32>} : memref<8192xf32, #tpu.memory_space<vmem>>, vector<16xf32>,
        %parallel_loop3A_198 = arith.constant 112 : i32
        %parallel_loop3A_199 = arith.addi %parallel_loop3A_105, %parallel_loop3A_198 : i32
        %parallel_loop3A_200 = arith.index_cast %parallel_loop3A_199 : i32 to index
        %parallel_loop3A_201 = tpu.vector_load %arg10[%parallel_loop3A_200] {strides = array<i32>} : memref<8192xf32, #tpu.memory_space<vmem>>, vector<16xf32>,
        %parallel_loop3A_202 = arith.constant 128 : i32
        %parallel_loop3A_203 = arith.addi %parallel_loop3A_105, %parallel_loop3A_202 : i32
        %parallel_loop3A_204 = arith.index_cast %parallel_loop3A_203 : i32 to index
        %parallel_loop3A_205 = tpu.vector_load %arg10[%parallel_loop3A_204] {strides = array<i32>} : memref<8192xf32, #tpu.memory_space<vmem>>, vector<16xf32>,
        %parallel_loop3A_206 = arith.constant 144 : i32
        %parallel_loop3A_207 = arith.addi %parallel_loop3A_105, %parallel_loop3A_206 : i32
        %parallel_loop3A_208 = arith.index_cast %parallel_loop3A_207 : i32 to index
        %parallel_loop3A_209 = tpu.vector_load %arg10[%parallel_loop3A_208] {strides = array<i32>} : memref<8192xf32, #tpu.memory_space<vmem>>, vector<16xf32>,
        %parallel_loop3A_210 = arith.constant 160 : i32
        %parallel_loop3A_211 = arith.addi %parallel_loop3A_105, %parallel_loop3A_210 : i32
        %parallel_loop3A_212 = arith.index_cast %parallel_loop3A_211 : i32 to index
        %parallel_loop3A_213 = tpu.vector_load %arg10[%parallel_loop3A_212] {strides = array<i32>} : memref<8192xf32, #tpu.memory_space<vmem>>, vector<16xf32>,
        %parallel_loop3A_214 = arith.constant 176 : i32
        %parallel_loop3A_215 = arith.addi %parallel_loop3A_105, %parallel_loop3A_214 : i32
        %parallel_loop3A_216 = arith.index_cast %parallel_loop3A_215 : i32 to index
        %parallel_loop3A_217 = tpu.vector_load %arg10[%parallel_loop3A_216] {strides = array<i32>} : memref<8192xf32, #tpu.memory_space<vmem>>, vector<16xf32>,
        %parallel_loop3A_218 = arith.constant 192 : i32
        %parallel_loop3A_219 = arith.addi %parallel_loop3A_105, %parallel_loop3A_218 : i32
        %parallel_loop3A_220 = arith.index_cast %parallel_loop3A_219 : i32 to index
        %parallel_loop3A_221 = tpu.vector_load %arg10[%parallel_loop3A_220] {strides = array<i32>} : memref<8192xf32, #tpu.memory_space<vmem>>, vector<16xf32>,
        %parallel_loop3A_222 = arith.constant 208 : i32
        %parallel_loop3A_223 = arith.addi %parallel_loop3A_105, %parallel_loop3A_222 : i32
        %parallel_loop3A_224 = arith.index_cast %parallel_loop3A_223 : i32 to index
        %parallel_loop3A_225 = tpu.vector_load %arg10[%parallel_loop3A_224] {strides = array<i32>} : memref<8192xf32, #tpu.memory_space<vmem>>, vector<16xf32>,
        %parallel_loop3A_226 = arith.constant 224 : i32
        %parallel_loop3A_227 = arith.addi %parallel_loop3A_105, %parallel_loop3A_226 : i32
        %parallel_loop3A_228 = arith.index_cast %parallel_loop3A_227 : i32 to index
        %parallel_loop3A_229 = tpu.vector_load %arg10[%parallel_loop3A_228] {strides = array<i32>} : memref<8192xf32, #tpu.memory_space<vmem>>, vector<16xf32>,
        %parallel_loop3A_230 = arith.constant 240 : i32
        %parallel_loop3A_231 = arith.addi %parallel_loop3A_105, %parallel_loop3A_230 : i32
        %parallel_loop3A_232 = arith.index_cast %parallel_loop3A_231 : i32 to index
        %parallel_loop3A_233 = tpu.vector_load %arg10[%parallel_loop3A_232] {strides = array<i32>} : memref<8192xf32, #tpu.memory_space<vmem>>, vector<16xf32>,
        %parallel_loop3A_234 = arith.addf %parallel_loop3A_109, %parallel_loop3A_141 : vector<16xf32>
        %parallel_loop3A_235 = arith.addf %parallel_loop3A_173, %parallel_loop3A_205 : vector<16xf32>
        %parallel_loop3A_236 = arith.subf %parallel_loop3A_109, %parallel_loop3A_141 : vector<16xf32>
        %parallel_loop3A_237 = arith.subf %parallel_loop3A_173, %parallel_loop3A_205 : vector<16xf32>
        %parallel_loop3A_238 = arith.addf %parallel_loop3A_125, %parallel_loop3A_157 : vector<16xf32>
        %parallel_loop3A_239 = arith.addf %parallel_loop3A_189, %parallel_loop3A_221 : vector<16xf32>
        %parallel_loop3A_240 = arith.subf %parallel_loop3A_125, %parallel_loop3A_157 : vector<16xf32>
        %parallel_loop3A_241 = arith.subf %parallel_loop3A_189, %parallel_loop3A_221 : vector<16xf32>
        %parallel_loop3A_242 = arith.addf %parallel_loop3A_117, %parallel_loop3A_149 : vector<16xf32>
        %parallel_loop3A_243 = arith.addf %parallel_loop3A_181, %parallel_loop3A_213 : vector<16xf32>
        %parallel_loop3A_244 = arith.subf %parallel_loop3A_117, %parallel_loop3A_149 : vector<16xf32>
        %parallel_loop3A_245 = arith.subf %parallel_loop3A_181, %parallel_loop3A_213 : vector<16xf32>
        %parallel_loop3A_246 = arith.addf %parallel_loop3A_133, %parallel_loop3A_165 : vector<16xf32>
        %parallel_loop3A_247 = arith.addf %parallel_loop3A_197, %parallel_loop3A_229 : vector<16xf32>
        %parallel_loop3A_248 = arith.subf %parallel_loop3A_133, %parallel_loop3A_165 : vector<16xf32>
        %parallel_loop3A_249 = arith.subf %parallel_loop3A_197, %parallel_loop3A_229 : vector<16xf32>
        %parallel_loop3A_250 = arith.addf %parallel_loop3A_113, %parallel_loop3A_145 : vector<16xf32>
        %parallel_loop3A_251 = arith.addf %parallel_loop3A_177, %parallel_loop3A_209 : vector<16xf32>
        %parallel_loop3A_252 = arith.subf %parallel_loop3A_113, %parallel_loop3A_145 : vector<16xf32>
        %parallel_loop3A_253 = arith.subf %parallel_loop3A_177, %parallel_loop3A_209 : vector<16xf32>
        %parallel_loop3A_254 = arith.addf %parallel_loop3A_129, %parallel_loop3A_161 : vector<16xf32>
        %parallel_loop3A_255 = arith.addf %parallel_loop3A_193, %parallel_loop3A_225 : vector<16xf32>
        %parallel_loop3A_256 = arith.subf %parallel_loop3A_129, %parallel_loop3A_161 : vector<16xf32>
        %parallel_loop3A_257 = arith.subf %parallel_loop3A_193, %parallel_loop3A_225 : vector<16xf32>
        %parallel_loop3A_258 = arith.addf %parallel_loop3A_121, %parallel_loop3A_153 : vector<16xf32>
        %parallel_loop3A_259 = arith.addf %parallel_loop3A_185, %parallel_loop3A_217 : vector<16xf32>
        %parallel_loop3A_260 = arith.subf %parallel_loop3A_121, %parallel_loop3A_153 : vector<16xf32>
        %parallel_loop3A_261 = arith.subf %parallel_loop3A_185, %parallel_loop3A_217 : vector<16xf32>
        %parallel_loop3A_262 = arith.addf %parallel_loop3A_137, %parallel_loop3A_169 : vector<16xf32>
        %parallel_loop3A_263 = arith.addf %parallel_loop3A_201, %parallel_loop3A_233 : vector<16xf32>
        %parallel_loop3A_264 = arith.subf %parallel_loop3A_137, %parallel_loop3A_169 : vector<16xf32>
        %parallel_loop3A_265 = arith.subf %parallel_loop3A_201, %parallel_loop3A_233 : vector<16xf32>
        %parallel_loop3A_266 = arith.addf %parallel_loop3A_234, %parallel_loop3A_238 : vector<16xf32>
        %parallel_loop3A_267 = arith.addf %parallel_loop3A_235, %parallel_loop3A_239 : vector<16xf32>
        %parallel_loop3A_268 = arith.subf %parallel_loop3A_234, %parallel_loop3A_238 : vector<16xf32>
        %parallel_loop3A_269 = arith.subf %parallel_loop3A_235, %parallel_loop3A_239 : vector<16xf32>
        %parallel_loop3A_270 = arith.addf %parallel_loop3A_236, %parallel_loop3A_241 : vector<16xf32>
        %parallel_loop3A_271 = arith.subf %parallel_loop3A_237, %parallel_loop3A_240 : vector<16xf32>
        %parallel_loop3A_272 = arith.subf %parallel_loop3A_236, %parallel_loop3A_241 : vector<16xf32>
        %parallel_loop3A_273 = arith.addf %parallel_loop3A_237, %parallel_loop3A_240 : vector<16xf32>
        %parallel_loop3A_274 = arith.addf %parallel_loop3A_242, %parallel_loop3A_246 : vector<16xf32>
        %parallel_loop3A_275 = arith.addf %parallel_loop3A_243, %parallel_loop3A_247 : vector<16xf32>
        %parallel_loop3A_276 = arith.subf %parallel_loop3A_242, %parallel_loop3A_246 : vector<16xf32>
        %parallel_loop3A_277 = arith.subf %parallel_loop3A_243, %parallel_loop3A_247 : vector<16xf32>
        %parallel_loop3A_278 = arith.addf %parallel_loop3A_244, %parallel_loop3A_249 : vector<16xf32>
        %parallel_loop3A_279 = arith.subf %parallel_loop3A_245, %parallel_loop3A_248 : vector<16xf32>
        %parallel_loop3A_280 = arith.subf %parallel_loop3A_244, %parallel_loop3A_249 : vector<16xf32>
        %parallel_loop3A_281 = arith.addf %parallel_loop3A_245, %parallel_loop3A_248 : vector<16xf32>
        %parallel_loop3A_282 = arith.addf %parallel_loop3A_250, %parallel_loop3A_254 : vector<16xf32>
        %parallel_loop3A_283 = arith.addf %parallel_loop3A_251, %parallel_loop3A_255 : vector<16xf32>
        %parallel_loop3A_284 = arith.subf %parallel_loop3A_250, %parallel_loop3A_254 : vector<16xf32>
        %parallel_loop3A_285 = arith.subf %parallel_loop3A_251, %parallel_loop3A_255 : vector<16xf32>
        %parallel_loop3A_286 = arith.addf %parallel_loop3A_252, %parallel_loop3A_257 : vector<16xf32>
        %parallel_loop3A_287 = arith.subf %parallel_loop3A_253, %parallel_loop3A_256 : vector<16xf32>
        %parallel_loop3A_288 = arith.subf %parallel_loop3A_252, %parallel_loop3A_257 : vector<16xf32>
        %parallel_loop3A_289 = arith.addf %parallel_loop3A_253, %parallel_loop3A_256 : vector<16xf32>
        %parallel_loop3A_290 = arith.addf %parallel_loop3A_258, %parallel_loop3A_262 : vector<16xf32>
        %parallel_loop3A_291 = arith.addf %parallel_loop3A_259, %parallel_loop3A_263 : vector<16xf32>
        %parallel_loop3A_292 = arith.subf %parallel_loop3A_258, %parallel_loop3A_262 : vector<16xf32>
        %parallel_loop3A_293 = arith.subf %parallel_loop3A_259, %parallel_loop3A_263 : vector<16xf32>
        %parallel_loop3A_294 = arith.addf %parallel_loop3A_260, %parallel_loop3A_265 : vector<16xf32>
        %parallel_loop3A_295 = arith.subf %parallel_loop3A_261, %parallel_loop3A_264 : vector<16xf32>
        %parallel_loop3A_296 = arith.subf %parallel_loop3A_260, %parallel_loop3A_265 : vector<16xf32>
        %parallel_loop3A_297 = arith.addf %parallel_loop3A_261, %parallel_loop3A_264 : vector<16xf32>
        %parallel_loop3A_298 = arith.addf %parallel_loop3A_266, %parallel_loop3A_274 : vector<16xf32>
        %parallel_loop3A_299 = arith.addf %parallel_loop3A_267, %parallel_loop3A_275 : vector<16xf32>
        %parallel_loop3A_300 = arith.subf %parallel_loop3A_266, %parallel_loop3A_274 : vector<16xf32>
        %parallel_loop3A_301 = arith.subf %parallel_loop3A_267, %parallel_loop3A_275 : vector<16xf32>
        %parallel_loop3A_302 = arith.constant 0.707106769 : f32
        %parallel_loop3A_303 = vector.broadcast %parallel_loop3A_302 : f32 to vector<16xf32>
        %parallel_loop3A_304 = arith.mulf %parallel_loop3A_278, %parallel_loop3A_303 : vector<16xf32>
        %parallel_loop3A_305 = arith.constant -0.707106769 : f32
        %parallel_loop3A_306 = vector.broadcast %parallel_loop3A_305 : f32 to vector<16xf32>
        %parallel_loop3A_307 = arith.mulf %parallel_loop3A_279, %parallel_loop3A_306 : vector<16xf32>
        %parallel_loop3A_308 = arith.subf %parallel_loop3A_304, %parallel_loop3A_307 : vector<16xf32>
        %parallel_loop3A_309 = arith.constant -0.707106769 : f32
        %parallel_loop3A_310 = vector.broadcast %parallel_loop3A_309 : f32 to vector<16xf32>
        %parallel_loop3A_311 = arith.mulf %parallel_loop3A_278, %parallel_loop3A_310 : vector<16xf32>
        %parallel_loop3A_312 = arith.constant 0.707106769 : f32
        %parallel_loop3A_313 = vector.broadcast %parallel_loop3A_312 : f32 to vector<16xf32>
        %parallel_loop3A_314 = arith.mulf %parallel_loop3A_279, %parallel_loop3A_313 : vector<16xf32>
        %parallel_loop3A_315 = arith.addf %parallel_loop3A_311, %parallel_loop3A_314 : vector<16xf32>
        %parallel_loop3A_316 = arith.addf %parallel_loop3A_270, %parallel_loop3A_308 : vector<16xf32>
        %parallel_loop3A_317 = arith.addf %parallel_loop3A_271, %parallel_loop3A_315 : vector<16xf32>
        %parallel_loop3A_318 = arith.subf %parallel_loop3A_270, %parallel_loop3A_308 : vector<16xf32>
        %parallel_loop3A_319 = arith.subf %parallel_loop3A_271, %parallel_loop3A_315 : vector<16xf32>
        %parallel_loop3A_320 = arith.addf %parallel_loop3A_268, %parallel_loop3A_277 : vector<16xf32>
        %parallel_loop3A_321 = arith.subf %parallel_loop3A_269, %parallel_loop3A_276 : vector<16xf32>
        %parallel_loop3A_322 = arith.subf %parallel_loop3A_268, %parallel_loop3A_277 : vector<16xf32>
        %parallel_loop3A_323 = arith.addf %parallel_loop3A_269, %parallel_loop3A_276 : vector<16xf32>
        %parallel_loop3A_324 = arith.constant -0.707106769 : f32
        %parallel_loop3A_325 = vector.broadcast %parallel_loop3A_324 : f32 to vector<16xf32>
        %parallel_loop3A_326 = arith.mulf %parallel_loop3A_280, %parallel_loop3A_325 : vector<16xf32>
        %parallel_loop3A_327 = arith.constant -0.707106769 : f32
        %parallel_loop3A_328 = vector.broadcast %parallel_loop3A_327 : f32 to vector<16xf32>
        %parallel_loop3A_329 = arith.mulf %parallel_loop3A_281, %parallel_loop3A_328 : vector<16xf32>
        %parallel_loop3A_330 = arith.subf %parallel_loop3A_326, %parallel_loop3A_329 : vector<16xf32>
        %parallel_loop3A_331 = arith.constant -0.707106769 : f32
        %parallel_loop3A_332 = vector.broadcast %parallel_loop3A_331 : f32 to vector<16xf32>
        %parallel_loop3A_333 = arith.mulf %parallel_loop3A_280, %parallel_loop3A_332 : vector<16xf32>
        %parallel_loop3A_334 = arith.constant -0.707106769 : f32
        %parallel_loop3A_335 = vector.broadcast %parallel_loop3A_334 : f32 to vector<16xf32>
        %parallel_loop3A_336 = arith.mulf %parallel_loop3A_281, %parallel_loop3A_335 : vector<16xf32>
        %parallel_loop3A_337 = arith.addf %parallel_loop3A_333, %parallel_loop3A_336 : vector<16xf32>
        %parallel_loop3A_338 = arith.addf %parallel_loop3A_272, %parallel_loop3A_330 : vector<16xf32>
        %parallel_loop3A_339 = arith.addf %parallel_loop3A_273, %parallel_loop3A_337 : vector<16xf32>
        %parallel_loop3A_340 = arith.subf %parallel_loop3A_272, %parallel_loop3A_330 : vector<16xf32>
        %parallel_loop3A_341 = arith.subf %parallel_loop3A_273, %parallel_loop3A_337 : vector<16xf32>
        %parallel_loop3A_342 = arith.addf %parallel_loop3A_282, %parallel_loop3A_290 : vector<16xf32>
        %parallel_loop3A_343 = arith.addf %parallel_loop3A_283, %parallel_loop3A_291 : vector<16xf32>
        %parallel_loop3A_344 = arith.subf %parallel_loop3A_282, %parallel_loop3A_290 : vector<16xf32>
        %parallel_loop3A_345 = arith.subf %parallel_loop3A_283, %parallel_loop3A_291 : vector<16xf32>
        %parallel_loop3A_346 = arith.constant 0.707106769 : f32
        %parallel_loop3A_347 = vector.broadcast %parallel_loop3A_346 : f32 to vector<16xf32>
        %parallel_loop3A_348 = arith.mulf %parallel_loop3A_294, %parallel_loop3A_347 : vector<16xf32>
        %parallel_loop3A_349 = arith.constant -0.707106769 : f32
        %parallel_loop3A_350 = vector.broadcast %parallel_loop3A_349 : f32 to vector<16xf32>
        %parallel_loop3A_351 = arith.mulf %parallel_loop3A_295, %parallel_loop3A_350 : vector<16xf32>
        %parallel_loop3A_352 = arith.subf %parallel_loop3A_348, %parallel_loop3A_351 : vector<16xf32>
        %parallel_loop3A_353 = arith.constant -0.707106769 : f32
        %parallel_loop3A_354 = vector.broadcast %parallel_loop3A_353 : f32 to vector<16xf32>
        %parallel_loop3A_355 = arith.mulf %parallel_loop3A_294, %parallel_loop3A_354 : vector<16xf32>
        %parallel_loop3A_356 = arith.constant 0.707106769 : f32
        %parallel_loop3A_357 = vector.broadcast %parallel_loop3A_356 : f32 to vector<16xf32>
        %parallel_loop3A_358 = arith.mulf %parallel_loop3A_295, %parallel_loop3A_357 : vector<16xf32>
        %parallel_loop3A_359 = arith.addf %parallel_loop3A_355, %parallel_loop3A_358 : vector<16xf32>
        %parallel_loop3A_360 = arith.addf %parallel_loop3A_286, %parallel_loop3A_352 : vector<16xf32>
        %parallel_loop3A_361 = arith.addf %parallel_loop3A_287, %parallel_loop3A_359 : vector<16xf32>
        %parallel_loop3A_362 = arith.subf %parallel_loop3A_286, %parallel_loop3A_352 : vector<16xf32>
        %parallel_loop3A_363 = arith.subf %parallel_loop3A_287, %parallel_loop3A_359 : vector<16xf32>
        %parallel_loop3A_364 = arith.addf %parallel_loop3A_284, %parallel_loop3A_293 : vector<16xf32>
        %parallel_loop3A_365 = arith.subf %parallel_loop3A_285, %parallel_loop3A_292 : vector<16xf32>
        %parallel_loop3A_366 = arith.subf %parallel_loop3A_284, %parallel_loop3A_293 : vector<16xf32>
        %parallel_loop3A_367 = arith.addf %parallel_loop3A_285, %parallel_loop3A_292 : vector<16xf32>
        %parallel_loop3A_368 = arith.constant -0.707106769 : f32
        %parallel_loop3A_369 = vector.broadcast %parallel_loop3A_368 : f32 to vector<16xf32>
        %parallel_loop3A_370 = arith.mulf %parallel_loop3A_296, %parallel_loop3A_369 : vector<16xf32>
        %parallel_loop3A_371 = arith.constant -0.707106769 : f32
        %parallel_loop3A_372 = vector.broadcast %parallel_loop3A_371 : f32 to vector<16xf32>
        %parallel_loop3A_373 = arith.mulf %parallel_loop3A_297, %parallel_loop3A_372 : vector<16xf32>
        %parallel_loop3A_374 = arith.subf %parallel_loop3A_370, %parallel_loop3A_373 : vector<16xf32>
        %parallel_loop3A_375 = arith.constant -0.707106769 : f32
        %parallel_loop3A_376 = vector.broadcast %parallel_loop3A_375 : f32 to vector<16xf32>
        %parallel_loop3A_377 = arith.mulf %parallel_loop3A_296, %parallel_loop3A_376 : vector<16xf32>
        %parallel_loop3A_378 = arith.constant -0.707106769 : f32
        %parallel_loop3A_379 = vector.broadcast %parallel_loop3A_378 : f32 to vector<16xf32>
        %parallel_loop3A_380 = arith.mulf %parallel_loop3A_297, %parallel_loop3A_379 : vector<16xf32>
        %parallel_loop3A_381 = arith.addf %parallel_loop3A_377, %parallel_loop3A_380 : vector<16xf32>
        %parallel_loop3A_382 = arith.addf %parallel_loop3A_288, %parallel_loop3A_374 : vector<16xf32>
        %parallel_loop3A_383 = arith.addf %parallel_loop3A_289, %parallel_loop3A_381 : vector<16xf32>
        %parallel_loop3A_384 = arith.subf %parallel_loop3A_288, %parallel_loop3A_374 : vector<16xf32>
        %parallel_loop3A_385 = arith.subf %parallel_loop3A_289, %parallel_loop3A_381 : vector<16xf32>
        %parallel_loop3A_386 = arith.addf %parallel_loop3A_298, %parallel_loop3A_342 : vector<16xf32>
        %parallel_loop3A_387 = arith.addf %parallel_loop3A_299, %parallel_loop3A_343 : vector<16xf32>
        %parallel_loop3A_388 = arith.subf %parallel_loop3A_298, %parallel_loop3A_342 : vector<16xf32>
        %parallel_loop3A_389 = arith.subf %parallel_loop3A_299, %parallel_loop3A_343 : vector<16xf32>
        %parallel_loop3A_390 = arith.constant 0.923879504 : f32
        %parallel_loop3A_391 = vector.broadcast %parallel_loop3A_390 : f32 to vector<16xf32>
        %parallel_loop3A_392 = arith.mulf %parallel_loop3A_360, %parallel_loop3A_391 : vector<16xf32>
        %parallel_loop3A_393 = arith.constant -0.382683426 : f32
        %parallel_loop3A_394 = vector.broadcast %parallel_loop3A_393 : f32 to vector<16xf32>
        %parallel_loop3A_395 = arith.mulf %parallel_loop3A_361, %parallel_loop3A_394 : vector<16xf32>
        %parallel_loop3A_396 = arith.subf %parallel_loop3A_392, %parallel_loop3A_395 : vector<16xf32>
        %parallel_loop3A_397 = arith.constant -0.382683426 : f32
        %parallel_loop3A_398 = vector.broadcast %parallel_loop3A_397 : f32 to vector<16xf32>
        %parallel_loop3A_399 = arith.mulf %parallel_loop3A_360, %parallel_loop3A_398 : vector<16xf32>
        %parallel_loop3A_400 = arith.constant 0.923879504 : f32
        %parallel_loop3A_401 = vector.broadcast %parallel_loop3A_400 : f32 to vector<16xf32>
        %parallel_loop3A_402 = arith.mulf %parallel_loop3A_361, %parallel_loop3A_401 : vector<16xf32>
        %parallel_loop3A_403 = arith.addf %parallel_loop3A_399, %parallel_loop3A_402 : vector<16xf32>
        %parallel_loop3A_404 = arith.addf %parallel_loop3A_316, %parallel_loop3A_396 : vector<16xf32>
        %parallel_loop3A_405 = arith.addf %parallel_loop3A_317, %parallel_loop3A_403 : vector<16xf32>
        %parallel_loop3A_406 = arith.subf %parallel_loop3A_316, %parallel_loop3A_396 : vector<16xf32>
        %parallel_loop3A_407 = arith.subf %parallel_loop3A_317, %parallel_loop3A_403 : vector<16xf32>
        %parallel_loop3A_408 = arith.constant 0.707106769 : f32
        %parallel_loop3A_409 = vector.broadcast %parallel_loop3A_408 : f32 to vector<16xf32>
        %parallel_loop3A_410 = arith.mulf %parallel_loop3A_364, %parallel_loop3A_409 : vector<16xf32>
        %parallel_loop3A_411 = arith.constant -0.707106769 : f32
        %parallel_loop3A_412 = vector.broadcast %parallel_loop3A_411 : f32 to vector<16xf32>
        %parallel_loop3A_413 = arith.mulf %parallel_loop3A_365, %parallel_loop3A_412 : vector<16xf32>
        %parallel_loop3A_414 = arith.subf %parallel_loop3A_410, %parallel_loop3A_413 : vector<16xf32>
        %parallel_loop3A_415 = arith.constant -0.707106769 : f32
        %parallel_loop3A_416 = vector.broadcast %parallel_loop3A_415 : f32 to vector<16xf32>
        %parallel_loop3A_417 = arith.mulf %parallel_loop3A_364, %parallel_loop3A_416 : vector<16xf32>
        %parallel_loop3A_418 = arith.constant 0.707106769 : f32
        %parallel_loop3A_419 = vector.broadcast %parallel_loop3A_418 : f32 to vector<16xf32>
        %parallel_loop3A_420 = arith.mulf %parallel_loop3A_365, %parallel_loop3A_419 : vector<16xf32>
        %parallel_loop3A_421 = arith.addf %parallel_loop3A_417, %parallel_loop3A_420 : vector<16xf32>
        %parallel_loop3A_422 = arith.addf %parallel_loop3A_320, %parallel_loop3A_414 : vector<16xf32>
        %parallel_loop3A_423 = arith.addf %parallel_loop3A_321, %parallel_loop3A_421 : vector<16xf32>
        %parallel_loop3A_424 = arith.subf %parallel_loop3A_320, %parallel_loop3A_414 : vector<16xf32>
        %parallel_loop3A_425 = arith.subf %parallel_loop3A_321, %parallel_loop3A_421 : vector<16xf32>
        %parallel_loop3A_426 = arith.constant 0.382683426 : f32
        %parallel_loop3A_427 = vector.broadcast %parallel_loop3A_426 : f32 to vector<16xf32>
        %parallel_loop3A_428 = arith.mulf %parallel_loop3A_382, %parallel_loop3A_427 : vector<16xf32>
        %parallel_loop3A_429 = arith.constant -0.923879504 : f32
        %parallel_loop3A_430 = vector.broadcast %parallel_loop3A_429 : f32 to vector<16xf32>
        %parallel_loop3A_431 = arith.mulf %parallel_loop3A_383, %parallel_loop3A_430 : vector<16xf32>
        %parallel_loop3A_432 = arith.subf %parallel_loop3A_428, %parallel_loop3A_431 : vector<16xf32>
        %parallel_loop3A_433 = arith.constant -0.923879504 : f32
        %parallel_loop3A_434 = vector.broadcast %parallel_loop3A_433 : f32 to vector<16xf32>
        %parallel_loop3A_435 = arith.mulf %parallel_loop3A_382, %parallel_loop3A_434 : vector<16xf32>
        %parallel_loop3A_436 = arith.constant 0.382683426 : f32
        %parallel_loop3A_437 = vector.broadcast %parallel_loop3A_436 : f32 to vector<16xf32>
        %parallel_loop3A_438 = arith.mulf %parallel_loop3A_383, %parallel_loop3A_437 : vector<16xf32>
        %parallel_loop3A_439 = arith.addf %parallel_loop3A_435, %parallel_loop3A_438 : vector<16xf32>
        %parallel_loop3A_440 = arith.addf %parallel_loop3A_338, %parallel_loop3A_432 : vector<16xf32>
        %parallel_loop3A_441 = arith.addf %parallel_loop3A_339, %parallel_loop3A_439 : vector<16xf32>
        %parallel_loop3A_442 = arith.subf %parallel_loop3A_338, %parallel_loop3A_432 : vector<16xf32>
        %parallel_loop3A_443 = arith.subf %parallel_loop3A_339, %parallel_loop3A_439 : vector<16xf32>
        %parallel_loop3A_444 = arith.addf %parallel_loop3A_300, %parallel_loop3A_345 : vector<16xf32>
        %parallel_loop3A_445 = arith.subf %parallel_loop3A_301, %parallel_loop3A_344 : vector<16xf32>
        %parallel_loop3A_446 = arith.subf %parallel_loop3A_300, %parallel_loop3A_345 : vector<16xf32>
        %parallel_loop3A_447 = arith.addf %parallel_loop3A_301, %parallel_loop3A_344 : vector<16xf32>
        %parallel_loop3A_448 = arith.constant -0.382683426 : f32
        %parallel_loop3A_449 = vector.broadcast %parallel_loop3A_448 : f32 to vector<16xf32>
        %parallel_loop3A_450 = arith.mulf %parallel_loop3A_362, %parallel_loop3A_449 : vector<16xf32>
        %parallel_loop3A_451 = arith.constant -0.923879504 : f32
        %parallel_loop3A_452 = vector.broadcast %parallel_loop3A_451 : f32 to vector<16xf32>
        %parallel_loop3A_453 = arith.mulf %parallel_loop3A_363, %parallel_loop3A_452 : vector<16xf32>
        %parallel_loop3A_454 = arith.subf %parallel_loop3A_450, %parallel_loop3A_453 : vector<16xf32>
        %parallel_loop3A_455 = arith.constant -0.923879504 : f32
        %parallel_loop3A_456 = vector.broadcast %parallel_loop3A_455 : f32 to vector<16xf32>
        %parallel_loop3A_457 = arith.mulf %parallel_loop3A_362, %parallel_loop3A_456 : vector<16xf32>
        %parallel_loop3A_458 = arith.constant -0.382683426 : f32
        %parallel_loop3A_459 = vector.broadcast %parallel_loop3A_458 : f32 to vector<16xf32>
        %parallel_loop3A_460 = arith.mulf %parallel_loop3A_363, %parallel_loop3A_459 : vector<16xf32>
        %parallel_loop3A_461 = arith.addf %parallel_loop3A_457, %parallel_loop3A_460 : vector<16xf32>
        %parallel_loop3A_462 = arith.addf %parallel_loop3A_318, %parallel_loop3A_454 : vector<16xf32>
        %parallel_loop3A_463 = arith.addf %parallel_loop3A_319, %parallel_loop3A_461 : vector<16xf32>
        %parallel_loop3A_464 = arith.subf %parallel_loop3A_318, %parallel_loop3A_454 : vector<16xf32>
        %parallel_loop3A_465 = arith.subf %parallel_loop3A_319, %parallel_loop3A_461 : vector<16xf32>
        %parallel_loop3A_466 = arith.constant -0.707106769 : f32
        %parallel_loop3A_467 = vector.broadcast %parallel_loop3A_466 : f32 to vector<16xf32>
        %parallel_loop3A_468 = arith.mulf %parallel_loop3A_366, %parallel_loop3A_467 : vector<16xf32>
        %parallel_loop3A_469 = arith.constant -0.707106769 : f32
        %parallel_loop3A_470 = vector.broadcast %parallel_loop3A_469 : f32 to vector<16xf32>
        %parallel_loop3A_471 = arith.mulf %parallel_loop3A_367, %parallel_loop3A_470 : vector<16xf32>
        %parallel_loop3A_472 = arith.subf %parallel_loop3A_468, %parallel_loop3A_471 : vector<16xf32>
        %parallel_loop3A_473 = arith.constant -0.707106769 : f32
        %parallel_loop3A_474 = vector.broadcast %parallel_loop3A_473 : f32 to vector<16xf32>
        %parallel_loop3A_475 = arith.mulf %parallel_loop3A_366, %parallel_loop3A_474 : vector<16xf32>
        %parallel_loop3A_476 = arith.constant -0.707106769 : f32
        %parallel_loop3A_477 = vector.broadcast %parallel_loop3A_476 : f32 to vector<16xf32>
        %parallel_loop3A_478 = arith.mulf %parallel_loop3A_367, %parallel_loop3A_477 : vector<16xf32>
        %parallel_loop3A_479 = arith.addf %parallel_loop3A_475, %parallel_loop3A_478 : vector<16xf32>
        %parallel_loop3A_480 = arith.addf %parallel_loop3A_322, %parallel_loop3A_472 : vector<16xf32>
        %parallel_loop3A_481 = arith.addf %parallel_loop3A_323, %parallel_loop3A_479 : vector<16xf32>
        %parallel_loop3A_482 = arith.subf %parallel_loop3A_322, %parallel_loop3A_472 : vector<16xf32>
        %parallel_loop3A_483 = arith.subf %parallel_loop3A_323, %parallel_loop3A_479 : vector<16xf32>
        %parallel_loop3A_484 = arith.constant -0.923879504 : f32
        %parallel_loop3A_485 = vector.broadcast %parallel_loop3A_484 : f32 to vector<16xf32>
        %parallel_loop3A_486 = arith.mulf %parallel_loop3A_384, %parallel_loop3A_485 : vector<16xf32>
        %parallel_loop3A_487 = arith.constant -0.382683426 : f32
        %parallel_loop3A_488 = vector.broadcast %parallel_loop3A_487 : f32 to vector<16xf32>
        %parallel_loop3A_489 = arith.mulf %parallel_loop3A_385, %parallel_loop3A_488 : vector<16xf32>
        %parallel_loop3A_490 = arith.subf %parallel_loop3A_486, %parallel_loop3A_489 : vector<16xf32>
        %parallel_loop3A_491 = arith.constant -0.382683426 : f32
        %parallel_loop3A_492 = vector.broadcast %parallel_loop3A_491 : f32 to vector<16xf32>
        %parallel_loop3A_493 = arith.mulf %parallel_loop3A_384, %parallel_loop3A_492 : vector<16xf32>
        %parallel_loop3A_494 = arith.constant -0.923879504 : f32
        %parallel_loop3A_495 = vector.broadcast %parallel_loop3A_494 : f32 to vector<16xf32>
        %parallel_loop3A_496 = arith.mulf %parallel_loop3A_385, %parallel_loop3A_495 : vector<16xf32>
        %parallel_loop3A_497 = arith.addf %parallel_loop3A_493, %parallel_loop3A_496 : vector<16xf32>
        %parallel_loop3A_498 = arith.addf %parallel_loop3A_340, %parallel_loop3A_490 : vector<16xf32>
        %parallel_loop3A_499 = arith.addf %parallel_loop3A_341, %parallel_loop3A_497 : vector<16xf32>
        %parallel_loop3A_500 = arith.subf %parallel_loop3A_340, %parallel_loop3A_490 : vector<16xf32>
        %parallel_loop3A_501 = arith.subf %parallel_loop3A_341, %parallel_loop3A_497 : vector<16xf32>
        %parallel_loop3A_502 = arith.constant 16 : index
        %parallel_loop3A_503 = tpu.vector_load %arg19[%parallel_loop3A_502] {strides = array<i32>} : memref<256xf32, #tpu.memory_space<vmem>>, vector<16xf32>,
        %parallel_loop3A_504 = arith.constant 16 : index
        %parallel_loop3A_505 = tpu.vector_load %arg20[%parallel_loop3A_504] {strides = array<i32>} : memref<256xf32, #tpu.memory_space<vmem>>, vector<16xf32>,
        %parallel_loop3A_506 = arith.mulf %parallel_loop3A_404, %parallel_loop3A_503 : vector<16xf32>
        %parallel_loop3A_507 = arith.mulf %parallel_loop3A_405, %parallel_loop3A_505 : vector<16xf32>
        %parallel_loop3A_508 = arith.subf %parallel_loop3A_506, %parallel_loop3A_507 : vector<16xf32>
        %parallel_loop3A_509 = arith.mulf %parallel_loop3A_404, %parallel_loop3A_505 : vector<16xf32>
        %parallel_loop3A_510 = arith.mulf %parallel_loop3A_405, %parallel_loop3A_503 : vector<16xf32>
        %parallel_loop3A_511 = arith.addf %parallel_loop3A_509, %parallel_loop3A_510 : vector<16xf32>
        %parallel_loop3A_512 = arith.constant 32 : index
        %parallel_loop3A_513 = tpu.vector_load %arg19[%parallel_loop3A_512] {strides = array<i32>} : memref<256xf32, #tpu.memory_space<vmem>>, vector<16xf32>,
        %parallel_loop3A_514 = arith.constant 32 : index
        %parallel_loop3A_515 = tpu.vector_load %arg20[%parallel_loop3A_514] {strides = array<i32>} : memref<256xf32, #tpu.memory_space<vmem>>, vector<16xf32>,
        %parallel_loop3A_516 = arith.mulf %parallel_loop3A_422, %parallel_loop3A_513 : vector<16xf32>
        %parallel_loop3A_517 = arith.mulf %parallel_loop3A_423, %parallel_loop3A_515 : vector<16xf32>
        %parallel_loop3A_518 = arith.subf %parallel_loop3A_516, %parallel_loop3A_517 : vector<16xf32>
        %parallel_loop3A_519 = arith.mulf %parallel_loop3A_422, %parallel_loop3A_515 : vector<16xf32>
        %parallel_loop3A_520 = arith.mulf %parallel_loop3A_423, %parallel_loop3A_513 : vector<16xf32>
        %parallel_loop3A_521 = arith.addf %parallel_loop3A_519, %parallel_loop3A_520 : vector<16xf32>
        %parallel_loop3A_522 = arith.constant 48 : index
        %parallel_loop3A_523 = tpu.vector_load %arg19[%parallel_loop3A_522] {strides = array<i32>} : memref<256xf32, #tpu.memory_space<vmem>>, vector<16xf32>,
        %parallel_loop3A_524 = arith.constant 48 : index
        %parallel_loop3A_525 = tpu.vector_load %arg20[%parallel_loop3A_524] {strides = array<i32>} : memref<256xf32, #tpu.memory_space<vmem>>, vector<16xf32>,
        %parallel_loop3A_526 = arith.mulf %parallel_loop3A_440, %parallel_loop3A_523 : vector<16xf32>
        %parallel_loop3A_527 = arith.mulf %parallel_loop3A_441, %parallel_loop3A_525 : vector<16xf32>
        %parallel_loop3A_528 = arith.subf %parallel_loop3A_526, %parallel_loop3A_527 : vector<16xf32>
        %parallel_loop3A_529 = arith.mulf %parallel_loop3A_440, %parallel_loop3A_525 : vector<16xf32>
        %parallel_loop3A_530 = arith.mulf %parallel_loop3A_441, %parallel_loop3A_523 : vector<16xf32>
        %parallel_loop3A_531 = arith.addf %parallel_loop3A_529, %parallel_loop3A_530 : vector<16xf32>
        %parallel_loop3A_532 = arith.constant 64 : index
        %parallel_loop3A_533 = tpu.vector_load %arg19[%parallel_loop3A_532] {strides = array<i32>} : memref<256xf32, #tpu.memory_space<vmem>>, vector<16xf32>,
        %parallel_loop3A_534 = arith.constant 64 : index
        %parallel_loop3A_535 = tpu.vector_load %arg20[%parallel_loop3A_534] {strides = array<i32>} : memref<256xf32, #tpu.memory_space<vmem>>, vector<16xf32>,
        %parallel_loop3A_536 = arith.mulf %parallel_loop3A_444, %parallel_loop3A_533 : vector<16xf32>
        %parallel_loop3A_537 = arith.mulf %parallel_loop3A_445, %parallel_loop3A_535 : vector<16xf32>
        %parallel_loop3A_538 = arith.subf %parallel_loop3A_536, %parallel_loop3A_537 : vector<16xf32>
        %parallel_loop3A_539 = arith.mulf %parallel_loop3A_444, %parallel_loop3A_535 : vector<16xf32>
        %parallel_loop3A_540 = arith.mulf %parallel_loop3A_445, %parallel_loop3A_533 : vector<16xf32>
        %parallel_loop3A_541 = arith.addf %parallel_loop3A_539, %parallel_loop3A_540 : vector<16xf32>
        %parallel_loop3A_542 = arith.constant 80 : index
        %parallel_loop3A_543 = tpu.vector_load %arg19[%parallel_loop3A_542] {strides = array<i32>} : memref<256xf32, #tpu.memory_space<vmem>>, vector<16xf32>,
        %parallel_loop3A_544 = arith.constant 80 : index
        %parallel_loop3A_545 = tpu.vector_load %arg20[%parallel_loop3A_544] {strides = array<i32>} : memref<256xf32, #tpu.memory_space<vmem>>, vector<16xf32>,
        %parallel_loop3A_546 = arith.mulf %parallel_loop3A_462, %parallel_loop3A_543 : vector<16xf32>
        %parallel_loop3A_547 = arith.mulf %parallel_loop3A_463, %parallel_loop3A_545 : vector<16xf32>
        %parallel_loop3A_548 = arith.subf %parallel_loop3A_546, %parallel_loop3A_547 : vector<16xf32>
        %parallel_loop3A_549 = arith.mulf %parallel_loop3A_462, %parallel_loop3A_545 : vector<16xf32>
        %parallel_loop3A_550 = arith.mulf %parallel_loop3A_463, %parallel_loop3A_543 : vector<16xf32>
        %parallel_loop3A_551 = arith.addf %parallel_loop3A_549, %parallel_loop3A_550 : vector<16xf32>
        %parallel_loop3A_552 = arith.constant 96 : index
        %parallel_loop3A_553 = tpu.vector_load %arg19[%parallel_loop3A_552] {strides = array<i32>} : memref<256xf32, #tpu.memory_space<vmem>>, vector<16xf32>,
        %parallel_loop3A_554 = arith.constant 96 : index
        %parallel_loop3A_555 = tpu.vector_load %arg20[%parallel_loop3A_554] {strides = array<i32>} : memref<256xf32, #tpu.memory_space<vmem>>, vector<16xf32>,
        %parallel_loop3A_556 = arith.mulf %parallel_loop3A_480, %parallel_loop3A_553 : vector<16xf32>
        %parallel_loop3A_557 = arith.mulf %parallel_loop3A_481, %parallel_loop3A_555 : vector<16xf32>
        %parallel_loop3A_558 = arith.subf %parallel_loop3A_556, %parallel_loop3A_557 : vector<16xf32>
        %parallel_loop3A_559 = arith.mulf %parallel_loop3A_480, %parallel_loop3A_555 : vector<16xf32>
        %parallel_loop3A_560 = arith.mulf %parallel_loop3A_481, %parallel_loop3A_553 : vector<16xf32>
        %parallel_loop3A_561 = arith.addf %parallel_loop3A_559, %parallel_loop3A_560 : vector<16xf32>
        %parallel_loop3A_562 = arith.constant 112 : index
        %parallel_loop3A_563 = tpu.vector_load %arg19[%parallel_loop3A_562] {strides = array<i32>} : memref<256xf32, #tpu.memory_space<vmem>>, vector<16xf32>,
        %parallel_loop3A_564 = arith.constant 112 : index
        %parallel_loop3A_565 = tpu.vector_load %arg20[%parallel_loop3A_564] {strides = array<i32>} : memref<256xf32, #tpu.memory_space<vmem>>, vector<16xf32>,
        %parallel_loop3A_566 = arith.mulf %parallel_loop3A_498, %parallel_loop3A_563 : vector<16xf32>
        %parallel_loop3A_567 = arith.mulf %parallel_loop3A_499, %parallel_loop3A_565 : vector<16xf32>
        %parallel_loop3A_568 = arith.subf %parallel_loop3A_566, %parallel_loop3A_567 : vector<16xf32>
        %parallel_loop3A_569 = arith.mulf %parallel_loop3A_498, %parallel_loop3A_565 : vector<16xf32>
        %parallel_loop3A_570 = arith.mulf %parallel_loop3A_499, %parallel_loop3A_563 : vector<16xf32>
        %parallel_loop3A_571 = arith.addf %parallel_loop3A_569, %parallel_loop3A_570 : vector<16xf32>
        %parallel_loop3A_572 = arith.constant 128 : index
        %parallel_loop3A_573 = tpu.vector_load %arg19[%parallel_loop3A_572] {strides = array<i32>} : memref<256xf32, #tpu.memory_space<vmem>>, vector<16xf32>,
        %parallel_loop3A_574 = arith.constant 128 : index
        %parallel_loop3A_575 = tpu.vector_load %arg20[%parallel_loop3A_574] {strides = array<i32>} : memref<256xf32, #tpu.memory_space<vmem>>, vector<16xf32>,
        %parallel_loop3A_576 = arith.mulf %parallel_loop3A_388, %parallel_loop3A_573 : vector<16xf32>
        %parallel_loop3A_577 = arith.mulf %parallel_loop3A_389, %parallel_loop3A_575 : vector<16xf32>
        %parallel_loop3A_578 = arith.subf %parallel_loop3A_576, %parallel_loop3A_577 : vector<16xf32>
        %parallel_loop3A_579 = arith.mulf %parallel_loop3A_388, %parallel_loop3A_575 : vector<16xf32>
        %parallel_loop3A_580 = arith.mulf %parallel_loop3A_389, %parallel_loop3A_573 : vector<16xf32>
        %parallel_loop3A_581 = arith.addf %parallel_loop3A_579, %parallel_loop3A_580 : vector<16xf32>
        %parallel_loop3A_582 = arith.constant 144 : index
        %parallel_loop3A_583 = tpu.vector_load %arg19[%parallel_loop3A_582] {strides = array<i32>} : memref<256xf32, #tpu.memory_space<vmem>>, vector<16xf32>,
        %parallel_loop3A_584 = arith.constant 144 : index
        %parallel_loop3A_585 = tpu.vector_load %arg20[%parallel_loop3A_584] {strides = array<i32>} : memref<256xf32, #tpu.memory_space<vmem>>, vector<16xf32>,
        %parallel_loop3A_586 = arith.mulf %parallel_loop3A_406, %parallel_loop3A_583 : vector<16xf32>
        %parallel_loop3A_587 = arith.mulf %parallel_loop3A_407, %parallel_loop3A_585 : vector<16xf32>
        %parallel_loop3A_588 = arith.subf %parallel_loop3A_586, %parallel_loop3A_587 : vector<16xf32>
        %parallel_loop3A_589 = arith.mulf %parallel_loop3A_406, %parallel_loop3A_585 : vector<16xf32>
        %parallel_loop3A_590 = arith.mulf %parallel_loop3A_407, %parallel_loop3A_583 : vector<16xf32>
        %parallel_loop3A_591 = arith.addf %parallel_loop3A_589, %parallel_loop3A_590 : vector<16xf32>
        %parallel_loop3A_592 = arith.constant 160 : index
        %parallel_loop3A_593 = tpu.vector_load %arg19[%parallel_loop3A_592] {strides = array<i32>} : memref<256xf32, #tpu.memory_space<vmem>>, vector<16xf32>,
        %parallel_loop3A_594 = arith.constant 160 : index
        %parallel_loop3A_595 = tpu.vector_load %arg20[%parallel_loop3A_594] {strides = array<i32>} : memref<256xf32, #tpu.memory_space<vmem>>, vector<16xf32>,
        %parallel_loop3A_596 = arith.mulf %parallel_loop3A_424, %parallel_loop3A_593 : vector<16xf32>
        %parallel_loop3A_597 = arith.mulf %parallel_loop3A_425, %parallel_loop3A_595 : vector<16xf32>
        %parallel_loop3A_598 = arith.subf %parallel_loop3A_596, %parallel_loop3A_597 : vector<16xf32>
        %parallel_loop3A_599 = arith.mulf %parallel_loop3A_424, %parallel_loop3A_595 : vector<16xf32>
        %parallel_loop3A_600 = arith.mulf %parallel_loop3A_425, %parallel_loop3A_593 : vector<16xf32>
        %parallel_loop3A_601 = arith.addf %parallel_loop3A_599, %parallel_loop3A_600 : vector<16xf32>
        %parallel_loop3A_602 = arith.constant 176 : index
        %parallel_loop3A_603 = tpu.vector_load %arg19[%parallel_loop3A_602] {strides = array<i32>} : memref<256xf32, #tpu.memory_space<vmem>>, vector<16xf32>,
        %parallel_loop3A_604 = arith.constant 176 : index
        %parallel_loop3A_605 = tpu.vector_load %arg20[%parallel_loop3A_604] {strides = array<i32>} : memref<256xf32, #tpu.memory_space<vmem>>, vector<16xf32>,
        %parallel_loop3A_606 = arith.mulf %parallel_loop3A_442, %parallel_loop3A_603 : vector<16xf32>
        %parallel_loop3A_607 = arith.mulf %parallel_loop3A_443, %parallel_loop3A_605 : vector<16xf32>
        %parallel_loop3A_608 = arith.subf %parallel_loop3A_606, %parallel_loop3A_607 : vector<16xf32>
        %parallel_loop3A_609 = arith.mulf %parallel_loop3A_442, %parallel_loop3A_605 : vector<16xf32>
        %parallel_loop3A_610 = arith.mulf %parallel_loop3A_443, %parallel_loop3A_603 : vector<16xf32>
        %parallel_loop3A_611 = arith.addf %parallel_loop3A_609, %parallel_loop3A_610 : vector<16xf32>
        %parallel_loop3A_612 = arith.constant 192 : index
        %parallel_loop3A_613 = tpu.vector_load %arg19[%parallel_loop3A_612] {strides = array<i32>} : memref<256xf32, #tpu.memory_space<vmem>>, vector<16xf32>,
        %parallel_loop3A_614 = arith.constant 192 : index
        %parallel_loop3A_615 = tpu.vector_load %arg20[%parallel_loop3A_614] {strides = array<i32>} : memref<256xf32, #tpu.memory_space<vmem>>, vector<16xf32>,
        %parallel_loop3A_616 = arith.mulf %parallel_loop3A_446, %parallel_loop3A_613 : vector<16xf32>
        %parallel_loop3A_617 = arith.mulf %parallel_loop3A_447, %parallel_loop3A_615 : vector<16xf32>
        %parallel_loop3A_618 = arith.subf %parallel_loop3A_616, %parallel_loop3A_617 : vector<16xf32>
        %parallel_loop3A_619 = arith.mulf %parallel_loop3A_446, %parallel_loop3A_615 : vector<16xf32>
        %parallel_loop3A_620 = arith.mulf %parallel_loop3A_447, %parallel_loop3A_613 : vector<16xf32>
        %parallel_loop3A_621 = arith.addf %parallel_loop3A_619, %parallel_loop3A_620 : vector<16xf32>
        %parallel_loop3A_622 = arith.constant 208 : index
        %parallel_loop3A_623 = tpu.vector_load %arg19[%parallel_loop3A_622] {strides = array<i32>} : memref<256xf32, #tpu.memory_space<vmem>>, vector<16xf32>,
        %parallel_loop3A_624 = arith.constant 208 : index
        %parallel_loop3A_625 = tpu.vector_load %arg20[%parallel_loop3A_624] {strides = array<i32>} : memref<256xf32, #tpu.memory_space<vmem>>, vector<16xf32>,
        %parallel_loop3A_626 = arith.mulf %parallel_loop3A_464, %parallel_loop3A_623 : vector<16xf32>
        %parallel_loop3A_627 = arith.mulf %parallel_loop3A_465, %parallel_loop3A_625 : vector<16xf32>
        %parallel_loop3A_628 = arith.subf %parallel_loop3A_626, %parallel_loop3A_627 : vector<16xf32>
        %parallel_loop3A_629 = arith.mulf %parallel_loop3A_464, %parallel_loop3A_625 : vector<16xf32>
        %parallel_loop3A_630 = arith.mulf %parallel_loop3A_465, %parallel_loop3A_623 : vector<16xf32>
        %parallel_loop3A_631 = arith.addf %parallel_loop3A_629, %parallel_loop3A_630 : vector<16xf32>
        %parallel_loop3A_632 = arith.constant 224 : index
        %parallel_loop3A_633 = tpu.vector_load %arg19[%parallel_loop3A_632] {strides = array<i32>} : memref<256xf32, #tpu.memory_space<vmem>>, vector<16xf32>,
        %parallel_loop3A_634 = arith.constant 224 : index
        %parallel_loop3A_635 = tpu.vector_load %arg20[%parallel_loop3A_634] {strides = array<i32>} : memref<256xf32, #tpu.memory_space<vmem>>, vector<16xf32>,
        %parallel_loop3A_636 = arith.mulf %parallel_loop3A_482, %parallel_loop3A_633 : vector<16xf32>
        %parallel_loop3A_637 = arith.mulf %parallel_loop3A_483, %parallel_loop3A_635 : vector<16xf32>
        %parallel_loop3A_638 = arith.subf %parallel_loop3A_636, %parallel_loop3A_637 : vector<16xf32>
        %parallel_loop3A_639 = arith.mulf %parallel_loop3A_482, %parallel_loop3A_635 : vector<16xf32>
        %parallel_loop3A_640 = arith.mulf %parallel_loop3A_483, %parallel_loop3A_633 : vector<16xf32>
        %parallel_loop3A_641 = arith.addf %parallel_loop3A_639, %parallel_loop3A_640 : vector<16xf32>
        %parallel_loop3A_642 = arith.constant 240 : index
        %parallel_loop3A_643 = tpu.vector_load %arg19[%parallel_loop3A_642] {strides = array<i32>} : memref<256xf32, #tpu.memory_space<vmem>>, vector<16xf32>,
        %parallel_loop3A_644 = arith.constant 240 : index
        %parallel_loop3A_645 = tpu.vector_load %arg20[%parallel_loop3A_644] {strides = array<i32>} : memref<256xf32, #tpu.memory_space<vmem>>, vector<16xf32>,
        %parallel_loop3A_646 = arith.mulf %parallel_loop3A_500, %parallel_loop3A_643 : vector<16xf32>
        %parallel_loop3A_647 = arith.mulf %parallel_loop3A_501, %parallel_loop3A_645 : vector<16xf32>
        %parallel_loop3A_648 = arith.subf %parallel_loop3A_646, %parallel_loop3A_647 : vector<16xf32>
        %parallel_loop3A_649 = arith.mulf %parallel_loop3A_500, %parallel_loop3A_645 : vector<16xf32>
        %parallel_loop3A_650 = arith.mulf %parallel_loop3A_501, %parallel_loop3A_643 : vector<16xf32>
        %parallel_loop3A_651 = arith.addf %parallel_loop3A_649, %parallel_loop3A_650 : vector<16xf32>
        %parallel_loop3A_652 = vector.broadcast %parallel_loop3A_105 : i32 to vector<16xi32>
        %parallel_loop3A_653 = arith.addi %mul3A_3, %parallel_loop3A_652 : vector<16xi32>
        %parallel_loop3A_654 = arith.constant 0 : index
        %parallel_loop3A_655 = tpu.vector_load %arg21[%parallel_loop3A_654] {strides = array<i32>} : memref<256xi32, #tpu.memory_space<vmem>>, vector<16xi32>,
        %parallel_loop3A_656 = arith.addi %parallel_loop3A_653, %parallel_loop3A_655 : vector<16xi32>
        tpu.vector_store_idx %arg17[%parallel_loop3A_656], %parallel_loop3A_386 : memref<8192xf32, #tpu.memory_space<vmem>>[vector<16xi32>], vector<16xf32>,
        tpu.vector_store_idx %arg18[%parallel_loop3A_656], %parallel_loop3A_387 : memref<8192xf32, #tpu.memory_space<vmem>>[vector<16xi32>], vector<16xf32>,
        %parallel_loop3A_657 = arith.constant 16 : index
        %parallel_loop3A_658 = tpu.vector_load %arg21[%parallel_loop3A_657] {strides = array<i32>} : memref<256xi32, #tpu.memory_space<vmem>>, vector<16xi32>,
        %parallel_loop3A_659 = arith.addi %parallel_loop3A_653, %parallel_loop3A_658 : vector<16xi32>
        tpu.vector_store_idx %arg17[%parallel_loop3A_659], %parallel_loop3A_508 : memref<8192xf32, #tpu.memory_space<vmem>>[vector<16xi32>], vector<16xf32>,
        tpu.vector_store_idx %arg18[%parallel_loop3A_659], %parallel_loop3A_511 : memref<8192xf32, #tpu.memory_space<vmem>>[vector<16xi32>], vector<16xf32>,
        %parallel_loop3A_660 = arith.constant 32 : index
        %parallel_loop3A_661 = tpu.vector_load %arg21[%parallel_loop3A_660] {strides = array<i32>} : memref<256xi32, #tpu.memory_space<vmem>>, vector<16xi32>,
        %parallel_loop3A_662 = arith.addi %parallel_loop3A_653, %parallel_loop3A_661 : vector<16xi32>
        tpu.vector_store_idx %arg17[%parallel_loop3A_662], %parallel_loop3A_518 : memref<8192xf32, #tpu.memory_space<vmem>>[vector<16xi32>], vector<16xf32>,
        tpu.vector_store_idx %arg18[%parallel_loop3A_662], %parallel_loop3A_521 : memref<8192xf32, #tpu.memory_space<vmem>>[vector<16xi32>], vector<16xf32>,
        %parallel_loop3A_663 = arith.constant 48 : index
        %parallel_loop3A_664 = tpu.vector_load %arg21[%parallel_loop3A_663] {strides = array<i32>} : memref<256xi32, #tpu.memory_space<vmem>>, vector<16xi32>,
        %parallel_loop3A_665 = arith.addi %parallel_loop3A_653, %parallel_loop3A_664 : vector<16xi32>
        tpu.vector_store_idx %arg17[%parallel_loop3A_665], %parallel_loop3A_528 : memref<8192xf32, #tpu.memory_space<vmem>>[vector<16xi32>], vector<16xf32>,
        tpu.vector_store_idx %arg18[%parallel_loop3A_665], %parallel_loop3A_531 : memref<8192xf32, #tpu.memory_space<vmem>>[vector<16xi32>], vector<16xf32>,
        %parallel_loop3A_666 = arith.constant 64 : index
        %parallel_loop3A_667 = tpu.vector_load %arg21[%parallel_loop3A_666] {strides = array<i32>} : memref<256xi32, #tpu.memory_space<vmem>>, vector<16xi32>,
        %parallel_loop3A_668 = arith.addi %parallel_loop3A_653, %parallel_loop3A_667 : vector<16xi32>
        tpu.vector_store_idx %arg17[%parallel_loop3A_668], %parallel_loop3A_538 : memref<8192xf32, #tpu.memory_space<vmem>>[vector<16xi32>], vector<16xf32>,
        tpu.vector_store_idx %arg18[%parallel_loop3A_668], %parallel_loop3A_541 : memref<8192xf32, #tpu.memory_space<vmem>>[vector<16xi32>], vector<16xf32>,
        %parallel_loop3A_669 = arith.constant 80 : index
        %parallel_loop3A_670 = tpu.vector_load %arg21[%parallel_loop3A_669] {strides = array<i32>} : memref<256xi32, #tpu.memory_space<vmem>>, vector<16xi32>,
        %parallel_loop3A_671 = arith.addi %parallel_loop3A_653, %parallel_loop3A_670 : vector<16xi32>
        tpu.vector_store_idx %arg17[%parallel_loop3A_671], %parallel_loop3A_548 : memref<8192xf32, #tpu.memory_space<vmem>>[vector<16xi32>], vector<16xf32>,
        tpu.vector_store_idx %arg18[%parallel_loop3A_671], %parallel_loop3A_551 : memref<8192xf32, #tpu.memory_space<vmem>>[vector<16xi32>], vector<16xf32>,
        %parallel_loop3A_672 = arith.constant 96 : index
        %parallel_loop3A_673 = tpu.vector_load %arg21[%parallel_loop3A_672] {strides = array<i32>} : memref<256xi32, #tpu.memory_space<vmem>>, vector<16xi32>,
        %parallel_loop3A_674 = arith.addi %parallel_loop3A_653, %parallel_loop3A_673 : vector<16xi32>
        tpu.vector_store_idx %arg17[%parallel_loop3A_674], %parallel_loop3A_558 : memref<8192xf32, #tpu.memory_space<vmem>>[vector<16xi32>], vector<16xf32>,
        tpu.vector_store_idx %arg18[%parallel_loop3A_674], %parallel_loop3A_561 : memref<8192xf32, #tpu.memory_space<vmem>>[vector<16xi32>], vector<16xf32>,
        %parallel_loop3A_675 = arith.constant 112 : index
        %parallel_loop3A_676 = tpu.vector_load %arg21[%parallel_loop3A_675] {strides = array<i32>} : memref<256xi32, #tpu.memory_space<vmem>>, vector<16xi32>,
        %parallel_loop3A_677 = arith.addi %parallel_loop3A_653, %parallel_loop3A_676 : vector<16xi32>
        tpu.vector_store_idx %arg17[%parallel_loop3A_677], %parallel_loop3A_568 : memref<8192xf32, #tpu.memory_space<vmem>>[vector<16xi32>], vector<16xf32>,
        tpu.vector_store_idx %arg18[%parallel_loop3A_677], %parallel_loop3A_571 : memref<8192xf32, #tpu.memory_space<vmem>>[vector<16xi32>], vector<16xf32>,
        %parallel_loop3A_678 = arith.constant 128 : index
        %parallel_loop3A_679 = tpu.vector_load %arg21[%parallel_loop3A_678] {strides = array<i32>} : memref<256xi32, #tpu.memory_space<vmem>>, vector<16xi32>,
        %parallel_loop3A_680 = arith.addi %parallel_loop3A_653, %parallel_loop3A_679 : vector<16xi32>
        tpu.vector_store_idx %arg17[%parallel_loop3A_680], %parallel_loop3A_578 : memref<8192xf32, #tpu.memory_space<vmem>>[vector<16xi32>], vector<16xf32>,
        tpu.vector_store_idx %arg18[%parallel_loop3A_680], %parallel_loop3A_581 : memref<8192xf32, #tpu.memory_space<vmem>>[vector<16xi32>], vector<16xf32>,
        %parallel_loop3A_681 = arith.constant 144 : index
        %parallel_loop3A_682 = tpu.vector_load %arg21[%parallel_loop3A_681] {strides = array<i32>} : memref<256xi32, #tpu.memory_space<vmem>>, vector<16xi32>,
        %parallel_loop3A_683 = arith.addi %parallel_loop3A_653, %parallel_loop3A_682 : vector<16xi32>
        tpu.vector_store_idx %arg17[%parallel_loop3A_683], %parallel_loop3A_588 : memref<8192xf32, #tpu.memory_space<vmem>>[vector<16xi32>], vector<16xf32>,
        tpu.vector_store_idx %arg18[%parallel_loop3A_683], %parallel_loop3A_591 : memref<8192xf32, #tpu.memory_space<vmem>>[vector<16xi32>], vector<16xf32>,
        %parallel_loop3A_684 = arith.constant 160 : index
        %parallel_loop3A_685 = tpu.vector_load %arg21[%parallel_loop3A_684] {strides = array<i32>} : memref<256xi32, #tpu.memory_space<vmem>>, vector<16xi32>,
        %parallel_loop3A_686 = arith.addi %parallel_loop3A_653, %parallel_loop3A_685 : vector<16xi32>
        tpu.vector_store_idx %arg17[%parallel_loop3A_686], %parallel_loop3A_598 : memref<8192xf32, #tpu.memory_space<vmem>>[vector<16xi32>], vector<16xf32>,
        tpu.vector_store_idx %arg18[%parallel_loop3A_686], %parallel_loop3A_601 : memref<8192xf32, #tpu.memory_space<vmem>>[vector<16xi32>], vector<16xf32>,
        %parallel_loop3A_687 = arith.constant 176 : index
        %parallel_loop3A_688 = tpu.vector_load %arg21[%parallel_loop3A_687] {strides = array<i32>} : memref<256xi32, #tpu.memory_space<vmem>>, vector<16xi32>,
        %parallel_loop3A_689 = arith.addi %parallel_loop3A_653, %parallel_loop3A_688 : vector<16xi32>
        tpu.vector_store_idx %arg17[%parallel_loop3A_689], %parallel_loop3A_608 : memref<8192xf32, #tpu.memory_space<vmem>>[vector<16xi32>], vector<16xf32>,
        tpu.vector_store_idx %arg18[%parallel_loop3A_689], %parallel_loop3A_611 : memref<8192xf32, #tpu.memory_space<vmem>>[vector<16xi32>], vector<16xf32>,
        %parallel_loop3A_690 = arith.constant 192 : index
        %parallel_loop3A_691 = tpu.vector_load %arg21[%parallel_loop3A_690] {strides = array<i32>} : memref<256xi32, #tpu.memory_space<vmem>>, vector<16xi32>,
        %parallel_loop3A_692 = arith.addi %parallel_loop3A_653, %parallel_loop3A_691 : vector<16xi32>
        tpu.vector_store_idx %arg17[%parallel_loop3A_692], %parallel_loop3A_618 : memref<8192xf32, #tpu.memory_space<vmem>>[vector<16xi32>], vector<16xf32>,
        tpu.vector_store_idx %arg18[%parallel_loop3A_692], %parallel_loop3A_621 : memref<8192xf32, #tpu.memory_space<vmem>>[vector<16xi32>], vector<16xf32>,
        %parallel_loop3A_693 = arith.constant 208 : index
        %parallel_loop3A_694 = tpu.vector_load %arg21[%parallel_loop3A_693] {strides = array<i32>} : memref<256xi32, #tpu.memory_space<vmem>>, vector<16xi32>,
        %parallel_loop3A_695 = arith.addi %parallel_loop3A_653, %parallel_loop3A_694 : vector<16xi32>
        tpu.vector_store_idx %arg17[%parallel_loop3A_695], %parallel_loop3A_628 : memref<8192xf32, #tpu.memory_space<vmem>>[vector<16xi32>], vector<16xf32>,
        tpu.vector_store_idx %arg18[%parallel_loop3A_695], %parallel_loop3A_631 : memref<8192xf32, #tpu.memory_space<vmem>>[vector<16xi32>], vector<16xf32>,
        %parallel_loop3A_696 = arith.constant 224 : index
        %parallel_loop3A_697 = tpu.vector_load %arg21[%parallel_loop3A_696] {strides = array<i32>} : memref<256xi32, #tpu.memory_space<vmem>>, vector<16xi32>,
        %parallel_loop3A_698 = arith.addi %parallel_loop3A_653, %parallel_loop3A_697 : vector<16xi32>
        tpu.vector_store_idx %arg17[%parallel_loop3A_698], %parallel_loop3A_638 : memref<8192xf32, #tpu.memory_space<vmem>>[vector<16xi32>], vector<16xf32>,
        tpu.vector_store_idx %arg18[%parallel_loop3A_698], %parallel_loop3A_641 : memref<8192xf32, #tpu.memory_space<vmem>>[vector<16xi32>], vector<16xf32>,
        %parallel_loop3A_699 = arith.constant 240 : index
        %parallel_loop3A_700 = tpu.vector_load %arg21[%parallel_loop3A_699] {strides = array<i32>} : memref<256xi32, #tpu.memory_space<vmem>>, vector<16xi32>,
        %parallel_loop3A_701 = arith.addi %parallel_loop3A_653, %parallel_loop3A_700 : vector<16xi32>
        tpu.vector_store_idx %arg17[%parallel_loop3A_701], %parallel_loop3A_648 : memref<8192xf32, #tpu.memory_space<vmem>>[vector<16xi32>], vector<16xf32>,
        tpu.vector_store_idx %arg18[%parallel_loop3A_701], %parallel_loop3A_651 : memref<8192xf32, #tpu.memory_space<vmem>>[vector<16xi32>], vector<16xf32>,
      } {sc.loop_unroll_factor = 1 : i64, sc.parallel_access}
      %parallel_loop3A_54 = arith.constant 0 : i32
      %parallel_loop3A_55 = arith.constant 32 : i32
      %parallel_loop3A_56 = arith.constant 1 : i32
      scf.for %parallel_loop3A_103 = %parallel_loop3A_54 to %parallel_loop3A_55 step %parallel_loop3A_56  : i32 {
        %parallel_loop3A_104 = arith.constant 256 : i32
        %parallel_loop3A_105 = arith.muli %parallel_loop3A_103, %parallel_loop3A_104 : i32
        %parallel_loop3A_106 = arith.constant 0 : index
        %parallel_loop3A_107 = tpu.vector_load %arg21[%parallel_loop3A_106] {strides = array<i32>} : memref<256xi32, #tpu.memory_space<vmem>>, vector<16xi32>,
        %parallel_loop3A_108 = arith.constant 0 : i32
        %parallel_loop3A_109 = arith.addi %parallel_loop3A_105, %parallel_loop3A_108 : i32
        %parallel_loop3A_110 = vector.broadcast %parallel_loop3A_109 : i32 to vector<16xi32>
        %parallel_loop3A_111 = arith.addi %parallel_loop3A_107, %parallel_loop3A_110 : vector<16xi32>
        %parallel_loop3A_112 = tpu.vector_load_idx %arg17[%parallel_loop3A_111] : memref<8192xf32, #tpu.memory_space<vmem>>[vector<16xi32>], vector<16xf32>,
        %parallel_loop3A_113 = tpu.vector_load_idx %arg18[%parallel_loop3A_111] : memref<8192xf32, #tpu.memory_space<vmem>>[vector<16xi32>], vector<16xf32>,
        %parallel_loop3A_114 = arith.constant 16 : index
        %parallel_loop3A_115 = tpu.vector_load %arg21[%parallel_loop3A_114] {strides = array<i32>} : memref<256xi32, #tpu.memory_space<vmem>>, vector<16xi32>,
        %parallel_loop3A_116 = arith.constant 16 : i32
        %parallel_loop3A_117 = arith.addi %parallel_loop3A_105, %parallel_loop3A_116 : i32
        %parallel_loop3A_118 = vector.broadcast %parallel_loop3A_117 : i32 to vector<16xi32>
        %parallel_loop3A_119 = arith.addi %parallel_loop3A_115, %parallel_loop3A_118 : vector<16xi32>
        %parallel_loop3A_120 = tpu.vector_load_idx %arg17[%parallel_loop3A_119] : memref<8192xf32, #tpu.memory_space<vmem>>[vector<16xi32>], vector<16xf32>,
        %parallel_loop3A_121 = tpu.vector_load_idx %arg18[%parallel_loop3A_119] : memref<8192xf32, #tpu.memory_space<vmem>>[vector<16xi32>], vector<16xf32>,
        %parallel_loop3A_122 = arith.constant 32 : index
        %parallel_loop3A_123 = tpu.vector_load %arg21[%parallel_loop3A_122] {strides = array<i32>} : memref<256xi32, #tpu.memory_space<vmem>>, vector<16xi32>,
        %parallel_loop3A_124 = arith.constant 32 : i32
        %parallel_loop3A_125 = arith.addi %parallel_loop3A_105, %parallel_loop3A_124 : i32
        %parallel_loop3A_126 = vector.broadcast %parallel_loop3A_125 : i32 to vector<16xi32>
        %parallel_loop3A_127 = arith.addi %parallel_loop3A_123, %parallel_loop3A_126 : vector<16xi32>
        %parallel_loop3A_128 = tpu.vector_load_idx %arg17[%parallel_loop3A_127] : memref<8192xf32, #tpu.memory_space<vmem>>[vector<16xi32>], vector<16xf32>,
        %parallel_loop3A_129 = tpu.vector_load_idx %arg18[%parallel_loop3A_127] : memref<8192xf32, #tpu.memory_space<vmem>>[vector<16xi32>], vector<16xf32>,
        %parallel_loop3A_130 = arith.constant 48 : index
        %parallel_loop3A_131 = tpu.vector_load %arg21[%parallel_loop3A_130] {strides = array<i32>} : memref<256xi32, #tpu.memory_space<vmem>>, vector<16xi32>,
        %parallel_loop3A_132 = arith.constant 48 : i32
        %parallel_loop3A_133 = arith.addi %parallel_loop3A_105, %parallel_loop3A_132 : i32
        %parallel_loop3A_134 = vector.broadcast %parallel_loop3A_133 : i32 to vector<16xi32>
        %parallel_loop3A_135 = arith.addi %parallel_loop3A_131, %parallel_loop3A_134 : vector<16xi32>
        %parallel_loop3A_136 = tpu.vector_load_idx %arg17[%parallel_loop3A_135] : memref<8192xf32, #tpu.memory_space<vmem>>[vector<16xi32>], vector<16xf32>,
        %parallel_loop3A_137 = tpu.vector_load_idx %arg18[%parallel_loop3A_135] : memref<8192xf32, #tpu.memory_space<vmem>>[vector<16xi32>], vector<16xf32>,
        %parallel_loop3A_138 = arith.constant 64 : index
        %parallel_loop3A_139 = tpu.vector_load %arg21[%parallel_loop3A_138] {strides = array<i32>} : memref<256xi32, #tpu.memory_space<vmem>>, vector<16xi32>,
        %parallel_loop3A_140 = arith.constant 64 : i32
        %parallel_loop3A_141 = arith.addi %parallel_loop3A_105, %parallel_loop3A_140 : i32
        %parallel_loop3A_142 = vector.broadcast %parallel_loop3A_141 : i32 to vector<16xi32>
        %parallel_loop3A_143 = arith.addi %parallel_loop3A_139, %parallel_loop3A_142 : vector<16xi32>
        %parallel_loop3A_144 = tpu.vector_load_idx %arg17[%parallel_loop3A_143] : memref<8192xf32, #tpu.memory_space<vmem>>[vector<16xi32>], vector<16xf32>,
        %parallel_loop3A_145 = tpu.vector_load_idx %arg18[%parallel_loop3A_143] : memref<8192xf32, #tpu.memory_space<vmem>>[vector<16xi32>], vector<16xf32>,
        %parallel_loop3A_146 = arith.constant 80 : index
        %parallel_loop3A_147 = tpu.vector_load %arg21[%parallel_loop3A_146] {strides = array<i32>} : memref<256xi32, #tpu.memory_space<vmem>>, vector<16xi32>,
        %parallel_loop3A_148 = arith.constant 80 : i32
        %parallel_loop3A_149 = arith.addi %parallel_loop3A_105, %parallel_loop3A_148 : i32
        %parallel_loop3A_150 = vector.broadcast %parallel_loop3A_149 : i32 to vector<16xi32>
        %parallel_loop3A_151 = arith.addi %parallel_loop3A_147, %parallel_loop3A_150 : vector<16xi32>
        %parallel_loop3A_152 = tpu.vector_load_idx %arg17[%parallel_loop3A_151] : memref<8192xf32, #tpu.memory_space<vmem>>[vector<16xi32>], vector<16xf32>,
        %parallel_loop3A_153 = tpu.vector_load_idx %arg18[%parallel_loop3A_151] : memref<8192xf32, #tpu.memory_space<vmem>>[vector<16xi32>], vector<16xf32>,
        %parallel_loop3A_154 = arith.constant 96 : index
        %parallel_loop3A_155 = tpu.vector_load %arg21[%parallel_loop3A_154] {strides = array<i32>} : memref<256xi32, #tpu.memory_space<vmem>>, vector<16xi32>,
        %parallel_loop3A_156 = arith.constant 96 : i32
        %parallel_loop3A_157 = arith.addi %parallel_loop3A_105, %parallel_loop3A_156 : i32
        %parallel_loop3A_158 = vector.broadcast %parallel_loop3A_157 : i32 to vector<16xi32>
        %parallel_loop3A_159 = arith.addi %parallel_loop3A_155, %parallel_loop3A_158 : vector<16xi32>
        %parallel_loop3A_160 = tpu.vector_load_idx %arg17[%parallel_loop3A_159] : memref<8192xf32, #tpu.memory_space<vmem>>[vector<16xi32>], vector<16xf32>,
        %parallel_loop3A_161 = tpu.vector_load_idx %arg18[%parallel_loop3A_159] : memref<8192xf32, #tpu.memory_space<vmem>>[vector<16xi32>], vector<16xf32>,
        %parallel_loop3A_162 = arith.constant 112 : index
        %parallel_loop3A_163 = tpu.vector_load %arg21[%parallel_loop3A_162] {strides = array<i32>} : memref<256xi32, #tpu.memory_space<vmem>>, vector<16xi32>,
        %parallel_loop3A_164 = arith.constant 112 : i32
        %parallel_loop3A_165 = arith.addi %parallel_loop3A_105, %parallel_loop3A_164 : i32
        %parallel_loop3A_166 = vector.broadcast %parallel_loop3A_165 : i32 to vector<16xi32>
        %parallel_loop3A_167 = arith.addi %parallel_loop3A_163, %parallel_loop3A_166 : vector<16xi32>
        %parallel_loop3A_168 = tpu.vector_load_idx %arg17[%parallel_loop3A_167] : memref<8192xf32, #tpu.memory_space<vmem>>[vector<16xi32>], vector<16xf32>,
        %parallel_loop3A_169 = tpu.vector_load_idx %arg18[%parallel_loop3A_167] : memref<8192xf32, #tpu.memory_space<vmem>>[vector<16xi32>], vector<16xf32>,
        %parallel_loop3A_170 = arith.constant 128 : index
        %parallel_loop3A_171 = tpu.vector_load %arg21[%parallel_loop3A_170] {strides = array<i32>} : memref<256xi32, #tpu.memory_space<vmem>>, vector<16xi32>,
        %parallel_loop3A_172 = arith.constant 128 : i32
        %parallel_loop3A_173 = arith.addi %parallel_loop3A_105, %parallel_loop3A_172 : i32
        %parallel_loop3A_174 = vector.broadcast %parallel_loop3A_173 : i32 to vector<16xi32>
        %parallel_loop3A_175 = arith.addi %parallel_loop3A_171, %parallel_loop3A_174 : vector<16xi32>
        %parallel_loop3A_176 = tpu.vector_load_idx %arg17[%parallel_loop3A_175] : memref<8192xf32, #tpu.memory_space<vmem>>[vector<16xi32>], vector<16xf32>,
        %parallel_loop3A_177 = tpu.vector_load_idx %arg18[%parallel_loop3A_175] : memref<8192xf32, #tpu.memory_space<vmem>>[vector<16xi32>], vector<16xf32>,
        %parallel_loop3A_178 = arith.constant 144 : index
        %parallel_loop3A_179 = tpu.vector_load %arg21[%parallel_loop3A_178] {strides = array<i32>} : memref<256xi32, #tpu.memory_space<vmem>>, vector<16xi32>,
        %parallel_loop3A_180 = arith.constant 144 : i32
        %parallel_loop3A_181 = arith.addi %parallel_loop3A_105, %parallel_loop3A_180 : i32
        %parallel_loop3A_182 = vector.broadcast %parallel_loop3A_181 : i32 to vector<16xi32>
        %parallel_loop3A_183 = arith.addi %parallel_loop3A_179, %parallel_loop3A_182 : vector<16xi32>
        %parallel_loop3A_184 = tpu.vector_load_idx %arg17[%parallel_loop3A_183] : memref<8192xf32, #tpu.memory_space<vmem>>[vector<16xi32>], vector<16xf32>,
        %parallel_loop3A_185 = tpu.vector_load_idx %arg18[%parallel_loop3A_183] : memref<8192xf32, #tpu.memory_space<vmem>>[vector<16xi32>], vector<16xf32>,
        %parallel_loop3A_186 = arith.constant 160 : index
        %parallel_loop3A_187 = tpu.vector_load %arg21[%parallel_loop3A_186] {strides = array<i32>} : memref<256xi32, #tpu.memory_space<vmem>>, vector<16xi32>,
        %parallel_loop3A_188 = arith.constant 160 : i32
        %parallel_loop3A_189 = arith.addi %parallel_loop3A_105, %parallel_loop3A_188 : i32
        %parallel_loop3A_190 = vector.broadcast %parallel_loop3A_189 : i32 to vector<16xi32>
        %parallel_loop3A_191 = arith.addi %parallel_loop3A_187, %parallel_loop3A_190 : vector<16xi32>
        %parallel_loop3A_192 = tpu.vector_load_idx %arg17[%parallel_loop3A_191] : memref<8192xf32, #tpu.memory_space<vmem>>[vector<16xi32>], vector<16xf32>,
        %parallel_loop3A_193 = tpu.vector_load_idx %arg18[%parallel_loop3A_191] : memref<8192xf32, #tpu.memory_space<vmem>>[vector<16xi32>], vector<16xf32>,
        %parallel_loop3A_194 = arith.constant 176 : index
        %parallel_loop3A_195 = tpu.vector_load %arg21[%parallel_loop3A_194] {strides = array<i32>} : memref<256xi32, #tpu.memory_space<vmem>>, vector<16xi32>,
        %parallel_loop3A_196 = arith.constant 176 : i32
        %parallel_loop3A_197 = arith.addi %parallel_loop3A_105, %parallel_loop3A_196 : i32
        %parallel_loop3A_198 = vector.broadcast %parallel_loop3A_197 : i32 to vector<16xi32>
        %parallel_loop3A_199 = arith.addi %parallel_loop3A_195, %parallel_loop3A_198 : vector<16xi32>
        %parallel_loop3A_200 = tpu.vector_load_idx %arg17[%parallel_loop3A_199] : memref<8192xf32, #tpu.memory_space<vmem>>[vector<16xi32>], vector<16xf32>,
        %parallel_loop3A_201 = tpu.vector_load_idx %arg18[%parallel_loop3A_199] : memref<8192xf32, #tpu.memory_space<vmem>>[vector<16xi32>], vector<16xf32>,
        %parallel_loop3A_202 = arith.constant 192 : index
        %parallel_loop3A_203 = tpu.vector_load %arg21[%parallel_loop3A_202] {strides = array<i32>} : memref<256xi32, #tpu.memory_space<vmem>>, vector<16xi32>,
        %parallel_loop3A_204 = arith.constant 192 : i32
        %parallel_loop3A_205 = arith.addi %parallel_loop3A_105, %parallel_loop3A_204 : i32
        %parallel_loop3A_206 = vector.broadcast %parallel_loop3A_205 : i32 to vector<16xi32>
        %parallel_loop3A_207 = arith.addi %parallel_loop3A_203, %parallel_loop3A_206 : vector<16xi32>
        %parallel_loop3A_208 = tpu.vector_load_idx %arg17[%parallel_loop3A_207] : memref<8192xf32, #tpu.memory_space<vmem>>[vector<16xi32>], vector<16xf32>,
        %parallel_loop3A_209 = tpu.vector_load_idx %arg18[%parallel_loop3A_207] : memref<8192xf32, #tpu.memory_space<vmem>>[vector<16xi32>], vector<16xf32>,
        %parallel_loop3A_210 = arith.constant 208 : index
        %parallel_loop3A_211 = tpu.vector_load %arg21[%parallel_loop3A_210] {strides = array<i32>} : memref<256xi32, #tpu.memory_space<vmem>>, vector<16xi32>,
        %parallel_loop3A_212 = arith.constant 208 : i32
        %parallel_loop3A_213 = arith.addi %parallel_loop3A_105, %parallel_loop3A_212 : i32
        %parallel_loop3A_214 = vector.broadcast %parallel_loop3A_213 : i32 to vector<16xi32>
        %parallel_loop3A_215 = arith.addi %parallel_loop3A_211, %parallel_loop3A_214 : vector<16xi32>
        %parallel_loop3A_216 = tpu.vector_load_idx %arg17[%parallel_loop3A_215] : memref<8192xf32, #tpu.memory_space<vmem>>[vector<16xi32>], vector<16xf32>,
        %parallel_loop3A_217 = tpu.vector_load_idx %arg18[%parallel_loop3A_215] : memref<8192xf32, #tpu.memory_space<vmem>>[vector<16xi32>], vector<16xf32>,
        %parallel_loop3A_218 = arith.constant 224 : index
        %parallel_loop3A_219 = tpu.vector_load %arg21[%parallel_loop3A_218] {strides = array<i32>} : memref<256xi32, #tpu.memory_space<vmem>>, vector<16xi32>,
        %parallel_loop3A_220 = arith.constant 224 : i32
        %parallel_loop3A_221 = arith.addi %parallel_loop3A_105, %parallel_loop3A_220 : i32
        %parallel_loop3A_222 = vector.broadcast %parallel_loop3A_221 : i32 to vector<16xi32>
        %parallel_loop3A_223 = arith.addi %parallel_loop3A_219, %parallel_loop3A_222 : vector<16xi32>
        %parallel_loop3A_224 = tpu.vector_load_idx %arg17[%parallel_loop3A_223] : memref<8192xf32, #tpu.memory_space<vmem>>[vector<16xi32>], vector<16xf32>,
        %parallel_loop3A_225 = tpu.vector_load_idx %arg18[%parallel_loop3A_223] : memref<8192xf32, #tpu.memory_space<vmem>>[vector<16xi32>], vector<16xf32>,
        %parallel_loop3A_226 = arith.constant 240 : index
        %parallel_loop3A_227 = tpu.vector_load %arg21[%parallel_loop3A_226] {strides = array<i32>} : memref<256xi32, #tpu.memory_space<vmem>>, vector<16xi32>,
        %parallel_loop3A_228 = arith.constant 240 : i32
        %parallel_loop3A_229 = arith.addi %parallel_loop3A_105, %parallel_loop3A_228 : i32
        %parallel_loop3A_230 = vector.broadcast %parallel_loop3A_229 : i32 to vector<16xi32>
        %parallel_loop3A_231 = arith.addi %parallel_loop3A_227, %parallel_loop3A_230 : vector<16xi32>
        %parallel_loop3A_232 = tpu.vector_load_idx %arg17[%parallel_loop3A_231] : memref<8192xf32, #tpu.memory_space<vmem>>[vector<16xi32>], vector<16xf32>,
        %parallel_loop3A_233 = tpu.vector_load_idx %arg18[%parallel_loop3A_231] : memref<8192xf32, #tpu.memory_space<vmem>>[vector<16xi32>], vector<16xf32>,
        %parallel_loop3A_234 = arith.addf %parallel_loop3A_112, %parallel_loop3A_176 : vector<16xf32>
        %parallel_loop3A_235 = arith.addf %parallel_loop3A_113, %parallel_loop3A_177 : vector<16xf32>
        %parallel_loop3A_236 = arith.subf %parallel_loop3A_112, %parallel_loop3A_176 : vector<16xf32>
        %parallel_loop3A_237 = arith.subf %parallel_loop3A_113, %parallel_loop3A_177 : vector<16xf32>
        %parallel_loop3A_238 = arith.addf %parallel_loop3A_144, %parallel_loop3A_208 : vector<16xf32>
        %parallel_loop3A_239 = arith.addf %parallel_loop3A_145, %parallel_loop3A_209 : vector<16xf32>
        %parallel_loop3A_240 = arith.subf %parallel_loop3A_144, %parallel_loop3A_208 : vector<16xf32>
        %parallel_loop3A_241 = arith.subf %parallel_loop3A_145, %parallel_loop3A_209 : vector<16xf32>
        %parallel_loop3A_242 = arith.addf %parallel_loop3A_128, %parallel_loop3A_192 : vector<16xf32>
        %parallel_loop3A_243 = arith.addf %parallel_loop3A_129, %parallel_loop3A_193 : vector<16xf32>
        %parallel_loop3A_244 = arith.subf %parallel_loop3A_128, %parallel_loop3A_192 : vector<16xf32>
        %parallel_loop3A_245 = arith.subf %parallel_loop3A_129, %parallel_loop3A_193 : vector<16xf32>
        %parallel_loop3A_246 = arith.addf %parallel_loop3A_160, %parallel_loop3A_224 : vector<16xf32>
        %parallel_loop3A_247 = arith.addf %parallel_loop3A_161, %parallel_loop3A_225 : vector<16xf32>
        %parallel_loop3A_248 = arith.subf %parallel_loop3A_160, %parallel_loop3A_224 : vector<16xf32>
        %parallel_loop3A_249 = arith.subf %parallel_loop3A_161, %parallel_loop3A_225 : vector<16xf32>
        %parallel_loop3A_250 = arith.addf %parallel_loop3A_120, %parallel_loop3A_184 : vector<16xf32>
        %parallel_loop3A_251 = arith.addf %parallel_loop3A_121, %parallel_loop3A_185 : vector<16xf32>
        %parallel_loop3A_252 = arith.subf %parallel_loop3A_120, %parallel_loop3A_184 : vector<16xf32>
        %parallel_loop3A_253 = arith.subf %parallel_loop3A_121, %parallel_loop3A_185 : vector<16xf32>
        %parallel_loop3A_254 = arith.addf %parallel_loop3A_152, %parallel_loop3A_216 : vector<16xf32>
        %parallel_loop3A_255 = arith.addf %parallel_loop3A_153, %parallel_loop3A_217 : vector<16xf32>
        %parallel_loop3A_256 = arith.subf %parallel_loop3A_152, %parallel_loop3A_216 : vector<16xf32>
        %parallel_loop3A_257 = arith.subf %parallel_loop3A_153, %parallel_loop3A_217 : vector<16xf32>
        %parallel_loop3A_258 = arith.addf %parallel_loop3A_136, %parallel_loop3A_200 : vector<16xf32>
        %parallel_loop3A_259 = arith.addf %parallel_loop3A_137, %parallel_loop3A_201 : vector<16xf32>
        %parallel_loop3A_260 = arith.subf %parallel_loop3A_136, %parallel_loop3A_200 : vector<16xf32>
        %parallel_loop3A_261 = arith.subf %parallel_loop3A_137, %parallel_loop3A_201 : vector<16xf32>
        %parallel_loop3A_262 = arith.addf %parallel_loop3A_168, %parallel_loop3A_232 : vector<16xf32>
        %parallel_loop3A_263 = arith.addf %parallel_loop3A_169, %parallel_loop3A_233 : vector<16xf32>
        %parallel_loop3A_264 = arith.subf %parallel_loop3A_168, %parallel_loop3A_232 : vector<16xf32>
        %parallel_loop3A_265 = arith.subf %parallel_loop3A_169, %parallel_loop3A_233 : vector<16xf32>
        %parallel_loop3A_266 = arith.addf %parallel_loop3A_234, %parallel_loop3A_238 : vector<16xf32>
        %parallel_loop3A_267 = arith.addf %parallel_loop3A_235, %parallel_loop3A_239 : vector<16xf32>
        %parallel_loop3A_268 = arith.subf %parallel_loop3A_234, %parallel_loop3A_238 : vector<16xf32>
        %parallel_loop3A_269 = arith.subf %parallel_loop3A_235, %parallel_loop3A_239 : vector<16xf32>
        %parallel_loop3A_270 = arith.addf %parallel_loop3A_236, %parallel_loop3A_241 : vector<16xf32>
        %parallel_loop3A_271 = arith.subf %parallel_loop3A_237, %parallel_loop3A_240 : vector<16xf32>
        %parallel_loop3A_272 = arith.subf %parallel_loop3A_236, %parallel_loop3A_241 : vector<16xf32>
        %parallel_loop3A_273 = arith.addf %parallel_loop3A_237, %parallel_loop3A_240 : vector<16xf32>
        %parallel_loop3A_274 = arith.addf %parallel_loop3A_242, %parallel_loop3A_246 : vector<16xf32>
        %parallel_loop3A_275 = arith.addf %parallel_loop3A_243, %parallel_loop3A_247 : vector<16xf32>
        %parallel_loop3A_276 = arith.subf %parallel_loop3A_242, %parallel_loop3A_246 : vector<16xf32>
        %parallel_loop3A_277 = arith.subf %parallel_loop3A_243, %parallel_loop3A_247 : vector<16xf32>
        %parallel_loop3A_278 = arith.addf %parallel_loop3A_244, %parallel_loop3A_249 : vector<16xf32>
        %parallel_loop3A_279 = arith.subf %parallel_loop3A_245, %parallel_loop3A_248 : vector<16xf32>
        %parallel_loop3A_280 = arith.subf %parallel_loop3A_244, %parallel_loop3A_249 : vector<16xf32>
        %parallel_loop3A_281 = arith.addf %parallel_loop3A_245, %parallel_loop3A_248 : vector<16xf32>
        %parallel_loop3A_282 = arith.addf %parallel_loop3A_250, %parallel_loop3A_254 : vector<16xf32>
        %parallel_loop3A_283 = arith.addf %parallel_loop3A_251, %parallel_loop3A_255 : vector<16xf32>
        %parallel_loop3A_284 = arith.subf %parallel_loop3A_250, %parallel_loop3A_254 : vector<16xf32>
        %parallel_loop3A_285 = arith.subf %parallel_loop3A_251, %parallel_loop3A_255 : vector<16xf32>
        %parallel_loop3A_286 = arith.addf %parallel_loop3A_252, %parallel_loop3A_257 : vector<16xf32>
        %parallel_loop3A_287 = arith.subf %parallel_loop3A_253, %parallel_loop3A_256 : vector<16xf32>
        %parallel_loop3A_288 = arith.subf %parallel_loop3A_252, %parallel_loop3A_257 : vector<16xf32>
        %parallel_loop3A_289 = arith.addf %parallel_loop3A_253, %parallel_loop3A_256 : vector<16xf32>
        %parallel_loop3A_290 = arith.addf %parallel_loop3A_258, %parallel_loop3A_262 : vector<16xf32>
        %parallel_loop3A_291 = arith.addf %parallel_loop3A_259, %parallel_loop3A_263 : vector<16xf32>
        %parallel_loop3A_292 = arith.subf %parallel_loop3A_258, %parallel_loop3A_262 : vector<16xf32>
        %parallel_loop3A_293 = arith.subf %parallel_loop3A_259, %parallel_loop3A_263 : vector<16xf32>
        %parallel_loop3A_294 = arith.addf %parallel_loop3A_260, %parallel_loop3A_265 : vector<16xf32>
        %parallel_loop3A_295 = arith.subf %parallel_loop3A_261, %parallel_loop3A_264 : vector<16xf32>
        %parallel_loop3A_296 = arith.subf %parallel_loop3A_260, %parallel_loop3A_265 : vector<16xf32>
        %parallel_loop3A_297 = arith.addf %parallel_loop3A_261, %parallel_loop3A_264 : vector<16xf32>
        %parallel_loop3A_298 = arith.addf %parallel_loop3A_266, %parallel_loop3A_274 : vector<16xf32>
        %parallel_loop3A_299 = arith.addf %parallel_loop3A_267, %parallel_loop3A_275 : vector<16xf32>
        %parallel_loop3A_300 = arith.subf %parallel_loop3A_266, %parallel_loop3A_274 : vector<16xf32>
        %parallel_loop3A_301 = arith.subf %parallel_loop3A_267, %parallel_loop3A_275 : vector<16xf32>
        %parallel_loop3A_302 = arith.constant 0.707106769 : f32
        %parallel_loop3A_303 = vector.broadcast %parallel_loop3A_302 : f32 to vector<16xf32>
        %parallel_loop3A_304 = arith.mulf %parallel_loop3A_278, %parallel_loop3A_303 : vector<16xf32>
        %parallel_loop3A_305 = arith.constant -0.707106769 : f32
        %parallel_loop3A_306 = vector.broadcast %parallel_loop3A_305 : f32 to vector<16xf32>
        %parallel_loop3A_307 = arith.mulf %parallel_loop3A_279, %parallel_loop3A_306 : vector<16xf32>
        %parallel_loop3A_308 = arith.subf %parallel_loop3A_304, %parallel_loop3A_307 : vector<16xf32>
        %parallel_loop3A_309 = arith.constant -0.707106769 : f32
        %parallel_loop3A_310 = vector.broadcast %parallel_loop3A_309 : f32 to vector<16xf32>
        %parallel_loop3A_311 = arith.mulf %parallel_loop3A_278, %parallel_loop3A_310 : vector<16xf32>
        %parallel_loop3A_312 = arith.constant 0.707106769 : f32
        %parallel_loop3A_313 = vector.broadcast %parallel_loop3A_312 : f32 to vector<16xf32>
        %parallel_loop3A_314 = arith.mulf %parallel_loop3A_279, %parallel_loop3A_313 : vector<16xf32>
        %parallel_loop3A_315 = arith.addf %parallel_loop3A_311, %parallel_loop3A_314 : vector<16xf32>
        %parallel_loop3A_316 = arith.addf %parallel_loop3A_270, %parallel_loop3A_308 : vector<16xf32>
        %parallel_loop3A_317 = arith.addf %parallel_loop3A_271, %parallel_loop3A_315 : vector<16xf32>
        %parallel_loop3A_318 = arith.subf %parallel_loop3A_270, %parallel_loop3A_308 : vector<16xf32>
        %parallel_loop3A_319 = arith.subf %parallel_loop3A_271, %parallel_loop3A_315 : vector<16xf32>
        %parallel_loop3A_320 = arith.addf %parallel_loop3A_268, %parallel_loop3A_277 : vector<16xf32>
        %parallel_loop3A_321 = arith.subf %parallel_loop3A_269, %parallel_loop3A_276 : vector<16xf32>
        %parallel_loop3A_322 = arith.subf %parallel_loop3A_268, %parallel_loop3A_277 : vector<16xf32>
        %parallel_loop3A_323 = arith.addf %parallel_loop3A_269, %parallel_loop3A_276 : vector<16xf32>
        %parallel_loop3A_324 = arith.constant -0.707106769 : f32
        %parallel_loop3A_325 = vector.broadcast %parallel_loop3A_324 : f32 to vector<16xf32>
        %parallel_loop3A_326 = arith.mulf %parallel_loop3A_280, %parallel_loop3A_325 : vector<16xf32>
        %parallel_loop3A_327 = arith.constant -0.707106769 : f32
        %parallel_loop3A_328 = vector.broadcast %parallel_loop3A_327 : f32 to vector<16xf32>
        %parallel_loop3A_329 = arith.mulf %parallel_loop3A_281, %parallel_loop3A_328 : vector<16xf32>
        %parallel_loop3A_330 = arith.subf %parallel_loop3A_326, %parallel_loop3A_329 : vector<16xf32>
        %parallel_loop3A_331 = arith.constant -0.707106769 : f32
        %parallel_loop3A_332 = vector.broadcast %parallel_loop3A_331 : f32 to vector<16xf32>
        %parallel_loop3A_333 = arith.mulf %parallel_loop3A_280, %parallel_loop3A_332 : vector<16xf32>
        %parallel_loop3A_334 = arith.constant -0.707106769 : f32
        %parallel_loop3A_335 = vector.broadcast %parallel_loop3A_334 : f32 to vector<16xf32>
        %parallel_loop3A_336 = arith.mulf %parallel_loop3A_281, %parallel_loop3A_335 : vector<16xf32>
        %parallel_loop3A_337 = arith.addf %parallel_loop3A_333, %parallel_loop3A_336 : vector<16xf32>
        %parallel_loop3A_338 = arith.addf %parallel_loop3A_272, %parallel_loop3A_330 : vector<16xf32>
        %parallel_loop3A_339 = arith.addf %parallel_loop3A_273, %parallel_loop3A_337 : vector<16xf32>
        %parallel_loop3A_340 = arith.subf %parallel_loop3A_272, %parallel_loop3A_330 : vector<16xf32>
        %parallel_loop3A_341 = arith.subf %parallel_loop3A_273, %parallel_loop3A_337 : vector<16xf32>
        %parallel_loop3A_342 = arith.addf %parallel_loop3A_282, %parallel_loop3A_290 : vector<16xf32>
        %parallel_loop3A_343 = arith.addf %parallel_loop3A_283, %parallel_loop3A_291 : vector<16xf32>
        %parallel_loop3A_344 = arith.subf %parallel_loop3A_282, %parallel_loop3A_290 : vector<16xf32>
        %parallel_loop3A_345 = arith.subf %parallel_loop3A_283, %parallel_loop3A_291 : vector<16xf32>
        %parallel_loop3A_346 = arith.constant 0.707106769 : f32
        %parallel_loop3A_347 = vector.broadcast %parallel_loop3A_346 : f32 to vector<16xf32>
        %parallel_loop3A_348 = arith.mulf %parallel_loop3A_294, %parallel_loop3A_347 : vector<16xf32>
        %parallel_loop3A_349 = arith.constant -0.707106769 : f32
        %parallel_loop3A_350 = vector.broadcast %parallel_loop3A_349 : f32 to vector<16xf32>
        %parallel_loop3A_351 = arith.mulf %parallel_loop3A_295, %parallel_loop3A_350 : vector<16xf32>
        %parallel_loop3A_352 = arith.subf %parallel_loop3A_348, %parallel_loop3A_351 : vector<16xf32>
        %parallel_loop3A_353 = arith.constant -0.707106769 : f32
        %parallel_loop3A_354 = vector.broadcast %parallel_loop3A_353 : f32 to vector<16xf32>
        %parallel_loop3A_355 = arith.mulf %parallel_loop3A_294, %parallel_loop3A_354 : vector<16xf32>
        %parallel_loop3A_356 = arith.constant 0.707106769 : f32
        %parallel_loop3A_357 = vector.broadcast %parallel_loop3A_356 : f32 to vector<16xf32>
        %parallel_loop3A_358 = arith.mulf %parallel_loop3A_295, %parallel_loop3A_357 : vector<16xf32>
        %parallel_loop3A_359 = arith.addf %parallel_loop3A_355, %parallel_loop3A_358 : vector<16xf32>
        %parallel_loop3A_360 = arith.addf %parallel_loop3A_286, %parallel_loop3A_352 : vector<16xf32>
        %parallel_loop3A_361 = arith.addf %parallel_loop3A_287, %parallel_loop3A_359 : vector<16xf32>
        %parallel_loop3A_362 = arith.subf %parallel_loop3A_286, %parallel_loop3A_352 : vector<16xf32>
        %parallel_loop3A_363 = arith.subf %parallel_loop3A_287, %parallel_loop3A_359 : vector<16xf32>
        %parallel_loop3A_364 = arith.addf %parallel_loop3A_284, %parallel_loop3A_293 : vector<16xf32>
        %parallel_loop3A_365 = arith.subf %parallel_loop3A_285, %parallel_loop3A_292 : vector<16xf32>
        %parallel_loop3A_366 = arith.subf %parallel_loop3A_284, %parallel_loop3A_293 : vector<16xf32>
        %parallel_loop3A_367 = arith.addf %parallel_loop3A_285, %parallel_loop3A_292 : vector<16xf32>
        %parallel_loop3A_368 = arith.constant -0.707106769 : f32
        %parallel_loop3A_369 = vector.broadcast %parallel_loop3A_368 : f32 to vector<16xf32>
        %parallel_loop3A_370 = arith.mulf %parallel_loop3A_296, %parallel_loop3A_369 : vector<16xf32>
        %parallel_loop3A_371 = arith.constant -0.707106769 : f32
        %parallel_loop3A_372 = vector.broadcast %parallel_loop3A_371 : f32 to vector<16xf32>
        %parallel_loop3A_373 = arith.mulf %parallel_loop3A_297, %parallel_loop3A_372 : vector<16xf32>
        %parallel_loop3A_374 = arith.subf %parallel_loop3A_370, %parallel_loop3A_373 : vector<16xf32>
        %parallel_loop3A_375 = arith.constant -0.707106769 : f32
        %parallel_loop3A_376 = vector.broadcast %parallel_loop3A_375 : f32 to vector<16xf32>
        %parallel_loop3A_377 = arith.mulf %parallel_loop3A_296, %parallel_loop3A_376 : vector<16xf32>
        %parallel_loop3A_378 = arith.constant -0.707106769 : f32
        %parallel_loop3A_379 = vector.broadcast %parallel_loop3A_378 : f32 to vector<16xf32>
        %parallel_loop3A_380 = arith.mulf %parallel_loop3A_297, %parallel_loop3A_379 : vector<16xf32>
        %parallel_loop3A_381 = arith.addf %parallel_loop3A_377, %parallel_loop3A_380 : vector<16xf32>
        %parallel_loop3A_382 = arith.addf %parallel_loop3A_288, %parallel_loop3A_374 : vector<16xf32>
        %parallel_loop3A_383 = arith.addf %parallel_loop3A_289, %parallel_loop3A_381 : vector<16xf32>
        %parallel_loop3A_384 = arith.subf %parallel_loop3A_288, %parallel_loop3A_374 : vector<16xf32>
        %parallel_loop3A_385 = arith.subf %parallel_loop3A_289, %parallel_loop3A_381 : vector<16xf32>
        %parallel_loop3A_386 = arith.addf %parallel_loop3A_298, %parallel_loop3A_342 : vector<16xf32>
        %parallel_loop3A_387 = arith.addf %parallel_loop3A_299, %parallel_loop3A_343 : vector<16xf32>
        %parallel_loop3A_388 = arith.subf %parallel_loop3A_298, %parallel_loop3A_342 : vector<16xf32>
        %parallel_loop3A_389 = arith.subf %parallel_loop3A_299, %parallel_loop3A_343 : vector<16xf32>
        %parallel_loop3A_390 = arith.constant 0.923879504 : f32
        %parallel_loop3A_391 = vector.broadcast %parallel_loop3A_390 : f32 to vector<16xf32>
        %parallel_loop3A_392 = arith.mulf %parallel_loop3A_360, %parallel_loop3A_391 : vector<16xf32>
        %parallel_loop3A_393 = arith.constant -0.382683426 : f32
        %parallel_loop3A_394 = vector.broadcast %parallel_loop3A_393 : f32 to vector<16xf32>
        %parallel_loop3A_395 = arith.mulf %parallel_loop3A_361, %parallel_loop3A_394 : vector<16xf32>
        %parallel_loop3A_396 = arith.subf %parallel_loop3A_392, %parallel_loop3A_395 : vector<16xf32>
        %parallel_loop3A_397 = arith.constant -0.382683426 : f32
        %parallel_loop3A_398 = vector.broadcast %parallel_loop3A_397 : f32 to vector<16xf32>
        %parallel_loop3A_399 = arith.mulf %parallel_loop3A_360, %parallel_loop3A_398 : vector<16xf32>
        %parallel_loop3A_400 = arith.constant 0.923879504 : f32
        %parallel_loop3A_401 = vector.broadcast %parallel_loop3A_400 : f32 to vector<16xf32>
        %parallel_loop3A_402 = arith.mulf %parallel_loop3A_361, %parallel_loop3A_401 : vector<16xf32>
        %parallel_loop3A_403 = arith.addf %parallel_loop3A_399, %parallel_loop3A_402 : vector<16xf32>
        %parallel_loop3A_404 = arith.addf %parallel_loop3A_316, %parallel_loop3A_396 : vector<16xf32>
        %parallel_loop3A_405 = arith.addf %parallel_loop3A_317, %parallel_loop3A_403 : vector<16xf32>
        %parallel_loop3A_406 = arith.subf %parallel_loop3A_316, %parallel_loop3A_396 : vector<16xf32>
        %parallel_loop3A_407 = arith.subf %parallel_loop3A_317, %parallel_loop3A_403 : vector<16xf32>
        %parallel_loop3A_408 = arith.constant 0.707106769 : f32
        %parallel_loop3A_409 = vector.broadcast %parallel_loop3A_408 : f32 to vector<16xf32>
        %parallel_loop3A_410 = arith.mulf %parallel_loop3A_364, %parallel_loop3A_409 : vector<16xf32>
        %parallel_loop3A_411 = arith.constant -0.707106769 : f32
        %parallel_loop3A_412 = vector.broadcast %parallel_loop3A_411 : f32 to vector<16xf32>
        %parallel_loop3A_413 = arith.mulf %parallel_loop3A_365, %parallel_loop3A_412 : vector<16xf32>
        %parallel_loop3A_414 = arith.subf %parallel_loop3A_410, %parallel_loop3A_413 : vector<16xf32>
        %parallel_loop3A_415 = arith.constant -0.707106769 : f32
        %parallel_loop3A_416 = vector.broadcast %parallel_loop3A_415 : f32 to vector<16xf32>
        %parallel_loop3A_417 = arith.mulf %parallel_loop3A_364, %parallel_loop3A_416 : vector<16xf32>
        %parallel_loop3A_418 = arith.constant 0.707106769 : f32
        %parallel_loop3A_419 = vector.broadcast %parallel_loop3A_418 : f32 to vector<16xf32>
        %parallel_loop3A_420 = arith.mulf %parallel_loop3A_365, %parallel_loop3A_419 : vector<16xf32>
        %parallel_loop3A_421 = arith.addf %parallel_loop3A_417, %parallel_loop3A_420 : vector<16xf32>
        %parallel_loop3A_422 = arith.addf %parallel_loop3A_320, %parallel_loop3A_414 : vector<16xf32>
        %parallel_loop3A_423 = arith.addf %parallel_loop3A_321, %parallel_loop3A_421 : vector<16xf32>
        %parallel_loop3A_424 = arith.subf %parallel_loop3A_320, %parallel_loop3A_414 : vector<16xf32>
        %parallel_loop3A_425 = arith.subf %parallel_loop3A_321, %parallel_loop3A_421 : vector<16xf32>
        %parallel_loop3A_426 = arith.constant 0.382683426 : f32
        %parallel_loop3A_427 = vector.broadcast %parallel_loop3A_426 : f32 to vector<16xf32>
        %parallel_loop3A_428 = arith.mulf %parallel_loop3A_382, %parallel_loop3A_427 : vector<16xf32>
        %parallel_loop3A_429 = arith.constant -0.923879504 : f32
        %parallel_loop3A_430 = vector.broadcast %parallel_loop3A_429 : f32 to vector<16xf32>
        %parallel_loop3A_431 = arith.mulf %parallel_loop3A_383, %parallel_loop3A_430 : vector<16xf32>
        %parallel_loop3A_432 = arith.subf %parallel_loop3A_428, %parallel_loop3A_431 : vector<16xf32>
        %parallel_loop3A_433 = arith.constant -0.923879504 : f32
        %parallel_loop3A_434 = vector.broadcast %parallel_loop3A_433 : f32 to vector<16xf32>
        %parallel_loop3A_435 = arith.mulf %parallel_loop3A_382, %parallel_loop3A_434 : vector<16xf32>
        %parallel_loop3A_436 = arith.constant 0.382683426 : f32
        %parallel_loop3A_437 = vector.broadcast %parallel_loop3A_436 : f32 to vector<16xf32>
        %parallel_loop3A_438 = arith.mulf %parallel_loop3A_383, %parallel_loop3A_437 : vector<16xf32>
        %parallel_loop3A_439 = arith.addf %parallel_loop3A_435, %parallel_loop3A_438 : vector<16xf32>
        %parallel_loop3A_440 = arith.addf %parallel_loop3A_338, %parallel_loop3A_432 : vector<16xf32>
        %parallel_loop3A_441 = arith.addf %parallel_loop3A_339, %parallel_loop3A_439 : vector<16xf32>
        %parallel_loop3A_442 = arith.subf %parallel_loop3A_338, %parallel_loop3A_432 : vector<16xf32>
        %parallel_loop3A_443 = arith.subf %parallel_loop3A_339, %parallel_loop3A_439 : vector<16xf32>
        %parallel_loop3A_444 = arith.addf %parallel_loop3A_300, %parallel_loop3A_345 : vector<16xf32>
        %parallel_loop3A_445 = arith.subf %parallel_loop3A_301, %parallel_loop3A_344 : vector<16xf32>
        %parallel_loop3A_446 = arith.subf %parallel_loop3A_300, %parallel_loop3A_345 : vector<16xf32>
        %parallel_loop3A_447 = arith.addf %parallel_loop3A_301, %parallel_loop3A_344 : vector<16xf32>
        %parallel_loop3A_448 = arith.constant -0.382683426 : f32
        %parallel_loop3A_449 = vector.broadcast %parallel_loop3A_448 : f32 to vector<16xf32>
        %parallel_loop3A_450 = arith.mulf %parallel_loop3A_362, %parallel_loop3A_449 : vector<16xf32>
        %parallel_loop3A_451 = arith.constant -0.923879504 : f32
        %parallel_loop3A_452 = vector.broadcast %parallel_loop3A_451 : f32 to vector<16xf32>
        %parallel_loop3A_453 = arith.mulf %parallel_loop3A_363, %parallel_loop3A_452 : vector<16xf32>
        %parallel_loop3A_454 = arith.subf %parallel_loop3A_450, %parallel_loop3A_453 : vector<16xf32>
        %parallel_loop3A_455 = arith.constant -0.923879504 : f32
        %parallel_loop3A_456 = vector.broadcast %parallel_loop3A_455 : f32 to vector<16xf32>
        %parallel_loop3A_457 = arith.mulf %parallel_loop3A_362, %parallel_loop3A_456 : vector<16xf32>
        %parallel_loop3A_458 = arith.constant -0.382683426 : f32
        %parallel_loop3A_459 = vector.broadcast %parallel_loop3A_458 : f32 to vector<16xf32>
        %parallel_loop3A_460 = arith.mulf %parallel_loop3A_363, %parallel_loop3A_459 : vector<16xf32>
        %parallel_loop3A_461 = arith.addf %parallel_loop3A_457, %parallel_loop3A_460 : vector<16xf32>
        %parallel_loop3A_462 = arith.addf %parallel_loop3A_318, %parallel_loop3A_454 : vector<16xf32>
        %parallel_loop3A_463 = arith.addf %parallel_loop3A_319, %parallel_loop3A_461 : vector<16xf32>
        %parallel_loop3A_464 = arith.subf %parallel_loop3A_318, %parallel_loop3A_454 : vector<16xf32>
        %parallel_loop3A_465 = arith.subf %parallel_loop3A_319, %parallel_loop3A_461 : vector<16xf32>
        %parallel_loop3A_466 = arith.constant -0.707106769 : f32
        %parallel_loop3A_467 = vector.broadcast %parallel_loop3A_466 : f32 to vector<16xf32>
        %parallel_loop3A_468 = arith.mulf %parallel_loop3A_366, %parallel_loop3A_467 : vector<16xf32>
        %parallel_loop3A_469 = arith.constant -0.707106769 : f32
        %parallel_loop3A_470 = vector.broadcast %parallel_loop3A_469 : f32 to vector<16xf32>
        %parallel_loop3A_471 = arith.mulf %parallel_loop3A_367, %parallel_loop3A_470 : vector<16xf32>
        %parallel_loop3A_472 = arith.subf %parallel_loop3A_468, %parallel_loop3A_471 : vector<16xf32>
        %parallel_loop3A_473 = arith.constant -0.707106769 : f32
        %parallel_loop3A_474 = vector.broadcast %parallel_loop3A_473 : f32 to vector<16xf32>
        %parallel_loop3A_475 = arith.mulf %parallel_loop3A_366, %parallel_loop3A_474 : vector<16xf32>
        %parallel_loop3A_476 = arith.constant -0.707106769 : f32
        %parallel_loop3A_477 = vector.broadcast %parallel_loop3A_476 : f32 to vector<16xf32>
        %parallel_loop3A_478 = arith.mulf %parallel_loop3A_367, %parallel_loop3A_477 : vector<16xf32>
        %parallel_loop3A_479 = arith.addf %parallel_loop3A_475, %parallel_loop3A_478 : vector<16xf32>
        %parallel_loop3A_480 = arith.addf %parallel_loop3A_322, %parallel_loop3A_472 : vector<16xf32>
        %parallel_loop3A_481 = arith.addf %parallel_loop3A_323, %parallel_loop3A_479 : vector<16xf32>
        %parallel_loop3A_482 = arith.subf %parallel_loop3A_322, %parallel_loop3A_472 : vector<16xf32>
        %parallel_loop3A_483 = arith.subf %parallel_loop3A_323, %parallel_loop3A_479 : vector<16xf32>
        %parallel_loop3A_484 = arith.constant -0.923879504 : f32
        %parallel_loop3A_485 = vector.broadcast %parallel_loop3A_484 : f32 to vector<16xf32>
        %parallel_loop3A_486 = arith.mulf %parallel_loop3A_384, %parallel_loop3A_485 : vector<16xf32>
        %parallel_loop3A_487 = arith.constant -0.382683426 : f32
        %parallel_loop3A_488 = vector.broadcast %parallel_loop3A_487 : f32 to vector<16xf32>
        %parallel_loop3A_489 = arith.mulf %parallel_loop3A_385, %parallel_loop3A_488 : vector<16xf32>
        %parallel_loop3A_490 = arith.subf %parallel_loop3A_486, %parallel_loop3A_489 : vector<16xf32>
        %parallel_loop3A_491 = arith.constant -0.382683426 : f32
        %parallel_loop3A_492 = vector.broadcast %parallel_loop3A_491 : f32 to vector<16xf32>
        %parallel_loop3A_493 = arith.mulf %parallel_loop3A_384, %parallel_loop3A_492 : vector<16xf32>
        %parallel_loop3A_494 = arith.constant -0.923879504 : f32
        %parallel_loop3A_495 = vector.broadcast %parallel_loop3A_494 : f32 to vector<16xf32>
        %parallel_loop3A_496 = arith.mulf %parallel_loop3A_385, %parallel_loop3A_495 : vector<16xf32>
        %parallel_loop3A_497 = arith.addf %parallel_loop3A_493, %parallel_loop3A_496 : vector<16xf32>
        %parallel_loop3A_498 = arith.addf %parallel_loop3A_340, %parallel_loop3A_490 : vector<16xf32>
        %parallel_loop3A_499 = arith.addf %parallel_loop3A_341, %parallel_loop3A_497 : vector<16xf32>
        %parallel_loop3A_500 = arith.subf %parallel_loop3A_340, %parallel_loop3A_490 : vector<16xf32>
        %parallel_loop3A_501 = arith.subf %parallel_loop3A_341, %parallel_loop3A_497 : vector<16xf32>
        %parallel_loop3A_502 = arith.constant 0 : i32
        %parallel_loop3A_503 = arith.addi %parallel_loop3A_105, %parallel_loop3A_502 : i32
        %parallel_loop3A_504 = arith.index_cast %parallel_loop3A_503 : i32 to index
        %parallel_loop3A_505 = tpu.vector_load %arg13[%parallel_loop3A_504] {strides = array<i32>} : memref<8192xf32, #tpu.memory_space<vmem>>, vector<16xf32>,
        tpu.vector_store %arg13[%parallel_loop3A_504], %parallel_loop3A_386 {strides = array<i32>} : memref<8192xf32, #tpu.memory_space<vmem>>, vector<16xf32>,
        %parallel_loop3A_506 = arith.constant 0 : i32
        %parallel_loop3A_507 = arith.addi %parallel_loop3A_105, %parallel_loop3A_506 : i32
        %parallel_loop3A_508 = arith.index_cast %parallel_loop3A_507 : i32 to index
        %parallel_loop3A_509 = tpu.vector_load %arg14[%parallel_loop3A_508] {strides = array<i32>} : memref<8192xf32, #tpu.memory_space<vmem>>, vector<16xf32>,
        tpu.vector_store %arg14[%parallel_loop3A_508], %parallel_loop3A_387 {strides = array<i32>} : memref<8192xf32, #tpu.memory_space<vmem>>, vector<16xf32>,
        %parallel_loop3A_510 = arith.constant 16 : i32
        %parallel_loop3A_511 = arith.addi %parallel_loop3A_105, %parallel_loop3A_510 : i32
        %parallel_loop3A_512 = arith.index_cast %parallel_loop3A_511 : i32 to index
        %parallel_loop3A_513 = tpu.vector_load %arg13[%parallel_loop3A_512] {strides = array<i32>} : memref<8192xf32, #tpu.memory_space<vmem>>, vector<16xf32>,
        tpu.vector_store %arg13[%parallel_loop3A_512], %parallel_loop3A_404 {strides = array<i32>} : memref<8192xf32, #tpu.memory_space<vmem>>, vector<16xf32>,
        %parallel_loop3A_514 = arith.constant 16 : i32
        %parallel_loop3A_515 = arith.addi %parallel_loop3A_105, %parallel_loop3A_514 : i32
        %parallel_loop3A_516 = arith.index_cast %parallel_loop3A_515 : i32 to index
        %parallel_loop3A_517 = tpu.vector_load %arg14[%parallel_loop3A_516] {strides = array<i32>} : memref<8192xf32, #tpu.memory_space<vmem>>, vector<16xf32>,
        tpu.vector_store %arg14[%parallel_loop3A_516], %parallel_loop3A_405 {strides = array<i32>} : memref<8192xf32, #tpu.memory_space<vmem>>, vector<16xf32>,
        %parallel_loop3A_518 = arith.constant 32 : i32
        %parallel_loop3A_519 = arith.addi %parallel_loop3A_105, %parallel_loop3A_518 : i32
        %parallel_loop3A_520 = arith.index_cast %parallel_loop3A_519 : i32 to index
        %parallel_loop3A_521 = tpu.vector_load %arg13[%parallel_loop3A_520] {strides = array<i32>} : memref<8192xf32, #tpu.memory_space<vmem>>, vector<16xf32>,
        tpu.vector_store %arg13[%parallel_loop3A_520], %parallel_loop3A_422 {strides = array<i32>} : memref<8192xf32, #tpu.memory_space<vmem>>, vector<16xf32>,
        %parallel_loop3A_522 = arith.constant 32 : i32
        %parallel_loop3A_523 = arith.addi %parallel_loop3A_105, %parallel_loop3A_522 : i32
        %parallel_loop3A_524 = arith.index_cast %parallel_loop3A_523 : i32 to index
        %parallel_loop3A_525 = tpu.vector_load %arg14[%parallel_loop3A_524] {strides = array<i32>} : memref<8192xf32, #tpu.memory_space<vmem>>, vector<16xf32>,
        tpu.vector_store %arg14[%parallel_loop3A_524], %parallel_loop3A_423 {strides = array<i32>} : memref<8192xf32, #tpu.memory_space<vmem>>, vector<16xf32>,
        %parallel_loop3A_526 = arith.constant 48 : i32
        %parallel_loop3A_527 = arith.addi %parallel_loop3A_105, %parallel_loop3A_526 : i32
        %parallel_loop3A_528 = arith.index_cast %parallel_loop3A_527 : i32 to index
        %parallel_loop3A_529 = tpu.vector_load %arg13[%parallel_loop3A_528] {strides = array<i32>} : memref<8192xf32, #tpu.memory_space<vmem>>, vector<16xf32>,
        tpu.vector_store %arg13[%parallel_loop3A_528], %parallel_loop3A_440 {strides = array<i32>} : memref<8192xf32, #tpu.memory_space<vmem>>, vector<16xf32>,
        %parallel_loop3A_530 = arith.constant 48 : i32
        %parallel_loop3A_531 = arith.addi %parallel_loop3A_105, %parallel_loop3A_530 : i32
        %parallel_loop3A_532 = arith.index_cast %parallel_loop3A_531 : i32 to index
        %parallel_loop3A_533 = tpu.vector_load %arg14[%parallel_loop3A_532] {strides = array<i32>} : memref<8192xf32, #tpu.memory_space<vmem>>, vector<16xf32>,
        tpu.vector_store %arg14[%parallel_loop3A_532], %parallel_loop3A_441 {strides = array<i32>} : memref<8192xf32, #tpu.memory_space<vmem>>, vector<16xf32>,
        %parallel_loop3A_534 = arith.constant 64 : i32
        %parallel_loop3A_535 = arith.addi %parallel_loop3A_105, %parallel_loop3A_534 : i32
        %parallel_loop3A_536 = arith.index_cast %parallel_loop3A_535 : i32 to index
        %parallel_loop3A_537 = tpu.vector_load %arg13[%parallel_loop3A_536] {strides = array<i32>} : memref<8192xf32, #tpu.memory_space<vmem>>, vector<16xf32>,
        tpu.vector_store %arg13[%parallel_loop3A_536], %parallel_loop3A_444 {strides = array<i32>} : memref<8192xf32, #tpu.memory_space<vmem>>, vector<16xf32>,
        %parallel_loop3A_538 = arith.constant 64 : i32
        %parallel_loop3A_539 = arith.addi %parallel_loop3A_105, %parallel_loop3A_538 : i32
        %parallel_loop3A_540 = arith.index_cast %parallel_loop3A_539 : i32 to index
        %parallel_loop3A_541 = tpu.vector_load %arg14[%parallel_loop3A_540] {strides = array<i32>} : memref<8192xf32, #tpu.memory_space<vmem>>, vector<16xf32>,
        tpu.vector_store %arg14[%parallel_loop3A_540], %parallel_loop3A_445 {strides = array<i32>} : memref<8192xf32, #tpu.memory_space<vmem>>, vector<16xf32>,
        %parallel_loop3A_542 = arith.constant 80 : i32
        %parallel_loop3A_543 = arith.addi %parallel_loop3A_105, %parallel_loop3A_542 : i32
        %parallel_loop3A_544 = arith.index_cast %parallel_loop3A_543 : i32 to index
        %parallel_loop3A_545 = tpu.vector_load %arg13[%parallel_loop3A_544] {strides = array<i32>} : memref<8192xf32, #tpu.memory_space<vmem>>, vector<16xf32>,
        tpu.vector_store %arg13[%parallel_loop3A_544], %parallel_loop3A_462 {strides = array<i32>} : memref<8192xf32, #tpu.memory_space<vmem>>, vector<16xf32>,
        %parallel_loop3A_546 = arith.constant 80 : i32
        %parallel_loop3A_547 = arith.addi %parallel_loop3A_105, %parallel_loop3A_546 : i32
        %parallel_loop3A_548 = arith.index_cast %parallel_loop3A_547 : i32 to index
        %parallel_loop3A_549 = tpu.vector_load %arg14[%parallel_loop3A_548] {strides = array<i32>} : memref<8192xf32, #tpu.memory_space<vmem>>, vector<16xf32>,
        tpu.vector_store %arg14[%parallel_loop3A_548], %parallel_loop3A_463 {strides = array<i32>} : memref<8192xf32, #tpu.memory_space<vmem>>, vector<16xf32>,
        %parallel_loop3A_550 = arith.constant 96 : i32
        %parallel_loop3A_551 = arith.addi %parallel_loop3A_105, %parallel_loop3A_550 : i32
        %parallel_loop3A_552 = arith.index_cast %parallel_loop3A_551 : i32 to index
        %parallel_loop3A_553 = tpu.vector_load %arg13[%parallel_loop3A_552] {strides = array<i32>} : memref<8192xf32, #tpu.memory_space<vmem>>, vector<16xf32>,
        tpu.vector_store %arg13[%parallel_loop3A_552], %parallel_loop3A_480 {strides = array<i32>} : memref<8192xf32, #tpu.memory_space<vmem>>, vector<16xf32>,
        %parallel_loop3A_554 = arith.constant 96 : i32
        %parallel_loop3A_555 = arith.addi %parallel_loop3A_105, %parallel_loop3A_554 : i32
        %parallel_loop3A_556 = arith.index_cast %parallel_loop3A_555 : i32 to index
        %parallel_loop3A_557 = tpu.vector_load %arg14[%parallel_loop3A_556] {strides = array<i32>} : memref<8192xf32, #tpu.memory_space<vmem>>, vector<16xf32>,
        tpu.vector_store %arg14[%parallel_loop3A_556], %parallel_loop3A_481 {strides = array<i32>} : memref<8192xf32, #tpu.memory_space<vmem>>, vector<16xf32>,
        %parallel_loop3A_558 = arith.constant 112 : i32
        %parallel_loop3A_559 = arith.addi %parallel_loop3A_105, %parallel_loop3A_558 : i32
        %parallel_loop3A_560 = arith.index_cast %parallel_loop3A_559 : i32 to index
        %parallel_loop3A_561 = tpu.vector_load %arg13[%parallel_loop3A_560] {strides = array<i32>} : memref<8192xf32, #tpu.memory_space<vmem>>, vector<16xf32>,
        tpu.vector_store %arg13[%parallel_loop3A_560], %parallel_loop3A_498 {strides = array<i32>} : memref<8192xf32, #tpu.memory_space<vmem>>, vector<16xf32>,
        %parallel_loop3A_562 = arith.constant 112 : i32
        %parallel_loop3A_563 = arith.addi %parallel_loop3A_105, %parallel_loop3A_562 : i32
        %parallel_loop3A_564 = arith.index_cast %parallel_loop3A_563 : i32 to index
        %parallel_loop3A_565 = tpu.vector_load %arg14[%parallel_loop3A_564] {strides = array<i32>} : memref<8192xf32, #tpu.memory_space<vmem>>, vector<16xf32>,
        tpu.vector_store %arg14[%parallel_loop3A_564], %parallel_loop3A_499 {strides = array<i32>} : memref<8192xf32, #tpu.memory_space<vmem>>, vector<16xf32>,
        %parallel_loop3A_566 = arith.constant 128 : i32
        %parallel_loop3A_567 = arith.addi %parallel_loop3A_105, %parallel_loop3A_566 : i32
        %parallel_loop3A_568 = arith.index_cast %parallel_loop3A_567 : i32 to index
        %parallel_loop3A_569 = tpu.vector_load %arg13[%parallel_loop3A_568] {strides = array<i32>} : memref<8192xf32, #tpu.memory_space<vmem>>, vector<16xf32>,
        tpu.vector_store %arg13[%parallel_loop3A_568], %parallel_loop3A_388 {strides = array<i32>} : memref<8192xf32, #tpu.memory_space<vmem>>, vector<16xf32>,
        %parallel_loop3A_570 = arith.constant 128 : i32
        %parallel_loop3A_571 = arith.addi %parallel_loop3A_105, %parallel_loop3A_570 : i32
        %parallel_loop3A_572 = arith.index_cast %parallel_loop3A_571 : i32 to index
        %parallel_loop3A_573 = tpu.vector_load %arg14[%parallel_loop3A_572] {strides = array<i32>} : memref<8192xf32, #tpu.memory_space<vmem>>, vector<16xf32>,
        tpu.vector_store %arg14[%parallel_loop3A_572], %parallel_loop3A_389 {strides = array<i32>} : memref<8192xf32, #tpu.memory_space<vmem>>, vector<16xf32>,
        %parallel_loop3A_574 = arith.constant 144 : i32
        %parallel_loop3A_575 = arith.addi %parallel_loop3A_105, %parallel_loop3A_574 : i32
        %parallel_loop3A_576 = arith.index_cast %parallel_loop3A_575 : i32 to index
        %parallel_loop3A_577 = tpu.vector_load %arg13[%parallel_loop3A_576] {strides = array<i32>} : memref<8192xf32, #tpu.memory_space<vmem>>, vector<16xf32>,
        tpu.vector_store %arg13[%parallel_loop3A_576], %parallel_loop3A_406 {strides = array<i32>} : memref<8192xf32, #tpu.memory_space<vmem>>, vector<16xf32>,
        %parallel_loop3A_578 = arith.constant 144 : i32
        %parallel_loop3A_579 = arith.addi %parallel_loop3A_105, %parallel_loop3A_578 : i32
        %parallel_loop3A_580 = arith.index_cast %parallel_loop3A_579 : i32 to index
        %parallel_loop3A_581 = tpu.vector_load %arg14[%parallel_loop3A_580] {strides = array<i32>} : memref<8192xf32, #tpu.memory_space<vmem>>, vector<16xf32>,
        tpu.vector_store %arg14[%parallel_loop3A_580], %parallel_loop3A_407 {strides = array<i32>} : memref<8192xf32, #tpu.memory_space<vmem>>, vector<16xf32>,
        %parallel_loop3A_582 = arith.constant 160 : i32
        %parallel_loop3A_583 = arith.addi %parallel_loop3A_105, %parallel_loop3A_582 : i32
        %parallel_loop3A_584 = arith.index_cast %parallel_loop3A_583 : i32 to index
        %parallel_loop3A_585 = tpu.vector_load %arg13[%parallel_loop3A_584] {strides = array<i32>} : memref<8192xf32, #tpu.memory_space<vmem>>, vector<16xf32>,
        tpu.vector_store %arg13[%parallel_loop3A_584], %parallel_loop3A_424 {strides = array<i32>} : memref<8192xf32, #tpu.memory_space<vmem>>, vector<16xf32>,
        %parallel_loop3A_586 = arith.constant 160 : i32
        %parallel_loop3A_587 = arith.addi %parallel_loop3A_105, %parallel_loop3A_586 : i32
        %parallel_loop3A_588 = arith.index_cast %parallel_loop3A_587 : i32 to index
        %parallel_loop3A_589 = tpu.vector_load %arg14[%parallel_loop3A_588] {strides = array<i32>} : memref<8192xf32, #tpu.memory_space<vmem>>, vector<16xf32>,
        tpu.vector_store %arg14[%parallel_loop3A_588], %parallel_loop3A_425 {strides = array<i32>} : memref<8192xf32, #tpu.memory_space<vmem>>, vector<16xf32>,
        %parallel_loop3A_590 = arith.constant 176 : i32
        %parallel_loop3A_591 = arith.addi %parallel_loop3A_105, %parallel_loop3A_590 : i32
        %parallel_loop3A_592 = arith.index_cast %parallel_loop3A_591 : i32 to index
        %parallel_loop3A_593 = tpu.vector_load %arg13[%parallel_loop3A_592] {strides = array<i32>} : memref<8192xf32, #tpu.memory_space<vmem>>, vector<16xf32>,
        tpu.vector_store %arg13[%parallel_loop3A_592], %parallel_loop3A_442 {strides = array<i32>} : memref<8192xf32, #tpu.memory_space<vmem>>, vector<16xf32>,
        %parallel_loop3A_594 = arith.constant 176 : i32
        %parallel_loop3A_595 = arith.addi %parallel_loop3A_105, %parallel_loop3A_594 : i32
        %parallel_loop3A_596 = arith.index_cast %parallel_loop3A_595 : i32 to index
        %parallel_loop3A_597 = tpu.vector_load %arg14[%parallel_loop3A_596] {strides = array<i32>} : memref<8192xf32, #tpu.memory_space<vmem>>, vector<16xf32>,
        tpu.vector_store %arg14[%parallel_loop3A_596], %parallel_loop3A_443 {strides = array<i32>} : memref<8192xf32, #tpu.memory_space<vmem>>, vector<16xf32>,
        %parallel_loop3A_598 = arith.constant 192 : i32
        %parallel_loop3A_599 = arith.addi %parallel_loop3A_105, %parallel_loop3A_598 : i32
        %parallel_loop3A_600 = arith.index_cast %parallel_loop3A_599 : i32 to index
        %parallel_loop3A_601 = tpu.vector_load %arg13[%parallel_loop3A_600] {strides = array<i32>} : memref<8192xf32, #tpu.memory_space<vmem>>, vector<16xf32>,
        tpu.vector_store %arg13[%parallel_loop3A_600], %parallel_loop3A_446 {strides = array<i32>} : memref<8192xf32, #tpu.memory_space<vmem>>, vector<16xf32>,
        %parallel_loop3A_602 = arith.constant 192 : i32
        %parallel_loop3A_603 = arith.addi %parallel_loop3A_105, %parallel_loop3A_602 : i32
        %parallel_loop3A_604 = arith.index_cast %parallel_loop3A_603 : i32 to index
        %parallel_loop3A_605 = tpu.vector_load %arg14[%parallel_loop3A_604] {strides = array<i32>} : memref<8192xf32, #tpu.memory_space<vmem>>, vector<16xf32>,
        tpu.vector_store %arg14[%parallel_loop3A_604], %parallel_loop3A_447 {strides = array<i32>} : memref<8192xf32, #tpu.memory_space<vmem>>, vector<16xf32>,
        %parallel_loop3A_606 = arith.constant 208 : i32
        %parallel_loop3A_607 = arith.addi %parallel_loop3A_105, %parallel_loop3A_606 : i32
        %parallel_loop3A_608 = arith.index_cast %parallel_loop3A_607 : i32 to index
        %parallel_loop3A_609 = tpu.vector_load %arg13[%parallel_loop3A_608] {strides = array<i32>} : memref<8192xf32, #tpu.memory_space<vmem>>, vector<16xf32>,
        tpu.vector_store %arg13[%parallel_loop3A_608], %parallel_loop3A_464 {strides = array<i32>} : memref<8192xf32, #tpu.memory_space<vmem>>, vector<16xf32>,
        %parallel_loop3A_610 = arith.constant 208 : i32
        %parallel_loop3A_611 = arith.addi %parallel_loop3A_105, %parallel_loop3A_610 : i32
        %parallel_loop3A_612 = arith.index_cast %parallel_loop3A_611 : i32 to index
        %parallel_loop3A_613 = tpu.vector_load %arg14[%parallel_loop3A_612] {strides = array<i32>} : memref<8192xf32, #tpu.memory_space<vmem>>, vector<16xf32>,
        tpu.vector_store %arg14[%parallel_loop3A_612], %parallel_loop3A_465 {strides = array<i32>} : memref<8192xf32, #tpu.memory_space<vmem>>, vector<16xf32>,
        %parallel_loop3A_614 = arith.constant 224 : i32
        %parallel_loop3A_615 = arith.addi %parallel_loop3A_105, %parallel_loop3A_614 : i32
        %parallel_loop3A_616 = arith.index_cast %parallel_loop3A_615 : i32 to index
        %parallel_loop3A_617 = tpu.vector_load %arg13[%parallel_loop3A_616] {strides = array<i32>} : memref<8192xf32, #tpu.memory_space<vmem>>, vector<16xf32>,
        tpu.vector_store %arg13[%parallel_loop3A_616], %parallel_loop3A_482 {strides = array<i32>} : memref<8192xf32, #tpu.memory_space<vmem>>, vector<16xf32>,
        %parallel_loop3A_618 = arith.constant 224 : i32
        %parallel_loop3A_619 = arith.addi %parallel_loop3A_105, %parallel_loop3A_618 : i32
        %parallel_loop3A_620 = arith.index_cast %parallel_loop3A_619 : i32 to index
        %parallel_loop3A_621 = tpu.vector_load %arg14[%parallel_loop3A_620] {strides = array<i32>} : memref<8192xf32, #tpu.memory_space<vmem>>, vector<16xf32>,
        tpu.vector_store %arg14[%parallel_loop3A_620], %parallel_loop3A_483 {strides = array<i32>} : memref<8192xf32, #tpu.memory_space<vmem>>, vector<16xf32>,
        %parallel_loop3A_622 = arith.constant 240 : i32
        %parallel_loop3A_623 = arith.addi %parallel_loop3A_105, %parallel_loop3A_622 : i32
        %parallel_loop3A_624 = arith.index_cast %parallel_loop3A_623 : i32 to index
        %parallel_loop3A_625 = tpu.vector_load %arg13[%parallel_loop3A_624] {strides = array<i32>} : memref<8192xf32, #tpu.memory_space<vmem>>, vector<16xf32>,
        tpu.vector_store %arg13[%parallel_loop3A_624], %parallel_loop3A_500 {strides = array<i32>} : memref<8192xf32, #tpu.memory_space<vmem>>, vector<16xf32>,
        %parallel_loop3A_626 = arith.constant 240 : i32
        %parallel_loop3A_627 = arith.addi %parallel_loop3A_105, %parallel_loop3A_626 : i32
        %parallel_loop3A_628 = arith.index_cast %parallel_loop3A_627 : i32 to index
        %parallel_loop3A_629 = tpu.vector_load %arg14[%parallel_loop3A_628] {strides = array<i32>} : memref<8192xf32, #tpu.memory_space<vmem>>, vector<16xf32>,
        tpu.vector_store %arg14[%parallel_loop3A_628], %parallel_loop3A_501 {strides = array<i32>} : memref<8192xf32, #tpu.memory_space<vmem>>, vector<16xf32>,
      } {sc.loop_unroll_factor = 1 : i64, sc.parallel_access}
      %mul3A_57 = arith.constant 32 : i32
      %mul3A_58 = arith.muli %add3A, %mul3A_57 : i32
      %add3A_59 = arith.addi %mul3A_58, %mul3A_35 : i32
      %mul3A_60 = arith.constant 8192 : i32
      %mul3A_61 = arith.muli %add3A_59, %mul3A_60 : i32
      %dma_start3A_62 = tpu.memref_slice %arg7[%mul3A_61] : memref<8388608xf32, #tpu.memory_space<hbm>> -> memref<8192xf32, #tpu.memory_space<hbm>>
      %dma_start3A_63 = tpu.memref_slice %arg7[%mul3A_61] : memref<8388608xf32, #tpu.memory_space<hbm>> -> memref<8192xf32, #tpu.memory_space<hbm>>
      tpu.enqueue_dma source(%arg13 : memref<8192xf32, #tpu.memory_space<vmem>>) target(%dma_start3A_63 : memref<8192xf32, #tpu.memory_space<hbm>>) target_semaphore(%arg26 : memref<!tpu.dma_semaphore, #tpu.memory_space<semaphore_mem>>)
      %dma_start3A_64 = tpu.memref_slice %arg8[%mul3A_61] : memref<8388608xf32, #tpu.memory_space<hbm>> -> memref<8192xf32, #tpu.memory_space<hbm>>
      %dma_start3A_65 = tpu.memref_slice %arg8[%mul3A_61] : memref<8388608xf32, #tpu.memory_space<hbm>> -> memref<8192xf32, #tpu.memory_space<hbm>>
      tpu.enqueue_dma source(%arg14 : memref<8192xf32, #tpu.memory_space<vmem>>) target(%dma_start3A_65 : memref<8192xf32, #tpu.memory_space<hbm>>) target_semaphore(%arg27 : memref<!tpu.dma_semaphore, #tpu.memory_space<semaphore_mem>>)
      %add3A_66 = arith.constant 1 : i32
      %add3A_67 = arith.addi %mul3A_35, %add3A_66 : i32
      %dma_wait3A_68 = arith.constant 0 : i32
      %dma_wait3A_69 = tpu.memref_slice %arg2[%dma_wait3A_68] : memref<8388608xf32, #tpu.memory_space<hbm>> -> memref<8192xf32, #tpu.memory_space<hbm>>
      %dma_wait3A_70 = arith.constant 0 : i32
      %dma_wait3A_71 = tpu.memref_slice %arg2[%dma_wait3A_70] : memref<8388608xf32, #tpu.memory_space<hbm>> -> memref<8192xf32, #tpu.memory_space<hbm>>
      tpu.wait_dma2 semaphore(%arg24 : memref<!tpu.dma_semaphore, #tpu.memory_space<semaphore_mem>>) src(%dma_wait3A_71 : memref<8192xf32, #tpu.memory_space<hbm>>) dst(%arg11 : memref<8192xf32, #tpu.memory_space<vmem>>)
      %dma_wait3A_72 = arith.constant 0 : i32
      %dma_wait3A_73 = tpu.memref_slice %arg3[%dma_wait3A_72] : memref<8388608xf32, #tpu.memory_space<hbm>> -> memref<8192xf32, #tpu.memory_space<hbm>>
      %dma_wait3A_74 = arith.constant 0 : i32
      %dma_wait3A_75 = tpu.memref_slice %arg3[%dma_wait3A_74] : memref<8388608xf32, #tpu.memory_space<hbm>> -> memref<8192xf32, #tpu.memory_space<hbm>>
      tpu.wait_dma2 semaphore(%arg25 : memref<!tpu.dma_semaphore, #tpu.memory_space<semaphore_mem>>) src(%dma_wait3A_75 : memref<8192xf32, #tpu.memory_space<hbm>>) dst(%arg12 : memref<8192xf32, #tpu.memory_space<vmem>>)
      %add3A_76 = arith.constant 1 : i32
      %add3A_77 = arith.addi %add3A_67, %add3A_76 : i32
      %lt3A_78 = arith.constant 32 : i32
      %lt3A_79 = arith.cmpi slt, %add3A_77, %lt3A_78 : i32
      %convert_element_type3A_80 = arith.extui %lt3A_79 : i1 to i32
      %cond3A_81 = arith.constant 0 : i32
      %cond3A_82 = arith.cmpi ne, %convert_element_type3A_80, %cond3A_81 : i32
      scf.if %cond3A_82 {
        %mul3A_103 = arith.constant 32 : i32
        %mul3A_104 = arith.muli %add3A, %mul3A_103 : i32
        %add3A_105 = arith.addi %mul3A_104, %add3A_77 : i32
        %mul3A_106 = arith.constant 8192 : i32
        %mul3A_107 = arith.muli %add3A_105, %mul3A_106 : i32
        %dma_start3A_108 = tpu.memref_slice %arg2[%mul3A_107] : memref<8388608xf32, #tpu.memory_space<hbm>> -> memref<8192xf32, #tpu.memory_space<hbm>>
        %dma_start3A_109 = tpu.memref_slice %arg2[%mul3A_107] : memref<8388608xf32, #tpu.memory_space<hbm>> -> memref<8192xf32, #tpu.memory_space<hbm>>
        tpu.enqueue_dma source(%dma_start3A_109 : memref<8192xf32, #tpu.memory_space<hbm>>) target(%arg9 : memref<8192xf32, #tpu.memory_space<vmem>>) target_semaphore(%arg22 : memref<!tpu.dma_semaphore, #tpu.memory_space<semaphore_mem>>)
        %dma_start3A_110 = tpu.memref_slice %arg3[%mul3A_107] : memref<8388608xf32, #tpu.memory_space<hbm>> -> memref<8192xf32, #tpu.memory_space<hbm>>
        %dma_start3A_111 = tpu.memref_slice %arg3[%mul3A_107] : memref<8388608xf32, #tpu.memory_space<hbm>> -> memref<8192xf32, #tpu.memory_space<hbm>>
        tpu.enqueue_dma source(%dma_start3A_111 : memref<8192xf32, #tpu.memory_space<hbm>>) target(%arg10 : memref<8192xf32, #tpu.memory_space<vmem>>) target_semaphore(%arg23 : memref<!tpu.dma_semaphore, #tpu.memory_space<semaphore_mem>>)
      } else {
      }
      %ge3A_83 = arith.constant 2 : i32
      %ge3A_84 = arith.cmpi sge, %add3A_67, %ge3A_83 : i32
      %convert_element_type3A_85 = arith.extui %ge3A_84 : i1 to i32
      %cond3A_86 = arith.constant 0 : i32
      %cond3A_87 = arith.cmpi ne, %convert_element_type3A_85, %cond3A_86 : i32
      scf.if %cond3A_87 {
        %dma_wait3A_103 = arith.constant 0 : i32
        %dma_wait3A_104 = tpu.memref_slice %arg7[%dma_wait3A_103] : memref<8388608xf32, #tpu.memory_space<hbm>> -> memref<8192xf32, #tpu.memory_space<hbm>>
        %dma_wait3A_105 = arith.constant 0 : i32
        %dma_wait3A_106 = tpu.memref_slice %arg7[%dma_wait3A_105] : memref<8388608xf32, #tpu.memory_space<hbm>> -> memref<8192xf32, #tpu.memory_space<hbm>>
        tpu.wait_dma2 semaphore(%arg28 : memref<!tpu.dma_semaphore, #tpu.memory_space<semaphore_mem>>) src(%arg15 : memref<8192xf32, #tpu.memory_space<vmem>>) dst(%dma_wait3A_106 : memref<8192xf32, #tpu.memory_space<hbm>>)
        %dma_wait3A_107 = arith.constant 0 : i32
        %dma_wait3A_108 = tpu.memref_slice %arg8[%dma_wait3A_107] : memref<8388608xf32, #tpu.memory_space<hbm>> -> memref<8192xf32, #tpu.memory_space<hbm>>
        %dma_wait3A_109 = arith.constant 0 : i32
        %dma_wait3A_110 = tpu.memref_slice %arg8[%dma_wait3A_109] : memref<8388608xf32, #tpu.memory_space<hbm>> -> memref<8192xf32, #tpu.memory_space<hbm>>
        tpu.wait_dma2 semaphore(%arg29 : memref<!tpu.dma_semaphore, #tpu.memory_space<semaphore_mem>>) src(%arg16 : memref<8192xf32, #tpu.memory_space<vmem>>) dst(%dma_wait3A_110 : memref<8192xf32, #tpu.memory_space<hbm>>)
      } else {
      }
      %parallel_loop3A_88 = arith.constant 0 : i32
      %parallel_loop3A_89 = arith.constant 32 : i32
      %parallel_loop3A_90 = arith.constant 1 : i32
      scf.for %parallel_loop3A_103 = %parallel_loop3A_88 to %parallel_loop3A_89 step %parallel_loop3A_90  : i32 {
        %parallel_loop3A_104 = arith.constant 256 : i32
        %parallel_loop3A_105 = arith.muli %parallel_loop3A_103, %parallel_loop3A_104 : i32
        %parallel_loop3A_106 = arith.constant 0 : i32
        %parallel_loop3A_107 = arith.addi %parallel_loop3A_105, %parallel_loop3A_106 : i32
        %parallel_loop3A_108 = arith.index_cast %parallel_loop3A_107 : i32 to index
        %parallel_loop3A_109 = tpu.vector_load %arg11[%parallel_loop3A_108] {strides = array<i32>} : memref<8192xf32, #tpu.memory_space<vmem>>, vector<16xf32>,
        %parallel_loop3A_110 = arith.constant 16 : i32
        %parallel_loop3A_111 = arith.addi %parallel_loop3A_105, %parallel_loop3A_110 : i32
        %parallel_loop3A_112 = arith.index_cast %parallel_loop3A_111 : i32 to index
        %parallel_loop3A_113 = tpu.vector_load %arg11[%parallel_loop3A_112] {strides = array<i32>} : memref<8192xf32, #tpu.memory_space<vmem>>, vector<16xf32>,
        %parallel_loop3A_114 = arith.constant 32 : i32
        %parallel_loop3A_115 = arith.addi %parallel_loop3A_105, %parallel_loop3A_114 : i32
        %parallel_loop3A_116 = arith.index_cast %parallel_loop3A_115 : i32 to index
        %parallel_loop3A_117 = tpu.vector_load %arg11[%parallel_loop3A_116] {strides = array<i32>} : memref<8192xf32, #tpu.memory_space<vmem>>, vector<16xf32>,
        %parallel_loop3A_118 = arith.constant 48 : i32
        %parallel_loop3A_119 = arith.addi %parallel_loop3A_105, %parallel_loop3A_118 : i32
        %parallel_loop3A_120 = arith.index_cast %parallel_loop3A_119 : i32 to index
        %parallel_loop3A_121 = tpu.vector_load %arg11[%parallel_loop3A_120] {strides = array<i32>} : memref<8192xf32, #tpu.memory_space<vmem>>, vector<16xf32>,
        %parallel_loop3A_122 = arith.constant 64 : i32
        %parallel_loop3A_123 = arith.addi %parallel_loop3A_105, %parallel_loop3A_122 : i32
        %parallel_loop3A_124 = arith.index_cast %parallel_loop3A_123 : i32 to index
        %parallel_loop3A_125 = tpu.vector_load %arg11[%parallel_loop3A_124] {strides = array<i32>} : memref<8192xf32, #tpu.memory_space<vmem>>, vector<16xf32>,
        %parallel_loop3A_126 = arith.constant 80 : i32
        %parallel_loop3A_127 = arith.addi %parallel_loop3A_105, %parallel_loop3A_126 : i32
        %parallel_loop3A_128 = arith.index_cast %parallel_loop3A_127 : i32 to index
        %parallel_loop3A_129 = tpu.vector_load %arg11[%parallel_loop3A_128] {strides = array<i32>} : memref<8192xf32, #tpu.memory_space<vmem>>, vector<16xf32>,
        %parallel_loop3A_130 = arith.constant 96 : i32
        %parallel_loop3A_131 = arith.addi %parallel_loop3A_105, %parallel_loop3A_130 : i32
        %parallel_loop3A_132 = arith.index_cast %parallel_loop3A_131 : i32 to index
        %parallel_loop3A_133 = tpu.vector_load %arg11[%parallel_loop3A_132] {strides = array<i32>} : memref<8192xf32, #tpu.memory_space<vmem>>, vector<16xf32>,
        %parallel_loop3A_134 = arith.constant 112 : i32
        %parallel_loop3A_135 = arith.addi %parallel_loop3A_105, %parallel_loop3A_134 : i32
        %parallel_loop3A_136 = arith.index_cast %parallel_loop3A_135 : i32 to index
        %parallel_loop3A_137 = tpu.vector_load %arg11[%parallel_loop3A_136] {strides = array<i32>} : memref<8192xf32, #tpu.memory_space<vmem>>, vector<16xf32>,
        %parallel_loop3A_138 = arith.constant 128 : i32
        %parallel_loop3A_139 = arith.addi %parallel_loop3A_105, %parallel_loop3A_138 : i32
        %parallel_loop3A_140 = arith.index_cast %parallel_loop3A_139 : i32 to index
        %parallel_loop3A_141 = tpu.vector_load %arg11[%parallel_loop3A_140] {strides = array<i32>} : memref<8192xf32, #tpu.memory_space<vmem>>, vector<16xf32>,
        %parallel_loop3A_142 = arith.constant 144 : i32
        %parallel_loop3A_143 = arith.addi %parallel_loop3A_105, %parallel_loop3A_142 : i32
        %parallel_loop3A_144 = arith.index_cast %parallel_loop3A_143 : i32 to index
        %parallel_loop3A_145 = tpu.vector_load %arg11[%parallel_loop3A_144] {strides = array<i32>} : memref<8192xf32, #tpu.memory_space<vmem>>, vector<16xf32>,
        %parallel_loop3A_146 = arith.constant 160 : i32
        %parallel_loop3A_147 = arith.addi %parallel_loop3A_105, %parallel_loop3A_146 : i32
        %parallel_loop3A_148 = arith.index_cast %parallel_loop3A_147 : i32 to index
        %parallel_loop3A_149 = tpu.vector_load %arg11[%parallel_loop3A_148] {strides = array<i32>} : memref<8192xf32, #tpu.memory_space<vmem>>, vector<16xf32>,
        %parallel_loop3A_150 = arith.constant 176 : i32
        %parallel_loop3A_151 = arith.addi %parallel_loop3A_105, %parallel_loop3A_150 : i32
        %parallel_loop3A_152 = arith.index_cast %parallel_loop3A_151 : i32 to index
        %parallel_loop3A_153 = tpu.vector_load %arg11[%parallel_loop3A_152] {strides = array<i32>} : memref<8192xf32, #tpu.memory_space<vmem>>, vector<16xf32>,
        %parallel_loop3A_154 = arith.constant 192 : i32
        %parallel_loop3A_155 = arith.addi %parallel_loop3A_105, %parallel_loop3A_154 : i32
        %parallel_loop3A_156 = arith.index_cast %parallel_loop3A_155 : i32 to index
        %parallel_loop3A_157 = tpu.vector_load %arg11[%parallel_loop3A_156] {strides = array<i32>} : memref<8192xf32, #tpu.memory_space<vmem>>, vector<16xf32>,
        %parallel_loop3A_158 = arith.constant 208 : i32
        %parallel_loop3A_159 = arith.addi %parallel_loop3A_105, %parallel_loop3A_158 : i32
        %parallel_loop3A_160 = arith.index_cast %parallel_loop3A_159 : i32 to index
        %parallel_loop3A_161 = tpu.vector_load %arg11[%parallel_loop3A_160] {strides = array<i32>} : memref<8192xf32, #tpu.memory_space<vmem>>, vector<16xf32>,
        %parallel_loop3A_162 = arith.constant 224 : i32
        %parallel_loop3A_163 = arith.addi %parallel_loop3A_105, %parallel_loop3A_162 : i32
        %parallel_loop3A_164 = arith.index_cast %parallel_loop3A_163 : i32 to index
        %parallel_loop3A_165 = tpu.vector_load %arg11[%parallel_loop3A_164] {strides = array<i32>} : memref<8192xf32, #tpu.memory_space<vmem>>, vector<16xf32>,
        %parallel_loop3A_166 = arith.constant 240 : i32
        %parallel_loop3A_167 = arith.addi %parallel_loop3A_105, %parallel_loop3A_166 : i32
        %parallel_loop3A_168 = arith.index_cast %parallel_loop3A_167 : i32 to index
        %parallel_loop3A_169 = tpu.vector_load %arg11[%parallel_loop3A_168] {strides = array<i32>} : memref<8192xf32, #tpu.memory_space<vmem>>, vector<16xf32>,
        %parallel_loop3A_170 = arith.constant 0 : i32
        %parallel_loop3A_171 = arith.addi %parallel_loop3A_105, %parallel_loop3A_170 : i32
        %parallel_loop3A_172 = arith.index_cast %parallel_loop3A_171 : i32 to index
        %parallel_loop3A_173 = tpu.vector_load %arg12[%parallel_loop3A_172] {strides = array<i32>} : memref<8192xf32, #tpu.memory_space<vmem>>, vector<16xf32>,
        %parallel_loop3A_174 = arith.constant 16 : i32
        %parallel_loop3A_175 = arith.addi %parallel_loop3A_105, %parallel_loop3A_174 : i32
        %parallel_loop3A_176 = arith.index_cast %parallel_loop3A_175 : i32 to index
        %parallel_loop3A_177 = tpu.vector_load %arg12[%parallel_loop3A_176] {strides = array<i32>} : memref<8192xf32, #tpu.memory_space<vmem>>, vector<16xf32>,
        %parallel_loop3A_178 = arith.constant 32 : i32
        %parallel_loop3A_179 = arith.addi %parallel_loop3A_105, %parallel_loop3A_178 : i32
        %parallel_loop3A_180 = arith.index_cast %parallel_loop3A_179 : i32 to index
        %parallel_loop3A_181 = tpu.vector_load %arg12[%parallel_loop3A_180] {strides = array<i32>} : memref<8192xf32, #tpu.memory_space<vmem>>, vector<16xf32>,
        %parallel_loop3A_182 = arith.constant 48 : i32
        %parallel_loop3A_183 = arith.addi %parallel_loop3A_105, %parallel_loop3A_182 : i32
        %parallel_loop3A_184 = arith.index_cast %parallel_loop3A_183 : i32 to index
        %parallel_loop3A_185 = tpu.vector_load %arg12[%parallel_loop3A_184] {strides = array<i32>} : memref<8192xf32, #tpu.memory_space<vmem>>, vector<16xf32>,
        %parallel_loop3A_186 = arith.constant 64 : i32
        %parallel_loop3A_187 = arith.addi %parallel_loop3A_105, %parallel_loop3A_186 : i32
        %parallel_loop3A_188 = arith.index_cast %parallel_loop3A_187 : i32 to index
        %parallel_loop3A_189 = tpu.vector_load %arg12[%parallel_loop3A_188] {strides = array<i32>} : memref<8192xf32, #tpu.memory_space<vmem>>, vector<16xf32>,
        %parallel_loop3A_190 = arith.constant 80 : i32
        %parallel_loop3A_191 = arith.addi %parallel_loop3A_105, %parallel_loop3A_190 : i32
        %parallel_loop3A_192 = arith.index_cast %parallel_loop3A_191 : i32 to index
        %parallel_loop3A_193 = tpu.vector_load %arg12[%parallel_loop3A_192] {strides = array<i32>} : memref<8192xf32, #tpu.memory_space<vmem>>, vector<16xf32>,
        %parallel_loop3A_194 = arith.constant 96 : i32
        %parallel_loop3A_195 = arith.addi %parallel_loop3A_105, %parallel_loop3A_194 : i32
        %parallel_loop3A_196 = arith.index_cast %parallel_loop3A_195 : i32 to index
        %parallel_loop3A_197 = tpu.vector_load %arg12[%parallel_loop3A_196] {strides = array<i32>} : memref<8192xf32, #tpu.memory_space<vmem>>, vector<16xf32>,
        %parallel_loop3A_198 = arith.constant 112 : i32
        %parallel_loop3A_199 = arith.addi %parallel_loop3A_105, %parallel_loop3A_198 : i32
        %parallel_loop3A_200 = arith.index_cast %parallel_loop3A_199 : i32 to index
        %parallel_loop3A_201 = tpu.vector_load %arg12[%parallel_loop3A_200] {strides = array<i32>} : memref<8192xf32, #tpu.memory_space<vmem>>, vector<16xf32>,
        %parallel_loop3A_202 = arith.constant 128 : i32
        %parallel_loop3A_203 = arith.addi %parallel_loop3A_105, %parallel_loop3A_202 : i32
        %parallel_loop3A_204 = arith.index_cast %parallel_loop3A_203 : i32 to index
        %parallel_loop3A_205 = tpu.vector_load %arg12[%parallel_loop3A_204] {strides = array<i32>} : memref<8192xf32, #tpu.memory_space<vmem>>, vector<16xf32>,
        %parallel_loop3A_206 = arith.constant 144 : i32
        %parallel_loop3A_207 = arith.addi %parallel_loop3A_105, %parallel_loop3A_206 : i32
        %parallel_loop3A_208 = arith.index_cast %parallel_loop3A_207 : i32 to index
        %parallel_loop3A_209 = tpu.vector_load %arg12[%parallel_loop3A_208] {strides = array<i32>} : memref<8192xf32, #tpu.memory_space<vmem>>, vector<16xf32>,
        %parallel_loop3A_210 = arith.constant 160 : i32
        %parallel_loop3A_211 = arith.addi %parallel_loop3A_105, %parallel_loop3A_210 : i32
        %parallel_loop3A_212 = arith.index_cast %parallel_loop3A_211 : i32 to index
        %parallel_loop3A_213 = tpu.vector_load %arg12[%parallel_loop3A_212] {strides = array<i32>} : memref<8192xf32, #tpu.memory_space<vmem>>, vector<16xf32>,
        %parallel_loop3A_214 = arith.constant 176 : i32
        %parallel_loop3A_215 = arith.addi %parallel_loop3A_105, %parallel_loop3A_214 : i32
        %parallel_loop3A_216 = arith.index_cast %parallel_loop3A_215 : i32 to index
        %parallel_loop3A_217 = tpu.vector_load %arg12[%parallel_loop3A_216] {strides = array<i32>} : memref<8192xf32, #tpu.memory_space<vmem>>, vector<16xf32>,
        %parallel_loop3A_218 = arith.constant 192 : i32
        %parallel_loop3A_219 = arith.addi %parallel_loop3A_105, %parallel_loop3A_218 : i32
        %parallel_loop3A_220 = arith.index_cast %parallel_loop3A_219 : i32 to index
        %parallel_loop3A_221 = tpu.vector_load %arg12[%parallel_loop3A_220] {strides = array<i32>} : memref<8192xf32, #tpu.memory_space<vmem>>, vector<16xf32>,
        %parallel_loop3A_222 = arith.constant 208 : i32
        %parallel_loop3A_223 = arith.addi %parallel_loop3A_105, %parallel_loop3A_222 : i32
        %parallel_loop3A_224 = arith.index_cast %parallel_loop3A_223 : i32 to index
        %parallel_loop3A_225 = tpu.vector_load %arg12[%parallel_loop3A_224] {strides = array<i32>} : memref<8192xf32, #tpu.memory_space<vmem>>, vector<16xf32>,
        %parallel_loop3A_226 = arith.constant 224 : i32
        %parallel_loop3A_227 = arith.addi %parallel_loop3A_105, %parallel_loop3A_226 : i32
        %parallel_loop3A_228 = arith.index_cast %parallel_loop3A_227 : i32 to index
        %parallel_loop3A_229 = tpu.vector_load %arg12[%parallel_loop3A_228] {strides = array<i32>} : memref<8192xf32, #tpu.memory_space<vmem>>, vector<16xf32>,
        %parallel_loop3A_230 = arith.constant 240 : i32
        %parallel_loop3A_231 = arith.addi %parallel_loop3A_105, %parallel_loop3A_230 : i32
        %parallel_loop3A_232 = arith.index_cast %parallel_loop3A_231 : i32 to index
        %parallel_loop3A_233 = tpu.vector_load %arg12[%parallel_loop3A_232] {strides = array<i32>} : memref<8192xf32, #tpu.memory_space<vmem>>, vector<16xf32>,
        %parallel_loop3A_234 = arith.addf %parallel_loop3A_109, %parallel_loop3A_141 : vector<16xf32>
        %parallel_loop3A_235 = arith.addf %parallel_loop3A_173, %parallel_loop3A_205 : vector<16xf32>
        %parallel_loop3A_236 = arith.subf %parallel_loop3A_109, %parallel_loop3A_141 : vector<16xf32>
        %parallel_loop3A_237 = arith.subf %parallel_loop3A_173, %parallel_loop3A_205 : vector<16xf32>
        %parallel_loop3A_238 = arith.addf %parallel_loop3A_125, %parallel_loop3A_157 : vector<16xf32>
        %parallel_loop3A_239 = arith.addf %parallel_loop3A_189, %parallel_loop3A_221 : vector<16xf32>
        %parallel_loop3A_240 = arith.subf %parallel_loop3A_125, %parallel_loop3A_157 : vector<16xf32>
        %parallel_loop3A_241 = arith.subf %parallel_loop3A_189, %parallel_loop3A_221 : vector<16xf32>
        %parallel_loop3A_242 = arith.addf %parallel_loop3A_117, %parallel_loop3A_149 : vector<16xf32>
        %parallel_loop3A_243 = arith.addf %parallel_loop3A_181, %parallel_loop3A_213 : vector<16xf32>
        %parallel_loop3A_244 = arith.subf %parallel_loop3A_117, %parallel_loop3A_149 : vector<16xf32>
        %parallel_loop3A_245 = arith.subf %parallel_loop3A_181, %parallel_loop3A_213 : vector<16xf32>
        %parallel_loop3A_246 = arith.addf %parallel_loop3A_133, %parallel_loop3A_165 : vector<16xf32>
        %parallel_loop3A_247 = arith.addf %parallel_loop3A_197, %parallel_loop3A_229 : vector<16xf32>
        %parallel_loop3A_248 = arith.subf %parallel_loop3A_133, %parallel_loop3A_165 : vector<16xf32>
        %parallel_loop3A_249 = arith.subf %parallel_loop3A_197, %parallel_loop3A_229 : vector<16xf32>
        %parallel_loop3A_250 = arith.addf %parallel_loop3A_113, %parallel_loop3A_145 : vector<16xf32>
        %parallel_loop3A_251 = arith.addf %parallel_loop3A_177, %parallel_loop3A_209 : vector<16xf32>
        %parallel_loop3A_252 = arith.subf %parallel_loop3A_113, %parallel_loop3A_145 : vector<16xf32>
        %parallel_loop3A_253 = arith.subf %parallel_loop3A_177, %parallel_loop3A_209 : vector<16xf32>
        %parallel_loop3A_254 = arith.addf %parallel_loop3A_129, %parallel_loop3A_161 : vector<16xf32>
        %parallel_loop3A_255 = arith.addf %parallel_loop3A_193, %parallel_loop3A_225 : vector<16xf32>
        %parallel_loop3A_256 = arith.subf %parallel_loop3A_129, %parallel_loop3A_161 : vector<16xf32>
        %parallel_loop3A_257 = arith.subf %parallel_loop3A_193, %parallel_loop3A_225 : vector<16xf32>
        %parallel_loop3A_258 = arith.addf %parallel_loop3A_121, %parallel_loop3A_153 : vector<16xf32>
        %parallel_loop3A_259 = arith.addf %parallel_loop3A_185, %parallel_loop3A_217 : vector<16xf32>
        %parallel_loop3A_260 = arith.subf %parallel_loop3A_121, %parallel_loop3A_153 : vector<16xf32>
        %parallel_loop3A_261 = arith.subf %parallel_loop3A_185, %parallel_loop3A_217 : vector<16xf32>
        %parallel_loop3A_262 = arith.addf %parallel_loop3A_137, %parallel_loop3A_169 : vector<16xf32>
        %parallel_loop3A_263 = arith.addf %parallel_loop3A_201, %parallel_loop3A_233 : vector<16xf32>
        %parallel_loop3A_264 = arith.subf %parallel_loop3A_137, %parallel_loop3A_169 : vector<16xf32>
        %parallel_loop3A_265 = arith.subf %parallel_loop3A_201, %parallel_loop3A_233 : vector<16xf32>
        %parallel_loop3A_266 = arith.addf %parallel_loop3A_234, %parallel_loop3A_238 : vector<16xf32>
        %parallel_loop3A_267 = arith.addf %parallel_loop3A_235, %parallel_loop3A_239 : vector<16xf32>
        %parallel_loop3A_268 = arith.subf %parallel_loop3A_234, %parallel_loop3A_238 : vector<16xf32>
        %parallel_loop3A_269 = arith.subf %parallel_loop3A_235, %parallel_loop3A_239 : vector<16xf32>
        %parallel_loop3A_270 = arith.addf %parallel_loop3A_236, %parallel_loop3A_241 : vector<16xf32>
        %parallel_loop3A_271 = arith.subf %parallel_loop3A_237, %parallel_loop3A_240 : vector<16xf32>
        %parallel_loop3A_272 = arith.subf %parallel_loop3A_236, %parallel_loop3A_241 : vector<16xf32>
        %parallel_loop3A_273 = arith.addf %parallel_loop3A_237, %parallel_loop3A_240 : vector<16xf32>
        %parallel_loop3A_274 = arith.addf %parallel_loop3A_242, %parallel_loop3A_246 : vector<16xf32>
        %parallel_loop3A_275 = arith.addf %parallel_loop3A_243, %parallel_loop3A_247 : vector<16xf32>
        %parallel_loop3A_276 = arith.subf %parallel_loop3A_242, %parallel_loop3A_246 : vector<16xf32>
        %parallel_loop3A_277 = arith.subf %parallel_loop3A_243, %parallel_loop3A_247 : vector<16xf32>
        %parallel_loop3A_278 = arith.addf %parallel_loop3A_244, %parallel_loop3A_249 : vector<16xf32>
        %parallel_loop3A_279 = arith.subf %parallel_loop3A_245, %parallel_loop3A_248 : vector<16xf32>
        %parallel_loop3A_280 = arith.subf %parallel_loop3A_244, %parallel_loop3A_249 : vector<16xf32>
        %parallel_loop3A_281 = arith.addf %parallel_loop3A_245, %parallel_loop3A_248 : vector<16xf32>
        %parallel_loop3A_282 = arith.addf %parallel_loop3A_250, %parallel_loop3A_254 : vector<16xf32>
        %parallel_loop3A_283 = arith.addf %parallel_loop3A_251, %parallel_loop3A_255 : vector<16xf32>
        %parallel_loop3A_284 = arith.subf %parallel_loop3A_250, %parallel_loop3A_254 : vector<16xf32>
        %parallel_loop3A_285 = arith.subf %parallel_loop3A_251, %parallel_loop3A_255 : vector<16xf32>
        %parallel_loop3A_286 = arith.addf %parallel_loop3A_252, %parallel_loop3A_257 : vector<16xf32>
        %parallel_loop3A_287 = arith.subf %parallel_loop3A_253, %parallel_loop3A_256 : vector<16xf32>
        %parallel_loop3A_288 = arith.subf %parallel_loop3A_252, %parallel_loop3A_257 : vector<16xf32>
        %parallel_loop3A_289 = arith.addf %parallel_loop3A_253, %parallel_loop3A_256 : vector<16xf32>
        %parallel_loop3A_290 = arith.addf %parallel_loop3A_258, %parallel_loop3A_262 : vector<16xf32>
        %parallel_loop3A_291 = arith.addf %parallel_loop3A_259, %parallel_loop3A_263 : vector<16xf32>
        %parallel_loop3A_292 = arith.subf %parallel_loop3A_258, %parallel_loop3A_262 : vector<16xf32>
        %parallel_loop3A_293 = arith.subf %parallel_loop3A_259, %parallel_loop3A_263 : vector<16xf32>
        %parallel_loop3A_294 = arith.addf %parallel_loop3A_260, %parallel_loop3A_265 : vector<16xf32>
        %parallel_loop3A_295 = arith.subf %parallel_loop3A_261, %parallel_loop3A_264 : vector<16xf32>
        %parallel_loop3A_296 = arith.subf %parallel_loop3A_260, %parallel_loop3A_265 : vector<16xf32>
        %parallel_loop3A_297 = arith.addf %parallel_loop3A_261, %parallel_loop3A_264 : vector<16xf32>
        %parallel_loop3A_298 = arith.addf %parallel_loop3A_266, %parallel_loop3A_274 : vector<16xf32>
        %parallel_loop3A_299 = arith.addf %parallel_loop3A_267, %parallel_loop3A_275 : vector<16xf32>
        %parallel_loop3A_300 = arith.subf %parallel_loop3A_266, %parallel_loop3A_274 : vector<16xf32>
        %parallel_loop3A_301 = arith.subf %parallel_loop3A_267, %parallel_loop3A_275 : vector<16xf32>
        %parallel_loop3A_302 = arith.constant 0.707106769 : f32
        %parallel_loop3A_303 = vector.broadcast %parallel_loop3A_302 : f32 to vector<16xf32>
        %parallel_loop3A_304 = arith.mulf %parallel_loop3A_278, %parallel_loop3A_303 : vector<16xf32>
        %parallel_loop3A_305 = arith.constant -0.707106769 : f32
        %parallel_loop3A_306 = vector.broadcast %parallel_loop3A_305 : f32 to vector<16xf32>
        %parallel_loop3A_307 = arith.mulf %parallel_loop3A_279, %parallel_loop3A_306 : vector<16xf32>
        %parallel_loop3A_308 = arith.subf %parallel_loop3A_304, %parallel_loop3A_307 : vector<16xf32>
        %parallel_loop3A_309 = arith.constant -0.707106769 : f32
        %parallel_loop3A_310 = vector.broadcast %parallel_loop3A_309 : f32 to vector<16xf32>
        %parallel_loop3A_311 = arith.mulf %parallel_loop3A_278, %parallel_loop3A_310 : vector<16xf32>
        %parallel_loop3A_312 = arith.constant 0.707106769 : f32
        %parallel_loop3A_313 = vector.broadcast %parallel_loop3A_312 : f32 to vector<16xf32>
        %parallel_loop3A_314 = arith.mulf %parallel_loop3A_279, %parallel_loop3A_313 : vector<16xf32>
        %parallel_loop3A_315 = arith.addf %parallel_loop3A_311, %parallel_loop3A_314 : vector<16xf32>
        %parallel_loop3A_316 = arith.addf %parallel_loop3A_270, %parallel_loop3A_308 : vector<16xf32>
        %parallel_loop3A_317 = arith.addf %parallel_loop3A_271, %parallel_loop3A_315 : vector<16xf32>
        %parallel_loop3A_318 = arith.subf %parallel_loop3A_270, %parallel_loop3A_308 : vector<16xf32>
        %parallel_loop3A_319 = arith.subf %parallel_loop3A_271, %parallel_loop3A_315 : vector<16xf32>
        %parallel_loop3A_320 = arith.addf %parallel_loop3A_268, %parallel_loop3A_277 : vector<16xf32>
        %parallel_loop3A_321 = arith.subf %parallel_loop3A_269, %parallel_loop3A_276 : vector<16xf32>
        %parallel_loop3A_322 = arith.subf %parallel_loop3A_268, %parallel_loop3A_277 : vector<16xf32>
        %parallel_loop3A_323 = arith.addf %parallel_loop3A_269, %parallel_loop3A_276 : vector<16xf32>
        %parallel_loop3A_324 = arith.constant -0.707106769 : f32
        %parallel_loop3A_325 = vector.broadcast %parallel_loop3A_324 : f32 to vector<16xf32>
        %parallel_loop3A_326 = arith.mulf %parallel_loop3A_280, %parallel_loop3A_325 : vector<16xf32>
        %parallel_loop3A_327 = arith.constant -0.707106769 : f32
        %parallel_loop3A_328 = vector.broadcast %parallel_loop3A_327 : f32 to vector<16xf32>
        %parallel_loop3A_329 = arith.mulf %parallel_loop3A_281, %parallel_loop3A_328 : vector<16xf32>
        %parallel_loop3A_330 = arith.subf %parallel_loop3A_326, %parallel_loop3A_329 : vector<16xf32>
        %parallel_loop3A_331 = arith.constant -0.707106769 : f32
        %parallel_loop3A_332 = vector.broadcast %parallel_loop3A_331 : f32 to vector<16xf32>
        %parallel_loop3A_333 = arith.mulf %parallel_loop3A_280, %parallel_loop3A_332 : vector<16xf32>
        %parallel_loop3A_334 = arith.constant -0.707106769 : f32
        %parallel_loop3A_335 = vector.broadcast %parallel_loop3A_334 : f32 to vector<16xf32>
        %parallel_loop3A_336 = arith.mulf %parallel_loop3A_281, %parallel_loop3A_335 : vector<16xf32>
        %parallel_loop3A_337 = arith.addf %parallel_loop3A_333, %parallel_loop3A_336 : vector<16xf32>
        %parallel_loop3A_338 = arith.addf %parallel_loop3A_272, %parallel_loop3A_330 : vector<16xf32>
        %parallel_loop3A_339 = arith.addf %parallel_loop3A_273, %parallel_loop3A_337 : vector<16xf32>
        %parallel_loop3A_340 = arith.subf %parallel_loop3A_272, %parallel_loop3A_330 : vector<16xf32>
        %parallel_loop3A_341 = arith.subf %parallel_loop3A_273, %parallel_loop3A_337 : vector<16xf32>
        %parallel_loop3A_342 = arith.addf %parallel_loop3A_282, %parallel_loop3A_290 : vector<16xf32>
        %parallel_loop3A_343 = arith.addf %parallel_loop3A_283, %parallel_loop3A_291 : vector<16xf32>
        %parallel_loop3A_344 = arith.subf %parallel_loop3A_282, %parallel_loop3A_290 : vector<16xf32>
        %parallel_loop3A_345 = arith.subf %parallel_loop3A_283, %parallel_loop3A_291 : vector<16xf32>
        %parallel_loop3A_346 = arith.constant 0.707106769 : f32
        %parallel_loop3A_347 = vector.broadcast %parallel_loop3A_346 : f32 to vector<16xf32>
        %parallel_loop3A_348 = arith.mulf %parallel_loop3A_294, %parallel_loop3A_347 : vector<16xf32>
        %parallel_loop3A_349 = arith.constant -0.707106769 : f32
        %parallel_loop3A_350 = vector.broadcast %parallel_loop3A_349 : f32 to vector<16xf32>
        %parallel_loop3A_351 = arith.mulf %parallel_loop3A_295, %parallel_loop3A_350 : vector<16xf32>
        %parallel_loop3A_352 = arith.subf %parallel_loop3A_348, %parallel_loop3A_351 : vector<16xf32>
        %parallel_loop3A_353 = arith.constant -0.707106769 : f32
        %parallel_loop3A_354 = vector.broadcast %parallel_loop3A_353 : f32 to vector<16xf32>
        %parallel_loop3A_355 = arith.mulf %parallel_loop3A_294, %parallel_loop3A_354 : vector<16xf32>
        %parallel_loop3A_356 = arith.constant 0.707106769 : f32
        %parallel_loop3A_357 = vector.broadcast %parallel_loop3A_356 : f32 to vector<16xf32>
        %parallel_loop3A_358 = arith.mulf %parallel_loop3A_295, %parallel_loop3A_357 : vector<16xf32>
        %parallel_loop3A_359 = arith.addf %parallel_loop3A_355, %parallel_loop3A_358 : vector<16xf32>
        %parallel_loop3A_360 = arith.addf %parallel_loop3A_286, %parallel_loop3A_352 : vector<16xf32>
        %parallel_loop3A_361 = arith.addf %parallel_loop3A_287, %parallel_loop3A_359 : vector<16xf32>
        %parallel_loop3A_362 = arith.subf %parallel_loop3A_286, %parallel_loop3A_352 : vector<16xf32>
        %parallel_loop3A_363 = arith.subf %parallel_loop3A_287, %parallel_loop3A_359 : vector<16xf32>
        %parallel_loop3A_364 = arith.addf %parallel_loop3A_284, %parallel_loop3A_293 : vector<16xf32>
        %parallel_loop3A_365 = arith.subf %parallel_loop3A_285, %parallel_loop3A_292 : vector<16xf32>
        %parallel_loop3A_366 = arith.subf %parallel_loop3A_284, %parallel_loop3A_293 : vector<16xf32>
        %parallel_loop3A_367 = arith.addf %parallel_loop3A_285, %parallel_loop3A_292 : vector<16xf32>
        %parallel_loop3A_368 = arith.constant -0.707106769 : f32
        %parallel_loop3A_369 = vector.broadcast %parallel_loop3A_368 : f32 to vector<16xf32>
        %parallel_loop3A_370 = arith.mulf %parallel_loop3A_296, %parallel_loop3A_369 : vector<16xf32>
        %parallel_loop3A_371 = arith.constant -0.707106769 : f32
        %parallel_loop3A_372 = vector.broadcast %parallel_loop3A_371 : f32 to vector<16xf32>
        %parallel_loop3A_373 = arith.mulf %parallel_loop3A_297, %parallel_loop3A_372 : vector<16xf32>
        %parallel_loop3A_374 = arith.subf %parallel_loop3A_370, %parallel_loop3A_373 : vector<16xf32>
        %parallel_loop3A_375 = arith.constant -0.707106769 : f32
        %parallel_loop3A_376 = vector.broadcast %parallel_loop3A_375 : f32 to vector<16xf32>
        %parallel_loop3A_377 = arith.mulf %parallel_loop3A_296, %parallel_loop3A_376 : vector<16xf32>
        %parallel_loop3A_378 = arith.constant -0.707106769 : f32
        %parallel_loop3A_379 = vector.broadcast %parallel_loop3A_378 : f32 to vector<16xf32>
        %parallel_loop3A_380 = arith.mulf %parallel_loop3A_297, %parallel_loop3A_379 : vector<16xf32>
        %parallel_loop3A_381 = arith.addf %parallel_loop3A_377, %parallel_loop3A_380 : vector<16xf32>
        %parallel_loop3A_382 = arith.addf %parallel_loop3A_288, %parallel_loop3A_374 : vector<16xf32>
        %parallel_loop3A_383 = arith.addf %parallel_loop3A_289, %parallel_loop3A_381 : vector<16xf32>
        %parallel_loop3A_384 = arith.subf %parallel_loop3A_288, %parallel_loop3A_374 : vector<16xf32>
        %parallel_loop3A_385 = arith.subf %parallel_loop3A_289, %parallel_loop3A_381 : vector<16xf32>
        %parallel_loop3A_386 = arith.addf %parallel_loop3A_298, %parallel_loop3A_342 : vector<16xf32>
        %parallel_loop3A_387 = arith.addf %parallel_loop3A_299, %parallel_loop3A_343 : vector<16xf32>
        %parallel_loop3A_388 = arith.subf %parallel_loop3A_298, %parallel_loop3A_342 : vector<16xf32>
        %parallel_loop3A_389 = arith.subf %parallel_loop3A_299, %parallel_loop3A_343 : vector<16xf32>
        %parallel_loop3A_390 = arith.constant 0.923879504 : f32
        %parallel_loop3A_391 = vector.broadcast %parallel_loop3A_390 : f32 to vector<16xf32>
        %parallel_loop3A_392 = arith.mulf %parallel_loop3A_360, %parallel_loop3A_391 : vector<16xf32>
        %parallel_loop3A_393 = arith.constant -0.382683426 : f32
        %parallel_loop3A_394 = vector.broadcast %parallel_loop3A_393 : f32 to vector<16xf32>
        %parallel_loop3A_395 = arith.mulf %parallel_loop3A_361, %parallel_loop3A_394 : vector<16xf32>
        %parallel_loop3A_396 = arith.subf %parallel_loop3A_392, %parallel_loop3A_395 : vector<16xf32>
        %parallel_loop3A_397 = arith.constant -0.382683426 : f32
        %parallel_loop3A_398 = vector.broadcast %parallel_loop3A_397 : f32 to vector<16xf32>
        %parallel_loop3A_399 = arith.mulf %parallel_loop3A_360, %parallel_loop3A_398 : vector<16xf32>
        %parallel_loop3A_400 = arith.constant 0.923879504 : f32
        %parallel_loop3A_401 = vector.broadcast %parallel_loop3A_400 : f32 to vector<16xf32>
        %parallel_loop3A_402 = arith.mulf %parallel_loop3A_361, %parallel_loop3A_401 : vector<16xf32>
        %parallel_loop3A_403 = arith.addf %parallel_loop3A_399, %parallel_loop3A_402 : vector<16xf32>
        %parallel_loop3A_404 = arith.addf %parallel_loop3A_316, %parallel_loop3A_396 : vector<16xf32>
        %parallel_loop3A_405 = arith.addf %parallel_loop3A_317, %parallel_loop3A_403 : vector<16xf32>
        %parallel_loop3A_406 = arith.subf %parallel_loop3A_316, %parallel_loop3A_396 : vector<16xf32>
        %parallel_loop3A_407 = arith.subf %parallel_loop3A_317, %parallel_loop3A_403 : vector<16xf32>
        %parallel_loop3A_408 = arith.constant 0.707106769 : f32
        %parallel_loop3A_409 = vector.broadcast %parallel_loop3A_408 : f32 to vector<16xf32>
        %parallel_loop3A_410 = arith.mulf %parallel_loop3A_364, %parallel_loop3A_409 : vector<16xf32>
        %parallel_loop3A_411 = arith.constant -0.707106769 : f32
        %parallel_loop3A_412 = vector.broadcast %parallel_loop3A_411 : f32 to vector<16xf32>
        %parallel_loop3A_413 = arith.mulf %parallel_loop3A_365, %parallel_loop3A_412 : vector<16xf32>
        %parallel_loop3A_414 = arith.subf %parallel_loop3A_410, %parallel_loop3A_413 : vector<16xf32>
        %parallel_loop3A_415 = arith.constant -0.707106769 : f32
        %parallel_loop3A_416 = vector.broadcast %parallel_loop3A_415 : f32 to vector<16xf32>
        %parallel_loop3A_417 = arith.mulf %parallel_loop3A_364, %parallel_loop3A_416 : vector<16xf32>
        %parallel_loop3A_418 = arith.constant 0.707106769 : f32
        %parallel_loop3A_419 = vector.broadcast %parallel_loop3A_418 : f32 to vector<16xf32>
        %parallel_loop3A_420 = arith.mulf %parallel_loop3A_365, %parallel_loop3A_419 : vector<16xf32>
        %parallel_loop3A_421 = arith.addf %parallel_loop3A_417, %parallel_loop3A_420 : vector<16xf32>
        %parallel_loop3A_422 = arith.addf %parallel_loop3A_320, %parallel_loop3A_414 : vector<16xf32>
        %parallel_loop3A_423 = arith.addf %parallel_loop3A_321, %parallel_loop3A_421 : vector<16xf32>
        %parallel_loop3A_424 = arith.subf %parallel_loop3A_320, %parallel_loop3A_414 : vector<16xf32>
        %parallel_loop3A_425 = arith.subf %parallel_loop3A_321, %parallel_loop3A_421 : vector<16xf32>
        %parallel_loop3A_426 = arith.constant 0.382683426 : f32
        %parallel_loop3A_427 = vector.broadcast %parallel_loop3A_426 : f32 to vector<16xf32>
        %parallel_loop3A_428 = arith.mulf %parallel_loop3A_382, %parallel_loop3A_427 : vector<16xf32>
        %parallel_loop3A_429 = arith.constant -0.923879504 : f32
        %parallel_loop3A_430 = vector.broadcast %parallel_loop3A_429 : f32 to vector<16xf32>
        %parallel_loop3A_431 = arith.mulf %parallel_loop3A_383, %parallel_loop3A_430 : vector<16xf32>
        %parallel_loop3A_432 = arith.subf %parallel_loop3A_428, %parallel_loop3A_431 : vector<16xf32>
        %parallel_loop3A_433 = arith.constant -0.923879504 : f32
        %parallel_loop3A_434 = vector.broadcast %parallel_loop3A_433 : f32 to vector<16xf32>
        %parallel_loop3A_435 = arith.mulf %parallel_loop3A_382, %parallel_loop3A_434 : vector<16xf32>
        %parallel_loop3A_436 = arith.constant 0.382683426 : f32
        %parallel_loop3A_437 = vector.broadcast %parallel_loop3A_436 : f32 to vector<16xf32>
        %parallel_loop3A_438 = arith.mulf %parallel_loop3A_383, %parallel_loop3A_437 : vector<16xf32>
        %parallel_loop3A_439 = arith.addf %parallel_loop3A_435, %parallel_loop3A_438 : vector<16xf32>
        %parallel_loop3A_440 = arith.addf %parallel_loop3A_338, %parallel_loop3A_432 : vector<16xf32>
        %parallel_loop3A_441 = arith.addf %parallel_loop3A_339, %parallel_loop3A_439 : vector<16xf32>
        %parallel_loop3A_442 = arith.subf %parallel_loop3A_338, %parallel_loop3A_432 : vector<16xf32>
        %parallel_loop3A_443 = arith.subf %parallel_loop3A_339, %parallel_loop3A_439 : vector<16xf32>
        %parallel_loop3A_444 = arith.addf %parallel_loop3A_300, %parallel_loop3A_345 : vector<16xf32>
        %parallel_loop3A_445 = arith.subf %parallel_loop3A_301, %parallel_loop3A_344 : vector<16xf32>
        %parallel_loop3A_446 = arith.subf %parallel_loop3A_300, %parallel_loop3A_345 : vector<16xf32>
        %parallel_loop3A_447 = arith.addf %parallel_loop3A_301, %parallel_loop3A_344 : vector<16xf32>
        %parallel_loop3A_448 = arith.constant -0.382683426 : f32
        %parallel_loop3A_449 = vector.broadcast %parallel_loop3A_448 : f32 to vector<16xf32>
        %parallel_loop3A_450 = arith.mulf %parallel_loop3A_362, %parallel_loop3A_449 : vector<16xf32>
        %parallel_loop3A_451 = arith.constant -0.923879504 : f32
        %parallel_loop3A_452 = vector.broadcast %parallel_loop3A_451 : f32 to vector<16xf32>
        %parallel_loop3A_453 = arith.mulf %parallel_loop3A_363, %parallel_loop3A_452 : vector<16xf32>
        %parallel_loop3A_454 = arith.subf %parallel_loop3A_450, %parallel_loop3A_453 : vector<16xf32>
        %parallel_loop3A_455 = arith.constant -0.923879504 : f32
        %parallel_loop3A_456 = vector.broadcast %parallel_loop3A_455 : f32 to vector<16xf32>
        %parallel_loop3A_457 = arith.mulf %parallel_loop3A_362, %parallel_loop3A_456 : vector<16xf32>
        %parallel_loop3A_458 = arith.constant -0.382683426 : f32
        %parallel_loop3A_459 = vector.broadcast %parallel_loop3A_458 : f32 to vector<16xf32>
        %parallel_loop3A_460 = arith.mulf %parallel_loop3A_363, %parallel_loop3A_459 : vector<16xf32>
        %parallel_loop3A_461 = arith.addf %parallel_loop3A_457, %parallel_loop3A_460 : vector<16xf32>
        %parallel_loop3A_462 = arith.addf %parallel_loop3A_318, %parallel_loop3A_454 : vector<16xf32>
        %parallel_loop3A_463 = arith.addf %parallel_loop3A_319, %parallel_loop3A_461 : vector<16xf32>
        %parallel_loop3A_464 = arith.subf %parallel_loop3A_318, %parallel_loop3A_454 : vector<16xf32>
        %parallel_loop3A_465 = arith.subf %parallel_loop3A_319, %parallel_loop3A_461 : vector<16xf32>
        %parallel_loop3A_466 = arith.constant -0.707106769 : f32
        %parallel_loop3A_467 = vector.broadcast %parallel_loop3A_466 : f32 to vector<16xf32>
        %parallel_loop3A_468 = arith.mulf %parallel_loop3A_366, %parallel_loop3A_467 : vector<16xf32>
        %parallel_loop3A_469 = arith.constant -0.707106769 : f32
        %parallel_loop3A_470 = vector.broadcast %parallel_loop3A_469 : f32 to vector<16xf32>
        %parallel_loop3A_471 = arith.mulf %parallel_loop3A_367, %parallel_loop3A_470 : vector<16xf32>
        %parallel_loop3A_472 = arith.subf %parallel_loop3A_468, %parallel_loop3A_471 : vector<16xf32>
        %parallel_loop3A_473 = arith.constant -0.707106769 : f32
        %parallel_loop3A_474 = vector.broadcast %parallel_loop3A_473 : f32 to vector<16xf32>
        %parallel_loop3A_475 = arith.mulf %parallel_loop3A_366, %parallel_loop3A_474 : vector<16xf32>
        %parallel_loop3A_476 = arith.constant -0.707106769 : f32
        %parallel_loop3A_477 = vector.broadcast %parallel_loop3A_476 : f32 to vector<16xf32>
        %parallel_loop3A_478 = arith.mulf %parallel_loop3A_367, %parallel_loop3A_477 : vector<16xf32>
        %parallel_loop3A_479 = arith.addf %parallel_loop3A_475, %parallel_loop3A_478 : vector<16xf32>
        %parallel_loop3A_480 = arith.addf %parallel_loop3A_322, %parallel_loop3A_472 : vector<16xf32>
        %parallel_loop3A_481 = arith.addf %parallel_loop3A_323, %parallel_loop3A_479 : vector<16xf32>
        %parallel_loop3A_482 = arith.subf %parallel_loop3A_322, %parallel_loop3A_472 : vector<16xf32>
        %parallel_loop3A_483 = arith.subf %parallel_loop3A_323, %parallel_loop3A_479 : vector<16xf32>
        %parallel_loop3A_484 = arith.constant -0.923879504 : f32
        %parallel_loop3A_485 = vector.broadcast %parallel_loop3A_484 : f32 to vector<16xf32>
        %parallel_loop3A_486 = arith.mulf %parallel_loop3A_384, %parallel_loop3A_485 : vector<16xf32>
        %parallel_loop3A_487 = arith.constant -0.382683426 : f32
        %parallel_loop3A_488 = vector.broadcast %parallel_loop3A_487 : f32 to vector<16xf32>
        %parallel_loop3A_489 = arith.mulf %parallel_loop3A_385, %parallel_loop3A_488 : vector<16xf32>
        %parallel_loop3A_490 = arith.subf %parallel_loop3A_486, %parallel_loop3A_489 : vector<16xf32>
        %parallel_loop3A_491 = arith.constant -0.382683426 : f32
        %parallel_loop3A_492 = vector.broadcast %parallel_loop3A_491 : f32 to vector<16xf32>
        %parallel_loop3A_493 = arith.mulf %parallel_loop3A_384, %parallel_loop3A_492 : vector<16xf32>
        %parallel_loop3A_494 = arith.constant -0.923879504 : f32
        %parallel_loop3A_495 = vector.broadcast %parallel_loop3A_494 : f32 to vector<16xf32>
        %parallel_loop3A_496 = arith.mulf %parallel_loop3A_385, %parallel_loop3A_495 : vector<16xf32>
        %parallel_loop3A_497 = arith.addf %parallel_loop3A_493, %parallel_loop3A_496 : vector<16xf32>
        %parallel_loop3A_498 = arith.addf %parallel_loop3A_340, %parallel_loop3A_490 : vector<16xf32>
        %parallel_loop3A_499 = arith.addf %parallel_loop3A_341, %parallel_loop3A_497 : vector<16xf32>
        %parallel_loop3A_500 = arith.subf %parallel_loop3A_340, %parallel_loop3A_490 : vector<16xf32>
        %parallel_loop3A_501 = arith.subf %parallel_loop3A_341, %parallel_loop3A_497 : vector<16xf32>
        %parallel_loop3A_502 = arith.constant 16 : index
        %parallel_loop3A_503 = tpu.vector_load %arg19[%parallel_loop3A_502] {strides = array<i32>} : memref<256xf32, #tpu.memory_space<vmem>>, vector<16xf32>,
        %parallel_loop3A_504 = arith.constant 16 : index
        %parallel_loop3A_505 = tpu.vector_load %arg20[%parallel_loop3A_504] {strides = array<i32>} : memref<256xf32, #tpu.memory_space<vmem>>, vector<16xf32>,
        %parallel_loop3A_506 = arith.mulf %parallel_loop3A_404, %parallel_loop3A_503 : vector<16xf32>
        %parallel_loop3A_507 = arith.mulf %parallel_loop3A_405, %parallel_loop3A_505 : vector<16xf32>
        %parallel_loop3A_508 = arith.subf %parallel_loop3A_506, %parallel_loop3A_507 : vector<16xf32>
        %parallel_loop3A_509 = arith.mulf %parallel_loop3A_404, %parallel_loop3A_505 : vector<16xf32>
        %parallel_loop3A_510 = arith.mulf %parallel_loop3A_405, %parallel_loop3A_503 : vector<16xf32>
        %parallel_loop3A_511 = arith.addf %parallel_loop3A_509, %parallel_loop3A_510 : vector<16xf32>
        %parallel_loop3A_512 = arith.constant 32 : index
        %parallel_loop3A_513 = tpu.vector_load %arg19[%parallel_loop3A_512] {strides = array<i32>} : memref<256xf32, #tpu.memory_space<vmem>>, vector<16xf32>,
        %parallel_loop3A_514 = arith.constant 32 : index
        %parallel_loop3A_515 = tpu.vector_load %arg20[%parallel_loop3A_514] {strides = array<i32>} : memref<256xf32, #tpu.memory_space<vmem>>, vector<16xf32>,
        %parallel_loop3A_516 = arith.mulf %parallel_loop3A_422, %parallel_loop3A_513 : vector<16xf32>
        %parallel_loop3A_517 = arith.mulf %parallel_loop3A_423, %parallel_loop3A_515 : vector<16xf32>
        %parallel_loop3A_518 = arith.subf %parallel_loop3A_516, %parallel_loop3A_517 : vector<16xf32>
        %parallel_loop3A_519 = arith.mulf %parallel_loop3A_422, %parallel_loop3A_515 : vector<16xf32>
        %parallel_loop3A_520 = arith.mulf %parallel_loop3A_423, %parallel_loop3A_513 : vector<16xf32>
        %parallel_loop3A_521 = arith.addf %parallel_loop3A_519, %parallel_loop3A_520 : vector<16xf32>
        %parallel_loop3A_522 = arith.constant 48 : index
        %parallel_loop3A_523 = tpu.vector_load %arg19[%parallel_loop3A_522] {strides = array<i32>} : memref<256xf32, #tpu.memory_space<vmem>>, vector<16xf32>,
        %parallel_loop3A_524 = arith.constant 48 : index
        %parallel_loop3A_525 = tpu.vector_load %arg20[%parallel_loop3A_524] {strides = array<i32>} : memref<256xf32, #tpu.memory_space<vmem>>, vector<16xf32>,
        %parallel_loop3A_526 = arith.mulf %parallel_loop3A_440, %parallel_loop3A_523 : vector<16xf32>
        %parallel_loop3A_527 = arith.mulf %parallel_loop3A_441, %parallel_loop3A_525 : vector<16xf32>
        %parallel_loop3A_528 = arith.subf %parallel_loop3A_526, %parallel_loop3A_527 : vector<16xf32>
        %parallel_loop3A_529 = arith.mulf %parallel_loop3A_440, %parallel_loop3A_525 : vector<16xf32>
        %parallel_loop3A_530 = arith.mulf %parallel_loop3A_441, %parallel_loop3A_523 : vector<16xf32>
        %parallel_loop3A_531 = arith.addf %parallel_loop3A_529, %parallel_loop3A_530 : vector<16xf32>
        %parallel_loop3A_532 = arith.constant 64 : index
        %parallel_loop3A_533 = tpu.vector_load %arg19[%parallel_loop3A_532] {strides = array<i32>} : memref<256xf32, #tpu.memory_space<vmem>>, vector<16xf32>,
        %parallel_loop3A_534 = arith.constant 64 : index
        %parallel_loop3A_535 = tpu.vector_load %arg20[%parallel_loop3A_534] {strides = array<i32>} : memref<256xf32, #tpu.memory_space<vmem>>, vector<16xf32>,
        %parallel_loop3A_536 = arith.mulf %parallel_loop3A_444, %parallel_loop3A_533 : vector<16xf32>
        %parallel_loop3A_537 = arith.mulf %parallel_loop3A_445, %parallel_loop3A_535 : vector<16xf32>
        %parallel_loop3A_538 = arith.subf %parallel_loop3A_536, %parallel_loop3A_537 : vector<16xf32>
        %parallel_loop3A_539 = arith.mulf %parallel_loop3A_444, %parallel_loop3A_535 : vector<16xf32>
        %parallel_loop3A_540 = arith.mulf %parallel_loop3A_445, %parallel_loop3A_533 : vector<16xf32>
        %parallel_loop3A_541 = arith.addf %parallel_loop3A_539, %parallel_loop3A_540 : vector<16xf32>
        %parallel_loop3A_542 = arith.constant 80 : index
        %parallel_loop3A_543 = tpu.vector_load %arg19[%parallel_loop3A_542] {strides = array<i32>} : memref<256xf32, #tpu.memory_space<vmem>>, vector<16xf32>,
        %parallel_loop3A_544 = arith.constant 80 : index
        %parallel_loop3A_545 = tpu.vector_load %arg20[%parallel_loop3A_544] {strides = array<i32>} : memref<256xf32, #tpu.memory_space<vmem>>, vector<16xf32>,
        %parallel_loop3A_546 = arith.mulf %parallel_loop3A_462, %parallel_loop3A_543 : vector<16xf32>
        %parallel_loop3A_547 = arith.mulf %parallel_loop3A_463, %parallel_loop3A_545 : vector<16xf32>
        %parallel_loop3A_548 = arith.subf %parallel_loop3A_546, %parallel_loop3A_547 : vector<16xf32>
        %parallel_loop3A_549 = arith.mulf %parallel_loop3A_462, %parallel_loop3A_545 : vector<16xf32>
        %parallel_loop3A_550 = arith.mulf %parallel_loop3A_463, %parallel_loop3A_543 : vector<16xf32>
        %parallel_loop3A_551 = arith.addf %parallel_loop3A_549, %parallel_loop3A_550 : vector<16xf32>
        %parallel_loop3A_552 = arith.constant 96 : index
        %parallel_loop3A_553 = tpu.vector_load %arg19[%parallel_loop3A_552] {strides = array<i32>} : memref<256xf32, #tpu.memory_space<vmem>>, vector<16xf32>,
        %parallel_loop3A_554 = arith.constant 96 : index
        %parallel_loop3A_555 = tpu.vector_load %arg20[%parallel_loop3A_554] {strides = array<i32>} : memref<256xf32, #tpu.memory_space<vmem>>, vector<16xf32>,
        %parallel_loop3A_556 = arith.mulf %parallel_loop3A_480, %parallel_loop3A_553 : vector<16xf32>
        %parallel_loop3A_557 = arith.mulf %parallel_loop3A_481, %parallel_loop3A_555 : vector<16xf32>
        %parallel_loop3A_558 = arith.subf %parallel_loop3A_556, %parallel_loop3A_557 : vector<16xf32>
        %parallel_loop3A_559 = arith.mulf %parallel_loop3A_480, %parallel_loop3A_555 : vector<16xf32>
        %parallel_loop3A_560 = arith.mulf %parallel_loop3A_481, %parallel_loop3A_553 : vector<16xf32>
        %parallel_loop3A_561 = arith.addf %parallel_loop3A_559, %parallel_loop3A_560 : vector<16xf32>
        %parallel_loop3A_562 = arith.constant 112 : index
        %parallel_loop3A_563 = tpu.vector_load %arg19[%parallel_loop3A_562] {strides = array<i32>} : memref<256xf32, #tpu.memory_space<vmem>>, vector<16xf32>,
        %parallel_loop3A_564 = arith.constant 112 : index
        %parallel_loop3A_565 = tpu.vector_load %arg20[%parallel_loop3A_564] {strides = array<i32>} : memref<256xf32, #tpu.memory_space<vmem>>, vector<16xf32>,
        %parallel_loop3A_566 = arith.mulf %parallel_loop3A_498, %parallel_loop3A_563 : vector<16xf32>
        %parallel_loop3A_567 = arith.mulf %parallel_loop3A_499, %parallel_loop3A_565 : vector<16xf32>
        %parallel_loop3A_568 = arith.subf %parallel_loop3A_566, %parallel_loop3A_567 : vector<16xf32>
        %parallel_loop3A_569 = arith.mulf %parallel_loop3A_498, %parallel_loop3A_565 : vector<16xf32>
        %parallel_loop3A_570 = arith.mulf %parallel_loop3A_499, %parallel_loop3A_563 : vector<16xf32>
        %parallel_loop3A_571 = arith.addf %parallel_loop3A_569, %parallel_loop3A_570 : vector<16xf32>
        %parallel_loop3A_572 = arith.constant 128 : index
        %parallel_loop3A_573 = tpu.vector_load %arg19[%parallel_loop3A_572] {strides = array<i32>} : memref<256xf32, #tpu.memory_space<vmem>>, vector<16xf32>,
        %parallel_loop3A_574 = arith.constant 128 : index
        %parallel_loop3A_575 = tpu.vector_load %arg20[%parallel_loop3A_574] {strides = array<i32>} : memref<256xf32, #tpu.memory_space<vmem>>, vector<16xf32>,
        %parallel_loop3A_576 = arith.mulf %parallel_loop3A_388, %parallel_loop3A_573 : vector<16xf32>
        %parallel_loop3A_577 = arith.mulf %parallel_loop3A_389, %parallel_loop3A_575 : vector<16xf32>
        %parallel_loop3A_578 = arith.subf %parallel_loop3A_576, %parallel_loop3A_577 : vector<16xf32>
        %parallel_loop3A_579 = arith.mulf %parallel_loop3A_388, %parallel_loop3A_575 : vector<16xf32>
        %parallel_loop3A_580 = arith.mulf %parallel_loop3A_389, %parallel_loop3A_573 : vector<16xf32>
        %parallel_loop3A_581 = arith.addf %parallel_loop3A_579, %parallel_loop3A_580 : vector<16xf32>
        %parallel_loop3A_582 = arith.constant 144 : index
        %parallel_loop3A_583 = tpu.vector_load %arg19[%parallel_loop3A_582] {strides = array<i32>} : memref<256xf32, #tpu.memory_space<vmem>>, vector<16xf32>,
        %parallel_loop3A_584 = arith.constant 144 : index
        %parallel_loop3A_585 = tpu.vector_load %arg20[%parallel_loop3A_584] {strides = array<i32>} : memref<256xf32, #tpu.memory_space<vmem>>, vector<16xf32>,
        %parallel_loop3A_586 = arith.mulf %parallel_loop3A_406, %parallel_loop3A_583 : vector<16xf32>
        %parallel_loop3A_587 = arith.mulf %parallel_loop3A_407, %parallel_loop3A_585 : vector<16xf32>
        %parallel_loop3A_588 = arith.subf %parallel_loop3A_586, %parallel_loop3A_587 : vector<16xf32>
        %parallel_loop3A_589 = arith.mulf %parallel_loop3A_406, %parallel_loop3A_585 : vector<16xf32>
        %parallel_loop3A_590 = arith.mulf %parallel_loop3A_407, %parallel_loop3A_583 : vector<16xf32>
        %parallel_loop3A_591 = arith.addf %parallel_loop3A_589, %parallel_loop3A_590 : vector<16xf32>
        %parallel_loop3A_592 = arith.constant 160 : index
        %parallel_loop3A_593 = tpu.vector_load %arg19[%parallel_loop3A_592] {strides = array<i32>} : memref<256xf32, #tpu.memory_space<vmem>>, vector<16xf32>,
        %parallel_loop3A_594 = arith.constant 160 : index
        %parallel_loop3A_595 = tpu.vector_load %arg20[%parallel_loop3A_594] {strides = array<i32>} : memref<256xf32, #tpu.memory_space<vmem>>, vector<16xf32>,
        %parallel_loop3A_596 = arith.mulf %parallel_loop3A_424, %parallel_loop3A_593 : vector<16xf32>
        %parallel_loop3A_597 = arith.mulf %parallel_loop3A_425, %parallel_loop3A_595 : vector<16xf32>
        %parallel_loop3A_598 = arith.subf %parallel_loop3A_596, %parallel_loop3A_597 : vector<16xf32>
        %parallel_loop3A_599 = arith.mulf %parallel_loop3A_424, %parallel_loop3A_595 : vector<16xf32>
        %parallel_loop3A_600 = arith.mulf %parallel_loop3A_425, %parallel_loop3A_593 : vector<16xf32>
        %parallel_loop3A_601 = arith.addf %parallel_loop3A_599, %parallel_loop3A_600 : vector<16xf32>
        %parallel_loop3A_602 = arith.constant 176 : index
        %parallel_loop3A_603 = tpu.vector_load %arg19[%parallel_loop3A_602] {strides = array<i32>} : memref<256xf32, #tpu.memory_space<vmem>>, vector<16xf32>,
        %parallel_loop3A_604 = arith.constant 176 : index
        %parallel_loop3A_605 = tpu.vector_load %arg20[%parallel_loop3A_604] {strides = array<i32>} : memref<256xf32, #tpu.memory_space<vmem>>, vector<16xf32>,
        %parallel_loop3A_606 = arith.mulf %parallel_loop3A_442, %parallel_loop3A_603 : vector<16xf32>
        %parallel_loop3A_607 = arith.mulf %parallel_loop3A_443, %parallel_loop3A_605 : vector<16xf32>
        %parallel_loop3A_608 = arith.subf %parallel_loop3A_606, %parallel_loop3A_607 : vector<16xf32>
        %parallel_loop3A_609 = arith.mulf %parallel_loop3A_442, %parallel_loop3A_605 : vector<16xf32>
        %parallel_loop3A_610 = arith.mulf %parallel_loop3A_443, %parallel_loop3A_603 : vector<16xf32>
        %parallel_loop3A_611 = arith.addf %parallel_loop3A_609, %parallel_loop3A_610 : vector<16xf32>
        %parallel_loop3A_612 = arith.constant 192 : index
        %parallel_loop3A_613 = tpu.vector_load %arg19[%parallel_loop3A_612] {strides = array<i32>} : memref<256xf32, #tpu.memory_space<vmem>>, vector<16xf32>,
        %parallel_loop3A_614 = arith.constant 192 : index
        %parallel_loop3A_615 = tpu.vector_load %arg20[%parallel_loop3A_614] {strides = array<i32>} : memref<256xf32, #tpu.memory_space<vmem>>, vector<16xf32>,
        %parallel_loop3A_616 = arith.mulf %parallel_loop3A_446, %parallel_loop3A_613 : vector<16xf32>
        %parallel_loop3A_617 = arith.mulf %parallel_loop3A_447, %parallel_loop3A_615 : vector<16xf32>
        %parallel_loop3A_618 = arith.subf %parallel_loop3A_616, %parallel_loop3A_617 : vector<16xf32>
        %parallel_loop3A_619 = arith.mulf %parallel_loop3A_446, %parallel_loop3A_615 : vector<16xf32>
        %parallel_loop3A_620 = arith.mulf %parallel_loop3A_447, %parallel_loop3A_613 : vector<16xf32>
        %parallel_loop3A_621 = arith.addf %parallel_loop3A_619, %parallel_loop3A_620 : vector<16xf32>
        %parallel_loop3A_622 = arith.constant 208 : index
        %parallel_loop3A_623 = tpu.vector_load %arg19[%parallel_loop3A_622] {strides = array<i32>} : memref<256xf32, #tpu.memory_space<vmem>>, vector<16xf32>,
        %parallel_loop3A_624 = arith.constant 208 : index
        %parallel_loop3A_625 = tpu.vector_load %arg20[%parallel_loop3A_624] {strides = array<i32>} : memref<256xf32, #tpu.memory_space<vmem>>, vector<16xf32>,
        %parallel_loop3A_626 = arith.mulf %parallel_loop3A_464, %parallel_loop3A_623 : vector<16xf32>
        %parallel_loop3A_627 = arith.mulf %parallel_loop3A_465, %parallel_loop3A_625 : vector<16xf32>
        %parallel_loop3A_628 = arith.subf %parallel_loop3A_626, %parallel_loop3A_627 : vector<16xf32>
        %parallel_loop3A_629 = arith.mulf %parallel_loop3A_464, %parallel_loop3A_625 : vector<16xf32>
        %parallel_loop3A_630 = arith.mulf %parallel_loop3A_465, %parallel_loop3A_623 : vector<16xf32>
        %parallel_loop3A_631 = arith.addf %parallel_loop3A_629, %parallel_loop3A_630 : vector<16xf32>
        %parallel_loop3A_632 = arith.constant 224 : index
        %parallel_loop3A_633 = tpu.vector_load %arg19[%parallel_loop3A_632] {strides = array<i32>} : memref<256xf32, #tpu.memory_space<vmem>>, vector<16xf32>,
        %parallel_loop3A_634 = arith.constant 224 : index
        %parallel_loop3A_635 = tpu.vector_load %arg20[%parallel_loop3A_634] {strides = array<i32>} : memref<256xf32, #tpu.memory_space<vmem>>, vector<16xf32>,
        %parallel_loop3A_636 = arith.mulf %parallel_loop3A_482, %parallel_loop3A_633 : vector<16xf32>
        %parallel_loop3A_637 = arith.mulf %parallel_loop3A_483, %parallel_loop3A_635 : vector<16xf32>
        %parallel_loop3A_638 = arith.subf %parallel_loop3A_636, %parallel_loop3A_637 : vector<16xf32>
        %parallel_loop3A_639 = arith.mulf %parallel_loop3A_482, %parallel_loop3A_635 : vector<16xf32>
        %parallel_loop3A_640 = arith.mulf %parallel_loop3A_483, %parallel_loop3A_633 : vector<16xf32>
        %parallel_loop3A_641 = arith.addf %parallel_loop3A_639, %parallel_loop3A_640 : vector<16xf32>
        %parallel_loop3A_642 = arith.constant 240 : index
        %parallel_loop3A_643 = tpu.vector_load %arg19[%parallel_loop3A_642] {strides = array<i32>} : memref<256xf32, #tpu.memory_space<vmem>>, vector<16xf32>,
        %parallel_loop3A_644 = arith.constant 240 : index
        %parallel_loop3A_645 = tpu.vector_load %arg20[%parallel_loop3A_644] {strides = array<i32>} : memref<256xf32, #tpu.memory_space<vmem>>, vector<16xf32>,
        %parallel_loop3A_646 = arith.mulf %parallel_loop3A_500, %parallel_loop3A_643 : vector<16xf32>
        %parallel_loop3A_647 = arith.mulf %parallel_loop3A_501, %parallel_loop3A_645 : vector<16xf32>
        %parallel_loop3A_648 = arith.subf %parallel_loop3A_646, %parallel_loop3A_647 : vector<16xf32>
        %parallel_loop3A_649 = arith.mulf %parallel_loop3A_500, %parallel_loop3A_645 : vector<16xf32>
        %parallel_loop3A_650 = arith.mulf %parallel_loop3A_501, %parallel_loop3A_643 : vector<16xf32>
        %parallel_loop3A_651 = arith.addf %parallel_loop3A_649, %parallel_loop3A_650 : vector<16xf32>
        %parallel_loop3A_652 = vector.broadcast %parallel_loop3A_105 : i32 to vector<16xi32>
        %parallel_loop3A_653 = arith.addi %mul3A_3, %parallel_loop3A_652 : vector<16xi32>
        %parallel_loop3A_654 = arith.constant 0 : index
        %parallel_loop3A_655 = tpu.vector_load %arg21[%parallel_loop3A_654] {strides = array<i32>} : memref<256xi32, #tpu.memory_space<vmem>>, vector<16xi32>,
        %parallel_loop3A_656 = arith.addi %parallel_loop3A_653, %parallel_loop3A_655 : vector<16xi32>
        tpu.vector_store_idx %arg17[%parallel_loop3A_656], %parallel_loop3A_386 : memref<8192xf32, #tpu.memory_space<vmem>>[vector<16xi32>], vector<16xf32>,
        tpu.vector_store_idx %arg18[%parallel_loop3A_656], %parallel_loop3A_387 : memref<8192xf32, #tpu.memory_space<vmem>>[vector<16xi32>], vector<16xf32>,
        %parallel_loop3A_657 = arith.constant 16 : index
        %parallel_loop3A_658 = tpu.vector_load %arg21[%parallel_loop3A_657] {strides = array<i32>} : memref<256xi32, #tpu.memory_space<vmem>>, vector<16xi32>,
        %parallel_loop3A_659 = arith.addi %parallel_loop3A_653, %parallel_loop3A_658 : vector<16xi32>
        tpu.vector_store_idx %arg17[%parallel_loop3A_659], %parallel_loop3A_508 : memref<8192xf32, #tpu.memory_space<vmem>>[vector<16xi32>], vector<16xf32>,
        tpu.vector_store_idx %arg18[%parallel_loop3A_659], %parallel_loop3A_511 : memref<8192xf32, #tpu.memory_space<vmem>>[vector<16xi32>], vector<16xf32>,
        %parallel_loop3A_660 = arith.constant 32 : index
        %parallel_loop3A_661 = tpu.vector_load %arg21[%parallel_loop3A_660] {strides = array<i32>} : memref<256xi32, #tpu.memory_space<vmem>>, vector<16xi32>,
        %parallel_loop3A_662 = arith.addi %parallel_loop3A_653, %parallel_loop3A_661 : vector<16xi32>
        tpu.vector_store_idx %arg17[%parallel_loop3A_662], %parallel_loop3A_518 : memref<8192xf32, #tpu.memory_space<vmem>>[vector<16xi32>], vector<16xf32>,
        tpu.vector_store_idx %arg18[%parallel_loop3A_662], %parallel_loop3A_521 : memref<8192xf32, #tpu.memory_space<vmem>>[vector<16xi32>], vector<16xf32>,
        %parallel_loop3A_663 = arith.constant 48 : index
        %parallel_loop3A_664 = tpu.vector_load %arg21[%parallel_loop3A_663] {strides = array<i32>} : memref<256xi32, #tpu.memory_space<vmem>>, vector<16xi32>,
        %parallel_loop3A_665 = arith.addi %parallel_loop3A_653, %parallel_loop3A_664 : vector<16xi32>
        tpu.vector_store_idx %arg17[%parallel_loop3A_665], %parallel_loop3A_528 : memref<8192xf32, #tpu.memory_space<vmem>>[vector<16xi32>], vector<16xf32>,
        tpu.vector_store_idx %arg18[%parallel_loop3A_665], %parallel_loop3A_531 : memref<8192xf32, #tpu.memory_space<vmem>>[vector<16xi32>], vector<16xf32>,
        %parallel_loop3A_666 = arith.constant 64 : index
        %parallel_loop3A_667 = tpu.vector_load %arg21[%parallel_loop3A_666] {strides = array<i32>} : memref<256xi32, #tpu.memory_space<vmem>>, vector<16xi32>,
        %parallel_loop3A_668 = arith.addi %parallel_loop3A_653, %parallel_loop3A_667 : vector<16xi32>
        tpu.vector_store_idx %arg17[%parallel_loop3A_668], %parallel_loop3A_538 : memref<8192xf32, #tpu.memory_space<vmem>>[vector<16xi32>], vector<16xf32>,
        tpu.vector_store_idx %arg18[%parallel_loop3A_668], %parallel_loop3A_541 : memref<8192xf32, #tpu.memory_space<vmem>>[vector<16xi32>], vector<16xf32>,
        %parallel_loop3A_669 = arith.constant 80 : index
        %parallel_loop3A_670 = tpu.vector_load %arg21[%parallel_loop3A_669] {strides = array<i32>} : memref<256xi32, #tpu.memory_space<vmem>>, vector<16xi32>,
        %parallel_loop3A_671 = arith.addi %parallel_loop3A_653, %parallel_loop3A_670 : vector<16xi32>
        tpu.vector_store_idx %arg17[%parallel_loop3A_671], %parallel_loop3A_548 : memref<8192xf32, #tpu.memory_space<vmem>>[vector<16xi32>], vector<16xf32>,
        tpu.vector_store_idx %arg18[%parallel_loop3A_671], %parallel_loop3A_551 : memref<8192xf32, #tpu.memory_space<vmem>>[vector<16xi32>], vector<16xf32>,
        %parallel_loop3A_672 = arith.constant 96 : index
        %parallel_loop3A_673 = tpu.vector_load %arg21[%parallel_loop3A_672] {strides = array<i32>} : memref<256xi32, #tpu.memory_space<vmem>>, vector<16xi32>,
        %parallel_loop3A_674 = arith.addi %parallel_loop3A_653, %parallel_loop3A_673 : vector<16xi32>
        tpu.vector_store_idx %arg17[%parallel_loop3A_674], %parallel_loop3A_558 : memref<8192xf32, #tpu.memory_space<vmem>>[vector<16xi32>], vector<16xf32>,
        tpu.vector_store_idx %arg18[%parallel_loop3A_674], %parallel_loop3A_561 : memref<8192xf32, #tpu.memory_space<vmem>>[vector<16xi32>], vector<16xf32>,
        %parallel_loop3A_675 = arith.constant 112 : index
        %parallel_loop3A_676 = tpu.vector_load %arg21[%parallel_loop3A_675] {strides = array<i32>} : memref<256xi32, #tpu.memory_space<vmem>>, vector<16xi32>,
        %parallel_loop3A_677 = arith.addi %parallel_loop3A_653, %parallel_loop3A_676 : vector<16xi32>
        tpu.vector_store_idx %arg17[%parallel_loop3A_677], %parallel_loop3A_568 : memref<8192xf32, #tpu.memory_space<vmem>>[vector<16xi32>], vector<16xf32>,
        tpu.vector_store_idx %arg18[%parallel_loop3A_677], %parallel_loop3A_571 : memref<8192xf32, #tpu.memory_space<vmem>>[vector<16xi32>], vector<16xf32>,
        %parallel_loop3A_678 = arith.constant 128 : index
        %parallel_loop3A_679 = tpu.vector_load %arg21[%parallel_loop3A_678] {strides = array<i32>} : memref<256xi32, #tpu.memory_space<vmem>>, vector<16xi32>,
        %parallel_loop3A_680 = arith.addi %parallel_loop3A_653, %parallel_loop3A_679 : vector<16xi32>
        tpu.vector_store_idx %arg17[%parallel_loop3A_680], %parallel_loop3A_578 : memref<8192xf32, #tpu.memory_space<vmem>>[vector<16xi32>], vector<16xf32>,
        tpu.vector_store_idx %arg18[%parallel_loop3A_680], %parallel_loop3A_581 : memref<8192xf32, #tpu.memory_space<vmem>>[vector<16xi32>], vector<16xf32>,
        %parallel_loop3A_681 = arith.constant 144 : index
        %parallel_loop3A_682 = tpu.vector_load %arg21[%parallel_loop3A_681] {strides = array<i32>} : memref<256xi32, #tpu.memory_space<vmem>>, vector<16xi32>,
        %parallel_loop3A_683 = arith.addi %parallel_loop3A_653, %parallel_loop3A_682 : vector<16xi32>
        tpu.vector_store_idx %arg17[%parallel_loop3A_683], %parallel_loop3A_588 : memref<8192xf32, #tpu.memory_space<vmem>>[vector<16xi32>], vector<16xf32>,
        tpu.vector_store_idx %arg18[%parallel_loop3A_683], %parallel_loop3A_591 : memref<8192xf32, #tpu.memory_space<vmem>>[vector<16xi32>], vector<16xf32>,
        %parallel_loop3A_684 = arith.constant 160 : index
        %parallel_loop3A_685 = tpu.vector_load %arg21[%parallel_loop3A_684] {strides = array<i32>} : memref<256xi32, #tpu.memory_space<vmem>>, vector<16xi32>,
        %parallel_loop3A_686 = arith.addi %parallel_loop3A_653, %parallel_loop3A_685 : vector<16xi32>
        tpu.vector_store_idx %arg17[%parallel_loop3A_686], %parallel_loop3A_598 : memref<8192xf32, #tpu.memory_space<vmem>>[vector<16xi32>], vector<16xf32>,
        tpu.vector_store_idx %arg18[%parallel_loop3A_686], %parallel_loop3A_601 : memref<8192xf32, #tpu.memory_space<vmem>>[vector<16xi32>], vector<16xf32>,
        %parallel_loop3A_687 = arith.constant 176 : index
        %parallel_loop3A_688 = tpu.vector_load %arg21[%parallel_loop3A_687] {strides = array<i32>} : memref<256xi32, #tpu.memory_space<vmem>>, vector<16xi32>,
        %parallel_loop3A_689 = arith.addi %parallel_loop3A_653, %parallel_loop3A_688 : vector<16xi32>
        tpu.vector_store_idx %arg17[%parallel_loop3A_689], %parallel_loop3A_608 : memref<8192xf32, #tpu.memory_space<vmem>>[vector<16xi32>], vector<16xf32>,
        tpu.vector_store_idx %arg18[%parallel_loop3A_689], %parallel_loop3A_611 : memref<8192xf32, #tpu.memory_space<vmem>>[vector<16xi32>], vector<16xf32>,
        %parallel_loop3A_690 = arith.constant 192 : index
        %parallel_loop3A_691 = tpu.vector_load %arg21[%parallel_loop3A_690] {strides = array<i32>} : memref<256xi32, #tpu.memory_space<vmem>>, vector<16xi32>,
        %parallel_loop3A_692 = arith.addi %parallel_loop3A_653, %parallel_loop3A_691 : vector<16xi32>
        tpu.vector_store_idx %arg17[%parallel_loop3A_692], %parallel_loop3A_618 : memref<8192xf32, #tpu.memory_space<vmem>>[vector<16xi32>], vector<16xf32>,
        tpu.vector_store_idx %arg18[%parallel_loop3A_692], %parallel_loop3A_621 : memref<8192xf32, #tpu.memory_space<vmem>>[vector<16xi32>], vector<16xf32>,
        %parallel_loop3A_693 = arith.constant 208 : index
        %parallel_loop3A_694 = tpu.vector_load %arg21[%parallel_loop3A_693] {strides = array<i32>} : memref<256xi32, #tpu.memory_space<vmem>>, vector<16xi32>,
        %parallel_loop3A_695 = arith.addi %parallel_loop3A_653, %parallel_loop3A_694 : vector<16xi32>
        tpu.vector_store_idx %arg17[%parallel_loop3A_695], %parallel_loop3A_628 : memref<8192xf32, #tpu.memory_space<vmem>>[vector<16xi32>], vector<16xf32>,
        tpu.vector_store_idx %arg18[%parallel_loop3A_695], %parallel_loop3A_631 : memref<8192xf32, #tpu.memory_space<vmem>>[vector<16xi32>], vector<16xf32>,
        %parallel_loop3A_696 = arith.constant 224 : index
        %parallel_loop3A_697 = tpu.vector_load %arg21[%parallel_loop3A_696] {strides = array<i32>} : memref<256xi32, #tpu.memory_space<vmem>>, vector<16xi32>,
        %parallel_loop3A_698 = arith.addi %parallel_loop3A_653, %parallel_loop3A_697 : vector<16xi32>
        tpu.vector_store_idx %arg17[%parallel_loop3A_698], %parallel_loop3A_638 : memref<8192xf32, #tpu.memory_space<vmem>>[vector<16xi32>], vector<16xf32>,
        tpu.vector_store_idx %arg18[%parallel_loop3A_698], %parallel_loop3A_641 : memref<8192xf32, #tpu.memory_space<vmem>>[vector<16xi32>], vector<16xf32>,
        %parallel_loop3A_699 = arith.constant 240 : index
        %parallel_loop3A_700 = tpu.vector_load %arg21[%parallel_loop3A_699] {strides = array<i32>} : memref<256xi32, #tpu.memory_space<vmem>>, vector<16xi32>,
        %parallel_loop3A_701 = arith.addi %parallel_loop3A_653, %parallel_loop3A_700 : vector<16xi32>
        tpu.vector_store_idx %arg17[%parallel_loop3A_701], %parallel_loop3A_648 : memref<8192xf32, #tpu.memory_space<vmem>>[vector<16xi32>], vector<16xf32>,
        tpu.vector_store_idx %arg18[%parallel_loop3A_701], %parallel_loop3A_651 : memref<8192xf32, #tpu.memory_space<vmem>>[vector<16xi32>], vector<16xf32>,
      } {sc.loop_unroll_factor = 1 : i64, sc.parallel_access}
      %parallel_loop3A_91 = arith.constant 0 : i32
      %parallel_loop3A_92 = arith.constant 32 : i32
      %parallel_loop3A_93 = arith.constant 1 : i32
      scf.for %parallel_loop3A_103 = %parallel_loop3A_91 to %parallel_loop3A_92 step %parallel_loop3A_93  : i32 {
        %parallel_loop3A_104 = arith.constant 256 : i32
        %parallel_loop3A_105 = arith.muli %parallel_loop3A_103, %parallel_loop3A_104 : i32
        %parallel_loop3A_106 = arith.constant 0 : index
        %parallel_loop3A_107 = tpu.vector_load %arg21[%parallel_loop3A_106] {strides = array<i32>} : memref<256xi32, #tpu.memory_space<vmem>>, vector<16xi32>,
        %parallel_loop3A_108 = arith.constant 0 : i32
        %parallel_loop3A_109 = arith.addi %parallel_loop3A_105, %parallel_loop3A_108 : i32
        %parallel_loop3A_110 = vector.broadcast %parallel_loop3A_109 : i32 to vector<16xi32>
        %parallel_loop3A_111 = arith.addi %parallel_loop3A_107, %parallel_loop3A_110 : vector<16xi32>
        %parallel_loop3A_112 = tpu.vector_load_idx %arg17[%parallel_loop3A_111] : memref<8192xf32, #tpu.memory_space<vmem>>[vector<16xi32>], vector<16xf32>,
        %parallel_loop3A_113 = tpu.vector_load_idx %arg18[%parallel_loop3A_111] : memref<8192xf32, #tpu.memory_space<vmem>>[vector<16xi32>], vector<16xf32>,
        %parallel_loop3A_114 = arith.constant 16 : index
        %parallel_loop3A_115 = tpu.vector_load %arg21[%parallel_loop3A_114] {strides = array<i32>} : memref<256xi32, #tpu.memory_space<vmem>>, vector<16xi32>,
        %parallel_loop3A_116 = arith.constant 16 : i32
        %parallel_loop3A_117 = arith.addi %parallel_loop3A_105, %parallel_loop3A_116 : i32
        %parallel_loop3A_118 = vector.broadcast %parallel_loop3A_117 : i32 to vector<16xi32>
        %parallel_loop3A_119 = arith.addi %parallel_loop3A_115, %parallel_loop3A_118 : vector<16xi32>
        %parallel_loop3A_120 = tpu.vector_load_idx %arg17[%parallel_loop3A_119] : memref<8192xf32, #tpu.memory_space<vmem>>[vector<16xi32>], vector<16xf32>,
        %parallel_loop3A_121 = tpu.vector_load_idx %arg18[%parallel_loop3A_119] : memref<8192xf32, #tpu.memory_space<vmem>>[vector<16xi32>], vector<16xf32>,
        %parallel_loop3A_122 = arith.constant 32 : index
        %parallel_loop3A_123 = tpu.vector_load %arg21[%parallel_loop3A_122] {strides = array<i32>} : memref<256xi32, #tpu.memory_space<vmem>>, vector<16xi32>,
        %parallel_loop3A_124 = arith.constant 32 : i32
        %parallel_loop3A_125 = arith.addi %parallel_loop3A_105, %parallel_loop3A_124 : i32
        %parallel_loop3A_126 = vector.broadcast %parallel_loop3A_125 : i32 to vector<16xi32>
        %parallel_loop3A_127 = arith.addi %parallel_loop3A_123, %parallel_loop3A_126 : vector<16xi32>
        %parallel_loop3A_128 = tpu.vector_load_idx %arg17[%parallel_loop3A_127] : memref<8192xf32, #tpu.memory_space<vmem>>[vector<16xi32>], vector<16xf32>,
        %parallel_loop3A_129 = tpu.vector_load_idx %arg18[%parallel_loop3A_127] : memref<8192xf32, #tpu.memory_space<vmem>>[vector<16xi32>], vector<16xf32>,
        %parallel_loop3A_130 = arith.constant 48 : index
        %parallel_loop3A_131 = tpu.vector_load %arg21[%parallel_loop3A_130] {strides = array<i32>} : memref<256xi32, #tpu.memory_space<vmem>>, vector<16xi32>,
        %parallel_loop3A_132 = arith.constant 48 : i32
        %parallel_loop3A_133 = arith.addi %parallel_loop3A_105, %parallel_loop3A_132 : i32
        %parallel_loop3A_134 = vector.broadcast %parallel_loop3A_133 : i32 to vector<16xi32>
        %parallel_loop3A_135 = arith.addi %parallel_loop3A_131, %parallel_loop3A_134 : vector<16xi32>
        %parallel_loop3A_136 = tpu.vector_load_idx %arg17[%parallel_loop3A_135] : memref<8192xf32, #tpu.memory_space<vmem>>[vector<16xi32>], vector<16xf32>,
        %parallel_loop3A_137 = tpu.vector_load_idx %arg18[%parallel_loop3A_135] : memref<8192xf32, #tpu.memory_space<vmem>>[vector<16xi32>], vector<16xf32>,
        %parallel_loop3A_138 = arith.constant 64 : index
        %parallel_loop3A_139 = tpu.vector_load %arg21[%parallel_loop3A_138] {strides = array<i32>} : memref<256xi32, #tpu.memory_space<vmem>>, vector<16xi32>,
        %parallel_loop3A_140 = arith.constant 64 : i32
        %parallel_loop3A_141 = arith.addi %parallel_loop3A_105, %parallel_loop3A_140 : i32
        %parallel_loop3A_142 = vector.broadcast %parallel_loop3A_141 : i32 to vector<16xi32>
        %parallel_loop3A_143 = arith.addi %parallel_loop3A_139, %parallel_loop3A_142 : vector<16xi32>
        %parallel_loop3A_144 = tpu.vector_load_idx %arg17[%parallel_loop3A_143] : memref<8192xf32, #tpu.memory_space<vmem>>[vector<16xi32>], vector<16xf32>,
        %parallel_loop3A_145 = tpu.vector_load_idx %arg18[%parallel_loop3A_143] : memref<8192xf32, #tpu.memory_space<vmem>>[vector<16xi32>], vector<16xf32>,
        %parallel_loop3A_146 = arith.constant 80 : index
        %parallel_loop3A_147 = tpu.vector_load %arg21[%parallel_loop3A_146] {strides = array<i32>} : memref<256xi32, #tpu.memory_space<vmem>>, vector<16xi32>,
        %parallel_loop3A_148 = arith.constant 80 : i32
        %parallel_loop3A_149 = arith.addi %parallel_loop3A_105, %parallel_loop3A_148 : i32
        %parallel_loop3A_150 = vector.broadcast %parallel_loop3A_149 : i32 to vector<16xi32>
        %parallel_loop3A_151 = arith.addi %parallel_loop3A_147, %parallel_loop3A_150 : vector<16xi32>
        %parallel_loop3A_152 = tpu.vector_load_idx %arg17[%parallel_loop3A_151] : memref<8192xf32, #tpu.memory_space<vmem>>[vector<16xi32>], vector<16xf32>,
        %parallel_loop3A_153 = tpu.vector_load_idx %arg18[%parallel_loop3A_151] : memref<8192xf32, #tpu.memory_space<vmem>>[vector<16xi32>], vector<16xf32>,
        %parallel_loop3A_154 = arith.constant 96 : index
        %parallel_loop3A_155 = tpu.vector_load %arg21[%parallel_loop3A_154] {strides = array<i32>} : memref<256xi32, #tpu.memory_space<vmem>>, vector<16xi32>,
        %parallel_loop3A_156 = arith.constant 96 : i32
        %parallel_loop3A_157 = arith.addi %parallel_loop3A_105, %parallel_loop3A_156 : i32
        %parallel_loop3A_158 = vector.broadcast %parallel_loop3A_157 : i32 to vector<16xi32>
        %parallel_loop3A_159 = arith.addi %parallel_loop3A_155, %parallel_loop3A_158 : vector<16xi32>
        %parallel_loop3A_160 = tpu.vector_load_idx %arg17[%parallel_loop3A_159] : memref<8192xf32, #tpu.memory_space<vmem>>[vector<16xi32>], vector<16xf32>,
        %parallel_loop3A_161 = tpu.vector_load_idx %arg18[%parallel_loop3A_159] : memref<8192xf32, #tpu.memory_space<vmem>>[vector<16xi32>], vector<16xf32>,
        %parallel_loop3A_162 = arith.constant 112 : index
        %parallel_loop3A_163 = tpu.vector_load %arg21[%parallel_loop3A_162] {strides = array<i32>} : memref<256xi32, #tpu.memory_space<vmem>>, vector<16xi32>,
        %parallel_loop3A_164 = arith.constant 112 : i32
        %parallel_loop3A_165 = arith.addi %parallel_loop3A_105, %parallel_loop3A_164 : i32
        %parallel_loop3A_166 = vector.broadcast %parallel_loop3A_165 : i32 to vector<16xi32>
        %parallel_loop3A_167 = arith.addi %parallel_loop3A_163, %parallel_loop3A_166 : vector<16xi32>
        %parallel_loop3A_168 = tpu.vector_load_idx %arg17[%parallel_loop3A_167] : memref<8192xf32, #tpu.memory_space<vmem>>[vector<16xi32>], vector<16xf32>,
        %parallel_loop3A_169 = tpu.vector_load_idx %arg18[%parallel_loop3A_167] : memref<8192xf32, #tpu.memory_space<vmem>>[vector<16xi32>], vector<16xf32>,
        %parallel_loop3A_170 = arith.constant 128 : index
        %parallel_loop3A_171 = tpu.vector_load %arg21[%parallel_loop3A_170] {strides = array<i32>} : memref<256xi32, #tpu.memory_space<vmem>>, vector<16xi32>,
        %parallel_loop3A_172 = arith.constant 128 : i32
        %parallel_loop3A_173 = arith.addi %parallel_loop3A_105, %parallel_loop3A_172 : i32
        %parallel_loop3A_174 = vector.broadcast %parallel_loop3A_173 : i32 to vector<16xi32>
        %parallel_loop3A_175 = arith.addi %parallel_loop3A_171, %parallel_loop3A_174 : vector<16xi32>
        %parallel_loop3A_176 = tpu.vector_load_idx %arg17[%parallel_loop3A_175] : memref<8192xf32, #tpu.memory_space<vmem>>[vector<16xi32>], vector<16xf32>,
        %parallel_loop3A_177 = tpu.vector_load_idx %arg18[%parallel_loop3A_175] : memref<8192xf32, #tpu.memory_space<vmem>>[vector<16xi32>], vector<16xf32>,
        %parallel_loop3A_178 = arith.constant 144 : index
        %parallel_loop3A_179 = tpu.vector_load %arg21[%parallel_loop3A_178] {strides = array<i32>} : memref<256xi32, #tpu.memory_space<vmem>>, vector<16xi32>,
        %parallel_loop3A_180 = arith.constant 144 : i32
        %parallel_loop3A_181 = arith.addi %parallel_loop3A_105, %parallel_loop3A_180 : i32
        %parallel_loop3A_182 = vector.broadcast %parallel_loop3A_181 : i32 to vector<16xi32>
        %parallel_loop3A_183 = arith.addi %parallel_loop3A_179, %parallel_loop3A_182 : vector<16xi32>
        %parallel_loop3A_184 = tpu.vector_load_idx %arg17[%parallel_loop3A_183] : memref<8192xf32, #tpu.memory_space<vmem>>[vector<16xi32>], vector<16xf32>,
        %parallel_loop3A_185 = tpu.vector_load_idx %arg18[%parallel_loop3A_183] : memref<8192xf32, #tpu.memory_space<vmem>>[vector<16xi32>], vector<16xf32>,
        %parallel_loop3A_186 = arith.constant 160 : index
        %parallel_loop3A_187 = tpu.vector_load %arg21[%parallel_loop3A_186] {strides = array<i32>} : memref<256xi32, #tpu.memory_space<vmem>>, vector<16xi32>,
        %parallel_loop3A_188 = arith.constant 160 : i32
        %parallel_loop3A_189 = arith.addi %parallel_loop3A_105, %parallel_loop3A_188 : i32
        %parallel_loop3A_190 = vector.broadcast %parallel_loop3A_189 : i32 to vector<16xi32>
        %parallel_loop3A_191 = arith.addi %parallel_loop3A_187, %parallel_loop3A_190 : vector<16xi32>
        %parallel_loop3A_192 = tpu.vector_load_idx %arg17[%parallel_loop3A_191] : memref<8192xf32, #tpu.memory_space<vmem>>[vector<16xi32>], vector<16xf32>,
        %parallel_loop3A_193 = tpu.vector_load_idx %arg18[%parallel_loop3A_191] : memref<8192xf32, #tpu.memory_space<vmem>>[vector<16xi32>], vector<16xf32>,
        %parallel_loop3A_194 = arith.constant 176 : index
        %parallel_loop3A_195 = tpu.vector_load %arg21[%parallel_loop3A_194] {strides = array<i32>} : memref<256xi32, #tpu.memory_space<vmem>>, vector<16xi32>,
        %parallel_loop3A_196 = arith.constant 176 : i32
        %parallel_loop3A_197 = arith.addi %parallel_loop3A_105, %parallel_loop3A_196 : i32
        %parallel_loop3A_198 = vector.broadcast %parallel_loop3A_197 : i32 to vector<16xi32>
        %parallel_loop3A_199 = arith.addi %parallel_loop3A_195, %parallel_loop3A_198 : vector<16xi32>
        %parallel_loop3A_200 = tpu.vector_load_idx %arg17[%parallel_loop3A_199] : memref<8192xf32, #tpu.memory_space<vmem>>[vector<16xi32>], vector<16xf32>,
        %parallel_loop3A_201 = tpu.vector_load_idx %arg18[%parallel_loop3A_199] : memref<8192xf32, #tpu.memory_space<vmem>>[vector<16xi32>], vector<16xf32>,
        %parallel_loop3A_202 = arith.constant 192 : index
        %parallel_loop3A_203 = tpu.vector_load %arg21[%parallel_loop3A_202] {strides = array<i32>} : memref<256xi32, #tpu.memory_space<vmem>>, vector<16xi32>,
        %parallel_loop3A_204 = arith.constant 192 : i32
        %parallel_loop3A_205 = arith.addi %parallel_loop3A_105, %parallel_loop3A_204 : i32
        %parallel_loop3A_206 = vector.broadcast %parallel_loop3A_205 : i32 to vector<16xi32>
        %parallel_loop3A_207 = arith.addi %parallel_loop3A_203, %parallel_loop3A_206 : vector<16xi32>
        %parallel_loop3A_208 = tpu.vector_load_idx %arg17[%parallel_loop3A_207] : memref<8192xf32, #tpu.memory_space<vmem>>[vector<16xi32>], vector<16xf32>,
        %parallel_loop3A_209 = tpu.vector_load_idx %arg18[%parallel_loop3A_207] : memref<8192xf32, #tpu.memory_space<vmem>>[vector<16xi32>], vector<16xf32>,
        %parallel_loop3A_210 = arith.constant 208 : index
        %parallel_loop3A_211 = tpu.vector_load %arg21[%parallel_loop3A_210] {strides = array<i32>} : memref<256xi32, #tpu.memory_space<vmem>>, vector<16xi32>,
        %parallel_loop3A_212 = arith.constant 208 : i32
        %parallel_loop3A_213 = arith.addi %parallel_loop3A_105, %parallel_loop3A_212 : i32
        %parallel_loop3A_214 = vector.broadcast %parallel_loop3A_213 : i32 to vector<16xi32>
        %parallel_loop3A_215 = arith.addi %parallel_loop3A_211, %parallel_loop3A_214 : vector<16xi32>
        %parallel_loop3A_216 = tpu.vector_load_idx %arg17[%parallel_loop3A_215] : memref<8192xf32, #tpu.memory_space<vmem>>[vector<16xi32>], vector<16xf32>,
        %parallel_loop3A_217 = tpu.vector_load_idx %arg18[%parallel_loop3A_215] : memref<8192xf32, #tpu.memory_space<vmem>>[vector<16xi32>], vector<16xf32>,
        %parallel_loop3A_218 = arith.constant 224 : index
        %parallel_loop3A_219 = tpu.vector_load %arg21[%parallel_loop3A_218] {strides = array<i32>} : memref<256xi32, #tpu.memory_space<vmem>>, vector<16xi32>,
        %parallel_loop3A_220 = arith.constant 224 : i32
        %parallel_loop3A_221 = arith.addi %parallel_loop3A_105, %parallel_loop3A_220 : i32
        %parallel_loop3A_222 = vector.broadcast %parallel_loop3A_221 : i32 to vector<16xi32>
        %parallel_loop3A_223 = arith.addi %parallel_loop3A_219, %parallel_loop3A_222 : vector<16xi32>
        %parallel_loop3A_224 = tpu.vector_load_idx %arg17[%parallel_loop3A_223] : memref<8192xf32, #tpu.memory_space<vmem>>[vector<16xi32>], vector<16xf32>,
        %parallel_loop3A_225 = tpu.vector_load_idx %arg18[%parallel_loop3A_223] : memref<8192xf32, #tpu.memory_space<vmem>>[vector<16xi32>], vector<16xf32>,
        %parallel_loop3A_226 = arith.constant 240 : index
        %parallel_loop3A_227 = tpu.vector_load %arg21[%parallel_loop3A_226] {strides = array<i32>} : memref<256xi32, #tpu.memory_space<vmem>>, vector<16xi32>,
        %parallel_loop3A_228 = arith.constant 240 : i32
        %parallel_loop3A_229 = arith.addi %parallel_loop3A_105, %parallel_loop3A_228 : i32
        %parallel_loop3A_230 = vector.broadcast %parallel_loop3A_229 : i32 to vector<16xi32>
        %parallel_loop3A_231 = arith.addi %parallel_loop3A_227, %parallel_loop3A_230 : vector<16xi32>
        %parallel_loop3A_232 = tpu.vector_load_idx %arg17[%parallel_loop3A_231] : memref<8192xf32, #tpu.memory_space<vmem>>[vector<16xi32>], vector<16xf32>,
        %parallel_loop3A_233 = tpu.vector_load_idx %arg18[%parallel_loop3A_231] : memref<8192xf32, #tpu.memory_space<vmem>>[vector<16xi32>], vector<16xf32>,
        %parallel_loop3A_234 = arith.addf %parallel_loop3A_112, %parallel_loop3A_176 : vector<16xf32>
        %parallel_loop3A_235 = arith.addf %parallel_loop3A_113, %parallel_loop3A_177 : vector<16xf32>
        %parallel_loop3A_236 = arith.subf %parallel_loop3A_112, %parallel_loop3A_176 : vector<16xf32>
        %parallel_loop3A_237 = arith.subf %parallel_loop3A_113, %parallel_loop3A_177 : vector<16xf32>
        %parallel_loop3A_238 = arith.addf %parallel_loop3A_144, %parallel_loop3A_208 : vector<16xf32>
        %parallel_loop3A_239 = arith.addf %parallel_loop3A_145, %parallel_loop3A_209 : vector<16xf32>
        %parallel_loop3A_240 = arith.subf %parallel_loop3A_144, %parallel_loop3A_208 : vector<16xf32>
        %parallel_loop3A_241 = arith.subf %parallel_loop3A_145, %parallel_loop3A_209 : vector<16xf32>
        %parallel_loop3A_242 = arith.addf %parallel_loop3A_128, %parallel_loop3A_192 : vector<16xf32>
        %parallel_loop3A_243 = arith.addf %parallel_loop3A_129, %parallel_loop3A_193 : vector<16xf32>
        %parallel_loop3A_244 = arith.subf %parallel_loop3A_128, %parallel_loop3A_192 : vector<16xf32>
        %parallel_loop3A_245 = arith.subf %parallel_loop3A_129, %parallel_loop3A_193 : vector<16xf32>
        %parallel_loop3A_246 = arith.addf %parallel_loop3A_160, %parallel_loop3A_224 : vector<16xf32>
        %parallel_loop3A_247 = arith.addf %parallel_loop3A_161, %parallel_loop3A_225 : vector<16xf32>
        %parallel_loop3A_248 = arith.subf %parallel_loop3A_160, %parallel_loop3A_224 : vector<16xf32>
        %parallel_loop3A_249 = arith.subf %parallel_loop3A_161, %parallel_loop3A_225 : vector<16xf32>
        %parallel_loop3A_250 = arith.addf %parallel_loop3A_120, %parallel_loop3A_184 : vector<16xf32>
        %parallel_loop3A_251 = arith.addf %parallel_loop3A_121, %parallel_loop3A_185 : vector<16xf32>
        %parallel_loop3A_252 = arith.subf %parallel_loop3A_120, %parallel_loop3A_184 : vector<16xf32>
        %parallel_loop3A_253 = arith.subf %parallel_loop3A_121, %parallel_loop3A_185 : vector<16xf32>
        %parallel_loop3A_254 = arith.addf %parallel_loop3A_152, %parallel_loop3A_216 : vector<16xf32>
        %parallel_loop3A_255 = arith.addf %parallel_loop3A_153, %parallel_loop3A_217 : vector<16xf32>
        %parallel_loop3A_256 = arith.subf %parallel_loop3A_152, %parallel_loop3A_216 : vector<16xf32>
        %parallel_loop3A_257 = arith.subf %parallel_loop3A_153, %parallel_loop3A_217 : vector<16xf32>
        %parallel_loop3A_258 = arith.addf %parallel_loop3A_136, %parallel_loop3A_200 : vector<16xf32>
        %parallel_loop3A_259 = arith.addf %parallel_loop3A_137, %parallel_loop3A_201 : vector<16xf32>
        %parallel_loop3A_260 = arith.subf %parallel_loop3A_136, %parallel_loop3A_200 : vector<16xf32>
        %parallel_loop3A_261 = arith.subf %parallel_loop3A_137, %parallel_loop3A_201 : vector<16xf32>
        %parallel_loop3A_262 = arith.addf %parallel_loop3A_168, %parallel_loop3A_232 : vector<16xf32>
        %parallel_loop3A_263 = arith.addf %parallel_loop3A_169, %parallel_loop3A_233 : vector<16xf32>
        %parallel_loop3A_264 = arith.subf %parallel_loop3A_168, %parallel_loop3A_232 : vector<16xf32>
        %parallel_loop3A_265 = arith.subf %parallel_loop3A_169, %parallel_loop3A_233 : vector<16xf32>
        %parallel_loop3A_266 = arith.addf %parallel_loop3A_234, %parallel_loop3A_238 : vector<16xf32>
        %parallel_loop3A_267 = arith.addf %parallel_loop3A_235, %parallel_loop3A_239 : vector<16xf32>
        %parallel_loop3A_268 = arith.subf %parallel_loop3A_234, %parallel_loop3A_238 : vector<16xf32>
        %parallel_loop3A_269 = arith.subf %parallel_loop3A_235, %parallel_loop3A_239 : vector<16xf32>
        %parallel_loop3A_270 = arith.addf %parallel_loop3A_236, %parallel_loop3A_241 : vector<16xf32>
        %parallel_loop3A_271 = arith.subf %parallel_loop3A_237, %parallel_loop3A_240 : vector<16xf32>
        %parallel_loop3A_272 = arith.subf %parallel_loop3A_236, %parallel_loop3A_241 : vector<16xf32>
        %parallel_loop3A_273 = arith.addf %parallel_loop3A_237, %parallel_loop3A_240 : vector<16xf32>
        %parallel_loop3A_274 = arith.addf %parallel_loop3A_242, %parallel_loop3A_246 : vector<16xf32>
        %parallel_loop3A_275 = arith.addf %parallel_loop3A_243, %parallel_loop3A_247 : vector<16xf32>
        %parallel_loop3A_276 = arith.subf %parallel_loop3A_242, %parallel_loop3A_246 : vector<16xf32>
        %parallel_loop3A_277 = arith.subf %parallel_loop3A_243, %parallel_loop3A_247 : vector<16xf32>
        %parallel_loop3A_278 = arith.addf %parallel_loop3A_244, %parallel_loop3A_249 : vector<16xf32>
        %parallel_loop3A_279 = arith.subf %parallel_loop3A_245, %parallel_loop3A_248 : vector<16xf32>
        %parallel_loop3A_280 = arith.subf %parallel_loop3A_244, %parallel_loop3A_249 : vector<16xf32>
        %parallel_loop3A_281 = arith.addf %parallel_loop3A_245, %parallel_loop3A_248 : vector<16xf32>
        %parallel_loop3A_282 = arith.addf %parallel_loop3A_250, %parallel_loop3A_254 : vector<16xf32>
        %parallel_loop3A_283 = arith.addf %parallel_loop3A_251, %parallel_loop3A_255 : vector<16xf32>
        %parallel_loop3A_284 = arith.subf %parallel_loop3A_250, %parallel_loop3A_254 : vector<16xf32>
        %parallel_loop3A_285 = arith.subf %parallel_loop3A_251, %parallel_loop3A_255 : vector<16xf32>
        %parallel_loop3A_286 = arith.addf %parallel_loop3A_252, %parallel_loop3A_257 : vector<16xf32>
        %parallel_loop3A_287 = arith.subf %parallel_loop3A_253, %parallel_loop3A_256 : vector<16xf32>
        %parallel_loop3A_288 = arith.subf %parallel_loop3A_252, %parallel_loop3A_257 : vector<16xf32>
        %parallel_loop3A_289 = arith.addf %parallel_loop3A_253, %parallel_loop3A_256 : vector<16xf32>
        %parallel_loop3A_290 = arith.addf %parallel_loop3A_258, %parallel_loop3A_262 : vector<16xf32>
        %parallel_loop3A_291 = arith.addf %parallel_loop3A_259, %parallel_loop3A_263 : vector<16xf32>
        %parallel_loop3A_292 = arith.subf %parallel_loop3A_258, %parallel_loop3A_262 : vector<16xf32>
        %parallel_loop3A_293 = arith.subf %parallel_loop3A_259, %parallel_loop3A_263 : vector<16xf32>
        %parallel_loop3A_294 = arith.addf %parallel_loop3A_260, %parallel_loop3A_265 : vector<16xf32>
        %parallel_loop3A_295 = arith.subf %parallel_loop3A_261, %parallel_loop3A_264 : vector<16xf32>
        %parallel_loop3A_296 = arith.subf %parallel_loop3A_260, %parallel_loop3A_265 : vector<16xf32>
        %parallel_loop3A_297 = arith.addf %parallel_loop3A_261, %parallel_loop3A_264 : vector<16xf32>
        %parallel_loop3A_298 = arith.addf %parallel_loop3A_266, %parallel_loop3A_274 : vector<16xf32>
        %parallel_loop3A_299 = arith.addf %parallel_loop3A_267, %parallel_loop3A_275 : vector<16xf32>
        %parallel_loop3A_300 = arith.subf %parallel_loop3A_266, %parallel_loop3A_274 : vector<16xf32>
        %parallel_loop3A_301 = arith.subf %parallel_loop3A_267, %parallel_loop3A_275 : vector<16xf32>
        %parallel_loop3A_302 = arith.constant 0.707106769 : f32
        %parallel_loop3A_303 = vector.broadcast %parallel_loop3A_302 : f32 to vector<16xf32>
        %parallel_loop3A_304 = arith.mulf %parallel_loop3A_278, %parallel_loop3A_303 : vector<16xf32>
        %parallel_loop3A_305 = arith.constant -0.707106769 : f32
        %parallel_loop3A_306 = vector.broadcast %parallel_loop3A_305 : f32 to vector<16xf32>
        %parallel_loop3A_307 = arith.mulf %parallel_loop3A_279, %parallel_loop3A_306 : vector<16xf32>
        %parallel_loop3A_308 = arith.subf %parallel_loop3A_304, %parallel_loop3A_307 : vector<16xf32>
        %parallel_loop3A_309 = arith.constant -0.707106769 : f32
        %parallel_loop3A_310 = vector.broadcast %parallel_loop3A_309 : f32 to vector<16xf32>
        %parallel_loop3A_311 = arith.mulf %parallel_loop3A_278, %parallel_loop3A_310 : vector<16xf32>
        %parallel_loop3A_312 = arith.constant 0.707106769 : f32
        %parallel_loop3A_313 = vector.broadcast %parallel_loop3A_312 : f32 to vector<16xf32>
        %parallel_loop3A_314 = arith.mulf %parallel_loop3A_279, %parallel_loop3A_313 : vector<16xf32>
        %parallel_loop3A_315 = arith.addf %parallel_loop3A_311, %parallel_loop3A_314 : vector<16xf32>
        %parallel_loop3A_316 = arith.addf %parallel_loop3A_270, %parallel_loop3A_308 : vector<16xf32>
        %parallel_loop3A_317 = arith.addf %parallel_loop3A_271, %parallel_loop3A_315 : vector<16xf32>
        %parallel_loop3A_318 = arith.subf %parallel_loop3A_270, %parallel_loop3A_308 : vector<16xf32>
        %parallel_loop3A_319 = arith.subf %parallel_loop3A_271, %parallel_loop3A_315 : vector<16xf32>
        %parallel_loop3A_320 = arith.addf %parallel_loop3A_268, %parallel_loop3A_277 : vector<16xf32>
        %parallel_loop3A_321 = arith.subf %parallel_loop3A_269, %parallel_loop3A_276 : vector<16xf32>
        %parallel_loop3A_322 = arith.subf %parallel_loop3A_268, %parallel_loop3A_277 : vector<16xf32>
        %parallel_loop3A_323 = arith.addf %parallel_loop3A_269, %parallel_loop3A_276 : vector<16xf32>
        %parallel_loop3A_324 = arith.constant -0.707106769 : f32
        %parallel_loop3A_325 = vector.broadcast %parallel_loop3A_324 : f32 to vector<16xf32>
        %parallel_loop3A_326 = arith.mulf %parallel_loop3A_280, %parallel_loop3A_325 : vector<16xf32>
        %parallel_loop3A_327 = arith.constant -0.707106769 : f32
        %parallel_loop3A_328 = vector.broadcast %parallel_loop3A_327 : f32 to vector<16xf32>
        %parallel_loop3A_329 = arith.mulf %parallel_loop3A_281, %parallel_loop3A_328 : vector<16xf32>
        %parallel_loop3A_330 = arith.subf %parallel_loop3A_326, %parallel_loop3A_329 : vector<16xf32>
        %parallel_loop3A_331 = arith.constant -0.707106769 : f32
        %parallel_loop3A_332 = vector.broadcast %parallel_loop3A_331 : f32 to vector<16xf32>
        %parallel_loop3A_333 = arith.mulf %parallel_loop3A_280, %parallel_loop3A_332 : vector<16xf32>
        %parallel_loop3A_334 = arith.constant -0.707106769 : f32
        %parallel_loop3A_335 = vector.broadcast %parallel_loop3A_334 : f32 to vector<16xf32>
        %parallel_loop3A_336 = arith.mulf %parallel_loop3A_281, %parallel_loop3A_335 : vector<16xf32>
        %parallel_loop3A_337 = arith.addf %parallel_loop3A_333, %parallel_loop3A_336 : vector<16xf32>
        %parallel_loop3A_338 = arith.addf %parallel_loop3A_272, %parallel_loop3A_330 : vector<16xf32>
        %parallel_loop3A_339 = arith.addf %parallel_loop3A_273, %parallel_loop3A_337 : vector<16xf32>
        %parallel_loop3A_340 = arith.subf %parallel_loop3A_272, %parallel_loop3A_330 : vector<16xf32>
        %parallel_loop3A_341 = arith.subf %parallel_loop3A_273, %parallel_loop3A_337 : vector<16xf32>
        %parallel_loop3A_342 = arith.addf %parallel_loop3A_282, %parallel_loop3A_290 : vector<16xf32>
        %parallel_loop3A_343 = arith.addf %parallel_loop3A_283, %parallel_loop3A_291 : vector<16xf32>
        %parallel_loop3A_344 = arith.subf %parallel_loop3A_282, %parallel_loop3A_290 : vector<16xf32>
        %parallel_loop3A_345 = arith.subf %parallel_loop3A_283, %parallel_loop3A_291 : vector<16xf32>
        %parallel_loop3A_346 = arith.constant 0.707106769 : f32
        %parallel_loop3A_347 = vector.broadcast %parallel_loop3A_346 : f32 to vector<16xf32>
        %parallel_loop3A_348 = arith.mulf %parallel_loop3A_294, %parallel_loop3A_347 : vector<16xf32>
        %parallel_loop3A_349 = arith.constant -0.707106769 : f32
        %parallel_loop3A_350 = vector.broadcast %parallel_loop3A_349 : f32 to vector<16xf32>
        %parallel_loop3A_351 = arith.mulf %parallel_loop3A_295, %parallel_loop3A_350 : vector<16xf32>
        %parallel_loop3A_352 = arith.subf %parallel_loop3A_348, %parallel_loop3A_351 : vector<16xf32>
        %parallel_loop3A_353 = arith.constant -0.707106769 : f32
        %parallel_loop3A_354 = vector.broadcast %parallel_loop3A_353 : f32 to vector<16xf32>
        %parallel_loop3A_355 = arith.mulf %parallel_loop3A_294, %parallel_loop3A_354 : vector<16xf32>
        %parallel_loop3A_356 = arith.constant 0.707106769 : f32
        %parallel_loop3A_357 = vector.broadcast %parallel_loop3A_356 : f32 to vector<16xf32>
        %parallel_loop3A_358 = arith.mulf %parallel_loop3A_295, %parallel_loop3A_357 : vector<16xf32>
        %parallel_loop3A_359 = arith.addf %parallel_loop3A_355, %parallel_loop3A_358 : vector<16xf32>
        %parallel_loop3A_360 = arith.addf %parallel_loop3A_286, %parallel_loop3A_352 : vector<16xf32>
        %parallel_loop3A_361 = arith.addf %parallel_loop3A_287, %parallel_loop3A_359 : vector<16xf32>
        %parallel_loop3A_362 = arith.subf %parallel_loop3A_286, %parallel_loop3A_352 : vector<16xf32>
        %parallel_loop3A_363 = arith.subf %parallel_loop3A_287, %parallel_loop3A_359 : vector<16xf32>
        %parallel_loop3A_364 = arith.addf %parallel_loop3A_284, %parallel_loop3A_293 : vector<16xf32>
        %parallel_loop3A_365 = arith.subf %parallel_loop3A_285, %parallel_loop3A_292 : vector<16xf32>
        %parallel_loop3A_366 = arith.subf %parallel_loop3A_284, %parallel_loop3A_293 : vector<16xf32>
        %parallel_loop3A_367 = arith.addf %parallel_loop3A_285, %parallel_loop3A_292 : vector<16xf32>
        %parallel_loop3A_368 = arith.constant -0.707106769 : f32
        %parallel_loop3A_369 = vector.broadcast %parallel_loop3A_368 : f32 to vector<16xf32>
        %parallel_loop3A_370 = arith.mulf %parallel_loop3A_296, %parallel_loop3A_369 : vector<16xf32>
        %parallel_loop3A_371 = arith.constant -0.707106769 : f32
        %parallel_loop3A_372 = vector.broadcast %parallel_loop3A_371 : f32 to vector<16xf32>
        %parallel_loop3A_373 = arith.mulf %parallel_loop3A_297, %parallel_loop3A_372 : vector<16xf32>
        %parallel_loop3A_374 = arith.subf %parallel_loop3A_370, %parallel_loop3A_373 : vector<16xf32>
        %parallel_loop3A_375 = arith.constant -0.707106769 : f32
        %parallel_loop3A_376 = vector.broadcast %parallel_loop3A_375 : f32 to vector<16xf32>
        %parallel_loop3A_377 = arith.mulf %parallel_loop3A_296, %parallel_loop3A_376 : vector<16xf32>
        %parallel_loop3A_378 = arith.constant -0.707106769 : f32
        %parallel_loop3A_379 = vector.broadcast %parallel_loop3A_378 : f32 to vector<16xf32>
        %parallel_loop3A_380 = arith.mulf %parallel_loop3A_297, %parallel_loop3A_379 : vector<16xf32>
        %parallel_loop3A_381 = arith.addf %parallel_loop3A_377, %parallel_loop3A_380 : vector<16xf32>
        %parallel_loop3A_382 = arith.addf %parallel_loop3A_288, %parallel_loop3A_374 : vector<16xf32>
        %parallel_loop3A_383 = arith.addf %parallel_loop3A_289, %parallel_loop3A_381 : vector<16xf32>
        %parallel_loop3A_384 = arith.subf %parallel_loop3A_288, %parallel_loop3A_374 : vector<16xf32>
        %parallel_loop3A_385 = arith.subf %parallel_loop3A_289, %parallel_loop3A_381 : vector<16xf32>
        %parallel_loop3A_386 = arith.addf %parallel_loop3A_298, %parallel_loop3A_342 : vector<16xf32>
        %parallel_loop3A_387 = arith.addf %parallel_loop3A_299, %parallel_loop3A_343 : vector<16xf32>
        %parallel_loop3A_388 = arith.subf %parallel_loop3A_298, %parallel_loop3A_342 : vector<16xf32>
        %parallel_loop3A_389 = arith.subf %parallel_loop3A_299, %parallel_loop3A_343 : vector<16xf32>
        %parallel_loop3A_390 = arith.constant 0.923879504 : f32
        %parallel_loop3A_391 = vector.broadcast %parallel_loop3A_390 : f32 to vector<16xf32>
        %parallel_loop3A_392 = arith.mulf %parallel_loop3A_360, %parallel_loop3A_391 : vector<16xf32>
        %parallel_loop3A_393 = arith.constant -0.382683426 : f32
        %parallel_loop3A_394 = vector.broadcast %parallel_loop3A_393 : f32 to vector<16xf32>
        %parallel_loop3A_395 = arith.mulf %parallel_loop3A_361, %parallel_loop3A_394 : vector<16xf32>
        %parallel_loop3A_396 = arith.subf %parallel_loop3A_392, %parallel_loop3A_395 : vector<16xf32>
        %parallel_loop3A_397 = arith.constant -0.382683426 : f32
        %parallel_loop3A_398 = vector.broadcast %parallel_loop3A_397 : f32 to vector<16xf32>
        %parallel_loop3A_399 = arith.mulf %parallel_loop3A_360, %parallel_loop3A_398 : vector<16xf32>
        %parallel_loop3A_400 = arith.constant 0.923879504 : f32
        %parallel_loop3A_401 = vector.broadcast %parallel_loop3A_400 : f32 to vector<16xf32>
        %parallel_loop3A_402 = arith.mulf %parallel_loop3A_361, %parallel_loop3A_401 : vector<16xf32>
        %parallel_loop3A_403 = arith.addf %parallel_loop3A_399, %parallel_loop3A_402 : vector<16xf32>
        %parallel_loop3A_404 = arith.addf %parallel_loop3A_316, %parallel_loop3A_396 : vector<16xf32>
        %parallel_loop3A_405 = arith.addf %parallel_loop3A_317, %parallel_loop3A_403 : vector<16xf32>
        %parallel_loop3A_406 = arith.subf %parallel_loop3A_316, %parallel_loop3A_396 : vector<16xf32>
        %parallel_loop3A_407 = arith.subf %parallel_loop3A_317, %parallel_loop3A_403 : vector<16xf32>
        %parallel_loop3A_408 = arith.constant 0.707106769 : f32
        %parallel_loop3A_409 = vector.broadcast %parallel_loop3A_408 : f32 to vector<16xf32>
        %parallel_loop3A_410 = arith.mulf %parallel_loop3A_364, %parallel_loop3A_409 : vector<16xf32>
        %parallel_loop3A_411 = arith.constant -0.707106769 : f32
        %parallel_loop3A_412 = vector.broadcast %parallel_loop3A_411 : f32 to vector<16xf32>
        %parallel_loop3A_413 = arith.mulf %parallel_loop3A_365, %parallel_loop3A_412 : vector<16xf32>
        %parallel_loop3A_414 = arith.subf %parallel_loop3A_410, %parallel_loop3A_413 : vector<16xf32>
        %parallel_loop3A_415 = arith.constant -0.707106769 : f32
        %parallel_loop3A_416 = vector.broadcast %parallel_loop3A_415 : f32 to vector<16xf32>
        %parallel_loop3A_417 = arith.mulf %parallel_loop3A_364, %parallel_loop3A_416 : vector<16xf32>
        %parallel_loop3A_418 = arith.constant 0.707106769 : f32
        %parallel_loop3A_419 = vector.broadcast %parallel_loop3A_418 : f32 to vector<16xf32>
        %parallel_loop3A_420 = arith.mulf %parallel_loop3A_365, %parallel_loop3A_419 : vector<16xf32>
        %parallel_loop3A_421 = arith.addf %parallel_loop3A_417, %parallel_loop3A_420 : vector<16xf32>
        %parallel_loop3A_422 = arith.addf %parallel_loop3A_320, %parallel_loop3A_414 : vector<16xf32>
        %parallel_loop3A_423 = arith.addf %parallel_loop3A_321, %parallel_loop3A_421 : vector<16xf32>
        %parallel_loop3A_424 = arith.subf %parallel_loop3A_320, %parallel_loop3A_414 : vector<16xf32>
        %parallel_loop3A_425 = arith.subf %parallel_loop3A_321, %parallel_loop3A_421 : vector<16xf32>
        %parallel_loop3A_426 = arith.constant 0.382683426 : f32
        %parallel_loop3A_427 = vector.broadcast %parallel_loop3A_426 : f32 to vector<16xf32>
        %parallel_loop3A_428 = arith.mulf %parallel_loop3A_382, %parallel_loop3A_427 : vector<16xf32>
        %parallel_loop3A_429 = arith.constant -0.923879504 : f32
        %parallel_loop3A_430 = vector.broadcast %parallel_loop3A_429 : f32 to vector<16xf32>
        %parallel_loop3A_431 = arith.mulf %parallel_loop3A_383, %parallel_loop3A_430 : vector<16xf32>
        %parallel_loop3A_432 = arith.subf %parallel_loop3A_428, %parallel_loop3A_431 : vector<16xf32>
        %parallel_loop3A_433 = arith.constant -0.923879504 : f32
        %parallel_loop3A_434 = vector.broadcast %parallel_loop3A_433 : f32 to vector<16xf32>
        %parallel_loop3A_435 = arith.mulf %parallel_loop3A_382, %parallel_loop3A_434 : vector<16xf32>
        %parallel_loop3A_436 = arith.constant 0.382683426 : f32
        %parallel_loop3A_437 = vector.broadcast %parallel_loop3A_436 : f32 to vector<16xf32>
        %parallel_loop3A_438 = arith.mulf %parallel_loop3A_383, %parallel_loop3A_437 : vector<16xf32>
        %parallel_loop3A_439 = arith.addf %parallel_loop3A_435, %parallel_loop3A_438 : vector<16xf32>
        %parallel_loop3A_440 = arith.addf %parallel_loop3A_338, %parallel_loop3A_432 : vector<16xf32>
        %parallel_loop3A_441 = arith.addf %parallel_loop3A_339, %parallel_loop3A_439 : vector<16xf32>
        %parallel_loop3A_442 = arith.subf %parallel_loop3A_338, %parallel_loop3A_432 : vector<16xf32>
        %parallel_loop3A_443 = arith.subf %parallel_loop3A_339, %parallel_loop3A_439 : vector<16xf32>
        %parallel_loop3A_444 = arith.addf %parallel_loop3A_300, %parallel_loop3A_345 : vector<16xf32>
        %parallel_loop3A_445 = arith.subf %parallel_loop3A_301, %parallel_loop3A_344 : vector<16xf32>
        %parallel_loop3A_446 = arith.subf %parallel_loop3A_300, %parallel_loop3A_345 : vector<16xf32>
        %parallel_loop3A_447 = arith.addf %parallel_loop3A_301, %parallel_loop3A_344 : vector<16xf32>
        %parallel_loop3A_448 = arith.constant -0.382683426 : f32
        %parallel_loop3A_449 = vector.broadcast %parallel_loop3A_448 : f32 to vector<16xf32>
        %parallel_loop3A_450 = arith.mulf %parallel_loop3A_362, %parallel_loop3A_449 : vector<16xf32>
        %parallel_loop3A_451 = arith.constant -0.923879504 : f32
        %parallel_loop3A_452 = vector.broadcast %parallel_loop3A_451 : f32 to vector<16xf32>
        %parallel_loop3A_453 = arith.mulf %parallel_loop3A_363, %parallel_loop3A_452 : vector<16xf32>
        %parallel_loop3A_454 = arith.subf %parallel_loop3A_450, %parallel_loop3A_453 : vector<16xf32>
        %parallel_loop3A_455 = arith.constant -0.923879504 : f32
        %parallel_loop3A_456 = vector.broadcast %parallel_loop3A_455 : f32 to vector<16xf32>
        %parallel_loop3A_457 = arith.mulf %parallel_loop3A_362, %parallel_loop3A_456 : vector<16xf32>
        %parallel_loop3A_458 = arith.constant -0.382683426 : f32
        %parallel_loop3A_459 = vector.broadcast %parallel_loop3A_458 : f32 to vector<16xf32>
        %parallel_loop3A_460 = arith.mulf %parallel_loop3A_363, %parallel_loop3A_459 : vector<16xf32>
        %parallel_loop3A_461 = arith.addf %parallel_loop3A_457, %parallel_loop3A_460 : vector<16xf32>
        %parallel_loop3A_462 = arith.addf %parallel_loop3A_318, %parallel_loop3A_454 : vector<16xf32>
        %parallel_loop3A_463 = arith.addf %parallel_loop3A_319, %parallel_loop3A_461 : vector<16xf32>
        %parallel_loop3A_464 = arith.subf %parallel_loop3A_318, %parallel_loop3A_454 : vector<16xf32>
        %parallel_loop3A_465 = arith.subf %parallel_loop3A_319, %parallel_loop3A_461 : vector<16xf32>
        %parallel_loop3A_466 = arith.constant -0.707106769 : f32
        %parallel_loop3A_467 = vector.broadcast %parallel_loop3A_466 : f32 to vector<16xf32>
        %parallel_loop3A_468 = arith.mulf %parallel_loop3A_366, %parallel_loop3A_467 : vector<16xf32>
        %parallel_loop3A_469 = arith.constant -0.707106769 : f32
        %parallel_loop3A_470 = vector.broadcast %parallel_loop3A_469 : f32 to vector<16xf32>
        %parallel_loop3A_471 = arith.mulf %parallel_loop3A_367, %parallel_loop3A_470 : vector<16xf32>
        %parallel_loop3A_472 = arith.subf %parallel_loop3A_468, %parallel_loop3A_471 : vector<16xf32>
        %parallel_loop3A_473 = arith.constant -0.707106769 : f32
        %parallel_loop3A_474 = vector.broadcast %parallel_loop3A_473 : f32 to vector<16xf32>
        %parallel_loop3A_475 = arith.mulf %parallel_loop3A_366, %parallel_loop3A_474 : vector<16xf32>
        %parallel_loop3A_476 = arith.constant -0.707106769 : f32
        %parallel_loop3A_477 = vector.broadcast %parallel_loop3A_476 : f32 to vector<16xf32>
        %parallel_loop3A_478 = arith.mulf %parallel_loop3A_367, %parallel_loop3A_477 : vector<16xf32>
        %parallel_loop3A_479 = arith.addf %parallel_loop3A_475, %parallel_loop3A_478 : vector<16xf32>
        %parallel_loop3A_480 = arith.addf %parallel_loop3A_322, %parallel_loop3A_472 : vector<16xf32>
        %parallel_loop3A_481 = arith.addf %parallel_loop3A_323, %parallel_loop3A_479 : vector<16xf32>
        %parallel_loop3A_482 = arith.subf %parallel_loop3A_322, %parallel_loop3A_472 : vector<16xf32>
        %parallel_loop3A_483 = arith.subf %parallel_loop3A_323, %parallel_loop3A_479 : vector<16xf32>
        %parallel_loop3A_484 = arith.constant -0.923879504 : f32
        %parallel_loop3A_485 = vector.broadcast %parallel_loop3A_484 : f32 to vector<16xf32>
        %parallel_loop3A_486 = arith.mulf %parallel_loop3A_384, %parallel_loop3A_485 : vector<16xf32>
        %parallel_loop3A_487 = arith.constant -0.382683426 : f32
        %parallel_loop3A_488 = vector.broadcast %parallel_loop3A_487 : f32 to vector<16xf32>
        %parallel_loop3A_489 = arith.mulf %parallel_loop3A_385, %parallel_loop3A_488 : vector<16xf32>
        %parallel_loop3A_490 = arith.subf %parallel_loop3A_486, %parallel_loop3A_489 : vector<16xf32>
        %parallel_loop3A_491 = arith.constant -0.382683426 : f32
        %parallel_loop3A_492 = vector.broadcast %parallel_loop3A_491 : f32 to vector<16xf32>
        %parallel_loop3A_493 = arith.mulf %parallel_loop3A_384, %parallel_loop3A_492 : vector<16xf32>
        %parallel_loop3A_494 = arith.constant -0.923879504 : f32
        %parallel_loop3A_495 = vector.broadcast %parallel_loop3A_494 : f32 to vector<16xf32>
        %parallel_loop3A_496 = arith.mulf %parallel_loop3A_385, %parallel_loop3A_495 : vector<16xf32>
        %parallel_loop3A_497 = arith.addf %parallel_loop3A_493, %parallel_loop3A_496 : vector<16xf32>
        %parallel_loop3A_498 = arith.addf %parallel_loop3A_340, %parallel_loop3A_490 : vector<16xf32>
        %parallel_loop3A_499 = arith.addf %parallel_loop3A_341, %parallel_loop3A_497 : vector<16xf32>
        %parallel_loop3A_500 = arith.subf %parallel_loop3A_340, %parallel_loop3A_490 : vector<16xf32>
        %parallel_loop3A_501 = arith.subf %parallel_loop3A_341, %parallel_loop3A_497 : vector<16xf32>
        %parallel_loop3A_502 = arith.constant 0 : i32
        %parallel_loop3A_503 = arith.addi %parallel_loop3A_105, %parallel_loop3A_502 : i32
        %parallel_loop3A_504 = arith.index_cast %parallel_loop3A_503 : i32 to index
        %parallel_loop3A_505 = tpu.vector_load %arg15[%parallel_loop3A_504] {strides = array<i32>} : memref<8192xf32, #tpu.memory_space<vmem>>, vector<16xf32>,
        tpu.vector_store %arg15[%parallel_loop3A_504], %parallel_loop3A_386 {strides = array<i32>} : memref<8192xf32, #tpu.memory_space<vmem>>, vector<16xf32>,
        %parallel_loop3A_506 = arith.constant 0 : i32
        %parallel_loop3A_507 = arith.addi %parallel_loop3A_105, %parallel_loop3A_506 : i32
        %parallel_loop3A_508 = arith.index_cast %parallel_loop3A_507 : i32 to index
        %parallel_loop3A_509 = tpu.vector_load %arg16[%parallel_loop3A_508] {strides = array<i32>} : memref<8192xf32, #tpu.memory_space<vmem>>, vector<16xf32>,
        tpu.vector_store %arg16[%parallel_loop3A_508], %parallel_loop3A_387 {strides = array<i32>} : memref<8192xf32, #tpu.memory_space<vmem>>, vector<16xf32>,
        %parallel_loop3A_510 = arith.constant 16 : i32
        %parallel_loop3A_511 = arith.addi %parallel_loop3A_105, %parallel_loop3A_510 : i32
        %parallel_loop3A_512 = arith.index_cast %parallel_loop3A_511 : i32 to index
        %parallel_loop3A_513 = tpu.vector_load %arg15[%parallel_loop3A_512] {strides = array<i32>} : memref<8192xf32, #tpu.memory_space<vmem>>, vector<16xf32>,
        tpu.vector_store %arg15[%parallel_loop3A_512], %parallel_loop3A_404 {strides = array<i32>} : memref<8192xf32, #tpu.memory_space<vmem>>, vector<16xf32>,
        %parallel_loop3A_514 = arith.constant 16 : i32
        %parallel_loop3A_515 = arith.addi %parallel_loop3A_105, %parallel_loop3A_514 : i32
        %parallel_loop3A_516 = arith.index_cast %parallel_loop3A_515 : i32 to index
        %parallel_loop3A_517 = tpu.vector_load %arg16[%parallel_loop3A_516] {strides = array<i32>} : memref<8192xf32, #tpu.memory_space<vmem>>, vector<16xf32>,
        tpu.vector_store %arg16[%parallel_loop3A_516], %parallel_loop3A_405 {strides = array<i32>} : memref<8192xf32, #tpu.memory_space<vmem>>, vector<16xf32>,
        %parallel_loop3A_518 = arith.constant 32 : i32
        %parallel_loop3A_519 = arith.addi %parallel_loop3A_105, %parallel_loop3A_518 : i32
        %parallel_loop3A_520 = arith.index_cast %parallel_loop3A_519 : i32 to index
        %parallel_loop3A_521 = tpu.vector_load %arg15[%parallel_loop3A_520] {strides = array<i32>} : memref<8192xf32, #tpu.memory_space<vmem>>, vector<16xf32>,
        tpu.vector_store %arg15[%parallel_loop3A_520], %parallel_loop3A_422 {strides = array<i32>} : memref<8192xf32, #tpu.memory_space<vmem>>, vector<16xf32>,
        %parallel_loop3A_522 = arith.constant 32 : i32
        %parallel_loop3A_523 = arith.addi %parallel_loop3A_105, %parallel_loop3A_522 : i32
        %parallel_loop3A_524 = arith.index_cast %parallel_loop3A_523 : i32 to index
        %parallel_loop3A_525 = tpu.vector_load %arg16[%parallel_loop3A_524] {strides = array<i32>} : memref<8192xf32, #tpu.memory_space<vmem>>, vector<16xf32>,
        tpu.vector_store %arg16[%parallel_loop3A_524], %parallel_loop3A_423 {strides = array<i32>} : memref<8192xf32, #tpu.memory_space<vmem>>, vector<16xf32>,
        %parallel_loop3A_526 = arith.constant 48 : i32
        %parallel_loop3A_527 = arith.addi %parallel_loop3A_105, %parallel_loop3A_526 : i32
        %parallel_loop3A_528 = arith.index_cast %parallel_loop3A_527 : i32 to index
        %parallel_loop3A_529 = tpu.vector_load %arg15[%parallel_loop3A_528] {strides = array<i32>} : memref<8192xf32, #tpu.memory_space<vmem>>, vector<16xf32>,
        tpu.vector_store %arg15[%parallel_loop3A_528], %parallel_loop3A_440 {strides = array<i32>} : memref<8192xf32, #tpu.memory_space<vmem>>, vector<16xf32>,
        %parallel_loop3A_530 = arith.constant 48 : i32
        %parallel_loop3A_531 = arith.addi %parallel_loop3A_105, %parallel_loop3A_530 : i32
        %parallel_loop3A_532 = arith.index_cast %parallel_loop3A_531 : i32 to index
        %parallel_loop3A_533 = tpu.vector_load %arg16[%parallel_loop3A_532] {strides = array<i32>} : memref<8192xf32, #tpu.memory_space<vmem>>, vector<16xf32>,
        tpu.vector_store %arg16[%parallel_loop3A_532], %parallel_loop3A_441 {strides = array<i32>} : memref<8192xf32, #tpu.memory_space<vmem>>, vector<16xf32>,
        %parallel_loop3A_534 = arith.constant 64 : i32
        %parallel_loop3A_535 = arith.addi %parallel_loop3A_105, %parallel_loop3A_534 : i32
        %parallel_loop3A_536 = arith.index_cast %parallel_loop3A_535 : i32 to index
        %parallel_loop3A_537 = tpu.vector_load %arg15[%parallel_loop3A_536] {strides = array<i32>} : memref<8192xf32, #tpu.memory_space<vmem>>, vector<16xf32>,
        tpu.vector_store %arg15[%parallel_loop3A_536], %parallel_loop3A_444 {strides = array<i32>} : memref<8192xf32, #tpu.memory_space<vmem>>, vector<16xf32>,
        %parallel_loop3A_538 = arith.constant 64 : i32
        %parallel_loop3A_539 = arith.addi %parallel_loop3A_105, %parallel_loop3A_538 : i32
        %parallel_loop3A_540 = arith.index_cast %parallel_loop3A_539 : i32 to index
        %parallel_loop3A_541 = tpu.vector_load %arg16[%parallel_loop3A_540] {strides = array<i32>} : memref<8192xf32, #tpu.memory_space<vmem>>, vector<16xf32>,
        tpu.vector_store %arg16[%parallel_loop3A_540], %parallel_loop3A_445 {strides = array<i32>} : memref<8192xf32, #tpu.memory_space<vmem>>, vector<16xf32>,
        %parallel_loop3A_542 = arith.constant 80 : i32
        %parallel_loop3A_543 = arith.addi %parallel_loop3A_105, %parallel_loop3A_542 : i32
        %parallel_loop3A_544 = arith.index_cast %parallel_loop3A_543 : i32 to index
        %parallel_loop3A_545 = tpu.vector_load %arg15[%parallel_loop3A_544] {strides = array<i32>} : memref<8192xf32, #tpu.memory_space<vmem>>, vector<16xf32>,
        tpu.vector_store %arg15[%parallel_loop3A_544], %parallel_loop3A_462 {strides = array<i32>} : memref<8192xf32, #tpu.memory_space<vmem>>, vector<16xf32>,
        %parallel_loop3A_546 = arith.constant 80 : i32
        %parallel_loop3A_547 = arith.addi %parallel_loop3A_105, %parallel_loop3A_546 : i32
        %parallel_loop3A_548 = arith.index_cast %parallel_loop3A_547 : i32 to index
        %parallel_loop3A_549 = tpu.vector_load %arg16[%parallel_loop3A_548] {strides = array<i32>} : memref<8192xf32, #tpu.memory_space<vmem>>, vector<16xf32>,
        tpu.vector_store %arg16[%parallel_loop3A_548], %parallel_loop3A_463 {strides = array<i32>} : memref<8192xf32, #tpu.memory_space<vmem>>, vector<16xf32>,
        %parallel_loop3A_550 = arith.constant 96 : i32
        %parallel_loop3A_551 = arith.addi %parallel_loop3A_105, %parallel_loop3A_550 : i32
        %parallel_loop3A_552 = arith.index_cast %parallel_loop3A_551 : i32 to index
        %parallel_loop3A_553 = tpu.vector_load %arg15[%parallel_loop3A_552] {strides = array<i32>} : memref<8192xf32, #tpu.memory_space<vmem>>, vector<16xf32>,
        tpu.vector_store %arg15[%parallel_loop3A_552], %parallel_loop3A_480 {strides = array<i32>} : memref<8192xf32, #tpu.memory_space<vmem>>, vector<16xf32>,
        %parallel_loop3A_554 = arith.constant 96 : i32
        %parallel_loop3A_555 = arith.addi %parallel_loop3A_105, %parallel_loop3A_554 : i32
        %parallel_loop3A_556 = arith.index_cast %parallel_loop3A_555 : i32 to index
        %parallel_loop3A_557 = tpu.vector_load %arg16[%parallel_loop3A_556] {strides = array<i32>} : memref<8192xf32, #tpu.memory_space<vmem>>, vector<16xf32>,
        tpu.vector_store %arg16[%parallel_loop3A_556], %parallel_loop3A_481 {strides = array<i32>} : memref<8192xf32, #tpu.memory_space<vmem>>, vector<16xf32>,
        %parallel_loop3A_558 = arith.constant 112 : i32
        %parallel_loop3A_559 = arith.addi %parallel_loop3A_105, %parallel_loop3A_558 : i32
        %parallel_loop3A_560 = arith.index_cast %parallel_loop3A_559 : i32 to index
        %parallel_loop3A_561 = tpu.vector_load %arg15[%parallel_loop3A_560] {strides = array<i32>} : memref<8192xf32, #tpu.memory_space<vmem>>, vector<16xf32>,
        tpu.vector_store %arg15[%parallel_loop3A_560], %parallel_loop3A_498 {strides = array<i32>} : memref<8192xf32, #tpu.memory_space<vmem>>, vector<16xf32>,
        %parallel_loop3A_562 = arith.constant 112 : i32
        %parallel_loop3A_563 = arith.addi %parallel_loop3A_105, %parallel_loop3A_562 : i32
        %parallel_loop3A_564 = arith.index_cast %parallel_loop3A_563 : i32 to index
        %parallel_loop3A_565 = tpu.vector_load %arg16[%parallel_loop3A_564] {strides = array<i32>} : memref<8192xf32, #tpu.memory_space<vmem>>, vector<16xf32>,
        tpu.vector_store %arg16[%parallel_loop3A_564], %parallel_loop3A_499 {strides = array<i32>} : memref<8192xf32, #tpu.memory_space<vmem>>, vector<16xf32>,
        %parallel_loop3A_566 = arith.constant 128 : i32
        %parallel_loop3A_567 = arith.addi %parallel_loop3A_105, %parallel_loop3A_566 : i32
        %parallel_loop3A_568 = arith.index_cast %parallel_loop3A_567 : i32 to index
        %parallel_loop3A_569 = tpu.vector_load %arg15[%parallel_loop3A_568] {strides = array<i32>} : memref<8192xf32, #tpu.memory_space<vmem>>, vector<16xf32>,
        tpu.vector_store %arg15[%parallel_loop3A_568], %parallel_loop3A_388 {strides = array<i32>} : memref<8192xf32, #tpu.memory_space<vmem>>, vector<16xf32>,
        %parallel_loop3A_570 = arith.constant 128 : i32
        %parallel_loop3A_571 = arith.addi %parallel_loop3A_105, %parallel_loop3A_570 : i32
        %parallel_loop3A_572 = arith.index_cast %parallel_loop3A_571 : i32 to index
        %parallel_loop3A_573 = tpu.vector_load %arg16[%parallel_loop3A_572] {strides = array<i32>} : memref<8192xf32, #tpu.memory_space<vmem>>, vector<16xf32>,
        tpu.vector_store %arg16[%parallel_loop3A_572], %parallel_loop3A_389 {strides = array<i32>} : memref<8192xf32, #tpu.memory_space<vmem>>, vector<16xf32>,
        %parallel_loop3A_574 = arith.constant 144 : i32
        %parallel_loop3A_575 = arith.addi %parallel_loop3A_105, %parallel_loop3A_574 : i32
        %parallel_loop3A_576 = arith.index_cast %parallel_loop3A_575 : i32 to index
        %parallel_loop3A_577 = tpu.vector_load %arg15[%parallel_loop3A_576] {strides = array<i32>} : memref<8192xf32, #tpu.memory_space<vmem>>, vector<16xf32>,
        tpu.vector_store %arg15[%parallel_loop3A_576], %parallel_loop3A_406 {strides = array<i32>} : memref<8192xf32, #tpu.memory_space<vmem>>, vector<16xf32>,
        %parallel_loop3A_578 = arith.constant 144 : i32
        %parallel_loop3A_579 = arith.addi %parallel_loop3A_105, %parallel_loop3A_578 : i32
        %parallel_loop3A_580 = arith.index_cast %parallel_loop3A_579 : i32 to index
        %parallel_loop3A_581 = tpu.vector_load %arg16[%parallel_loop3A_580] {strides = array<i32>} : memref<8192xf32, #tpu.memory_space<vmem>>, vector<16xf32>,
        tpu.vector_store %arg16[%parallel_loop3A_580], %parallel_loop3A_407 {strides = array<i32>} : memref<8192xf32, #tpu.memory_space<vmem>>, vector<16xf32>,
        %parallel_loop3A_582 = arith.constant 160 : i32
        %parallel_loop3A_583 = arith.addi %parallel_loop3A_105, %parallel_loop3A_582 : i32
        %parallel_loop3A_584 = arith.index_cast %parallel_loop3A_583 : i32 to index
        %parallel_loop3A_585 = tpu.vector_load %arg15[%parallel_loop3A_584] {strides = array<i32>} : memref<8192xf32, #tpu.memory_space<vmem>>, vector<16xf32>,
        tpu.vector_store %arg15[%parallel_loop3A_584], %parallel_loop3A_424 {strides = array<i32>} : memref<8192xf32, #tpu.memory_space<vmem>>, vector<16xf32>,
        %parallel_loop3A_586 = arith.constant 160 : i32
        %parallel_loop3A_587 = arith.addi %parallel_loop3A_105, %parallel_loop3A_586 : i32
        %parallel_loop3A_588 = arith.index_cast %parallel_loop3A_587 : i32 to index
        %parallel_loop3A_589 = tpu.vector_load %arg16[%parallel_loop3A_588] {strides = array<i32>} : memref<8192xf32, #tpu.memory_space<vmem>>, vector<16xf32>,
        tpu.vector_store %arg16[%parallel_loop3A_588], %parallel_loop3A_425 {strides = array<i32>} : memref<8192xf32, #tpu.memory_space<vmem>>, vector<16xf32>,
        %parallel_loop3A_590 = arith.constant 176 : i32
        %parallel_loop3A_591 = arith.addi %parallel_loop3A_105, %parallel_loop3A_590 : i32
        %parallel_loop3A_592 = arith.index_cast %parallel_loop3A_591 : i32 to index
        %parallel_loop3A_593 = tpu.vector_load %arg15[%parallel_loop3A_592] {strides = array<i32>} : memref<8192xf32, #tpu.memory_space<vmem>>, vector<16xf32>,
        tpu.vector_store %arg15[%parallel_loop3A_592], %parallel_loop3A_442 {strides = array<i32>} : memref<8192xf32, #tpu.memory_space<vmem>>, vector<16xf32>,
        %parallel_loop3A_594 = arith.constant 176 : i32
        %parallel_loop3A_595 = arith.addi %parallel_loop3A_105, %parallel_loop3A_594 : i32
        %parallel_loop3A_596 = arith.index_cast %parallel_loop3A_595 : i32 to index
        %parallel_loop3A_597 = tpu.vector_load %arg16[%parallel_loop3A_596] {strides = array<i32>} : memref<8192xf32, #tpu.memory_space<vmem>>, vector<16xf32>,
        tpu.vector_store %arg16[%parallel_loop3A_596], %parallel_loop3A_443 {strides = array<i32>} : memref<8192xf32, #tpu.memory_space<vmem>>, vector<16xf32>,
        %parallel_loop3A_598 = arith.constant 192 : i32
        %parallel_loop3A_599 = arith.addi %parallel_loop3A_105, %parallel_loop3A_598 : i32
        %parallel_loop3A_600 = arith.index_cast %parallel_loop3A_599 : i32 to index
        %parallel_loop3A_601 = tpu.vector_load %arg15[%parallel_loop3A_600] {strides = array<i32>} : memref<8192xf32, #tpu.memory_space<vmem>>, vector<16xf32>,
        tpu.vector_store %arg15[%parallel_loop3A_600], %parallel_loop3A_446 {strides = array<i32>} : memref<8192xf32, #tpu.memory_space<vmem>>, vector<16xf32>,
        %parallel_loop3A_602 = arith.constant 192 : i32
        %parallel_loop3A_603 = arith.addi %parallel_loop3A_105, %parallel_loop3A_602 : i32
        %parallel_loop3A_604 = arith.index_cast %parallel_loop3A_603 : i32 to index
        %parallel_loop3A_605 = tpu.vector_load %arg16[%parallel_loop3A_604] {strides = array<i32>} : memref<8192xf32, #tpu.memory_space<vmem>>, vector<16xf32>,
        tpu.vector_store %arg16[%parallel_loop3A_604], %parallel_loop3A_447 {strides = array<i32>} : memref<8192xf32, #tpu.memory_space<vmem>>, vector<16xf32>,
        %parallel_loop3A_606 = arith.constant 208 : i32
        %parallel_loop3A_607 = arith.addi %parallel_loop3A_105, %parallel_loop3A_606 : i32
        %parallel_loop3A_608 = arith.index_cast %parallel_loop3A_607 : i32 to index
        %parallel_loop3A_609 = tpu.vector_load %arg15[%parallel_loop3A_608] {strides = array<i32>} : memref<8192xf32, #tpu.memory_space<vmem>>, vector<16xf32>,
        tpu.vector_store %arg15[%parallel_loop3A_608], %parallel_loop3A_464 {strides = array<i32>} : memref<8192xf32, #tpu.memory_space<vmem>>, vector<16xf32>,
        %parallel_loop3A_610 = arith.constant 208 : i32
        %parallel_loop3A_611 = arith.addi %parallel_loop3A_105, %parallel_loop3A_610 : i32
        %parallel_loop3A_612 = arith.index_cast %parallel_loop3A_611 : i32 to index
        %parallel_loop3A_613 = tpu.vector_load %arg16[%parallel_loop3A_612] {strides = array<i32>} : memref<8192xf32, #tpu.memory_space<vmem>>, vector<16xf32>,
        tpu.vector_store %arg16[%parallel_loop3A_612], %parallel_loop3A_465 {strides = array<i32>} : memref<8192xf32, #tpu.memory_space<vmem>>, vector<16xf32>,
        %parallel_loop3A_614 = arith.constant 224 : i32
        %parallel_loop3A_615 = arith.addi %parallel_loop3A_105, %parallel_loop3A_614 : i32
        %parallel_loop3A_616 = arith.index_cast %parallel_loop3A_615 : i32 to index
        %parallel_loop3A_617 = tpu.vector_load %arg15[%parallel_loop3A_616] {strides = array<i32>} : memref<8192xf32, #tpu.memory_space<vmem>>, vector<16xf32>,
        tpu.vector_store %arg15[%parallel_loop3A_616], %parallel_loop3A_482 {strides = array<i32>} : memref<8192xf32, #tpu.memory_space<vmem>>, vector<16xf32>,
        %parallel_loop3A_618 = arith.constant 224 : i32
        %parallel_loop3A_619 = arith.addi %parallel_loop3A_105, %parallel_loop3A_618 : i32
        %parallel_loop3A_620 = arith.index_cast %parallel_loop3A_619 : i32 to index
        %parallel_loop3A_621 = tpu.vector_load %arg16[%parallel_loop3A_620] {strides = array<i32>} : memref<8192xf32, #tpu.memory_space<vmem>>, vector<16xf32>,
        tpu.vector_store %arg16[%parallel_loop3A_620], %parallel_loop3A_483 {strides = array<i32>} : memref<8192xf32, #tpu.memory_space<vmem>>, vector<16xf32>,
        %parallel_loop3A_622 = arith.constant 240 : i32
        %parallel_loop3A_623 = arith.addi %parallel_loop3A_105, %parallel_loop3A_622 : i32
        %parallel_loop3A_624 = arith.index_cast %parallel_loop3A_623 : i32 to index
        %parallel_loop3A_625 = tpu.vector_load %arg15[%parallel_loop3A_624] {strides = array<i32>} : memref<8192xf32, #tpu.memory_space<vmem>>, vector<16xf32>,
        tpu.vector_store %arg15[%parallel_loop3A_624], %parallel_loop3A_500 {strides = array<i32>} : memref<8192xf32, #tpu.memory_space<vmem>>, vector<16xf32>,
        %parallel_loop3A_626 = arith.constant 240 : i32
        %parallel_loop3A_627 = arith.addi %parallel_loop3A_105, %parallel_loop3A_626 : i32
        %parallel_loop3A_628 = arith.index_cast %parallel_loop3A_627 : i32 to index
        %parallel_loop3A_629 = tpu.vector_load %arg16[%parallel_loop3A_628] {strides = array<i32>} : memref<8192xf32, #tpu.memory_space<vmem>>, vector<16xf32>,
        tpu.vector_store %arg16[%parallel_loop3A_628], %parallel_loop3A_501 {strides = array<i32>} : memref<8192xf32, #tpu.memory_space<vmem>>, vector<16xf32>,
      } {sc.loop_unroll_factor = 1 : i64, sc.parallel_access}
      %mul3A_94 = arith.constant 32 : i32
      %mul3A_95 = arith.muli %add3A, %mul3A_94 : i32
      %add3A_96 = arith.addi %mul3A_95, %add3A_67 : i32
      %mul3A_97 = arith.constant 8192 : i32
      %mul3A_98 = arith.muli %add3A_96, %mul3A_97 : i32
      %dma_start3A_99 = tpu.memref_slice %arg7[%mul3A_98] : memref<8388608xf32, #tpu.memory_space<hbm>> -> memref<8192xf32, #tpu.memory_space<hbm>>
      %dma_start3A_100 = tpu.memref_slice %arg7[%mul3A_98] : memref<8388608xf32, #tpu.memory_space<hbm>> -> memref<8192xf32, #tpu.memory_space<hbm>>
      tpu.enqueue_dma source(%arg15 : memref<8192xf32, #tpu.memory_space<vmem>>) target(%dma_start3A_100 : memref<8192xf32, #tpu.memory_space<hbm>>) target_semaphore(%arg28 : memref<!tpu.dma_semaphore, #tpu.memory_space<semaphore_mem>>)
      %dma_start3A_101 = tpu.memref_slice %arg8[%mul3A_98] : memref<8388608xf32, #tpu.memory_space<hbm>> -> memref<8192xf32, #tpu.memory_space<hbm>>
      %dma_start3A_102 = tpu.memref_slice %arg8[%mul3A_98] : memref<8388608xf32, #tpu.memory_space<hbm>> -> memref<8192xf32, #tpu.memory_space<hbm>>
      tpu.enqueue_dma source(%arg16 : memref<8192xf32, #tpu.memory_space<vmem>>) target(%dma_start3A_102 : memref<8192xf32, #tpu.memory_space<hbm>>) target_semaphore(%arg29 : memref<!tpu.dma_semaphore, #tpu.memory_space<semaphore_mem>>)
    }
    %scan3A_17 = arith.constant 16 : i32
    %dma_wait3A = arith.constant 0 : i32
    %dma_wait3A_18 = tpu.memref_slice %arg7[%dma_wait3A] : memref<8388608xf32, #tpu.memory_space<hbm>> -> memref<8192xf32, #tpu.memory_space<hbm>>
    %dma_wait3A_19 = arith.constant 0 : i32
    %dma_wait3A_20 = tpu.memref_slice %arg7[%dma_wait3A_19] : memref<8388608xf32, #tpu.memory_space<hbm>> -> memref<8192xf32, #tpu.memory_space<hbm>>
    tpu.wait_dma2 semaphore(%arg26 : memref<!tpu.dma_semaphore, #tpu.memory_space<semaphore_mem>>) src(%arg13 : memref<8192xf32, #tpu.memory_space<vmem>>) dst(%dma_wait3A_20 : memref<8192xf32, #tpu.memory_space<hbm>>)
    %dma_wait3A_21 = arith.constant 0 : i32
    %dma_wait3A_22 = tpu.memref_slice %arg8[%dma_wait3A_21] : memref<8388608xf32, #tpu.memory_space<hbm>> -> memref<8192xf32, #tpu.memory_space<hbm>>
    %dma_wait3A_23 = arith.constant 0 : i32
    %dma_wait3A_24 = tpu.memref_slice %arg8[%dma_wait3A_23] : memref<8388608xf32, #tpu.memory_space<hbm>> -> memref<8192xf32, #tpu.memory_space<hbm>>
    tpu.wait_dma2 semaphore(%arg27 : memref<!tpu.dma_semaphore, #tpu.memory_space<semaphore_mem>>) src(%arg14 : memref<8192xf32, #tpu.memory_space<vmem>>) dst(%dma_wait3A_24 : memref<8192xf32, #tpu.memory_space<hbm>>)
    %dma_wait3A_25 = arith.constant 0 : i32
    %dma_wait3A_26 = tpu.memref_slice %arg7[%dma_wait3A_25] : memref<8388608xf32, #tpu.memory_space<hbm>> -> memref<8192xf32, #tpu.memory_space<hbm>>
    %dma_wait3A_27 = arith.constant 0 : i32
    %dma_wait3A_28 = tpu.memref_slice %arg7[%dma_wait3A_27] : memref<8388608xf32, #tpu.memory_space<hbm>> -> memref<8192xf32, #tpu.memory_space<hbm>>
    tpu.wait_dma2 semaphore(%arg28 : memref<!tpu.dma_semaphore, #tpu.memory_space<semaphore_mem>>) src(%arg15 : memref<8192xf32, #tpu.memory_space<vmem>>) dst(%dma_wait3A_28 : memref<8192xf32, #tpu.memory_space<hbm>>)
    %dma_wait3A_29 = arith.constant 0 : i32
    %dma_wait3A_30 = tpu.memref_slice %arg8[%dma_wait3A_29] : memref<8388608xf32, #tpu.memory_space<hbm>> -> memref<8192xf32, #tpu.memory_space<hbm>>
    %dma_wait3A_31 = arith.constant 0 : i32
    %dma_wait3A_32 = tpu.memref_slice %arg8[%dma_wait3A_31] : memref<8388608xf32, #tpu.memory_space<hbm>> -> memref<8192xf32, #tpu.memory_space<hbm>>
    tpu.wait_dma2 semaphore(%arg29 : memref<!tpu.dma_semaphore, #tpu.memory_space<semaphore_mem>>) src(%arg16 : memref<8192xf32, #tpu.memory_space<vmem>>) dst(%dma_wait3A_32 : memref<8192xf32, #tpu.memory_space<hbm>>)
    return
  }
}

</mosaic_0001>

<sc_bundles>
// kernel: kernel.3.cloned.1.call-start
scs
__scs_entry_jumppad:
0x0: {  	(pc) =	sbr.rel $0x88, $3  }
0x1: {  	(tag) =	ssettag $0x0;
	lr =	simm.s32 $0x1  }
0x2: {  	[smem:$0x3F9F] =	sst lr;
	_ =	strace $0xD0000000  }
0x3: {  	_ = 	snop  }
0x4: {  	_ = 	snop  }
0x5: {  	_ = 	snop  }
0x6: {  	_ = 	snop  }
0x7: {  	_ = 	snop  }
__scs_overlays_trampoline_lowered:
0x8: {  	[smem:$0x3FAE] =	sst s0  }
0x9: {  	[smem:$0x3FAF] =	sst s1  }
0xa: {  	[smem:$0x3FB0] =	sst s2  }
0xb: {  	[smem:$0x3FB1] =	sst s3  }
0xc: {  	[smem:$0x3FB2] =	sst s4  }
0xd: {  	[smem:$0x3FB3] =	sst s5  }
0xe: {  	[smem:$0x3FB4] =	sst s6  }
0xf: {  	[smem:$0x3FB5] =	sst s7  }
0x10: {  	[smem:$0x3FB6] =	sst s8  }
0x11: {  	[smem:$0x3FB7] =	sst s9;
	s0 =	simm.s32 @!p0 $0x0  }
0x12: {  	s1 =	sld [smem:$0x3F9D];
	s0 =	simm.s32 @p0 $0x1  }
0x13: {  	[smem:$0x3FB8] =	sst s0;
	s0 =	simm.s32 @!p1 $0x0  }
0x14: {  	s2 =	sld [smem:$0x3F9C];
	s0 =	simm.s32 @p1 $0x1  }
0x15: {  	[smem:$0x3FB9] =	sst s0;
	s0 =	simm.s32 @!p2 $0x0  }
0x16: {  	s3 =	sld [smem:$0x3FDB];
	s0 =	simm.s32 @p2 $0x1  }
0x17: {  	s4 =	simm.s32 $0x1BF5;
	[smem:$0x3FBB] =	sst s0  }
0x18: {  	s0 =	sld [smem:$0x3F9E];
	_ =	swait.ge [sflag:s4], $0x0  }
0x19: {  	s7 =	sld [smem:$0x3F9F]  }
0x1a: {  	s8 =	sadd.s32 $0xFFFFE003, lr  }
0x1b: {  	s9 =	sadd.s32 $0xFFFFFEF7, lr;
	s5 =	simm.s32 $0xFFFFFFFF;
	p2 =	slt.u32 s8, $0xFFFFF086  }
0x1c: {  	p1 =	slt.u32 s9, $0xF7A;
	s5 =	simm.s32 @!p2 $0x0  }
0x1d: {  	s5 =	simm.s32 @p1 $0x1;
	p0 =	seq.s32 s7, s2  }
0x1e: {  	s7 =	smul.u32 @!p0 $0xF7A, s2;
	p2 =	seq.s32 @!p0 s5, $0x0  }
0x1f: {  	s9 =	smul.u32 $0xF7A, s1;
	s8 =	simm.s32 @!p0 $0x1BF5;
	p2 =	por !p2, p0  }
0x20: {  	[sflag:s8] =	ssyncset.s32 @!p0 $0xFFFFF086;
	s6 =	sadd.s32 @!p0 s3, s7;
	s7 =	simm.s32 @!p0 $0x108  }
0x21: {  	s3 =	sadd.s32 s3, s9;
	s6 =	sadd.s32 @!p0 $0x88, s6;
	s7 =	simm.s32 @p2 $0x1082  }
0x22: {  	[simem:s7], [sflag:s8] =	dma.local @!p0 [hbm:s6], $0xF7A  }
0x23: {  	s9 =	sor.u32 $0xD0000000, s2;
	s6 =	simm.s32 $0x108;
	_ =	swait.ge @!p0 [sflag:s8], $0x0  }
0x24: {  	s3 =	sadd.s32 $0x88, s3;
	s6 =	simm.s32 @!p1 $0x1082;
	[sflag:s4] =	ssyncset.s32 $0xFFFFF086  }
0x25: {  	[simem:s6], [sflag:s4] =	dma.local [hbm:s3], $0xF7A  }
0x26: {  	[smem:$0x3F9F] =	sst s1;
	(tag) =	ssettag s2;
	_ =	strace s9  }
0x27: {  	s1 =	sld [smem:$0x3FAF]  }
0x28: {  	s2 =	sld [smem:$0x3FB0]  }
0x29: {  	s4 =	sld [smem:$0x3FB2]  }
0x2a: {  	p0 =	seq.s32 s5, $0x0;
	s5 =	sld [smem:$0x3FB3]  }
0x2b: {  	s6 =	sld [smem:$0x3FB4]  }
0x2c: {  	s7 =	sld [smem:$0x3FB5]  }
0x2d: {  	s3 =	simm.s32 $0x108;
	s8 =	sld [smem:$0x3FB6]  }
0x2e: {  	s3 =	simm.s32 @!p0 $0x1082;
	s9 =	sld [smem:$0x3FB7]  }
0x2f: {  	lr =	sadd.s32 s0, s3;
	s0 =	sld [smem:$0x3FAE]  }
0x30: {  	s3 =	sld [smem:$0x3FB1]  }
0x31: {  	[smem:$0x3FBA] =	sst s10  }
0x32: {  	s10 =	sld [smem:$0x3FB8];
	_ =	sdelay $0x3  }
0x33: {  	p0 =	seq.s32 s10, $0x1;
	s10 =	sld [smem:$0x3FBA];
	_ =	sdelay $0x3  }
0x34: {  	[smem:$0x3FBA] =	sst s10  }
0x35: {  	s10 =	sld [smem:$0x3FB9];
	_ =	sdelay $0x3  }
0x36: {  	p1 =	seq.s32 s10, $0x1;
	s10 =	sld [smem:$0x3FBA];
	_ =	sdelay $0x3  }
0x37: {  	[smem:$0x3FBA] =	sst s10  }
0x38: {  	s10 =	sld [smem:$0x3FBB]  }
0x39: {  	_ = 	snop;
	(pc) =	sbr.ind lr, $3  }
0x3a: {  	_ = 	snop  }
0x3b: {  	_ = 	snop  }
0x3c: {  	p2 =	seq.s32 s10, $0x1;
	s10 =	sld [smem:$0x3FBA]  }
0x3d: {  	_ =	shalt  }
0x3e: {  	_ =	shalt  }
0x3f: {  	_ =	shalt  }
0x40: {  	_ =	shalt  }
0x41: {  	_ =	shalt  }
0x42: {  	_ =	shalt  }
0x43: {  	_ =	shalt  }
0x44: {  	_ =	shalt  }
0x45: {  	_ =	shalt  }
0x46: {  	_ =	shalt  }
0x47: {  	_ =	shalt  }
0x48: {  	_ =	shalt  }
0x49: {  	_ =	shalt  }
0x4a: {  	_ =	shalt  }
0x4b: {  	_ =	shalt  }
0x4c: {  	_ =	shalt  }
0x4d: {  	_ =	shalt  }
0x4e: {  	_ =	shalt  }
0x4f: {  	_ =	shalt  }
0x50: {  	_ =	shalt  }
0x51: {  	_ =	shalt  }
0x52: {  	_ =	shalt  }
0x53: {  	_ =	shalt  }
0x54: {  	_ =	shalt  }
0x55: {  	_ =	shalt  }
0x56: {  	_ =	shalt  }
0x57: {  	_ =	shalt  }
0x58: {  	_ =	shalt  }
0x59: {  	_ =	shalt  }
0x5a: {  	_ =	shalt  }
0x5b: {  	_ =	shalt  }
0x5c: {  	_ =	shalt  }
0x5d: {  	_ =	shalt  }
0x5e: {  	_ =	shalt  }
0x5f: {  	_ =	shalt  }
0x60: {  	_ =	shalt  }
0x61: {  	_ =	shalt  }
0x62: {  	_ =	shalt  }
0x63: {  	_ =	shalt  }
0x64: {  	_ =	shalt  }
0x65: {  	_ =	shalt  }
0x66: {  	_ =	shalt  }
0x67: {  	_ =	shalt  }
0x68: {  	_ =	shalt  }
0x69: {  	_ =	shalt  }
0x6a: {  	_ =	shalt  }
0x6b: {  	_ =	shalt  }
0x6c: {  	_ =	shalt  }
0x6d: {  	_ =	shalt  }
0x6e: {  	_ =	shalt  }
0x6f: {  	_ =	shalt  }
0x70: {  	_ =	shalt  }
0x71: {  	_ =	shalt  }
0x72: {  	_ =	shalt  }
0x73: {  	_ =	shalt  }
0x74: {  	_ =	shalt  }
0x75: {  	_ =	shalt  }
0x76: {  	_ =	shalt  }
0x77: {  	_ =	shalt  }
0x78: {  	_ =	shalt  }
0x79: {  	_ =	shalt  }
0x7a: {  	_ =	shalt  }
0x7b: {  	_ =	shalt  }
0x7c: {  	_ =	shalt  }
0x7d: {  	_ =	shalt  }
0x7e: {  	_ =	shalt  }
0x7f: {  	_ =	shalt  }
0x80: {  	_ =	shalt  }
0x81: {  	_ =	shalt  }
0x82: {  	_ =	shalt  }
0x83: {  	_ =	shalt  }
0x84: {  	_ =	shalt  }
0x85: {  	_ =	shalt  }
0x86: {  	_ =	shalt  }
0x87: {  	_ =	shalt  }
.Lfunc_end0:
.L_simem_size_0:
called_computation.2_lowered:
.L_overlay_start_0:
0x88: {  	s2 =	sld [smem:$0x3FD9]  }
0x89: {  	s3 =	sld [smem:$0x3FFE];
	_ =	sdelay $0x1  }
0x8a: {  	s1 =	srdreg.scid  }
0x8b: {  	s0 =	sand.u32 $0x1, s1  }
0x8c: {  	s14 =	sshll.u32 s0, $0xA;
	s2 =	sadd.s32 s3, s2  }
0x8d: {  	s2 =	sadd.s32 s2, s14  }
0x8e: {  	[smem:$0x3FC6] =	sst s2  }
0x8f: {  	_ = 	snop  }
0x90: {  	s2 =	sld [smem:$0x3FD0];
	_ =	sdelay $0x2  }
0x91: {  	s15 =	simm.s32 $0xB;
	s4 =	simm.s32 $0x10  }
0x92: {  	[smem:s4], [sflag:s15] =	dma.local [hbm:s2], $0x1  }
0x93: {  	_ =	swait.eq [sflag:s15], $0x1  }
0x94: {  	[sflag:s15] =	ssyncset.done $0x0  }
0x95: {  	s16 =	sld [smem:$0x10];
	[sflag:s15] =	ssyncadd.s32 $0xFFFFFFFF  }
0x96: {  	s17 =	sld [smem:$0x11];
	(tm) =	ssettm $0x1  }
0x97: {  	s18 =	sld [smem:$0x3FFB];
	_ =	sdelay $0x3  }
0x98: {  	_ =	strace s18  }
0x99: {  	s4 =	sld [smem:$0x3FFC];
	_ =	sdelay $0x3  }
0x9a: {  	_ =	strace s4  }
0x9b: {  	s4 =	sld [smem:$0x3FFD];
	_ =	sdelay $0x3  }
0x9c: {  	_ =	strace s4  }
0x9d: {  	_ =	strace $0x8FFFFFFF  }
0x9e: {  	s19 =	sld [smem:$0x3FDB];
	_ =	sdelay $0x1  }
0x9f: {  	s5 =	simm.s32 $_scs_section_size  }
0xa0: {  	s6 =	simm.s32 $_size__tile_overlayer_lowered;
	s7 =	simm.s32 $_tile_overlayer_lowered  }
0xa1: {  	s22 =	simm.s32 $0x1BFF;
	s21 =	sshll.u32 s7, $0x1;
	s4 =	sadd.s32 s5, s19  }
0xa2: {  	s8 =	simm.s32 $0x0;
	s20 =	sshll.u32 s6, $0x1;
	s6 =	sadd.s32 s21, s4  }
0xa3: {  	[timem:s8], [sflag:s22] =	dma.local [hbm:s6], s20  }
0xa4: {  	_ =	swait.ge [sflag:s22], s20  }
0xa5: {  	s5 =	ssub.s32 $0x0, s20;
	[sflag:s22] =	ssyncset.done $0x0  }
0xa6: {  	[sflag:s22] =	ssyncadd.s32 s5;
	_ =	sdelay $0x1  }
0xa7: {  	s23 =	simm.s32 $0x1B8B  }
0xa8: {  	_ =	swait.ge [sflag:s23], $0x1  }
0xa9: {  	[sflag:s23] =	ssyncset.done $0x0  }
0xaa: {  	s25 =	simm.s32 $0x1B8E;
	s24 =	sld [smem:$0x3FFE];
	[sflag:s23] =	ssyncadd.s32 $0xFFFFFFFF  }
0xab: {  	s26 =	simm.s32 $execute0_lowered;
	[smem:$0x3FD2] =	sst s25  }
0xac: {  	s6 =	sshll.u32 s26, $0x1;
	_ =	strace $0x8000004C;
	[dreg:$0x1] =	wrdreg $0xFFFFFFFF  }
0xad: {  	s28 =	simm.s32 $_size_execute0_lowered;
	s4 =	sadd.s32 s4, s6;
	[dreg:$0x0] =	wrdreg $0x0  }
0xae: {  	s6 =	sshll.u32 s28, $0x1;
	[dreg:$0x2] =	wrdreg s4  }
0xaf: {  	[dreg:$0x3] =	wrdreg s6  }
0xb0: {  	[dreg:$0x4] =	wrdreg $0xC0  }
0xb1: {  	_ =	task [dreg:s8], $0x5FFFF  }
0xb2: {  	[dreg:$0x1] =	wrdreg $0xFFFFFFFF  }
0xb3: {  	[dreg:$0x0] =	wrdreg $0x60  }
0xb4: {  	[dreg:$0x2] =	wrdreg s24  }
0xb5: {  	[dreg:$0x3] =	wrdreg s16  }
0xb6: {  	[dreg:$0x4] =	wrdreg s17  }
0xb7: {  	[dreg:$0x5] =	wrdreg $0x9  }
0xb8: {  	_ =	task.clear_ibuf [dreg:s8], $0x6FFFF;
	_ =	strace $0x9000004C  }
0xb9: {  	s29 =	simm.s32 $0x9;
	_ =	strace $0x8000004E  }
0xba: {  	_ =	swait.ge [sflag:s29], $0x1  }
0xbb: {  	[sflag:s29] =	ssyncadd.s32 $0xFFFFFFFF  }
0xbc: {  	_ =	strace $0x9000004E  }
0xbd: {  	_ =	sfence  }
0xbe: {  	s30 =	sld [smem:$0x0];
	_ =	sdelay $0x2  }
0xbf: {  	s31 =	sshll.u32 s1, $0xD;
	s1 =	sshrl.u32 s1, $0x2  }
0xc0: {  	s3 =	sand.u32 $0x4000, s31;
	s1 =	sadd.s32 s1, s30  }
0xc1: {  	s0 =	sor.u32 s3, s0;
	s1 =	sshll.u32 s1, $0x11  }
0xc2: {  	s0 =	sor.u32 s1, s0  }
0xc3: {  	s0 =	sadd.s32 $0x8F2B, s0  }
0xc4: {  	[sflag:s0] =	ssyncadd.remote.s32 $0x1  }
0xc5: {  	_ =	sfence.sel $0xFFFF  }
0xc6: {  	[dreg:$0x0] =	wrdreg $0xFFFFFFFF;
	(pc) =	sbr.abs _section_cstart, $3  }
0xc7: {  	[dreg:$0x1] =	wrdreg $0xFFFFFFFF  }
0xc8: {  	_ =	task.clear_ibuf [dreg:s8], $0x2FFFF;
	_ =	strace $0x9FFFFFFF  }
0xc9: {  	(tm) =	ssettm $0x7FFFFFFF  }
tec
execute0_lowered:
.L_overlay_start_1:
0x0: {  	(tag) =	ssettag $0x1  }
0x1: {  	s0 =	rddreg [dreg:$0x0]  }
0x2: {  	s1 =	rddreg [dreg:$0x1]  }
0x3: {  	s2 =	rddreg [dreg:$0x2];
	s3 =	simm.s32 $0x0;
	s4 =	srdreg.scid  }
0x4: {  	s7 =	stileid.u32;
	s17 =	simm.s32 $0x9;
	s28 =	simm.s32 $0x8000  }
0x5: {  	s29 =	simm.s32 $0xA000;
	s30 =	simm.s32 $0x3;
	s31 =	simm.s32 $0x4  }
0x6: {  	s19 =	simm.s32 $0x7;
	s20 =	simm.s32 $0x8;
	[smem:$0x7FF] =	sst s3  }
0x7: {  	s5 =	sadd.s32 $0x1600, s0;
	s6 =	sadd.s32 $0x101A00, s0;
	s4 =	sand.u32 $0x1, s4  }
0x8: {  	s21 =	sadd.s32 $0x101800, s0;
	_ =	strace $0x8000004D;
	[dreg:$0x4] =	wrdreg s6  }
0x9: {  	s7 =	sshll.u32 s7, $0x1;
	s8 =	sadd.s32 $0x101600, s0;
	[dreg:$0x5] =	wrdreg s21  }
0xa: {  	s9 =	sadd.s32 $0x101C00, s0;
	s22 =	ssub.s32 $0x2, s4;
	[dreg:$0x6] =	wrdreg s8  }
0xb: {  	s4 =	sor.u32 s4, s7;
	s21 =	simm.s32 $0x1;
	s6 =	simm.s32 $0x0  }
0xc: {  	s23 =	sshrl.u32 s22, $0x1;
	s10 =	sshll.u32 s4, $0xF;
	s13 =	sshll.u32 s4, $0x5  }
0xd: {  	s4 =	simm.s32 $0xE000;
	s24 =	ssub.s32 s22, s23;
	s25 =	sadd.s32 s5, s10  }
0xe: {  	v0 =	vlaneseq.u32;
	s26 =	sadd.s32 s1, s10;
	s14 =	sor.u32 $0x2, s13;
	[dreg:$0x7] =	wrdreg s25  }
0xf: {  	v0 =	vmul.u32 $0x10, v0;
	s22 =	simm.s32 $0x2;
	s23 =	simm.s32 $0x4000;
	[dreg:$0x8] =	wrdreg s26  }
0x10: {  	s0 =	smax.u32 s24, $0x1;
	s24 =	simm.s32 $0x6000;
	s25 =	simm.s32 $0x10000  }
0x11: {  	[tilespmem:$0x1FFF0] =	vst v0;
	s26 =	simm.s32 $0x12000;
	[dreg:$0x9] =	wrdreg s0;
	s0 =	simm.s32 $0xC000  }
.LBB2_1:
0x12: {  	s7 =	rddreg [dreg:$0x4];
	s8 =	simm.s32 $0x14000  }
0x13: {  	[tilespmem:s8], [sflag:$0x9] =	stream.linear.gather [hbm4b:s7+s3], $0x100, $0x38;
	[tilespmem:$0x14300] =	vst v63  }
0x14: {  	_ =	swait.ge [sflag:s17], $0x100  }
0x15: {  	[sflag:s17] =	ssyncset.done $0x0  }
0x16: {  	s18 =	simm.s32 $0x14100;
	s16 =	rddreg [dreg:$0x5];
	[sflag:s17] =	ssyncadd.s32 $0xFFFFFF00  }
0x17: {  	[tilespmem:s18], [sflag:$0x9] =	stream.linear.gather [hbm4b:s16+s3], $0x100, $0x38;
	[tilespmem:$0x14300] =	vst v63  }
0x18: {  	_ =	swait.ge [sflag:s17], $0x100  }
0x19: {  	[sflag:s17] =	ssyncset.done $0x0  }
0x1a: {  	s12 =	simm.s32 $0x14200;
	s11 =	rddreg [dreg:$0x6];
	[sflag:s17] =	ssyncadd.s32 $0xFFFFFF00  }
0x1b: {  	[tilespmem:s12], [sflag:$0x9] =	stream.linear.gather [hbm4b:s11+s3], $0x100, $0x38;
	[tilespmem:$0x14300] =	vst v63  }
0x1c: {  	_ =	swait.ge [sflag:s17], $0x100  }
0x1d: {  	[sflag:s17] =	ssyncset.done $0x0  }
0x1e: {  	s15 =	rddreg [dreg:$0x7];
	[sflag:s17] =	ssyncadd.s32 $0xFFFFFF00  }
0x1f: {  	[tilespmem:s3], [sflag:$0x1] =	stream.linear.gather [hbm4b:s15+s3], $0x2000, $0x38;
	[tilespmem:$0x14300] =	vst v63  }
0x20: {  	s7 =	simm.s32 $0x0;
	s18 =	simm.s32 $0x2000;
	s16 =	rddreg [dreg:$0x8]  }
0x21: {  	[tilespmem:s18], [sflag:$0x2] =	stream.linear.gather [hbm4b:s16+s3], $0x2000, $0x38;
	[tilespmem:$0x14300] =	vst v63  }
.LBB2_2:
0x22: {  	_ =	swait.ge [sflag:s21], $0x2000  }
0x23: {  	[sflag:s21] =	ssyncset.done $0x0  }
0x24: {  	s8 =	sshllo.u32 s7, $0x1;
	[sflag:s21] =	ssyncadd.s32 $0xFFFFE000  }
0x25: {  	s11 =	sshll.u32 s8, $0xA;
	_ =	swait.ge [sflag:s22], $0x2000  }
0x26: {  	s11 =	sadd.s32 s10, s11;
	[sflag:s22] =	ssyncset.done $0x0  }
0x27: {  	s12 =	sadd.s32 s5, s11;
	[sflag:s22] =	ssyncadd.s32 $0xFFFFE000  }
0x28: {  	[tilespmem:s23], [sflag:$0x3] =	stream.linear.gather [hbm4b:s12+s3], $0x2000, $0x38;
	[tilespmem:$0x14300] =	vst v63  }
0x29: {  	p0 =	seq.s32 s7, $0x0;
	s11 =	sadd.s32 s1, s11  }
0x2a: {  	[tilespmem:s24], [sflag:$0x4] =	stream.linear.gather [hbm4b:s11+s3], $0x2000, $0x38;
	[tilespmem:$0x14300] =	vst v63  }
0x2b: {  	s11 =	simm.s32 @!p0 $0x5  }
0x2c: {  	_ =	swait.ge @!p0 [sflag:s11], $0x2000  }
0x2d: {  	[sflag:s11] =	ssyncset.done @!p0 $0x0  }
0x2e: {  	[sflag:s11] =	ssyncadd.s32 @!p0 $0xFFFFE000;
	s11 =	simm.s32 @!p0 $0x6  }
0x2f: {  	_ =	swait.ge @!p0 [sflag:s11], $0x2000  }
0x30: {  	[sflag:s11] =	ssyncset.done @!p0 $0x0  }
0x31: {  	s12 =	simm.s32 $0x80;
	[sflag:s11] =	ssyncadd.s32 @!p0 $0xFFFFE000  }
0x32: {  	v0 =	vld [tilespmem:s12+$0xFFFFFF80]  }
0x33: {  	v1 =	vld [tilespmem:s12+$0xFFFFFFA0]  }
0x34: {  	v2 =	vld [tilespmem:s12+$0xFFFFFFC0]  }
0x35: {  	v3 =	vld [tilespmem:s12+$0xFFFFFFE0]  }
0x36: {  	v4 =	vld [tilespmem:s12+$0x0]  }
0x37: {  	v5 =	vld [tilespmem:s12+$0x20]  }
0x38: {  	v6 =	vld [tilespmem:s12+$0x40]  }
0x39: {  	s15 =	simm.s32 $0x2080;
	v7 =	vld [tilespmem:s12+$0x60]  }
0x3a: {  	v8 =	vld [tilespmem:s15+$0xFFFFFF80]  }
0x3b: {  	v9 =	vld [tilespmem:s15+$0x0]  }
0x3c: {  	v10 =	vld [tilespmem:s15+$0xFFFFFFA0]  }
0x3d: {  	v11 =	vld [tilespmem:s15+$0xFFFFFFC0]  }
0x3e: {  	v12 =	vld [tilespmem:s15+$0xFFFFFFE0]  }
0x3f: {  	v13 =	vld [tilespmem:s15+$0x40]  }
0x40: {  	v14 =	vld [tilespmem:s15+$0x20]  }
0x41: {  	v16 =	vld [tilespmem:s15+$0x60]  }
0x42: {  	v17 =	vld [tilespmem:s12+$0xFFFFFF90]  }
0x43: {  	v19 =	vld [tilespmem:s12+$0x10]  }
0x44: {  	v22 =	vld [tilespmem:s12+$0xFFFFFFD0]  }
0x45: {  	v23 =	vld [tilespmem:s12+$0x50]  }
0x46: {  	v29 =	vld [tilespmem:s15+$0xFFFFFF90]  }
0x47: {  	v30 =	vld [tilespmem:s15+$0x10]  }
0x48: {  	v32 =	vld [tilespmem:s15+$0xFFFFFFD0]  }
0x49: {  	v33 =	vld [tilespmem:s15+$0x50]  }
0x4a: {  	v35 =	vld [tilespmem:s12+$0xFFFFFFB0]  }
0x4b: {  	v36 =	vld [tilespmem:s12+$0xFFFFFFF0]  }
0x4c: {  	v37 =	vld [tilespmem:s12+$0x30]  }
0x4d: {  	v38 =	vld [tilespmem:s12+$0x70]  }
0x4e: {  	v39 =	vld [tilespmem:s15+$0xFFFFFFB0]  }
0x4f: {  	v40 =	vld [tilespmem:s15+$0x30]  }
0x50: {  	v41 =	vld [tilespmem:s15+$0xFFFFFFF0]  }
0x51: {  	v42 =	vld [tilespmem:s15+$0x70]  }
0x52: {  	v43 =	vld [tilespmem:$0x14010]  }
0x53: {  	v15 =	vld [tilespmem:$0x14040]  }
0x54: {  	v44 =	vld [tilespmem:$0x14110]  }
0x55: {  	v28 =	vld [tilespmem:$0x14020]  }
0x56: {  	v31 =	vld [tilespmem:$0x14120]  }
0x57: {  	v20 =	vld [tilespmem:$0x14030]  }
0x58: {  	v21 =	vld [tilespmem:$0x14130];
	[tilespmem:$0x1FCF0] =	vst v15  }
0x59: {  	v26 =	vsub.f32 v0, v4;
	v52 =	vadd.f32 v4, v0;
	v0 =	vld [tilespmem:$0x14140];
	_ =	sdelay $0x4  }
0x5a: {  	[tilespmem:$0x1FD00] =	vst v0  }
0x5b: {  	v0 =	vld [tilespmem:$0x14050];
	_ =	sdelay $0x4  }
0x5c: {  	[tilespmem:$0x1FD50] =	vst v0  }
0x5d: {  	v0 =	vld [tilespmem:$0x14150];
	_ =	sdelay $0x4  }
0x5e: {  	[tilespmem:$0x1FD60] =	vst v0  }
0x5f: {  	v0 =	vld [tilespmem:$0x14060];
	_ =	sdelay $0x4  }
0x60: {  	[tilespmem:$0x1FDB0] =	vst v0  }
0x61: {  	v0 =	vld [tilespmem:$0x14160];
	_ =	sdelay $0x4  }
0x62: {  	[tilespmem:$0x1FDC0] =	vst v0  }
0x63: {  	v0 =	vld [tilespmem:$0x14070];
	_ =	sdelay $0x4  }
0x64: {  	[tilespmem:$0x1FE10] =	vst v0  }
0x65: {  	v0 =	vld [tilespmem:$0x14170];
	_ =	sdelay $0x4  }
0x66: {  	[tilespmem:$0x1FE20] =	vst v0  }
0x67: {  	v0 =	vld [tilespmem:$0x14080];
	_ =	sdelay $0x4  }
0x68: {  	[tilespmem:$0x1FE70] =	vst v0  }
0x69: {  	v0 =	vld [tilespmem:$0x14180];
	_ =	sdelay $0x4  }
0x6a: {  	[tilespmem:$0x1FE80] =	vst v0  }
0x6b: {  	v0 =	vld [tilespmem:$0x14090];
	_ =	sdelay $0x4  }
0x6c: {  	[tilespmem:$0x1FF10] =	vst v0  }
0x6d: {  	v0 =	vld [tilespmem:$0x14190];
	_ =	sdelay $0x4  }
0x6e: {  	[tilespmem:$0x1FF20] =	vst v0  }
0x6f: {  	v0 =	vld [tilespmem:$0x140A0];
	_ =	sdelay $0x4  }
0x70: {  	v45 =	vsub.f32 v1, v5;
	v56 =	vadd.f32 v5, v1;
	v5 =	vld [tilespmem:$0x14200];
	[tilespmem:$0x1FB90] =	vst v0  }
0x71: {  	v0 =	vld [tilespmem:$0x141A0];
	_ =	sdelay $0x4  }
0x72: {  	[tilespmem:$0x1FBA0] =	vst v0  }
0x73: {  	v0 =	vld [tilespmem:$0x140B0];
	_ =	sdelay $0x4  }
0x74: {  	[tilespmem:$0x1FBB0] =	vst v0  }
0x75: {  	v0 =	vld [tilespmem:$0x141B0];
	_ =	sdelay $0x4  }
0x76: {  	[tilespmem:$0x1FBC0] =	vst v0  }
0x77: {  	v0 =	vld [tilespmem:$0x140C0];
	_ =	sdelay $0x3  }
0x78: {  	v24 =	vsub.f32 v8, v9;
	v25 =	vsub.f32 v2, v6  }
0x79: {  	v46 =	vsub.f32 v10, v14;
	v47 =	vsub.f32 v3, v7;
	[tilespmem:$0x1FBD0] =	vst v0  }
0x7a: {  	v48 =	vsub.f32 v12, v16;
	v51 =	vsub.f32 v32, v33;
	v0 =	vld [tilespmem:$0x141C0]  }
0x7b: {  	v53 =	vadd.f32 v9, v8;
	v54 =	vadd.f32 v6, v2  }
0x7c: {  	v57 =	vadd.f32 v14, v10;
	v58 =	vadd.f32 v7, v3  }
0x7d: {  	v7 =	vadd.f32 v40, v39;
	v10 =	vadd.f32 v38, v36  }
0x7e: {  	v9 =	vsub.f32 v35, v37;
	v39 =	vsub.f32 v39, v40  }
0x7f: {  	v36 =	vsub.f32 v36, v38;
	v38 =	vsub.f32 v41, v42;
	[tilespmem:$0x1FBE0] =	vst v0;
	v0 =	vld [tilespmem:$0x1FFF0]  }
0x80: {  	v59 =	vadd.f32 v16, v12;
	v8 =	vadd.f32 v37, v35  }
0x81: {  	v1 =	vadd.f32 v38, v9;
	v14 =	vsub.f32 v39, v36  }
0x82: {  	v6 =	vadd.f32 v42, v41;
	v42 =	vsub.f32 v45, v48  }
0x83: {  	s16 =	simm.s32 $0x0;
	v12 =	vadd.f32 v48, v45;
	v1 =	vmul.f32 $7.071067690e-01, v1;
	v14 =	vmul.f32 $7.071067690e-01, v14  }
0x84: {  	v35 =	vadd.f32 v54, v52;
	v48 =	vadd.f32 v58, v56;
	v27 =	vor.u32 s16, v0;
	v0 =	vld [tilespmem:$0x140D0]  }
0x85: {  	v63 =	vadd.f32 v33, v32;
	v33 =	vadd.f32 v14, v1  }
0x86: {  	v32 =	vsub.f32 v14, v1;
	v1 =	vadd.f32 v48, v35;
	_ =	sdelay $0x1  }
0x87: {  	[tilespmem:$0x1FE40] =	vst v1  }
0x88: {  	[tilespmem:$0x1FBF0] =	vst v0  }
0x89: {  	v0 =	vld [tilespmem:$0x141D0];
	_ =	sdelay $0x4  }
0x8a: {  	[tilespmem:$0x1FC00] =	vst v0  }
0x8b: {  	v0 =	vld [tilespmem:$0x140E0];
	_ =	sdelay $0x4  }
0x8c: {  	[tilespmem:$0x1FC10] =	vst v0  }
0x8d: {  	v0 =	vld [tilespmem:$0x141E0];
	_ =	sdelay $0x3  }
0x8e: {  	v18 =	vsub.f32 v11, v13;
	v49 =	vsub.f32 v17, v19  }
0x8f: {  	v34 =	vsub.f32 v29, v30;
	v50 =	vsub.f32 v22, v23;
	[tilespmem:$0x1FC20] =	vst v0  }
0x90: {  	v55 =	vadd.f32 v13, v11;
	v60 =	vadd.f32 v19, v17;
	v0 =	vld [tilespmem:$0x140F0]  }
0x91: {  	v61 =	vadd.f32 v30, v29;
	v62 =	vadd.f32 v23, v22  }
0x92: {  	v13 =	vsub.f32 v46, v47;
	v29 =	vadd.f32 v51, v49  }
0x93: {  	v30 =	vsub.f32 v34, v50;
	v45 =	vadd.f32 v55, v53  }
0x94: {  	v16 =	vadd.f32 v59, v57;
	v17 =	vadd.f32 v62, v60  }
0x95: {  	v22 =	vadd.f32 v63, v61;
	v15 =	vadd.f32 v10, v8;
	[tilespmem:$0x1FC30] =	vst v0  }
0x96: {  	v8 =	vsub.f32 v8, v10;
	v19 =	vmul.f32 $7.071067690e-01, v12;
	v40 =	vmul.f32 $7.071067690e-01, v13;
	v11 =	vld [tilespmem:$0x141F0]  }
0x97: {  	v41 =	vadd.f32 v15, v17;
	v14 =	vadd.s32 v27, v5;
	v5 =	vadd.f32 v6, v7  }
0x98: {  	v13 =	vadd.f32 v16, v45;
	v12 =	vadd.f32 v40, v19  }
0x99: {  	v37 =	vadd.f32 v33, v29;
	v23 =	vadd.f32 v5, v22  }
0x9a: {  	v3 =	vadd.f32 v41, v1;
	v0 =	vadd.f32 v32, v30  }
0x9b: {  	v40 =	vsub.f32 v40, v19;
	v2 =	vadd.f32 v23, v13;
	[tilespmem:$0x1FC40] =	vst v11  }
0x9c: {  	v4 =	vmul.f32 $9.238795040e-01, v37;
	v11 =	vsub.f32 v24, v25;
	[tilespmem:v14+s25+$0x0] =	vst.idx.msk $0xffff, v3;
	v3 =	vmul.f32 $3.826834260e-01, v0  }
0x9d: {  	v37 =	vmul.f32 $3.826834260e-01, v37;
	v0 =	vmul.f32 $9.238795040e-01, v0;
	[tilespmem:v14+s26+$0x0] =	vst.idx.msk $0xffff, v2;
	v2 =	vadd.f32 v18, v26  }
0x9e: {  	v14 =	vadd.f32 v40, v11;
	v3 =	vadd.f32 v3, v4  }
0x9f: {  	v37 =	vsub.f32 v0, v37;
	v4 =	vadd.f32 v46, v47  }
0xa0: {  	v0 =	vld [tilespmem:$0x14210];
	v46 =	vsub.f32 v49, v51;
	v19 =	vadd.f32 v12, v2  }
0xa1: {  	v51 =	vsub.f32 v60, v62;
	v60 =	vsub.f32 v61, v63  }
0xa2: {  	v49 =	vadd.f32 v37, v14;
	v47 =	vadd.f32 v3, v19  }
0xa3: {  	v6 =	vsub.f32 v7, v6  }
0xa4: {  	v63 =	vsub.f32 v60, v8;
	v62 =	vmul.f32 v49, v44;
	v61 =	vmul.f32 v47, v43  }
0xa5: {  	v10 =	vmul.f32 v49, v43;
	v0 =	vadd.s32 v27, v0;
	v7 =	vmul.f32 v47, v44  }
0xa6: {  	v61 =	vsub.f32 v61, v62;
	v62 =	vadd.f32 v6, v51  }
0xa7: {  	v49 =	vsub.f32 v52, v54;
	v7 =	vadd.f32 v10, v7  }
0xa8: {  	v10 =	vsub.f32 v53, v55;
	v55 =	vmul.f32 $7.071067690e-01, v63;
	v54 =	vmul.f32 $7.071067690e-01, v62;
	_ =	sdelay $0x1  }
0xa9: {  	[tilespmem:v0+s25+$0x0] =	vst.idx.msk $0xffff, v61;
	v1 =	vadd.f32 v55, v54  }
0xaa: {  	[tilespmem:v0+s26+$0x0] =	vst.idx.msk $0xffff, v7  }
0xab: {  	v9 =	vsub.f32 v9, v38;
	[tilespmem:$0x1FFE0] =	vst v1  }
0xac: {  	v0 =	vsub.f32 v57, v59;
	v7 =	vsub.f32 v56, v58;
	v57 =	vld [tilespmem:$0x14220]  }
0xad: {  	v36 =	vadd.f32 v39, v36;
	v44 =	vsub.f32 v55, v54  }
0xae: {  	v53 =	vadd.f32 v0, v49;
	v58 =	vsub.f32 v10, v7  }
0xaf: {  	v9 =	vmul.f32 $-7.071067690e-01, v9;
	v36 =	vmul.f32 $-7.071067690e-01, v36  }
0xb0: {  	v59 =	vadd.f32 v1, v53;
	v61 =	vadd.f32 v44, v58  }
0xb1: {  	v34 =	vadd.f32 v34, v50;
	v63 =	vsub.f32 v9, v36;
	v43 =	vadd.s32 v27, v57  }
0xb2: {  	v9 =	vadd.f32 v9, v36;
	v62 =	vmul.f32 v59, v28;
	v47 =	vmul.f32 v61, v31  }
0xb3: {  	v31 =	vmul.f32 v59, v31;
	v28 =	vmul.f32 v61, v28  }
0xb4: {  	v4 =	vmul.f32 $-7.071067690e-01, v4;
	v55 =	vadd.f32 v9, v34;
	[tilespmem:$0x1FC50] =	vst v44;
	v52 =	vsub.f32 v62, v47  }
0xb5: {  	v54 =	vmul.f32 $-7.071067690e-01, v42;
	[tilespmem:$0x1FC60] =	vst v58;
	v28 =	vadd.f32 v28, v31;
	v31 =	vadd.f32 v63, v46  }
0xb6: {  	v24 =	vadd.f32 v24, v25;
	v56 =	vmul.f32 $9.238795040e-01, v55;
	[tilespmem:v43+s25+$0x0] =	vst.idx.msk $0xffff, v52  }
0xb7: {  	v25 =	vsub.f32 v54, v4;
	v1 =	vsub.f32 v26, v18;
	v26 =	vmul.f32 $3.826834260e-01, v31;
	[tilespmem:v43+s26+$0x0] =	vst.idx.msk $0xffff, v28  }
0xb8: {  	v42 =	vmul.f32 $3.826834260e-01, v55;
	v57 =	vadd.f32 v54, v4;
	v31 =	vmul.f32 $9.238795040e-01, v31;
	v4 =	vld [tilespmem:$0x14230]  }
0xb9: {  	v36 =	vadd.f32 v56, v26;
	v26 =	vadd.f32 v25, v1  }
0xba: {  	v44 =	vsub.f32 v42, v31;
	v31 =	vadd.f32 v57, v24  }
0xbb: {  	[tilespmem:$0x1FC70] =	vst v26  }
0xbc: {  	v26 =	vadd.f32 v36, v26;
	[tilespmem:$0x1FC90] =	vst v31;
	v31 =	vadd.f32 v44, v31  }
0xbd: {  	v4 =	vadd.s32 v27, v4  }
0xbe: {  	[tilespmem:$0x1FC80] =	vst v36;
	v36 =	vmul.f32 v26, v20;
	v39 =	vmul.f32 v31, v21  }
0xbf: {  	v21 =	vmul.f32 v26, v21;
	v20 =	vmul.f32 v31, v20  }
0xc0: {  	v26 =	vsub.f32 v36, v39  }
0xc1: {  	[tilespmem:$0x1FCA0] =	vst v44;
	v20 =	vadd.f32 v20, v21  }
0xc2: {  	[tilespmem:v4+s25+$0x0] =	vst.idx.msk $0xffff, v26  }
0xc3: {  	[tilespmem:v4+s26+$0x0] =	vst.idx.msk $0xffff, v20  }
0xc4: {  	v5 =	vsub.f32 v22, v5;
	v4 =	vld [tilespmem:$0x14240]  }
0xc5: {  	v16 =	vsub.f32 v45, v16;
	v18 =	vld [tilespmem:$0x1FCF0]  }
0xc6: {  	v15 =	vsub.f32 v17, v15;
	[tilespmem:$0x1FCC0] =	vst v5;
	v21 =	vld [tilespmem:$0x1FD00]  }
0xc7: {  	v20 =	vsub.f32 v35, v48;
	[tilespmem:$0x1FCD0] =	vst v16  }
0xc8: {  	[tilespmem:$0x1FCE0] =	vst v15  }
0xc9: {  	s12 =	simm.s32 $0x180;
	v15 =	vsub.f32 v16, v15;
	[tilespmem:$0x1FCB0] =	vst v20;
	v5 =	vadd.f32 v5, v20  }
0xca: {  	v16 =	vld [tilespmem:s12+$0xFFFFFF80];
	v4 =	vadd.s32 v27, v4  }
0xcb: {  	v26 =	vld [tilespmem:s12+$0xFFFFFFE0];
	v17 =	vmul.f32 v18, v5;
	v20 =	vmul.f32 v21, v15  }
0xcc: {  	s15 =	simm.s32 $0x2180;
	v5 =	vmul.f32 v21, v5;
	v15 =	vmul.f32 v18, v15;
	v18 =	vld [tilespmem:s12+$0xFFFFFFA0];
	v21 =	vsub.f32 v29, v33  }
0xcd: {  	v29 =	vsub.f32 v11, v40;
	v11 =	vld [tilespmem:s15+$0xFFFFFF80];
	v17 =	vsub.f32 v17, v20  }
0xce: {  	v22 =	vsub.f32 v30, v32;
	v20 =	vld [tilespmem:s12+$0xFFFFFFC0];
	v5 =	vadd.f32 v5, v15  }
0xcf: {  	v15 =	vmul.f32 $-3.826834260e-01, v21;
	[tilespmem:v4+s25+$0x0] =	vst.idx.msk $0xffff, v17;
	v17 =	vmul.f32 $-9.238795040e-01, v21;
	v21 =	vld [tilespmem:s12+$0x0]  }
0xd0: {  	[tilespmem:v4+s26+$0x0] =	vst.idx.msk $0xffff, v5;
	v4 =	vmul.f32 $9.238795040e-01, v22;
	v5 =	vmul.f32 $3.826834260e-01, v22;
	v22 =	vld [tilespmem:s12+$0x20]  }
0xd1: {  	v12 =	vsub.f32 v2, v12;
	v2 =	vld [tilespmem:$0x14250]  }
0xd2: {  	v28 =	vld [tilespmem:$0x1FD50]  }
0xd3: {  	v15 =	vadd.f32 v4, v15;
	v4 =	vld [tilespmem:s12+$0x40]  }
0xd4: {  	v17 =	vsub.f32 v17, v5;
	v5 =	vld [tilespmem:s12+$0x60];
	[tilespmem:$0x1FD10] =	vst v12  }
0xd5: {  	v8 =	vadd.f32 v60, v8;
	v6 =	vsub.f32 v51, v6;
	v47 =	vld [tilespmem:$0x1FD60];
	[tilespmem:$0x1FD30] =	vst v29  }
0xd6: {  	[tilespmem:$0x1FD20] =	vst v15  }
0xd7: {  	v8 =	vmul.f32 $-7.071067690e-01, v8;
	v6 =	vmul.f32 $-7.071067690e-01, v6;
	[tilespmem:$0x1FD40] =	vst v17  }
0xd8: {  	v12 =	vadd.f32 v15, v12;
	v15 =	vadd.f32 v17, v29;
	v17 =	vld [tilespmem:s15+$0x0]  }
0xd9: {  	v54 =	vsub.f32 v6, v8;
	v30 =	vld [tilespmem:s15+$0xFFFFFFA0]  }
0xda: {  	v52 =	vsub.f32 v49, v0;
	v48 =	vld [tilespmem:s15+$0xFFFFFFC0];
	v29 =	vmul.f32 v28, v12;
	v31 =	vmul.f32 v47, v15  }
0xdb: {  	v51 =	vld [tilespmem:s15+$0xFFFFFFE0];
	v2 =	vadd.s32 v27, v2;
	v12 =	vmul.f32 v47, v12;
	v15 =	vmul.f32 v28, v15  }
0xdc: {  	v35 =	vsub.f32 v16, v21;
	v0 =	vld [tilespmem:s15+$0x60];
	v31 =	vsub.f32 v29, v31  }
0xdd: {  	v29 =	vadd.f32 v21, v16;
	v12 =	vadd.f32 v12, v15;
	v15 =	vld [tilespmem:s15+$0x40]  }
0xde: {  	v16 =	vld [tilespmem:s15+$0x20];
	v21 =	vadd.f32 v10, v7;
	v10 =	vadd.f32 v4, v20  }
0xdf: {  	v40 =	vsub.f32 v11, v17;
	v17 =	vadd.f32 v17, v11;
	v11 =	vld [tilespmem:s12+$0xFFFFFFD0]  }
0xe0: {  	[tilespmem:v2+s25+$0x0] =	vst.idx.msk $0xffff, v31;
	v31 =	vadd.f32 v6, v8;
	v6 =	vsub.f32 v20, v4;
	v4 =	vld [tilespmem:s12+$0x10]  }
0xe1: {  	[tilespmem:v2+s26+$0x0] =	vst.idx.msk $0xffff, v12;
	v2 =	vld [tilespmem:s12+$0xFFFFFF90]  }
0xe2: {  	v7 =	vld [tilespmem:$0x14260];
	[tilespmem:$0x1FD70] =	vst v54  }
0xe3: {  	[tilespmem:$0x1FD80] =	vst v52;
	v28 =	vld [tilespmem:$0x1FDB0]  }
0xe4: {  	[tilespmem:$0x1FD90] =	vst v21;
	v58 =	vld [tilespmem:$0x1FDC0]  }
0xe5: {  	v32 =	vsub.f32 v18, v22;
	v8 =	vadd.f32 v54, v52;
	[tilespmem:$0x1FDA0] =	vst v31  }
0xe6: {  	v12 =	vsub.f32 v48, v15;
	v20 =	vadd.f32 v31, v21;
	v55 =	vld [tilespmem:s12+$0x50]  }
0xe7: {  	v31 =	vadd.f32 v15, v48;
	v15 =	vadd.f32 v22, v18;
	v18 =	vld [tilespmem:s15+$0xFFFFFF90]  }
0xe8: {  	v38 =	vsub.f32 v46, v63;
	v9 =	vsub.f32 v34, v9;
	v60 =	vld [tilespmem:s15+$0x10];
	v59 =	vadd.s32 v27, v7  }
0xe9: {  	v44 =	vsub.f32 v26, v5;
	v61 =	vld [tilespmem:s15+$0xFFFFFFD0];
	v21 =	vmul.f32 v28, v8;
	v22 =	vmul.f32 v58, v20  }
0xea: {  	v45 =	vsub.f32 v51, v0;
	v62 =	vld [tilespmem:s15+$0x50];
	v8 =	vmul.f32 v58, v8;
	v20 =	vmul.f32 v28, v20  }
0xeb: {  	v52 =	vsub.f32 v24, v57;
	v63 =	vld [tilespmem:s12+$0x70];
	v22 =	vsub.f32 v21, v22  }
0xec: {  	v24 =	vld [tilespmem:s15+$0xFFFFFFB0];
	v33 =	vsub.f32 v2, v4;
	v8 =	vadd.f32 v8, v20  }
0xed: {  	v2 =	vadd.f32 v4, v2;
	v4 =	vmul.f32 $3.826834260e-01, v9;
	v28 =	vadd.f32 v5, v26;
	v5 =	vld [tilespmem:s12+$0xFFFFFFF0];
	[tilespmem:v59+s25+$0x0] =	vst.idx.msk $0xffff, v22  }
0xee: {  	v9 =	vmul.f32 $9.238795040e-01, v9;
	v26 =	vadd.f32 v0, v51;
	v0 =	vld [tilespmem:s12+$0x30];
	[tilespmem:v59+s26+$0x0] =	vst.idx.msk $0xffff, v8;
	v8 =	vmul.f32 $-3.826834260e-01, v38  }
0xef: {  	v7 =	vld [tilespmem:s15+$0x70]  }
0xf0: {  	v43 =	vsub.f32 v30, v16;
	v20 =	vmul.f32 $-9.238795040e-01, v38;
	v22 =	vld [tilespmem:$0x14270];
	v8 =	vsub.f32 v8, v9  }
0xf1: {  	v21 =	vadd.f32 v16, v30;
	v16 =	vld [tilespmem:s12+$0xFFFFFFB0];
	v30 =	vsub.f32 v1, v25  }
0xf2: {  	v25 =	vld [tilespmem:s15+$0xFFFFFFF0];
	v54 =	vadd.f32 v4, v20;
	v20 =	vsub.f32 v18, v60  }
0xf3: {  	v4 =	vld [tilespmem:s15+$0x30];
	[tilespmem:$0x1FDD0] =	vst v30  }
0xf4: {  	v9 =	vadd.f32 v54, v30;
	[tilespmem:$0x1FE00] =	vst v8;
	v30 =	vadd.f32 v8, v52;
	v8 =	vmov v20;
	v20 =	vld [tilespmem:$0x1FE10]  }
0xf5: {  	v57 =	vsub.f32 v11, v55;
	v47 =	vadd.f32 v55, v11;
	v55 =	vadd.s32 v27, v22;
	v22 =	vld [tilespmem:$0x1FE20];
	_ =	sdelay $0x1  }
0xf6: {  	[tilespmem:$0x1FDE0] =	vst v54  }
0xf7: {  	[tilespmem:$0x1FDF0] =	vst v52  }
0xf8: {  	v1 =	vadd.f32 v60, v18;
	v50 =	vadd.f32 v0, v16;
	v18 =	vld [tilespmem:$0x14010]  }
0xf9: {  	v16 =	vsub.f32 v16, v0;
	v0 =	vld [tilespmem:$0x14040];
	v11 =	vmul.f32 v20, v9;
	v38 =	vmul.f32 v22, v30  }
0xfa: {  	v36 =	vld [tilespmem:$0x14110]  }
0xfb: {  	v9 =	vmul.f32 v22, v9;
	v56 =	vmul.f32 v20, v30;
	v22 =	vld [tilespmem:$0x14020];
	v58 =	vsub.f32 v11, v38  }
0xfc: {  	v30 =	vld [tilespmem:$0x14120]  }
0xfd: {  	v42 =	vadd.f32 v9, v56;
	v9 =	vld [tilespmem:$0x14030];
	[tilespmem:v55+s25+$0x0] =	vst.idx.msk $0xffff, v58  }
0xfe: {  	v11 =	vld [tilespmem:$0x14130];
	[tilespmem:$0x1FE30] =	vst v0  }
0xff: {  	[tilespmem:v55+s26+$0x0] =	vst.idx.msk $0xffff, v42  }
0x100: {  	v0 =	vld [tilespmem:$0x1FE40];
	_ =	sdelay $0x4  }
0x101: {  	v41 =	vsub.f32 v0, v41;
	v0 =	vld [tilespmem:$0x14140];
	_ =	sdelay $0x4  }
0x102: {  	[tilespmem:$0x1FE50] =	vst v0  }
0x103: {  	v0 =	vld [tilespmem:$0x14050];
	_ =	sdelay $0x3  }
0x104: {  	v13 =	vsub.f32 v13, v23;
	v23 =	vld [tilespmem:$0x14280]  }
0x105: {  	[tilespmem:$0x1FE60] =	vst v0;
	v0 =	vld [tilespmem:$0x1FE80];
	_ =	sdelay $0x3  }
0x106: {  	v52 =	vsub.f32 v35, v12  }
0x107: {  	v55 =	vadd.f32 v12, v35;
	v59 =	vmul.f32 v0, v13;
	v12 =	vmul.f32 v0, v41;
	v0 =	vld [tilespmem:$0x14150];
	_ =	sdelay $0x4  }
0x108: {  	[tilespmem:$0x1FE90] =	vst v0  }
0x109: {  	v0 =	vld [tilespmem:$0x14060];
	_ =	sdelay $0x4  }
0x10a: {  	[tilespmem:$0x1FEA0] =	vst v0  }
0x10b: {  	v0 =	vld [tilespmem:$0x14070];
	_ =	sdelay $0x4  }
0x10c: {  	v48 =	vsub.f32 v61, v62;
	v34 =	vadd.f32 v62, v61;
	v61 =	vld [tilespmem:$0x14160];
	[tilespmem:$0x1FEB0] =	vst v0  }
0x10d: {  	v0 =	vld [tilespmem:$0x14170];
	_ =	sdelay $0x4  }
0x10e: {  	[tilespmem:$0x1FEC0] =	vst v0  }
0x10f: {  	v0 =	vld [tilespmem:$0x14080];
	_ =	sdelay $0x4  }
0x110: {  	[tilespmem:$0x1FED0] =	vst v0  }
0x111: {  	v0 =	vld [tilespmem:$0x14180];
	_ =	sdelay $0x4  }
0x112: {  	[tilespmem:$0x1FEE0] =	vst v0  }
0x113: {  	v0 =	vld [tilespmem:$0x14090]  }
0x114: {  	v38 =	vadd.f32 v4, v24;
	v24 =	vsub.f32 v24, v4;
	v4 =	vld [tilespmem:$0x1FE70];
	_ =	sdelay $0x3  }
0x115: {  	v49 =	vadd.s32 v27, v23;
	[tilespmem:$0x1FEF0] =	vst v0  }
0x116: {  	v39 =	vadd.f32 v7, v25;
	v7 =	vsub.f32 v25, v7;
	v25 =	vmul.f32 v4, v41;
	v0 =	vld [tilespmem:$0x14190]  }
0x117: {  	v51 =	vadd.f32 v63, v5;
	v46 =	vsub.f32 v5, v63  }
0x118: {  	v63 =	vsub.f32 v40, v6;
	v13 =	vmul.f32 v4, v13;
	v35 =	vsub.f32 v25, v59  }
0x119: {  	v54 =	vadd.f32 v40, v6;
	v40 =	vadd.f32 v45, v32  }
0x11a: {  	v56 =	vsub.f32 v32, v45;
	v45 =	vadd.f32 v12, v13;
	[tilespmem:v49+s25+$0x0] =	vst.idx.msk $0xffff, v35  }
0x11b: {  	[tilespmem:$0x1FF00] =	vst v0  }
0x11c: {  	[tilespmem:v49+s26+$0x0] =	vst.idx.msk $0xffff, v45  }
0x11d: {  	v6 =	vld [tilespmem:$0x1FF10]  }
0x11e: {  	v58 =	vsub.f32 v17, v31;
	v23 =	vadd.f32 v31, v17;
	v17 =	vld [tilespmem:$0x1FF20]  }
0x11f: {  	v60 =	vsub.f32 v29, v10;
	v20 =	vsub.f32 v2, v47  }
0x120: {  	v25 =	vadd.f32 v10, v29;
	v29 =	vadd.f32 v47, v2  }
0x121: {  	v2 =	vsub.f32 v19, v3;
	v10 =	vsub.f32 v14, v37  }
0x122: {  	v32 =	vadd.f32 v34, v1  }
0x123: {  	v12 =	vsub.f32 v1, v34;
	v0 =	vmul.f32 v6, v2;
	v1 =	vmul.f32 v17, v10;
	_ =	sdelay $0x1  }
0x124: {  	v41 =	vsub.f32 v0, v1;
	v0 =	vld [tilespmem:$0x141B0]  }
0x125: {  	v3 =	vld [tilespmem:$0x14200]  }
0x126: {  	v19 =	vld [tilespmem:$0x140A0]  }
0x127: {  	v37 =	vld [tilespmem:$0x141A0]  }
0x128: {  	v14 =	vld [tilespmem:$0x14290]  }
0x129: {  	v2 =	vmul.f32 v17, v2;
	v17 =	vld [tilespmem:$0x140B0];
	[tilespmem:$0x1FF30] =	vst v0  }
0x12a: {  	v0 =	vld [tilespmem:$0x140C0];
	_ =	sdelay $0x4  }
0x12b: {  	[tilespmem:$0x1FF40] =	vst v0  }
0x12c: {  	v0 =	vld [tilespmem:$0x141C0];
	_ =	sdelay $0x3  }
0x12d: {  	v10 =	vmul.f32 v6, v10  }
0x12e: {  	[tilespmem:$0x1FF50] =	vst v0  }
0x12f: {  	v45 =	vadd.f32 v2, v10;
	v2 =	vld [tilespmem:$0x140D0];
	_ =	sdelay $0x4  }
0x130: {  	[tilespmem:$0x1FF60] =	vst v2  }
0x131: {  	v62 =	vsub.f32 v50, v51;
	v31 =	vadd.f32 v51, v50;
	v51 =	vld [tilespmem:$0x140E0];
	_ =	sdelay $0x3  }
0x132: {  	v0 =	vld [tilespmem:$0x1FFF0]  }
0x133: {  	v49 =	vld [tilespmem:$0x141D0];
	[tilespmem:$0x1FF70] =	vst v51  }
0x134: {  	v10 =	vld [tilespmem:$0x141E0]  }
0x135: {  	v42 =	vadd.f32 v24, v46;
	v24 =	vsub.f32 v24, v46;
	v46 =	vadd.s32 v27, v14  }
0x136: {  	v5 =	vsub.f32 v33, v48  }
0x137: {  	v4 =	vadd.f32 v43, v44;
	v34 =	vadd.f32 v28, v15  }
0x138: {  	s18 =	simm.s32 $0x100;
	v43 =	vsub.f32 v43, v44;
	v13 =	vadd.f32 v48, v33  }
0x139: {  	v33 =	vadd.f32 v26, v21;
	v44 =	vor.u32 s18, v0;
	v0 =	vadd.f32 v34, v25;
	[tilespmem:$0x1FF80] =	vst v10  }
0x13a: {  	v47 =	vadd.f32 v31, v29;
	v14 =	vadd.f32 v39, v38;
	[tilespmem:v46+s25+$0x0] =	vst.idx.msk $0xffff, v41  }
0x13b: {  	v2 =	vadd.f32 v33, v23;
	[tilespmem:$0x1FF90] =	vst v0  }
0x13c: {  	v48 =	vadd.f32 v14, v32;
	[tilespmem:$0x1FFA0] =	vst v47  }
0x13d: {  	[tilespmem:$0x1FFB0] =	vst v2  }
0x13e: {  	[tilespmem:$0x1FFC0] =	vst v48  }
0x13f: {  	v41 =	vmul.f32 $7.071067690e-01, v43;
	v43 =	vadd.f32 v47, v0;
	v0 =	vld [tilespmem:$0x140F0]  }
0x140: {  	v59 =	vsub.f32 v16, v7;
	v16 =	vadd.f32 v7, v16  }
0x141: {  	v3 =	vadd.s32 v44, v3  }
0x142: {  	v24 =	vmul.f32 $7.071067690e-01, v24;
	v16 =	vmul.f32 $7.071067690e-01, v16;
	_ =	sdelay $0x1  }
0x143: {  	v50 =	vadd.f32 v24, v16;
	[tilespmem:$0x1FFD0] =	vst v0  }
0x144: {  	v35 =	vsub.f32 v24, v16;
	v47 =	vadd.f32 v48, v2;
	[tilespmem:v46+s26+$0x0] =	vst.idx.msk $0xffff, v45  }
0x145: {  	v24 =	vsub.f32 v8, v57;
	v1 =	vmov v27;
	v27 =	vmov v57;
	v57 =	vld [tilespmem:$0x141F0];
	[tilespmem:v3+s25+$0x0] =	vst.idx.msk $0xffff, v43  }
0x146: {  	v40 =	vmul.f32 $7.071067690e-01, v40;
	[tilespmem:v3+s26+$0x0] =	vst.idx.msk $0xffff, v47  }
0x147: {  	v0 =	vld [tilespmem:$0x1FFE0]  }
0x148: {  	v16 =	vadd.f32 v41, v40  }
0x149: {  	v48 =	vadd.f32 v35, v24  }
0x14a: {  	s16 =	simm.s32 $0x200;
	v6 =	vmov v55;
	v55 =	vadd.f32 v16, v55;
	v45 =	vadd.f32 v50, v13  }
0x14b: {  	v46 =	vsub.f32 v41, v40;
	v43 =	vmul.f32 $3.826834260e-01, v48;
	v48 =	vmul.f32 $9.238795040e-01, v48;
	v40 =	vld [tilespmem:$0x142A0]  }
0x14c: {  	s11 =	sshll.u32 s7, $0x1;
	v47 =	vmul.f32 $3.826834260e-01, v45;
	v45 =	vmul.f32 $9.238795040e-01, v45;
	v3 =	vld [tilespmem:$0x14210];
	v41 =	vsub.f32 v53, v0;
	v53 =	vmovc v5;
	v5 =	vmovc v49  }
.LBB2_3:
0x14d: {  	v0 =	vld [tilespmem:$0x1FC50]  }
0x14e: {  	v2 =	vld [tilespmem:$0x1FC60];
	_ =	sdelay $0x3  }
0x14f: {  	[tilespmem:$0x1FAD0] =	vst v57;
	v57 =	vsub.f32 v48, v47;
	v47 =	vld [tilespmem:$0x1FBA0]  }
0x150: {  	v49 =	vsub.f32 v2, v0;
	v2 =	vld [tilespmem:$0x1FB90];
	_ =	sdelay $0x1  }
0x151: {  	v10 =	vadd.f32 v46, v63  }
0x152: {  	v38 =	vsub.f32 v38, v39;
	v0 =	vadd.f32 v43, v45  }
0x153: {  	[tilespmem:$0x1FB40] =	vst v55;
	v40 =	vadd.s32 v1, v40;
	v48 =	vmov v37;
	v43 =	vadd.f32 v57, v10  }
0x154: {  	[tilespmem:$0x1FBA0] =	vst v48;
	v39 =	vmul.f32 v47, v49;
	v37 =	vadd.f32 v0, v55;
	v51 =	vmul.f32 v2, v41  }
0x155: {  	[tilespmem:$0x1FB50] =	vst v57;
	v3 =	vadd.s32 v44, v3;
	v41 =	vmul.f32 v47, v41;
	v57 =	vmul.f32 v2, v49  }
0x156: {  	v55 =	vmul.f32 v43, v36;
	v2 =	vmovc v19;
	v47 =	vmul.f32 v37, v18;
	v39 =	vsub.f32 v51, v39  }
0x157: {  	v18 =	vmul.f32 v43, v18;
	[tilespmem:$0x1FB90] =	vst v2;
	v41 =	vadd.f32 v41, v57;
	v57 =	vmul.f32 v37, v36  }
0x158: {  	v47 =	vsub.f32 v47, v55;
	[tilespmem:v40+s25+$0x0] =	vst.idx.msk $0xffff, v39  }
0x159: {  	v26 =	vsub.f32 v21, v26;
	v2 =	vld [tilespmem:$0x1FC70];
	v21 =	vadd.f32 v18, v57;
	[tilespmem:v40+s26+$0x0] =	vst.idx.msk $0xffff, v41  }
0x15a: {  	v48 =	vld [tilespmem:$0x142B0];
	[tilespmem:v3+s25+$0x0] =	vst.idx.msk $0xffff, v47  }
0x15b: {  	[tilespmem:v3+s26+$0x0] =	vst.idx.msk $0xffff, v21;
	v21 =	vld [tilespmem:$0x1FC80];
	_ =	sdelay $0x3  }
0x15c: {  	v45 =	vsub.f32 v12, v62;
	v19 =	vadd.f32 v38, v20  }
0x15d: {  	v40 =	vsub.f32 v2, v21;
	v2 =	vld [tilespmem:$0x1FC90]  }
0x15e: {  	[tilespmem:$0x1FAC0] =	vst v20;
	v15 =	vsub.f32 v15, v28;
	v20 =	vmul.f32 $7.071067690e-01, v45;
	v19 =	vmul.f32 $7.071067690e-01, v19;
	v21 =	vld [tilespmem:$0x1FCA0];
	_ =	sdelay $0x1  }
0x15f: {  	[tilespmem:$0x1FB30] =	vst v0;
	v49 =	vsub.f32 v58, v15;
	v0 =	vsub.f32 v20, v19  }
0x160: {  	[tilespmem:$0x1FB60] =	vst v10;
	v36 =	vld [tilespmem:$0x1FBC0]  }
0x161: {  	v10 =	vmov v12;
	v12 =	vmov v58;
	[tilespmem:$0x1FC50] =	vst v0;
	v58 =	vadd.f32 v0, v49;
	v0 =	vld [tilespmem:$0x1FF30]  }
0x162: {  	v41 =	vsub.f32 v2, v21;
	v2 =	vld [tilespmem:$0x1FBB0]  }
0x163: {  	s12 =	sadd.s32 $0x100, s12;
	v18 =	vadd.f32 v8, v27;
	v8 =	vld [tilespmem:$0x14220]  }
0x164: {  	v7 =	vmul.f32 $-7.071067690e-01, v59;
	v59 =	vld [tilespmem:s12+$0xFFFFFF80]  }
0x165: {  	v27 =	vadd.f32 v26, v60;
	v51 =	vadd.f32 v20, v19;
	v39 =	vld [tilespmem:s12+$0xFFFFFFA0]  }
0x166: {  	v37 =	vmul.f32 $-7.071067690e-01, v56;
	v3 =	vmul.f32 $-7.071067690e-01, v42;
	v56 =	vld [tilespmem:s12+$0xFFFFFFC0];
	v19 =	vadd.s32 v1, v48  }
0x167: {  	v43 =	vadd.f32 v51, v27;
	v57 =	vld [tilespmem:s12+$0xFFFFFFE0];
	v55 =	vmul.f32 v36, v41;
	v42 =	vmul.f32 v2, v40  }
0x168: {  	v45 =	vld [tilespmem:s12+$0x0];
	v21 =	vsub.f32 v7, v3;
	v40 =	vmul.f32 v36, v40;
	v41 =	vmul.f32 v2, v41  }
0x169: {  	[tilespmem:$0x1FB70] =	vst v27;
	v47 =	vld [tilespmem:s12+$0x40];
	v36 =	vadd.f32 v7, v3;
	v2 =	vmov v0;
	v7 =	vsub.f32 v42, v55  }
0x16a: {  	v3 =	vadd.s32 v44, v8;
	[tilespmem:$0x1FBC0] =	vst v2;
	v2 =	vld [tilespmem:$0x1FCB0];
	v28 =	vadd.f32 v40, v41  }
0x16b: {  	v27 =	vmul.f32 v58, v30;
	v8 =	vmul.f32 v43, v22;
	v42 =	vld [tilespmem:s12+$0x20];
	[tilespmem:v19+s25+$0x0] =	vst.idx.msk $0xffff, v7  }
0x16c: {  	v55 =	vmul.f32 v58, v22;
	v22 =	vld [tilespmem:s12+$0x60];
	[tilespmem:v19+s26+$0x0] =	vst.idx.msk $0xffff, v28  }
0x16d: {  	s15 =	sadd.s32 $0x100, s15;
	v8 =	vsub.f32 v8, v27;
	v28 =	vld [tilespmem:$0x142C0]  }
0x16e: {  	[tilespmem:$0x1FB80] =	vst v51;
	v51 =	vld [tilespmem:s15+$0xFFFFFF80]  }
0x16f: {  	[tilespmem:v3+s25+$0x0] =	vst.idx.msk $0xffff, v8;
	v8 =	vld [tilespmem:$0x1FCC0];
	_ =	sdelay $0x3  }
0x170: {  	[tilespmem:$0x1FC60] =	vst v49;
	v49 =	vld [tilespmem:$0x1FCE0]  }
0x171: {  	v8 =	vsub.f32 v2, v8;
	v2 =	vld [tilespmem:$0x1FCD0];
	_ =	sdelay $0x1  }
0x172: {  	v30 =	vmul.f32 v43, v30  }
0x173: {  	v0 =	vld [tilespmem:$0x1FF50]  }
0x174: {  	v41 =	vadd.f32 v21, v53;
	v7 =	vmul.f32 $-7.071067690e-01, v4;
	v27 =	vadd.f32 v55, v30;
	v55 =	vld [tilespmem:$0x1FBE0]  }
0x175: {  	[tilespmem:$0x1FAE0] =	vst v53;
	v19 =	vadd.f32 v36, v18;
	v40 =	vadd.f32 v2, v49;
	v2 =	vld [tilespmem:$0x1FBD0]  }
0x176: {  	[tilespmem:$0x1FAF0] =	vst v52;
	v20 =	vsub.f32 v37, v7  }
0x177: {  	[tilespmem:$0x1FB00] =	vst v54;
	v30 =	vadd.f32 v37, v7;
	v7 =	vmul.f32 $3.826834260e-01, v41;
	v58 =	vmul.f32 $9.238795040e-01, v19  }
0x178: {  	v53 =	vld [tilespmem:s15+$0x0];
	[tilespmem:v3+s26+$0x0] =	vst.idx.msk $0xffff, v27;
	v3 =	vmul.f32 $9.238795040e-01, v41;
	v19 =	vmul.f32 $3.826834260e-01, v19;
	v48 =	vadd.f32 v20, v52  }
0x179: {  	v17 =	vmovc v17;
	v52 =	vadd.f32 v58, v7;
	v7 =	vadd.s32 v1, v28;
	v28 =	vmul.f32 v55, v40  }
0x17a: {  	[tilespmem:$0x1FBB0] =	vst v17;
	v41 =	vmul.f32 v2, v8;
	v8 =	vmul.f32 v55, v8;
	v55 =	vmov v0;
	v0 =	vld [tilespmem:$0x1FF40]  }
0x17b: {  	v27 =	vld [tilespmem:$0x14230];
	v58 =	vsub.f32 v19, v3;
	[tilespmem:$0x1FC70] =	vst v48  }
0x17c: {  	[tilespmem:$0x1FC80] =	vst v52;
	v49 =	vadd.f32 v30, v54  }
0x17d: {  	v43 =	vld [tilespmem:s15+$0xFFFFFFA0];
	[tilespmem:$0x1FCA0] =	vst v58  }
0x17e: {  	v3 =	vld [tilespmem:s15+$0xFFFFFFE0];
	v17 =	vadd.f32 v52, v48;
	[tilespmem:$0x1FC90] =	vst v49;
	v58 =	vadd.f32 v58, v49  }
0x17f: {  	v48 =	vld [tilespmem:s15+$0x20];
	v40 =	vmul.f32 v2, v40;
	[tilespmem:$0x1FBE0] =	vst v55;
	v2 =	vmov v0;
	v0 =	vsub.f32 v51, v53  }
0x180: {  	v54 =	vld [tilespmem:s15+$0xFFFFFFC0];
	[tilespmem:$0x1FBD0] =	vst v2;
	v2 =	vadd.s32 v44, v27;
	v27 =	vsub.f32 v41, v28  }
0x181: {  	v49 =	vld [tilespmem:s15+$0x60];
	v52 =	vmul.f32 v58, v11;
	[tilespmem:$0x1FB10] =	vst v0;
	v0 =	vsub.f32 v56, v47  }
0x182: {  	v55 =	vld [tilespmem:s15+$0x40];
	v8 =	vadd.f32 v8, v40;
	v28 =	vmul.f32 v17, v9;
	[tilespmem:v7+s25+$0x0] =	vst.idx.msk $0xffff, v27  }
0x183: {  	v11 =	vmul.f32 v17, v11;
	[tilespmem:$0x1FB20] =	vst v0  }
0x184: {  	v9 =	vmul.f32 v58, v9;
	v58 =	vsub.f32 v28, v52;
	[tilespmem:v7+s26+$0x0] =	vst.idx.msk $0xffff, v8;
	v0 =	vld [tilespmem:$0x1FD10]  }
0x185: {  	v8 =	vld [tilespmem:$0x142D0]  }
0x186: {  	v7 =	vadd.f32 v9, v11;
	v9 =	vld [tilespmem:s12+$0xFFFFFF90];
	[tilespmem:v2+s25+$0x0] =	vst.idx.msk $0xffff, v58  }
0x187: {  	v52 =	vld [tilespmem:s12+$0x10]  }
0x188: {  	[tilespmem:v2+s26+$0x0] =	vst.idx.msk $0xffff, v7;
	v2 =	vld [tilespmem:$0x1FD20];
	_ =	sdelay $0x3  }
0x189: {  	v4 =	vld [tilespmem:$0x1FD40]  }
0x18a: {  	v2 =	vsub.f32 v0, v2;
	v0 =	vld [tilespmem:$0x1FD30]  }
0x18b: {  	v37 =	vsub.f32 v57, v22;
	v28 =	vmov v57;
	v57 =	vld [tilespmem:$0x1FC00]  }
0x18c: {  	v58 =	vsub.f32 v29, v31;
	v31 =	vld [tilespmem:$0x1FBF0];
	_ =	sdelay $0x1  }
0x18d: {  	v7 =	vld [tilespmem:$0x14240]  }
0x18e: {  	v32 =	vsub.f32 v32, v14;
	v14 =	vsub.f32 v0, v4;
	v0 =	vld [tilespmem:$0x1FF60]  }
0x18f: {  	v25 =	vsub.f32 v25, v34;
	v34 =	vsub.f32 v23, v33  }
0x190: {  	v4 =	vmul.f32 v31, v2;
	v33 =	vmul.f32 v57, v14  }
0x191: {  	[tilespmem:$0x1FCD0] =	vst v34  }
0x192: {  	[tilespmem:$0x1FCE0] =	vst v58;
	v34 =	vsub.f32 v34, v58;
	v58 =	vadd.s32 v44, v7;
	v7 =	vsub.f32 v4, v33;
	v4 =	vld [tilespmem:$0x1FE50]  }
0x193: {  	v8 =	vadd.s32 v1, v8;
	v57 =	vmul.f32 v57, v2;
	v2 =	vmov v0;
	v0 =	vld [tilespmem:$0x1FE30]  }
0x194: {  	[tilespmem:$0x1FCC0] =	vst v32;
	v29 =	vadd.f32 v32, v25;
	v32 =	vmov v5;
	v5 =	vld [tilespmem:$0x1FD80]  }
0x195: {  	v11 =	vld [tilespmem:s12+$0xFFFFFFD0];
	v14 =	vmul.f32 v31, v14  }
0x196: {  	[tilespmem:$0x1FCB0] =	vst v25;
	v23 =	vld [tilespmem:s12+$0x50]  }
0x197: {  	[tilespmem:$0x1FC00] =	vst v32;
	v25 =	vld [tilespmem:s15+$0xFFFFFF90];
	v14 =	vadd.f32 v57, v14;
	v33 =	vmul.f32 v4, v34  }
0x198: {  	v31 =	vld [tilespmem:s15+$0x10];
	[tilespmem:v8+s25+$0x0] =	vst.idx.msk $0xffff, v7;
	v4 =	vmul.f32 v4, v29;
	v32 =	vmul.f32 v0, v29  }
0x199: {  	v29 =	vmul.f32 v0, v34;
	v0 =	vld [tilespmem:s15+$0xFFFFFFD0];
	[tilespmem:v8+s26+$0x0] =	vst.idx.msk $0xffff, v14;
	v14 =	vsub.f32 v24, v35  }
0x19a: {  	v35 =	vsub.f32 v6, v16;
	v6 =	vld [tilespmem:$0x1FD90];
	v32 =	vsub.f32 v32, v33  }
0x19b: {  	v24 =	vadd.f32 v4, v29;
	v29 =	vld [tilespmem:$0x142E0]  }
0x19c: {  	v4 =	vld [tilespmem:s15+$0x50];
	[tilespmem:v58+s25+$0x0] =	vst.idx.msk $0xffff, v32  }
0x19d: {  	[tilespmem:v58+s26+$0x0] =	vst.idx.msk $0xffff, v24;
	v24 =	vld [tilespmem:$0x1FD70]  }
0x19e: {  	v16 =	vld [tilespmem:$0x1FDA0]  }
0x19f: {  	v13 =	vsub.f32 v13, v50;
	v46 =	vsub.f32 v63, v46;
	v63 =	vld [tilespmem:$0x1FC20]  }
0x1a0: {  	v34 =	vld [tilespmem:$0x1FC10]  }
0x1a1: {  	v50 =	vmul.f32 $9.238795040e-01, v14;
	v32 =	vmul.f32 $-3.826834260e-01, v13;
	v58 =	vld [tilespmem:$0x1FF80]  }
0x1a2: {  	v24 =	vsub.f32 v5, v24;
	v5 =	vmul.f32 $-9.238795040e-01, v13;
	v13 =	vmul.f32 $3.826834260e-01, v14;
	v14 =	vld [tilespmem:$0x14250]  }
0x1a3: {  	v6 =	vsub.f32 v6, v16;
	v7 =	vadd.f32 v50, v32  }
0x1a4: {  	v50 =	vsub.f32 v5, v13;
	v5 =	vadd.s32 v1, v29  }
0x1a5: {  	[tilespmem:$0x1FD20] =	vst v7;
	v32 =	vadd.f32 v7, v35;
	v7 =	vld [tilespmem:$0x1FAC0];
	v16 =	vmul.f32 v34, v24;
	v29 =	vmul.f32 v63, v6  }
0x1a6: {  	[tilespmem:$0x1FD30] =	vst v46;
	v24 =	vmul.f32 v63, v24;
	v63 =	vmov v58;
	v6 =	vmul.f32 v34, v6;
	v58 =	vld [tilespmem:$0x1FE60]  }
0x1a7: {  	[tilespmem:$0x1FD10] =	vst v35;
	v33 =	vadd.f32 v50, v46;
	v46 =	vld [tilespmem:$0x1FF70];
	v35 =	vadd.s32 v44, v14;
	v14 =	vsub.f32 v16, v29  }
0x1a8: {  	[tilespmem:$0x1FC20] =	vst v63;
	v63 =	vld [tilespmem:$0x1FE90];
	v6 =	vadd.f32 v24, v6  }
0x1a9: {  	[tilespmem:v5+s25+$0x0] =	vst.idx.msk $0xffff, v14  }
0x1aa: {  	[tilespmem:v5+s26+$0x0] =	vst.idx.msk $0xffff, v6  }
0x1ab: {  	v19 =	vsub.f32 v59, v45;
	v34 =	vsub.f32 v7, v38;
	v6 =	vld [tilespmem:$0x142F0]  }
0x1ac: {  	[tilespmem:$0x1FD40] =	vst v50;
	v16 =	vmul.f32 v58, v32;
	v14 =	vadd.f32 v53, v51;
	v50 =	vmov v46  }
0x1ad: {  	v53 =	vmul.f32 $-7.071067690e-01, v34;
	v29 =	vmul.f32 v63, v33;
	[tilespmem:$0x1FC10] =	vst v50;
	v50 =	vadd.f32 v10, v62  }
0x1ae: {  	v40 =	vsub.f32 v54, v55;
	v24 =	vmul.f32 v63, v32;
	v46 =	vmul.f32 v58, v33;
	v58 =	vld [tilespmem:$0x1FDF0]  }
0x1af: {  	v29 =	vsub.f32 v16, v29;
	v16 =	vadd.f32 v45, v59;
	v59 =	vld [tilespmem:$0x1FE00];
	v33 =	vmul.f32 $-7.071067690e-01, v50  }
0x1b0: {  	v5 =	vadd.f32 v24, v46;
	v24 =	vadd.f32 v47, v56;
	v6 =	vadd.s32 v1, v6;
	v1 =	vld [tilespmem:$0x1FAD0]  }
0x1b1: {  	v56 =	vld [tilespmem:$0x1FDE0];
	[tilespmem:v35+s25+$0x0] =	vst.idx.msk $0xffff, v29;
	v29 =	vadd.f32 v55, v54;
	v55 =	vsub.f32 v53, v33  }
0x1b2: {  	v54 =	vsub.f32 v60, v26;
	v26 =	vld [tilespmem:$0x1FDD0]  }
0x1b3: {  	v60 =	vadd.f32 v12, v15;
	v15 =	vld [tilespmem:$0x1FC30]  }
0x1b4: {  	v62 =	vadd.f32 v53, v33;
	v53 =	vld [tilespmem:$0x1FC40]  }
0x1b5: {  	[tilespmem:$0x1FD70] =	vst v55;
	v63 =	vadd.f32 v55, v54;
	v55 =	vmov v1;
	v1 =	vld [tilespmem:$0x1FAE0]  }
0x1b6: {  	v18 =	vsub.f32 v18, v36;
	v41 =	vsub.f32 v3, v49;
	[tilespmem:v35+s26+$0x0] =	vst.idx.msk $0xffff, v5  }
0x1b7: {  	v5 =	vld [tilespmem:$0x14260];
	v34 =	vsub.f32 v58, v59;
	v26 =	vsub.f32 v26, v56  }
0x1b8: {  	v27 =	vsub.f32 v43, v48;
	v28 =	vadd.f32 v22, v28;
	v56 =	vld [tilespmem:$0x1FEA0]  }
0x1b9: {  	v8 =	vsub.f32 v25, v31;
	[tilespmem:$0x1FD80] =	vst v54;
	v54 =	vld [tilespmem:$0x1FFD0];
	v51 =	vmul.f32 v15, v26;
	v7 =	vmul.f32 v53, v34  }
0x1ba: {  	[tilespmem:$0x1FDA0] =	vst v62;
	v38 =	vadd.f32 v62, v60;
	v62 =	vsub.f32 v1, v21;
	v1 =	vld [tilespmem:$0x1FAF0]  }
0x1bb: {  	v50 =	vmovc v44;
	v26 =	vmul.f32 v53, v26;
	v34 =	vmul.f32 v15, v34;
	v33 =	vsub.f32 v51, v7  }
0x1bc: {  	v31 =	vadd.f32 v31, v25;
	v25 =	vld [tilespmem:$0x1FEC0];
	[tilespmem:$0x1FD90] =	vst v60;
	v59 =	vmul.f32 v61, v38;
	v5 =	vadd.s32 v50, v5  }
0x1bd: {  	v60 =	vld [tilespmem:s12+$0xFFFFFFB0];
	v26 =	vadd.f32 v26, v34;
	v58 =	vmul.f32 v56, v63;
	[tilespmem:v6+s25+$0x0] =	vst.idx.msk $0xffff, v33  }
0x1be: {  	v57 =	vsub.f32 v11, v23;
	v32 =	vmul.f32 v61, v63;
	v38 =	vmul.f32 v56, v38;
	v33 =	vld [tilespmem:s12+$0xFFFFFFF0]  }
0x1bf: {  	v15 =	vmov v54;
	v35 =	vsub.f32 v58, v59;
	[tilespmem:v6+s26+$0x0] =	vst.idx.msk $0xffff, v26;
	v54 =	vsub.f32 v1, v20;
	v1 =	vld [tilespmem:$0x1FB00]  }
0x1c0: {  	v22 =	vmul.f32 $3.826834260e-01, v18;
	[tilespmem:$0x1FBF0] =	vst v2;
	v2 =	vsub.f32 v9, v52;
	v32 =	vadd.f32 v32, v38;
	v6 =	vld [tilespmem:s12+$0x30]  }
0x1c1: {  	v21 =	vadd.f32 v48, v43;
	v26 =	vadd.f32 v49, v3;
	v63 =	vld [tilespmem:s12+$0x70];
	[tilespmem:v5+s25+$0x0] =	vst.idx.msk $0xffff, v35;
	v3 =	vmul.f32 $-9.238795040e-01, v62  }
0x1c2: {  	v35 =	vld [tilespmem:s15+$0xFFFFFFB0];
	[tilespmem:v5+s26+$0x0] =	vst.idx.msk $0xffff, v32;
	v32 =	vadd.f32 v52, v9;
	v5 =	vmul.f32 $-3.826834260e-01, v62;
	v9 =	vmul.f32 $9.238795040e-01, v18  }
0x1c3: {  	v43 =	vadd.f32 v23, v11;
	v11 =	vld [tilespmem:$0x1FEB0];
	v22 =	vadd.f32 v22, v3  }
0x1c4: {  	v52 =	vld [tilespmem:$0x14270];
	v9 =	vsub.f32 v5, v9;
	v30 =	vsub.f32 v1, v30  }
0x1c5: {  	v53 =	vld [tilespmem:s15+$0x30]  }
0x1c6: {  	v12 =	vld [tilespmem:s15+$0xFFFFFFF0];
	v5 =	vadd.f32 v22, v54;
	[tilespmem:$0x1FE00] =	vst v9;
	v9 =	vadd.f32 v9, v30  }
0x1c7: {  	v13 =	vsub.f32 v0, v4;
	v3 =	vld [tilespmem:s15+$0x70]  }
0x1c8: {  	v45 =	vadd.f32 v4, v0;
	v18 =	vld [tilespmem:$0x14010];
	v0 =	vmul.f32 v11, v5;
	v4 =	vmul.f32 v25, v9  }
0x1c9: {  	v36 =	vld [tilespmem:$0x14110];
	v23 =	vadd.s32 v50, v52  }
0x1ca: {  	v4 =	vsub.f32 v0, v4;
	v0 =	vld [tilespmem:$0x14040]  }
0x1cb: {  	v7 =	vld [tilespmem:$0x14030]  }
0x1cc: {  	[tilespmem:$0x1FDE0] =	vst v22;
	v22 =	vld [tilespmem:$0x14020]  }
0x1cd: {  	[tilespmem:$0x1FDF0] =	vst v30;
	v30 =	vld [tilespmem:$0x14120]  }
0x1ce: {  	v5 =	vmul.f32 v25, v5;
	v25 =	vmul.f32 v11, v9;
	v11 =	vld [tilespmem:$0x14130];
	[tilespmem:v23+s25+$0x0] =	vst.idx.msk $0xffff, v4  }
0x1cf: {  	[tilespmem:$0x1FE30] =	vst v0;
	v0 =	vld [tilespmem:$0x14140];
	_ =	sdelay $0x1  }
0x1d0: {  	v5 =	vadd.f32 v5, v25;
	_ =	sdelay $0x1  }
0x1d1: {  	[tilespmem:v23+s26+$0x0] =	vst.idx.msk $0xffff, v5  }
0x1d2: {  	[tilespmem:$0x1FE50] =	vst v0;
	v0 =	vld [tilespmem:$0x14050];
	_ =	sdelay $0x4  }
0x1d3: {  	[tilespmem:$0x1FE60] =	vst v0;
	v0 =	vld [tilespmem:$0x14150];
	_ =	sdelay $0x4  }
0x1d4: {  	[tilespmem:$0x1FE90] =	vst v0;
	v0 =	vld [tilespmem:$0x14060];
	_ =	sdelay $0x3  }
0x1d5: {  	v46 =	vadd.f32 v6, v60;
	v48 =	vsub.f32 v60, v6;
	v6 =	vld [tilespmem:$0x1FFA0]  }
0x1d6: {  	[tilespmem:$0x1FEA0] =	vst v0;
	v0 =	vld [tilespmem:$0x1FF90];
	_ =	sdelay $0x3  }
0x1d7: {  	v23 =	vld [tilespmem:$0x1FFC0]  }
0x1d8: {  	v6 =	vsub.f32 v0, v6;
	v0 =	vld [tilespmem:$0x1FFB0];
	_ =	sdelay $0x4  }
0x1d9: {  	v23 =	vsub.f32 v0, v23;
	v0 =	vld [tilespmem:$0x14070];
	_ =	sdelay $0x3  }
0x1da: {  	v5 =	vld [tilespmem:$0x14280]  }
0x1db: {  	[tilespmem:$0x1FEB0] =	vst v0;
	v0 =	vld [tilespmem:$0x14170];
	_ =	sdelay $0x3  }
0x1dc: {  	[tilespmem:$0x1FC40] =	vst v55;
	v55 =	vadd.s32 v50, v5;
	v5 =	vld [tilespmem:$0x1FEE0]  }
0x1dd: {  	[tilespmem:$0x1FEC0] =	vst v0;
	v0 =	vld [tilespmem:$0x1FED0];
	_ =	sdelay $0x3  }
0x1de: {  	v44 =	vmul.f32 v5, v23  }
0x1df: {  	v25 =	vmul.f32 v0, v6;
	v23 =	vmul.f32 v0, v23;
	v0 =	vld [tilespmem:$0x14080];
	_ =	sdelay $0x4  }
0x1e0: {  	[tilespmem:$0x1FED0] =	vst v0;
	v0 =	vld [tilespmem:$0x14180]  }
0x1e1: {  	v17 =	vsub.f32 v39, v42;
	_ =	sdelay $0x1  }
0x1e2: {  	v56 =	vsub.f32 v17, v41;
	v47 =	vadd.f32 v63, v33  }
0x1e3: {  	v49 =	vsub.f32 v33, v63;
	v63 =	vadd.f32 v40, v19  }
0x1e4: {  	v38 =	vadd.f32 v53, v35;
	v52 =	vsub.f32 v19, v40;
	v19 =	vmul.f32 v5, v6;
	[tilespmem:$0x1FEE0] =	vst v0;
	v0 =	vld [tilespmem:$0x1FFF0]  }
0x1e5: {  	v35 =	vsub.f32 v35, v53;
	v61 =	vld [tilespmem:$0x14160];
	v10 =	vsub.f32 v25, v44  }
0x1e6: {  	v40 =	vadd.f32 v41, v17;
	v41 =	vld [tilespmem:$0x14090];
	v17 =	vadd.f32 v19, v23  }
0x1e7: {  	v53 =	vsub.f32 v2, v13;
	v13 =	vadd.f32 v13, v2;
	v2 =	vld [tilespmem:$0x14190];
	[tilespmem:v55+s25+$0x0] =	vst.idx.msk $0xffff, v10  }
0x1e8: {  	v10 =	vld [tilespmem:$0x14200];
	[tilespmem:v55+s26+$0x0] =	vst.idx.msk $0xffff, v17  }
0x1e9: {  	v44 =	vor.u32 s16, v0;
	v0 =	vld [tilespmem:$0x141B0];
	_ =	sdelay $0x3  }
0x1ea: {  	v5 =	vld [tilespmem:$0x1FB40]  }
0x1eb: {  	[tilespmem:$0x1FF30] =	vst v0;
	v0 =	vld [tilespmem:$0x1FB30];
	_ =	sdelay $0x2  }
0x1ec: {  	v58 =	vsub.f32 v14, v29  }
0x1ed: {  	v20 =	vsub.f32 v32, v43;
	v23 =	vadd.f32 v29, v14  }
0x1ee: {  	v29 =	vadd.f32 v43, v32;
	v43 =	vsub.f32 v5, v0;
	v0 =	vld [tilespmem:$0x1FB50]  }
0x1ef: {  	v5 =	vld [tilespmem:$0x1FB60];
	_ =	sdelay $0x2  }
0x1f0: {  	[tilespmem:$0x1FC30] =	vst v15;
	v15 =	vadd.f32 v42, v39;
	v39 =	vadd.f32 v3, v12  }
0x1f1: {  	v3 =	vsub.f32 v12, v3;
	v12 =	vsub.f32 v31, v45  }
0x1f2: {  	v32 =	vadd.f32 v45, v31;
	v45 =	vsub.f32 v5, v0;
	v0 =	vld [tilespmem:$0x140C0];
	_ =	sdelay $0x4  }
0x1f3: {  	[tilespmem:$0x1FF40] =	vst v0;
	v0 =	vld [tilespmem:$0x141C0]  }
0x1f4: {  	v51 =	vsub.f32 v27, v37;
	v1 =	vld [tilespmem:$0x1FB10]  }
0x1f5: {  	v34 =	vadd.f32 v28, v15;
	v60 =	vsub.f32 v16, v24;
	v9 =	vld [tilespmem:$0x1FB20]  }
0x1f6: {  	v33 =	vadd.f32 v26, v21;
	v25 =	vadd.f32 v24, v16;
	v16 =	vld [tilespmem:$0x14290]  }
0x1f7: {  	v62 =	vsub.f32 v46, v47;
	v59 =	vsub.f32 v48, v3;
	v5 =	vld [tilespmem:$0x1FF00]  }
0x1f8: {  	v42 =	vadd.f32 v35, v49;
	v3 =	vadd.f32 v3, v48;
	[tilespmem:$0x1FF50] =	vst v0;
	v0 =	vld [tilespmem:$0x1FEF0]  }
0x1f9: {  	v35 =	vsub.f32 v35, v49;
	v4 =	vadd.f32 v27, v37  }
0x1fa: {  	[tilespmem:$0x1FDD0] =	vst v54;
	v3 =	vmul.f32 $7.071067690e-01, v3;
	v54 =	vadd.f32 v1, v9;
	v9 =	vsub.f32 v1, v9  }
0x1fb: {  	v35 =	vmul.f32 $7.071067690e-01, v35;
	v24 =	vsub.f32 v8, v57;
	v31 =	vadd.f32 v47, v46;
	v19 =	vld [tilespmem:$0x140A0]  }
0x1fc: {  	v14 =	vadd.f32 v39, v38;
	v49 =	vadd.f32 v34, v25;
	v37 =	vld [tilespmem:$0x141A0];
	v16 =	vadd.s32 v50, v16  }
0x1fd: {  	v55 =	vadd.f32 v31, v29;
	v17 =	vld [tilespmem:$0x140B0];
	v48 =	vmul.f32 v5, v45;
	v46 =	vmul.f32 v0, v43  }
0x1fe: {  	v27 =	vmovc v57;
	v1 =	vmov v50;
	[tilespmem:$0x1FF90] =	vst v49;
	v50 =	vadd.f32 v35, v3;
	v35 =	vsub.f32 v35, v3;
	v3 =	vld [tilespmem:$0x141E0]  }
0x1ff: {  	v6 =	vmovc v41;
	[tilespmem:$0x1FFA0] =	vst v55;
	v45 =	vmul.f32 v0, v45;
	v0 =	vmov v2;
	v2 =	vld [tilespmem:$0x140E0];
	v41 =	vsub.f32 v46, v48  }
0x200: {  	v57 =	vadd.f32 v33, v23;
	v47 =	vadd.s32 v44, v10;
	v10 =	vld [tilespmem:$0x140D0];
	[tilespmem:$0x1FF00] =	vst v0;
	v0 =	vadd.f32 v14, v32  }
0x201: {  	v43 =	vmul.f32 v5, v43;
	v5 =	vld [tilespmem:$0x141D0];
	[tilespmem:v16+s25+$0x0] =	vst.idx.msk $0xffff, v41  }
0x202: {  	[tilespmem:$0x1FFC0] =	vst v0;
	v41 =	vadd.f32 v55, v49;
	v55 =	vadd.f32 v0, v57;
	v0 =	vld [tilespmem:$0x140F0]  }
0x203: {  	[tilespmem:$0x1FF80] =	vst v3  }
0x204: {  	v3 =	vmul.f32 $7.071067690e-01, v51;
	v46 =	vmul.f32 $7.071067690e-01, v40;
	[tilespmem:$0x1FF70] =	vst v2;
	v2 =	vadd.f32 v43, v45  }
0x205: {  	[tilespmem:$0x1FFB0] =	vst v57  }
0x206: {  	[tilespmem:v16+s26+$0x0] =	vst.idx.msk $0xffff, v2;
	v16 =	vadd.f32 v3, v46;
	v46 =	vsub.f32 v3, v46;
	v3 =	vld [tilespmem:$0x1FB80]  }
0x207: {  	p0 =	sne.s32 s16, $0x1F00;
	[tilespmem:$0x1FFD0] =	vst v0;
	v0 =	vld [tilespmem:$0x1FB70]  }
.Ltmp0:
0x208: {  	[tilespmem:$0x1FF60] =	vst v10;
	v49 =	vadd.f32 v35, v24;
	(pc) =	sbr.rel @p0 .LBB2_3-.Ltmp0, $4  }
0x209: {  	[tilespmem:$0x1FEF0] =	vst v6;
	v2 =	vadd.f32 v50, v13;
	v40 =	vld [tilespmem:$0x142A0]  }
0x20a: {  	v43 =	vmul.f32 $3.826834260e-01, v49;
	v57 =	vld [tilespmem:$0x141F0];
	[tilespmem:v47+s25+$0x0] =	vst.idx.msk $0xffff, v41  }
0x20b: {  	v6 =	vmov v63;
	v48 =	vmul.f32 $9.238795040e-01, v49;
	v45 =	vmul.f32 $9.238795040e-01, v2;
	[tilespmem:v47+s26+$0x0] =	vst.idx.msk $0xffff, v55  }
0x20c: {  	s16 =	sadd.s32 $0x100, s16;
	v55 =	vadd.f32 v16, v63;
	v63 =	vmovc v9;
	v9 =	vmovc v7;
	v47 =	vmul.f32 $3.826834260e-01, v2;
	v41 =	vsub.f32 v0, v3;
	v3 =	vld [tilespmem:$0x14210]  }
0x20d: {  	v0 =	vadd.f32 v43, v45  }
0x20e: {  	v10 =	vadd.f32 v46, v63;
	v7 =	vsub.f32 v48, v47;
	_ =	sdelay $0x1  }
0x20f: {  	v2 =	vadd.f32 v0, v55;
	v48 =	vadd.f32 v7, v10  }
0x210: {  	v3 =	vadd.s32 v44, v3  }
0x211: {  	v45 =	vmovc v52;
	v52 =	vsub.f32 v38, v39;
	v49 =	vmul.f32 v2, v18;
	v51 =	vmul.f32 v48, v36  }
0x212: {  	[tilespmem:$0x1FA50] =	vst v0;
	v2 =	vmul.f32 v2, v36;
	v18 =	vmul.f32 v48, v18  }
0x213: {  	[tilespmem:$0x1FA60] =	vst v10;
	v38 =	vadd.f32 v52, v20;
	v48 =	vsub.f32 v49, v51  }
0x214: {  	[tilespmem:$0x1FA70] =	vst v7;
	v49 =	vsub.f32 v12, v62;
	v2 =	vadd.f32 v18, v2  }
0x215: {  	[tilespmem:v3+s25+$0x0] =	vst.idx.msk $0xffff, v48  }
0x216: {  	v18 =	vmul.f32 $7.071067690e-01, v38;
	v51 =	vmul.f32 $7.071067690e-01, v49;
	[tilespmem:v3+s26+$0x0] =	vst.idx.msk $0xffff, v2  }
0x217: {  	v2 =	vsub.f32 v21, v26;
	v3 =	vsub.f32 v15, v28;
	v15 =	vld [tilespmem:$0x14220]  }
0x218: {  	v26 =	vadd.f32 v51, v18;
	v47 =	vsub.f32 v51, v18  }
0x219: {  	v38 =	vadd.f32 v2, v60;
	v36 =	vsub.f32 v58, v3  }
0x21a: {  	v7 =	vadd.f32 v8, v27  }
0x21b: {  	v39 =	vmul.f32 $-7.071067690e-01, v42;
	v21 =	vmovc v20;
	v18 =	vadd.f32 v26, v38;
	v20 =	vadd.f32 v47, v36  }
0x21c: {  	v43 =	vmovc v12;
	v8 =	vmul.f32 $-7.071067690e-01, v59;
	v12 =	vmul.f32 $-7.071067690e-01, v4;
	v15 =	vadd.s32 v44, v15  }
0x21d: {  	v42 =	vmul.f32 v18, v22;
	v59 =	vmul.f32 v20, v30  }
0x21e: {  	v49 =	vsub.f32 v8, v39;
	v18 =	vmul.f32 v18, v30;
	v20 =	vmul.f32 v20, v22  }
0x21f: {  	v51 =	vadd.f32 v8, v39;
	v22 =	vmul.f32 $-7.071067690e-01, v56;
	v8 =	vsub.f32 v42, v59  }
0x220: {  	v18 =	vadd.f32 v20, v18;
	v20 =	vadd.f32 v49, v53  }
0x221: {  	v30 =	vadd.f32 v51, v7;
	v56 =	vmov v54;
	v54 =	vadd.f32 v22, v12;
	[tilespmem:v15+s25+$0x0] =	vst.idx.msk $0xffff, v8  }
0x222: {  	v59 =	vmovc v53;
	v53 =	vsub.f32 v22, v12;
	v8 =	vmul.f32 $3.826834260e-01, v20;
	v20 =	vmul.f32 $9.238795040e-01, v20;
	[tilespmem:v15+s26+$0x0] =	vst.idx.msk $0xffff, v18  }
0x223: {  	v15 =	vmul.f32 $9.238795040e-01, v30;
	v18 =	vmul.f32 $3.826834260e-01, v30;
	v12 =	vld [tilespmem:$0x14230]  }
0x224: {  	v48 =	vadd.f32 v54, v56;
	v42 =	vadd.f32 v53, v45  }
0x225: {  	v30 =	vadd.f32 v15, v8;
	v39 =	vsub.f32 v18, v20;
	_ =	sdelay $0x1  }
0x226: {  	v8 =	vadd.f32 v30, v42;
	v15 =	vadd.f32 v39, v48  }
0x227: {  	v12 =	vadd.s32 v44, v12  }
0x228: {  	v18 =	vmul.f32 v8, v9;
	v20 =	vmul.f32 v15, v11  }
0x229: {  	v8 =	vmul.f32 v8, v11;
	v9 =	vmul.f32 v15, v9  }
0x22a: {  	v11 =	vsub.f32 v18, v20  }
0x22b: {  	v8 =	vadd.f32 v9, v8  }
0x22c: {  	[tilespmem:v12+s25+$0x0] =	vst.idx.msk $0xffff, v11  }
0x22d: {  	[tilespmem:v12+s26+$0x0] =	vst.idx.msk $0xffff, v8  }
0x22e: {  	v8 =	vld [tilespmem:$0x14240]  }
0x22f: {  	v0 =	vld [tilespmem:$0x1FE30]  }
0x230: {  	v22 =	vsub.f32 v29, v31;
	v15 =	vsub.f32 v25, v34;
	v4 =	vld [tilespmem:$0x1FE50]  }
0x231: {  	v18 =	vsub.f32 v32, v14;
	v20 =	vsub.f32 v23, v33;
	_ =	sdelay $0x1  }
0x232: {  	v9 =	vadd.f32 v18, v15;
	v11 =	vsub.f32 v20, v22  }
0x233: {  	v8 =	vadd.s32 v44, v8  }
0x234: {  	v12 =	vmul.f32 v0, v9;
	v14 =	vmul.f32 v4, v11  }
0x235: {  	v4 =	vmul.f32 v4, v9;
	v0 =	vmul.f32 v0, v11  }
0x236: {  	v9 =	vsub.f32 v12, v14  }
0x237: {  	v0 =	vadd.f32 v4, v0  }
0x238: {  	v11 =	vsub.f32 v13, v50;
	v4 =	vsub.f32 v24, v35;
	[tilespmem:v8+s25+$0x0] =	vst.idx.msk $0xffff, v9  }
0x239: {  	[tilespmem:v8+s26+$0x0] =	vst.idx.msk $0xffff, v0  }
0x23a: {  	v9 =	vmul.f32 $9.238795040e-01, v4;
	v0 =	vmul.f32 $-3.826834260e-01, v11;
	v23 =	vld [tilespmem:$0x14250]  }
0x23b: {  	v4 =	vmul.f32 $3.826834260e-01, v4;
	v8 =	vmul.f32 $-9.238795040e-01, v11;
	v10 =	vld [tilespmem:$0x1FE90]  }
0x23c: {  	v12 =	vsub.f32 v63, v46;
	v13 =	vadd.f32 v9, v0;
	v9 =	vld [tilespmem:$0x1FE60]  }
0x23d: {  	v11 =	vsub.f32 v6, v16;
	v14 =	vsub.f32 v8, v4;
	_ =	sdelay $0x1  }
0x23e: {  	v0 =	vadd.f32 v13, v11;
	v4 =	vadd.f32 v14, v12  }
0x23f: {  	v46 =	vmov v5;
	v5 =	vadd.s32 v44, v23  }
0x240: {  	v8 =	vmul.f32 v10, v4;
	v6 =	vmul.f32 v9, v0  }
0x241: {  	v0 =	vmul.f32 v10, v0;
	v4 =	vmul.f32 v9, v4  }
0x242: {  	v6 =	vsub.f32 v6, v8  }
0x243: {  	v0 =	vadd.f32 v0, v4  }
0x244: {  	v4 =	vsub.f32 v21, v52;
	v8 =	vadd.f32 v43, v62;
	[tilespmem:v5+s25+$0x0] =	vst.idx.msk $0xffff, v6  }
0x245: {  	[tilespmem:v5+s26+$0x0] =	vst.idx.msk $0xffff, v0  }
0x246: {  	v6 =	vmul.f32 $-7.071067690e-01, v8;
	v0 =	vmul.f32 $-7.071067690e-01, v4;
	v16 =	vld [tilespmem:$0x14260]  }
0x247: {  	v4 =	vsub.f32 v60, v2;
	v5 =	vadd.f32 v58, v3;
	v23 =	vld [tilespmem:$0x1FEA0]  }
0x248: {  	v8 =	vsub.f32 v0, v6;
	v9 =	vadd.f32 v0, v6;
	_ =	sdelay $0x1  }
0x249: {  	v0 =	vadd.f32 v8, v4;
	v2 =	vadd.f32 v9, v5  }
0x24a: {  	v3 =	vadd.s32 v44, v16  }
0x24b: {  	v6 =	vmul.f32 v23, v0;
	v16 =	vmul.f32 v61, v2  }
0x24c: {  	v0 =	vmul.f32 v61, v0;
	v2 =	vmul.f32 v23, v2  }
0x24d: {  	v6 =	vsub.f32 v6, v16  }
0x24e: {  	v0 =	vadd.f32 v0, v2  }
0x24f: {  	v16 =	vsub.f32 v59, v49;
	[tilespmem:v3+s25+$0x0] =	vst.idx.msk $0xffff, v6  }
0x250: {  	v2 =	vsub.f32 v7, v51;
	[tilespmem:v3+s26+$0x0] =	vst.idx.msk $0xffff, v0  }
0x251: {  	v7 =	vmul.f32 $-3.826834260e-01, v16;
	v6 =	vmul.f32 $-9.238795040e-01, v16;
	v23 =	vld [tilespmem:$0x14270]  }
0x252: {  	v16 =	vmul.f32 $3.826834260e-01, v2;
	v2 =	vmul.f32 $9.238795040e-01, v2;
	v29 =	vld [tilespmem:$0x1FEB0]  }
0x253: {  	v0 =	vsub.f32 v45, v53;
	v3 =	vsub.f32 v56, v54;
	v31 =	vld [tilespmem:$0x1FEC0]  }
0x254: {  	v6 =	vadd.f32 v16, v6;
	v7 =	vsub.f32 v7, v2;
	_ =	sdelay $0x1  }
0x255: {  	v2 =	vadd.f32 v6, v0;
	v16 =	vadd.f32 v7, v3  }
0x256: {  	v23 =	vadd.s32 v44, v23  }
0x257: {  	v24 =	vmul.f32 v29, v2;
	v25 =	vmul.f32 v31, v16  }
0x258: {  	v2 =	vmul.f32 v31, v2;
	v16 =	vmul.f32 v29, v16  }
0x259: {  	v24 =	vsub.f32 v24, v25  }
0x25a: {  	v2 =	vadd.f32 v2, v16  }
0x25b: {  	[tilespmem:v23+s25+$0x0] =	vst.idx.msk $0xffff, v24  }
0x25c: {  	[tilespmem:v23+s26+$0x0] =	vst.idx.msk $0xffff, v2  }
0x25d: {  	v16 =	vld [tilespmem:$0x1FF90]  }
0x25e: {  	v23 =	vld [tilespmem:$0x1FFA0];
	_ =	sdelay $0x2  }
0x25f: {  	v2 =	vld [tilespmem:$0x14280]  }
0x260: {  	v24 =	vld [tilespmem:$0x1FFC0]  }
0x261: {  	v16 =	vsub.f32 v16, v23;
	v23 =	vld [tilespmem:$0x1FFB0]  }
0x262: {  	v29 =	vld [tilespmem:$0x1FED0]  }
0x263: {  	v31 =	vld [tilespmem:$0x1FEE0];
	_ =	sdelay $0x2  }
0x264: {  	v23 =	vsub.f32 v23, v24  }
0x265: {  	v2 =	vadd.s32 v44, v2  }
0x266: {  	v24 =	vmul.f32 v29, v16;
	v25 =	vmul.f32 v31, v23  }
0x267: {  	v16 =	vmul.f32 v31, v16;
	v23 =	vmul.f32 v29, v23  }
0x268: {  	v24 =	vsub.f32 v24, v25  }
0x269: {  	v16 =	vadd.f32 v16, v23  }
0x26a: {  	[tilespmem:v2+s25+$0x0] =	vst.idx.msk $0xffff, v24  }
0x26b: {  	[tilespmem:v2+s26+$0x0] =	vst.idx.msk $0xffff, v16  }
0x26c: {  	v10 =	vld [tilespmem:$0x1FA50];
	_ =	sdelay $0x2  }
0x26d: {  	v2 =	vld [tilespmem:$0x14290]  }
0x26e: {  	v21 =	vld [tilespmem:$0x1FA70]  }
0x26f: {  	v16 =	vsub.f32 v55, v10;
	v10 =	vld [tilespmem:$0x1FA60]  }
0x270: {  	v29 =	vld [tilespmem:$0x1FEF0]  }
0x271: {  	v31 =	vld [tilespmem:$0x1FF00];
	_ =	sdelay $0x2  }
0x272: {  	v23 =	vsub.f32 v10, v21  }
0x273: {  	v2 =	vadd.s32 v44, v2  }
0x274: {  	v24 =	vmul.f32 v29, v16;
	v25 =	vmul.f32 v31, v23  }
0x275: {  	v16 =	vmul.f32 v31, v16;
	v23 =	vmul.f32 v29, v23  }
0x276: {  	v24 =	vsub.f32 v24, v25  }
0x277: {  	v16 =	vadd.f32 v16, v23  }
0x278: {  	[tilespmem:v2+s25+$0x0] =	vst.idx.msk $0xffff, v24  }
0x279: {  	[tilespmem:v2+s26+$0x0] =	vst.idx.msk $0xffff, v16  }
0x27a: {  	v16 =	vld [tilespmem:$0x1FC50]  }
0x27b: {  	v23 =	vld [tilespmem:$0x1FC60]  }
0x27c: {  	v31 =	vld [tilespmem:$0x1FB90]  }
0x27d: {  	v29 =	vld [tilespmem:$0x1FBA0]  }
0x27e: {  	v2 =	vld [tilespmem:$0x142A0];
	_ =	sdelay $0x1  }
0x27f: {  	v16 =	vsub.f32 v23, v16  }
0x280: {  	v21 =	vsub.f32 v36, v47;
	v24 =	vadd.s32 v1, v40  }
0x281: {  	v23 =	vsub.f32 v38, v26;
	v25 =	vmul.f32 v31, v41;
	v26 =	vmul.f32 v29, v16  }
0x282: {  	v2 =	vadd.s32 v44, v2;
	v29 =	vmul.f32 v29, v41;
	v16 =	vmul.f32 v31, v16  }
0x283: {  	v31 =	vmul.f32 v37, v21;
	v25 =	vsub.f32 v25, v26;
	v26 =	vmul.f32 v19, v23  }
0x284: {  	v16 =	vadd.f32 v29, v16;
	v23 =	vmul.f32 v37, v23;
	v19 =	vmul.f32 v19, v21  }
0x285: {  	[tilespmem:v24+s25+$0x0] =	vst.idx.msk $0xffff, v25;
	v21 =	vsub.f32 v26, v31  }
0x286: {  	[tilespmem:v24+s26+$0x0] =	vst.idx.msk $0xffff, v16;
	v16 =	vadd.f32 v23, v19  }
0x287: {  	[tilespmem:v2+s25+$0x0] =	vst.idx.msk $0xffff, v21  }
0x288: {  	[tilespmem:v2+s26+$0x0] =	vst.idx.msk $0xffff, v16  }
0x289: {  	v16 =	vld [tilespmem:$0x1FC70]  }
0x28a: {  	v21 =	vld [tilespmem:$0x1FC80];
	_ =	sdelay $0x2  }
0x28b: {  	v19 =	vld [tilespmem:$0x142B0]  }
0x28c: {  	v23 =	vld [tilespmem:$0x1FCA0]  }
0x28d: {  	v16 =	vsub.f32 v16, v21;
	v21 =	vld [tilespmem:$0x1FC90]  }
0x28e: {  	v29 =	vld [tilespmem:$0x1FBB0]  }
0x28f: {  	v31 =	vld [tilespmem:$0x1FBC0]  }
0x290: {  	v2 =	vld [tilespmem:$0x142B0]  }
0x291: {  	v10 =	vld [tilespmem:$0x1FF30]  }
0x292: {  	v21 =	vsub.f32 v21, v23  }
0x293: {  	v25 =	vsub.f32 v42, v30;
	v19 =	vadd.s32 v1, v19  }
0x294: {  	v26 =	vsub.f32 v48, v39;
	v23 =	vmul.f32 v29, v16;
	v24 =	vmul.f32 v31, v21  }
0x295: {  	v2 =	vadd.s32 v44, v2;
	v16 =	vmul.f32 v31, v16;
	v21 =	vmul.f32 v29, v21  }
0x296: {  	v29 =	vmul.f32 v10, v26;
	v23 =	vsub.f32 v23, v24;
	v24 =	vmul.f32 v17, v25  }
0x297: {  	v16 =	vadd.f32 v16, v21;
	v21 =	vmul.f32 v10, v25;
	v25 =	vmul.f32 v17, v26  }
0x298: {  	[tilespmem:v19+s25+$0x0] =	vst.idx.msk $0xffff, v23;
	v23 =	vsub.f32 v24, v29  }
0x299: {  	[tilespmem:v19+s26+$0x0] =	vst.idx.msk $0xffff, v16;
	v16 =	vadd.f32 v21, v25  }
0x29a: {  	[tilespmem:v2+s25+$0x0] =	vst.idx.msk $0xffff, v23  }
0x29b: {  	[tilespmem:v2+s26+$0x0] =	vst.idx.msk $0xffff, v16  }
0x29c: {  	v16 =	vld [tilespmem:$0x1FCB0]  }
0x29d: {  	v21 =	vld [tilespmem:$0x1FCC0];
	_ =	sdelay $0x1  }
0x29e: {  	v19 =	vld [tilespmem:$0x142C0]  }
0x29f: {  	v2 =	vld [tilespmem:$0x142C0]  }
0x2a0: {  	v23 =	vld [tilespmem:$0x1FCE0]  }
0x2a1: {  	v16 =	vsub.f32 v16, v21;
	v21 =	vld [tilespmem:$0x1FCD0]  }
0x2a2: {  	v25 =	vld [tilespmem:$0x1FBD0]  }
0x2a3: {  	v26 =	vld [tilespmem:$0x1FBE0]  }
0x2a4: {  	v10 =	vld [tilespmem:$0x1FF40]  }
0x2a5: {  	v17 =	vld [tilespmem:$0x1FF50]  }
0x2a6: {  	v21 =	vadd.f32 v21, v23  }
0x2a7: {  	v15 =	vsub.f32 v15, v18;
	v19 =	vadd.s32 v1, v19  }
0x2a8: {  	v18 =	vadd.f32 v20, v22;
	v23 =	vmul.f32 v25, v16;
	v24 =	vmul.f32 v26, v21  }
0x2a9: {  	v2 =	vadd.s32 v44, v2;
	v16 =	vmul.f32 v26, v16;
	v20 =	vmul.f32 v25, v21  }
0x2aa: {  	v22 =	vmul.f32 v10, v15;
	v21 =	vsub.f32 v23, v24;
	v23 =	vmul.f32 v17, v18  }
0x2ab: {  	v15 =	vmul.f32 v17, v15;
	v10 =	vmul.f32 v10, v18;
	v16 =	vadd.f32 v16, v20  }
0x2ac: {  	[tilespmem:v19+s25+$0x0] =	vst.idx.msk $0xffff, v21;
	v17 =	vsub.f32 v22, v23  }
0x2ad: {  	v10 =	vadd.f32 v15, v10;
	[tilespmem:v19+s26+$0x0] =	vst.idx.msk $0xffff, v16  }
0x2ae: {  	[tilespmem:v2+s25+$0x0] =	vst.idx.msk $0xffff, v17  }
0x2af: {  	[tilespmem:v2+s26+$0x0] =	vst.idx.msk $0xffff, v10  }
0x2b0: {  	v10 =	vld [tilespmem:$0x1FD10]  }
0x2b1: {  	v16 =	vld [tilespmem:$0x1FD20];
	_ =	sdelay $0x3  }
0x2b2: {  	v17 =	vld [tilespmem:$0x1FD40]  }
0x2b3: {  	v10 =	vsub.f32 v10, v16;
	v16 =	vld [tilespmem:$0x1FD30]  }
0x2b4: {  	v19 =	vld [tilespmem:$0x1FBF0]  }
0x2b5: {  	v20 =	vld [tilespmem:$0x1FC00];
	_ =	sdelay $0x2  }
0x2b6: {  	v16 =	vsub.f32 v16, v17  }
0x2b7: {  	v15 =	vld [tilespmem:$0x142D0]  }
0x2b8: {  	v17 =	vmul.f32 v19, v10;
	v18 =	vmul.f32 v20, v16  }
0x2b9: {  	v2 =	vld [tilespmem:$0x142D0]  }
0x2ba: {  	v12 =	vsub.f32 v12, v14;
	v14 =	vsub.f32 v17, v18;
	v18 =	vld [tilespmem:$0x1FF60];
	_ =	sdelay $0x1  }
0x2bb: {  	v15 =	vadd.s32 v1, v15  }
0x2bc: {  	v11 =	vsub.f32 v11, v13  }
0x2bd: {  	v2 =	vadd.s32 v44, v2;
	v10 =	vmul.f32 v20, v10;
	v13 =	vmul.f32 v19, v16  }
0x2be: {  	v17 =	vmul.f32 v46, v12;
	v16 =	vmul.f32 v18, v11  }
0x2bf: {  	v10 =	vadd.f32 v10, v13;
	v11 =	vmul.f32 v46, v11;
	v12 =	vmul.f32 v18, v12  }
0x2c0: {  	[tilespmem:v15+s25+$0x0] =	vst.idx.msk $0xffff, v14;
	v13 =	vsub.f32 v16, v17  }
0x2c1: {  	[tilespmem:v15+s26+$0x0] =	vst.idx.msk $0xffff, v10;
	v10 =	vadd.f32 v11, v12  }
0x2c2: {  	[tilespmem:v2+s25+$0x0] =	vst.idx.msk $0xffff, v13  }
0x2c3: {  	[tilespmem:v2+s26+$0x0] =	vst.idx.msk $0xffff, v10  }
0x2c4: {  	v10 =	vld [tilespmem:$0x1FD70]  }
0x2c5: {  	v17 =	vmov v1;
	v1 =	vld [tilespmem:$0x1FD80]  }
0x2c6: {  	v12 =	vld [tilespmem:$0x1FD90]  }
0x2c7: {  	v13 =	vld [tilespmem:$0x1FDA0]  }
0x2c8: {  	v15 =	vld [tilespmem:$0x1FC10]  }
0x2c9: {  	v16 =	vld [tilespmem:$0x1FC20];
	_ =	sdelay $0x2  }
0x2ca: {  	v10 =	vsub.f32 v1, v10;
	v12 =	vsub.f32 v12, v13  }
0x2cb: {  	v11 =	vld [tilespmem:$0x142E0]  }
0x2cc: {  	v2 =	vld [tilespmem:$0x142E0];
	v13 =	vmul.f32 v15, v10;
	v14 =	vmul.f32 v16, v12  }
0x2cd: {  	v1 =	vld [tilespmem:$0x1FF80]  }
0x2ce: {  	v4 =	vsub.f32 v4, v8;
	v8 =	vmul.f32 v16, v10;
	v10 =	vsub.f32 v13, v14;
	v14 =	vld [tilespmem:$0x1FF70];
	_ =	sdelay $0x1  }
0x2cf: {  	v11 =	vadd.s32 v17, v11  }
0x2d0: {  	v5 =	vsub.f32 v5, v9  }
0x2d1: {  	v2 =	vadd.s32 v44, v2;
	v9 =	vmul.f32 v15, v12  }
0x2d2: {  	v13 =	vmul.f32 v1, v5;
	v12 =	vmul.f32 v14, v4  }
0x2d3: {  	v8 =	vadd.f32 v8, v9;
	v4 =	vmul.f32 v1, v4;
	v5 =	vmul.f32 v14, v5  }
0x2d4: {  	[tilespmem:v11+s25+$0x0] =	vst.idx.msk $0xffff, v10;
	v9 =	vsub.f32 v12, v13  }
0x2d5: {  	[tilespmem:v11+s26+$0x0] =	vst.idx.msk $0xffff, v8;
	v4 =	vadd.f32 v4, v5  }
0x2d6: {  	[tilespmem:v2+s25+$0x0] =	vst.idx.msk $0xffff, v9  }
0x2d7: {  	[tilespmem:v2+s26+$0x0] =	vst.idx.msk $0xffff, v4  }
0x2d8: {  	v4 =	vld [tilespmem:$0x1FDD0]  }
0x2d9: {  	v8 =	vld [tilespmem:$0x1FDE0];
	_ =	sdelay $0x2  }
0x2da: {  	v5 =	vld [tilespmem:$0x142F0]  }
0x2db: {  	v9 =	vld [tilespmem:$0x1FE00]  }
0x2dc: {  	v4 =	vsub.f32 v4, v8;
	v8 =	vld [tilespmem:$0x1FDF0]  }
0x2dd: {  	v10 =	vld [tilespmem:$0x1FC30]  }
0x2de: {  	v11 =	vld [tilespmem:$0x1FC40];
	_ =	sdelay $0x2  }
0x2df: {  	v8 =	vsub.f32 v8, v9;
	_ =	sdelay $0x1  }
0x2e0: {  	v1 =	vadd.s32 v17, v5;
	v5 =	vmul.f32 v10, v4;
	v9 =	vmul.f32 v11, v8  }
0x2e1: {  	v2 =	vld [tilespmem:$0x142F0]  }
0x2e2: {  	v5 =	vsub.f32 v5, v9;
	v9 =	vld [tilespmem:$0x1FFD0];
	_ =	sdelay $0x2  }
0x2e3: {  	v0 =	vsub.f32 v0, v6;
	v3 =	vsub.f32 v3, v7  }
0x2e4: {  	v2 =	vadd.s32 v44, v2;
	v4 =	vmul.f32 v11, v4;
	v6 =	vmul.f32 v10, v8  }
0x2e5: {  	v8 =	vmul.f32 v57, v3;
	v7 =	vmul.f32 v9, v0  }
0x2e6: {  	v4 =	vadd.f32 v4, v6;
	v0 =	vmul.f32 v57, v0;
	v3 =	vmul.f32 v9, v3  }
0x2e7: {  	[tilespmem:v1+s25+$0x0] =	vst.idx.msk $0xffff, v5;
	v5 =	vsub.f32 v7, v8  }
0x2e8: {  	[tilespmem:v1+s26+$0x0] =	vst.idx.msk $0xffff, v4;
	v0 =	vadd.f32 v0, v3  }
0x2e9: {  	[tilespmem:v2+s25+$0x0] =	vst.idx.msk $0xffff, v5  }
0x2ea: {  	[tilespmem:v2+s26+$0x0] =	vst.idx.msk $0xffff, v0  }
0x2eb: {  	v0 =	vld [tilespmem:$0x14200]  }
0x2ec: {  	v1 =	vld [tilespmem:$0x14240]  }
0x2ed: {  	v2 =	vld [tilespmem:$0x14280]  }
0x2ee: {  	v3 =	vld [tilespmem:$0x142C0]  }
0x2ef: {  	v4 =	vld [tilespmem:$0x14210]  }
0x2f0: {  	v5 =	vld [tilespmem:$0x14220]  }
0x2f1: {  	v6 =	vld [tilespmem:$0x14250]  }
0x2f2: {  	v7 =	vld [tilespmem:$0x14260]  }
0x2f3: {  	v8 =	vld [tilespmem:$0x14290]  }
0x2f4: {  	v9 =	vld [tilespmem:$0x142A0]  }
0x2f5: {  	s12 =	simm.s32 $0x0;
	v10 =	vld [tilespmem:$0x142D0]  }
0x2f6: {  	v11 =	vld [tilespmem:$0x142E0];
	v0 =	vadd.s32 s12, v0  }
0x2f7: {  	s18 =	simm.s32 $0x40;
	v12 =	vld [tilespmem:$0x14230]  }
0x2f8: {  	v13 =	vld [tilespmem:$0x14270];
	v1 =	vadd.s32 s18, v1  }
0x2f9: {  	s15 =	simm.s32 $0x80;
	v14 =	vld [tilespmem:$0x142B0]  }
0x2fa: {  	v15 =	vld [tilespmem:$0x142F0];
	v2 =	vadd.s32 s15, v2  }
0x2fb: {  	s16 =	simm.s32 $0xC0;
	v16 =	vld.idx.msk [tilespmem:v0+s25+$0x0], $0xffff  }
0x2fc: {  	v3 =	vadd.s32 s16, v3;
	v0 =	vld.idx.msk [tilespmem:v0+s26+$0x0], $0xffff  }
0x2fd: {  	s18 =	simm.s32 $0x10;
	v17 =	vld.idx.msk [tilespmem:v1+s25+$0x0], $0xffff  }
0x2fe: {  	v4 =	vadd.s32 s18, v4;
	v1 =	vld.idx.msk [tilespmem:v1+s26+$0x0], $0xffff  }
0x2ff: {  	s15 =	simm.s32 $0x20;
	v18 =	vld.idx.msk [tilespmem:v2+s25+$0x0], $0xffff  }
0x300: {  	v5 =	vadd.s32 s15, v5;
	v2 =	vld.idx.msk [tilespmem:v2+s26+$0x0], $0xffff  }
0x301: {  	s16 =	simm.s32 $0x50;
	v19 =	vld.idx.msk [tilespmem:v3+s25+$0x0], $0xffff  }
0x302: {  	v6 =	vadd.s32 s16, v6;
	v3 =	vld.idx.msk [tilespmem:v3+s26+$0x0], $0xffff  }
0x303: {  	s18 =	simm.s32 $0x60;
	v20 =	vld.idx.msk [tilespmem:v4+s25+$0x0], $0xffff  }
0x304: {  	v7 =	vadd.s32 s18, v7;
	v4 =	vld.idx.msk [tilespmem:v4+s26+$0x0], $0xffff  }
0x305: {  	s15 =	simm.s32 $0x90;
	v21 =	vld.idx.msk [tilespmem:v5+s25+$0x0], $0xffff  }
0x306: {  	s16 =	simm.s32 $0xA0;
	v8 =	vadd.s32 s15, v8;
	v5 =	vld.idx.msk [tilespmem:v5+s26+$0x0], $0xffff  }
0x307: {  	v9 =	vadd.s32 s16, v9;
	v22 =	vld.idx.msk [tilespmem:v6+s25+$0x0], $0xffff  }
0x308: {  	v6 =	vld.idx.msk [tilespmem:v6+s26+$0x0], $0xffff  }
0x309: {  	s15 =	simm.s32 $0xE0;
	v23 =	vld.idx.msk [tilespmem:v7+s25+$0x0], $0xffff  }
0x30a: {  	v11 =	vadd.s32 s15, v11;
	v7 =	vld.idx.msk [tilespmem:v7+s26+$0x0], $0xffff  }
0x30b: {  	s18 =	simm.s32 $0xD0;
	v24 =	vld.idx.msk [tilespmem:v8+s25+$0x0], $0xffff  }
0x30c: {  	v10 =	vadd.s32 s18, v10;
	v25 =	vld.idx.msk [tilespmem:v9+s25+$0x0], $0xffff  }
0x30d: {  	s15 =	simm.s32 $0xB0;
	v9 =	vld.idx.msk [tilespmem:v9+s26+$0x0], $0xffff  }
0x30e: {  	v14 =	vadd.s32 s15, v14;
	v8 =	vld.idx.msk [tilespmem:v8+s26+$0x0], $0xffff;
	v28 =	vadd.f32 v18, v16;
	v29 =	vadd.f32 v2, v0  }
0x30f: {  	s16 =	simm.s32 $0x30;
	v27 =	vld.idx.msk [tilespmem:v11+s25+$0x0], $0xffff;
	v16 =	vsub.f32 v16, v18;
	v0 =	vsub.f32 v0, v2  }
0x310: {  	v12 =	vadd.s32 s16, v12;
	v11 =	vld.idx.msk [tilespmem:v11+s26+$0x0], $0xffff;
	v2 =	vadd.f32 v19, v17;
	v30 =	vadd.f32 v3, v1  }
0x311: {  	v26 =	vld.idx.msk [tilespmem:v10+s25+$0x0], $0xffff;
	v17 =	vsub.f32 v17, v19;
	v1 =	vsub.f32 v1, v3  }
0x312: {  	s18 =	simm.s32 $0x70;
	v10 =	vld.idx.msk [tilespmem:v10+s26+$0x0], $0xffff;
	v3 =	vadd.f32 v25, v21;
	v31 =	vadd.f32 v9, v5  }
0x313: {  	v13 =	vadd.s32 s18, v13;
	v48 =	vld.idx.msk [tilespmem:v14+s25+$0x0], $0xffff;
	v21 =	vsub.f32 v21, v25;
	v5 =	vsub.f32 v5, v9  }
0x314: {  	s16 =	simm.s32 $0xF0;
	v14 =	vld.idx.msk [tilespmem:v14+s26+$0x0], $0xffff;
	v51 =	vadd.f32 v17, v0;
	v47 =	vadd.f32 v27, v23  }
0x315: {  	v15 =	vadd.s32 s16, v15;
	v18 =	vld.idx.msk [tilespmem:v12+s25+$0x0], $0xffff;
	v25 =	vadd.f32 v11, v7;
	v9 =	vsub.f32 v23, v27  }
0x316: {  	v12 =	vld.idx.msk [tilespmem:v12+s26+$0x0], $0xffff;
	v7 =	vsub.f32 v7, v11;
	v11 =	vadd.f32 v24, v20  }
0x317: {  	v27 =	vadd.f32 v8, v4;
	v20 =	vsub.f32 v20, v24  }
0x318: {  	v19 =	vld.idx.msk [tilespmem:v13+s25+$0x0], $0xffff;
	v4 =	vsub.f32 v4, v8;
	v8 =	vadd.f32 v26, v22  }
0x319: {  	v13 =	vld.idx.msk [tilespmem:v13+s26+$0x0], $0xffff;
	v24 =	vadd.f32 v10, v6;
	v22 =	vsub.f32 v22, v26  }
0x31a: {  	v23 =	vld.idx.msk [tilespmem:v15+s25+$0x0], $0xffff;
	v6 =	vsub.f32 v6, v10;
	v10 =	vadd.f32 v48, v18  }
0x31b: {  	v15 =	vld.idx.msk [tilespmem:v15+s26+$0x0], $0xffff;
	v26 =	vadd.f32 v14, v12;
	v18 =	vsub.f32 v18, v48  }
0x31c: {  	v12 =	vsub.f32 v12, v14;
	v60 =	vadd.f32 v7, v21  }
0x31d: {  	v62 =	vsub.f32 v5, v9;
	v7 =	vsub.f32 v21, v7  }
0x31e: {  	v5 =	vadd.f32 v9, v5;
	v21 =	vsub.f32 v11, v8  }
0x31f: {  	v63 =	vsub.f32 v4, v22;
	v49 =	vadd.f32 v23, v19  }
0x320: {  	v50 =	vadd.f32 v15, v13;
	v14 =	vsub.f32 v19, v23  }
0x321: {  	v13 =	vsub.f32 v13, v15;
	v15 =	vadd.f32 v2, v28  }
0x322: {  	v19 =	vadd.f32 v30, v29;
	v2 =	vsub.f32 v28, v2  }
0x323: {  	v23 =	vsub.f32 v29, v30;
	v28 =	vadd.f32 v1, v16  }
0x324: {  	v29 =	vsub.f32 v0, v17;
	v30 =	vsub.f32 v16, v1  }
0x325: {  	v0 =	vadd.f32 v47, v3;
	v1 =	vadd.f32 v25, v31  }
0x326: {  	v3 =	vsub.f32 v3, v47;
	v16 =	vsub.f32 v31, v25  }
0x327: {  	v25 =	vadd.f32 v8, v11;
	v31 =	vadd.f32 v24, v27  }
0x328: {  	v24 =	vsub.f32 v27, v24;
	v27 =	vadd.f32 v6, v20  }
0x329: {  	v6 =	vsub.f32 v20, v6;
	v20 =	vadd.f32 v22, v4  }
0x32a: {  	v59 =	vadd.f32 v49, v10;
	v61 =	vadd.f32 v50, v26  }
0x32b: {  	v4 =	vsub.f32 v10, v49;
	v52 =	vadd.f32 v13, v18  }
0x32c: {  	v53 =	vsub.f32 v12, v14;
	v18 =	vsub.f32 v18, v13  }
0x32d: {  	v14 =	vadd.f32 v14, v12;
	v11 =	vadd.f32 v0, v15  }
0x32e: {  	v10 =	vadd.f32 v1, v19;
	v22 =	vsub.f32 v23, v3  }
0x32f: {  	v9 =	vadd.f32 v3, v23;
	v23 =	vadd.f32 v61, v31  }
0x330: {  	v13 =	vsub.f32 v15, v0;
	v12 =	vsub.f32 v19, v1  }
0x331: {  	v19 =	vsub.f32 v31, v61;
	v0 =	vadd.f32 v23, v10  }
0x332: {  	v17 =	vadd.f32 v16, v2;
	v8 =	vsub.f32 v2, v16  }
0x333: {  	v16 =	vsub.f32 v25, v59;
	[tilespmem:$0x1FA80] =	vst v0;
	v0 =	vadd.f32 v19, v13  }
0x334: {  	v3 =	vmul.f32 $7.071067690e-01, v60  }
0x335: {  	v15 =	vadd.f32 v59, v25;
	v25 =	vmul.f32 $7.071067690e-01, v62;
	[tilespmem:$0x1FA90] =	vst v0;
	v0 =	vsub.f32 v12, v16  }
0x336: {  	v7 =	vmul.f32 $-7.071067690e-01, v7;
	v5 =	vmul.f32 $-7.071067690e-01, v5;
	v26 =	vsub.f32 v26, v50  }
0x337: {  	v18 =	vmul.f32 $-7.071067690e-01, v18;
	v56 =	vadd.f32 v25, v3;
	v3 =	vsub.f32 v25, v3;
	[tilespmem:$0x1FAA0] =	vst v0  }
0x338: {  	v25 =	vsub.f32 v7, v5;
	v5 =	vadd.f32 v7, v5;
	v7 =	vmul.f32 $-7.071067690e-01, v14;
	v14 =	vld [tilespmem:$0x14200]  }
0x339: {  	v31 =	vadd.f32 v26, v21;
	v54 =	vsub.f32 v24, v4;
	v58 =	vld [tilespmem:$0x14240]  }
0x33a: {  	v59 =	vsub.f32 v18, v7;
	v18 =	vadd.f32 v18, v7;
	v7 =	vld [tilespmem:$0x14280]  }
0x33b: {  	v21 =	vsub.f32 v21, v26;
	v24 =	vadd.f32 v4, v24;
	v41 =	vld [tilespmem:$0x142C0]  }
0x33c: {  	v40 =	vadd.f32 v3, v29;
	v42 =	vsub.f32 v29, v3;
	v29 =	vld [tilespmem:$0x14210]  }
0x33d: {  	v26 =	vmul.f32 $7.071067690e-01, v52;
	v55 =	vmul.f32 $7.071067690e-01, v53;
	v4 =	vadd.f32 v15, v11;
	v34 =	vld [tilespmem:$0x14220]  }
0x33e: {  	v3 =	vmul.f32 $7.071067690e-01, v31;
	v31 =	vadd.f32 v25, v30;
	v44 =	vsub.f32 v30, v25;
	v25 =	vld [tilespmem:$0x14250]  }
0x33f: {  	v57 =	vadd.f32 v55, v26;
	v26 =	vsub.f32 v55, v26;
	v35 =	vld [tilespmem:$0x14260]  }
0x340: {  	v11 =	vsub.f32 v11, v15;
	v38 =	vadd.f32 v56, v28;
	v47 =	vld [tilespmem:$0x14290]  }
0x341: {  	v21 =	vmul.f32 $-7.071067690e-01, v21;
	v28 =	vsub.f32 v28, v56;
	v43 =	vadd.f32 v5, v51;
	v36 =	vld [tilespmem:$0x142A0]  }
0x342: {  	s18 =	simm.s32 $0x100;
	v24 =	vmul.f32 $-7.071067690e-01, v24;
	v45 =	vsub.f32 v51, v5;
	v5 =	vadd.f32 v57, v27;
	v50 =	vld [tilespmem:$0x142D0]  }
0x343: {  	v60 =	vadd.f32 v26, v63;
	v27 =	vsub.f32 v27, v57;
	v39 =	vld [tilespmem:$0x142E0];
	v14 =	vadd.s32 s18, v14  }
0x344: {  	s15 =	simm.s32 $0x140;
	v32 =	vmul.f32 $7.071067690e-01, v54;
	v49 =	vsub.f32 v21, v24;
	v26 =	vsub.f32 v63, v26;
	v52 =	vld [tilespmem:$0x14230]  }
0x345: {  	s16 =	simm.s32 $0x180;
	v62 =	vadd.f32 v59, v6;
	v63 =	vadd.f32 v18, v20;
	v54 =	vld [tilespmem:$0x14270];
	v33 =	vadd.s32 s15, v58  }
0x346: {  	v61 =	vmul.f32 $3.826834260e-01, v60;
	v46 =	vmul.f32 $9.238795040e-01, v60;
	v37 =	vsub.f32 v6, v59;
	v55 =	vld [tilespmem:$0x142B0]  }
0x347: {  	v56 =	vmul.f32 $3.826834260e-01, v62;
	v57 =	vmul.f32 $9.238795040e-01, v63;
	v59 =	vld [tilespmem:$0x142F0];
	v58 =	vadd.s32 s16, v7  }
0x348: {  	v30 =	vadd.f32 v32, v3;
	v51 =	vmul.f32 $9.238795040e-01, v62;
	v53 =	vmul.f32 $3.826834260e-01, v63;
	s15 =	simm.s32 $0x110;
	v60 =	vld.idx.msk [tilespmem:v14+s25+$0x0], $0xffff  }
0x349: {  	v48 =	vsub.f32 v32, v3;
	v56 =	vadd.f32 v57, v56;
	s18 =	simm.s32 $0x1C0;
	v29 =	vadd.s32 s15, v29;
	v57 =	vld.idx.msk [tilespmem:v14+s26+$0x0], $0xffff  }
0x34a: {  	v3 =	vmul.f32 $9.238795040e-01, v5;
	s15 =	simm.s32 $0x160;
	v14 =	vadd.s32 s18, v41;
	v41 =	vsub.f32 v53, v51;
	v51 =	vld.idx.msk [tilespmem:v33+s25+$0x0], $0xffff  }
0x34b: {  	v24 =	vadd.f32 v21, v24;
	v5 =	vmul.f32 $3.826834260e-01, v5;
	v35 =	vadd.s32 s15, v35;
	v62 =	vld.idx.msk [tilespmem:v33+s26+$0x0], $0xffff  }
0x34c: {  	v20 =	vsub.f32 v20, v18;
	v32 =	vadd.f32 v61, v3;
	v63 =	vld.idx.msk [tilespmem:v58+s25+$0x0], $0xffff  }
0x34d: {  	v46 =	vsub.f32 v46, v5;
	v6 =	vadd.f32 v30, v17;
	v58 =	vld.idx.msk [tilespmem:v58+s26+$0x0], $0xffff  }
0x34e: {  	v61 =	vmul.f32 $9.238795040e-01, v26;
	v26 =	vmul.f32 $3.826834260e-01, v26;
	v17 =	vsub.f32 v17, v30;
	s16 =	simm.s32 $0x120;
	v2 =	vld.idx.msk [tilespmem:v29+s25+$0x0], $0xffff  }
0x34f: {  	v30 =	vadd.f32 v16, v12;
	v3 =	vadd.f32 v32, v38;
	v33 =	vadd.s32 s16, v34;
	v29 =	vld.idx.msk [tilespmem:v29+s26+$0x0], $0xffff  }
0x350: {  	v7 =	vadd.f32 v48, v22;
	v22 =	vsub.f32 v22, v48;
	v53 =	vmul.f32 $-3.826834260e-01, v27;
	s18 =	simm.s32 $0x150;
	v48 =	vld.idx.msk [tilespmem:v35+s25+$0x0], $0xffff  }
0x351: {  	v5 =	vadd.f32 v46, v40;
	v18 =	vadd.f32 v56, v31;
	v25 =	vadd.s32 s18, v25;
	v35 =	vld.idx.msk [tilespmem:v35+s26+$0x0], $0xffff  }
0x352: {  	v56 =	vsub.f32 v31, v56;
	v27 =	vmul.f32 $-9.238795040e-01, v27;
	s16 =	simm.s32 $0x190;
	v53 =	vadd.f32 v61, v53;
	v61 =	vld.idx.msk [tilespmem:v14+s25+$0x0], $0xffff  }
0x353: {  	v34 =	vmul.f32 $3.826834260e-01, v20;
	v20 =	vmul.f32 $9.238795040e-01, v20;
	v0 =	vadd.s32 s16, v47;
	v1 =	vld.idx.msk [tilespmem:v14+s26+$0x0], $0xffff  }
0x354: {  	s18 =	simm.s32 $0x1A0;
	v26 =	vsub.f32 v27, v26;
	v27 =	vmul.f32 $-9.238795040e-01, v37;
	v37 =	vmul.f32 $-3.826834260e-01, v37;
	v15 =	vld.idx.msk [tilespmem:v33+s25+$0x0], $0xffff  }
0x355: {  	v14 =	vsub.f32 v10, v23;
	v23 =	vld.idx.msk [tilespmem:v33+s26+$0x0], $0xffff;
	v10 =	vsub.f32 v40, v46;
	v40 =	vadd.s32 s18, v36  }
0x356: {  	s15 =	simm.s32 $0x1D0;
	v47 =	vsub.f32 v38, v32;
	v31 =	vsub.f32 v43, v41;
	v38 =	vld.idx.msk [tilespmem:v25+s25+$0x0], $0xffff  }
0x357: {  	v50 =	vadd.s32 s15, v50;
	s16 =	simm.s32 $0x1E0;
	v27 =	vadd.f32 v34, v27;
	v37 =	vsub.f32 v37, v20;
	v25 =	vld.idx.msk [tilespmem:v25+s26+$0x0], $0xffff  }
0x358: {  	v34 =	vadd.f32 v41, v43;
	v43 =	vsub.f32 v13, v19;
	v19 =	vadd.s32 s16, v39;
	v13 =	vld.idx.msk [tilespmem:v0+s25+$0x0], $0xffff  }
0x359: {  	v32 =	vadd.f32 v49, v8;
	v0 =	vld.idx.msk [tilespmem:v0+s26+$0x0], $0xffff;
	v16 =	vsub.f32 v45, v37  }
0x35a: {  	v20 =	vadd.f32 v53, v28;
	v28 =	vsub.f32 v28, v53;
	v12 =	vld.idx.msk [tilespmem:v40+s25+$0x0], $0xffff  }
0x35b: {  	v41 =	vsub.f32 v9, v24;
	v33 =	vadd.f32 v24, v9;
	v9 =	vld.idx.msk [tilespmem:v40+s26+$0x0], $0xffff;
	[tilespmem:$0x1FAB0] =	vst v16  }
0x35c: {  	v39 =	vsub.f32 v8, v49;
	s18 =	simm.s32 $0x130;
	v46 =	vadd.f32 v27, v44;
	v16 =	vld.idx.msk [tilespmem:v50+s25+$0x0], $0xffff  }
0x35d: {  	s16 =	simm.s32 $0x1B0;
	v36 =	vadd.f32 v37, v45;
	v8 =	vadd.s32 s18, v52;
	v40 =	vsub.f32 v44, v27;
	v37 =	vld.idx.msk [tilespmem:v19+s25+$0x0], $0xffff  }
0x35e: {  	v52 =	vadd.s32 s16, v55;
	v44 =	vadd.f32 v58, v57;
	v53 =	vadd.f32 v61, v51;
	v19 =	vld.idx.msk [tilespmem:v19+s26+$0x0], $0xffff  }
0x35f: {  	s18 =	simm.s32 $0x1F0;
	v51 =	vsub.f32 v51, v61;
	v45 =	vld.idx.msk [tilespmem:v50+s26+$0x0], $0xffff;
	v50 =	vsub.f32 v57, v58  }
0x360: {  	v57 =	vadd.s32 s18, v59;
	v58 =	vadd.f32 v12, v15;
	v59 =	vadd.f32 v9, v23  }
0x361: {  	v12 =	vsub.f32 v15, v12;
	v9 =	vsub.f32 v23, v9  }
0x362: {  	v15 =	vadd.f32 v37, v48;
	v23 =	vsub.f32 v48, v37  }
0x363: {  	v37 =	vld.idx.msk [tilespmem:v52+s25+$0x0], $0xffff;
	v48 =	vadd.f32 v19, v35;
	v19 =	vsub.f32 v35, v19  }
0x364: {  	v35 =	vld.idx.msk [tilespmem:v52+s26+$0x0], $0xffff;
	v52 =	vadd.f32 v13, v2;
	v2 =	vsub.f32 v2, v13  }
0x365: {  	s15 =	simm.s32 $0x170;
	v13 =	vadd.f32 v0, v29;
	v0 =	vsub.f32 v29, v0  }
0x366: {  	v27 =	vadd.s32 s15, v54;
	s15 =	simm.s32 $0x8080;
	v61 =	vadd.f32 v16, v38;
	v16 =	vsub.f32 v38, v16  }
0x367: {  	[tilespmem:s15+$0xFFFFFF80] =	vst v4  }
0x368: {  	v24 =	vsub.f32 v0, v16;
	v16 =	vadd.f32 v16, v0;
	v0 =	vld [tilespmem:$0x1FA80];
	_ =	sdelay $0x1  }
0x369: {  	v21 =	vadd.f32 v26, v42  }
0x36a: {  	v26 =	vsub.f32 v42, v26;
	v42 =	vadd.f32 v63, v60;
	v55 =	vld.idx.msk [tilespmem:v8+s25+$0x0], $0xffff  }
0x36b: {  	s12 =	simm.s32 $0xA080;
	v49 =	vsub.f32 v60, v63;
	v54 =	vadd.f32 v1, v62;
	v8 =	vld.idx.msk [tilespmem:v8+s26+$0x0], $0xffff  }
0x36c: {  	v1 =	vsub.f32 v62, v1;
	v62 =	vsub.f32 v50, v51;
	v29 =	vld.idx.msk [tilespmem:v57+s25+$0x0], $0xffff;
	[tilespmem:s12+$0xFFFFFF80] =	vst v0  }
0x36d: {  	v50 =	vadd.f32 v51, v50;
	v38 =	vld.idx.msk [tilespmem:v57+s26+$0x0], $0xffff;
	v57 =	vadd.f32 v45, v25;
	[tilespmem:s15+$0xFFFFFF90] =	vst v3  }
0x36e: {  	v60 =	vld.idx.msk [tilespmem:v27+s25+$0x0], $0xffff;
	v25 =	vsub.f32 v25, v45;
	v51 =	vadd.f32 v48, v59;
	[tilespmem:s12+$0xFFFFFF90] =	vst v5  }
0x36f: {  	v27 =	vld.idx.msk [tilespmem:v27+s26+$0x0], $0xffff;
	v48 =	vsub.f32 v59, v48;
	v59 =	vsub.f32 v9, v23;
	[tilespmem:s15+$0xFFFFFFA0] =	vst v6  }
0x370: {  	v23 =	vadd.f32 v23, v9;
	v63 =	vadd.f32 v25, v2;
	[tilespmem:s12+$0xFFFFFFA0] =	vst v7  }
0x371: {  	v25 =	vsub.f32 v2, v25;
	v45 =	vadd.f32 v37, v55;
	[tilespmem:s15+$0xFFFFFFB0] =	vst v18  }
0x372: {  	v37 =	vsub.f32 v55, v37;
	v55 =	vadd.f32 v35, v8;
	[tilespmem:s12+$0xFFFFFFB0] =	vst v34  }
0x373: {  	v8 =	vsub.f32 v8, v35;
	v35 =	vadd.f32 v29, v60;
	v0 =	vld [tilespmem:$0x1FA90]  }
0x374: {  	v29 =	vsub.f32 v60, v29;
	v60 =	vadd.f32 v38, v27  }
0x375: {  	v27 =	vsub.f32 v27, v38;
	v38 =	vadd.f32 v53, v42  }
0x376: {  	v42 =	vsub.f32 v42, v53;
	v53 =	vadd.f32 v54, v44  }
0x377: {  	v44 =	vsub.f32 v44, v54;
	v54 =	vadd.f32 v1, v49  }
0x378: {  	v49 =	vsub.f32 v49, v1;
	v1 =	vadd.f32 v15, v58;
	[tilespmem:s15+$0xFFFFFFC0] =	vst v0  }
0x379: {  	v15 =	vsub.f32 v58, v15;
	v58 =	vadd.f32 v19, v12;
	v6 =	vld [tilespmem:$0x1FAA0]  }
0x37a: {  	v19 =	vsub.f32 v12, v19;
	v12 =	vadd.f32 v61, v52  }
0x37b: {  	v52 =	vsub.f32 v52, v61;
	v61 =	vadd.f32 v57, v13  }
0x37c: {  	v57 =	vsub.f32 v13, v57;
	v4 =	vadd.f32 v35, v45  }
0x37d: {  	v35 =	vsub.f32 v45, v35;
	v45 =	vadd.f32 v60, v55  }
0x37e: {  	v55 =	vsub.f32 v55, v60;
	v60 =	vadd.f32 v27, v37;
	[tilespmem:s12+$0xFFFFFFC0] =	vst v6  }
0x37f: {  	v27 =	vsub.f32 v37, v27;
	v37 =	vsub.f32 v8, v29;
	[tilespmem:s15+$0xFFFFFFD0] =	vst v20  }
0x380: {  	v29 =	vadd.f32 v29, v8;
	v9 =	vadd.f32 v1, v38;
	[tilespmem:s12+$0xFFFFFFD0] =	vst v21  }
0x381: {  	v8 =	vadd.f32 v51, v53;
	v2 =	vsub.f32 v53, v51;
	[tilespmem:s15+$0xFFFFFFE0] =	vst v32  }
0x382: {  	v3 =	vsub.f32 v38, v1;
	v1 =	vsub.f32 v42, v48;
	[tilespmem:s12+$0xFFFFFFE0] =	vst v33  }
0x383: {  	v5 =	vsub.f32 v44, v15;
	v13 =	vadd.f32 v4, v12;
	[tilespmem:s15+$0xFFFFFFF0] =	vst v46  }
0x384: {  	v4 =	vsub.f32 v12, v4;
	v12 =	vadd.f32 v45, v61;
	[tilespmem:s12+$0xFFFFFFF0] =	vst v36  }
0x385: {  	v19 =	vmul.f32 $-7.071067690e-01, v19;
	v51 =	vadd.f32 v55, v52;
	v52 =	vsub.f32 v52, v55;
	[tilespmem:s15+$0x0] =	vst v11  }
0x386: {  	v53 =	vsub.f32 v57, v35;
	v55 =	vadd.f32 v35, v57;
	v57 =	vmul.f32 $7.071067690e-01, v37;
	[tilespmem:s12+$0x0] =	vst v14  }
0x387: {  	v18 =	vmul.f32 $7.071067690e-01, v59;
	v0 =	vadd.f32 v15, v44;
	v15 =	vmul.f32 $7.071067690e-01, v58;
	[tilespmem:s15+$0x10] =	vst v47  }
0x388: {  	v7 =	vadd.f32 v48, v42;
	v6 =	vsub.f32 v61, v45;
	v20 =	vmul.f32 $-7.071067690e-01, v23;
	[tilespmem:s12+$0x10] =	vst v10  }
0x389: {  	v23 =	vadd.f32 v18, v15;
	v18 =	vsub.f32 v18, v15;
	v21 =	vmul.f32 $7.071067690e-01, v60;
	[tilespmem:s15+$0x20] =	vst v17  }
0x38a: {  	v15 =	vmul.f32 $-7.071067690e-01, v27;
	v58 =	vsub.f32 v19, v20;
	v19 =	vadd.f32 v19, v20;
	[tilespmem:s12+$0x20] =	vst v22  }
0x38b: {  	v20 =	vmul.f32 $-7.071067690e-01, v29;
	v27 =	vadd.f32 v57, v21;
	v29 =	vsub.f32 v57, v21;
	[tilespmem:s15+$0x30] =	vst v56  }
0x38c: {  	v34 =	vmul.f32 $7.071067690e-01, v51;
	v21 =	vadd.f32 v23, v54;
	v33 =	vadd.f32 v13, v9;
	[tilespmem:s12+$0x30] =	vst v31  }
0x38d: {  	v60 =	vmul.f32 $7.071067690e-01, v53;
	v59 =	vsub.f32 v15, v20;
	v32 =	vadd.f32 v15, v20;
	[tilespmem:s15+$0x40] =	vst v43  }
0x38e: {  	v15 =	vsub.f32 v54, v23;
	v20 =	vadd.f32 v18, v62;
	[tilespmem:s12+$0x40] =	vst v30  }
0x38f: {  	v23 =	vadd.f32 v60, v34;
	v61 =	vadd.f32 v29, v24;
	[tilespmem:s15+$0x50] =	vst v28  }
0x390: {  	v35 =	vsub.f32 v24, v29;
	v11 =	vsub.f32 v49, v58;
	[tilespmem:s12+$0x50] =	vst v26  }
0x391: {  	v36 =	vadd.f32 v59, v25;
	v25 =	vsub.f32 v25, v59;
	[tilespmem:s15+$0x60] =	vst v39  }
0x392: {  	v37 =	vadd.f32 v32, v16;
	v10 =	vsub.f32 v50, v19;
	[tilespmem:s12+$0x60] =	vst v41  }
0x393: {  	v17 =	vadd.f32 v19, v50;
	v19 =	vadd.f32 v27, v63;
	[tilespmem:s15+$0x70] =	vst v40  }
0x394: {  	v29 =	vmul.f32 $-7.071067690e-01, v52;
	v22 =	vsub.f32 v60, v34;
	v34 =	vsub.f32 v63, v27;
	v63 =	vld [tilespmem:$0x1FAB0]  }
0x395: {  	v14 =	vsub.f32 v62, v18;
	v27 =	vmul.f32 $9.238795040e-01, v19;
	v30 =	vmul.f32 $3.826834260e-01, v61  }
0x396: {  	v18 =	vadd.f32 v58, v49;
	v62 =	vmul.f32 $9.238795040e-01, v61;
	v24 =	vmul.f32 $3.826834260e-01, v19  }
0x397: {  	v31 =	vadd.f32 v12, v8;
	v26 =	vadd.f32 v30, v27;
	v30 =	vmul.f32 $-7.071067690e-01, v55  }
0x398: {  	v24 =	vsub.f32 v62, v24;
	v28 =	vadd.f32 v6, v3  }
0x399: {  	s16 =	simm.s32 $0x2F0;
	v27 =	vsub.f32 v2, v4;
	v19 =	vsub.f32 v29, v30;
	s15 =	simm.s32 $0x8180;
	[tilespmem:s12+$0x70] =	vst v63  }
.LBB2_5:
0x39a: {  	p0 =	sne.s32 s16, $0x1FF0  }
0x39b: {  	v38 =	vadd.f32 v26, v21;
	v39 =	vmul.f32 $3.826834260e-01, v36;
	v40 =	vmul.f32 $9.238795040e-01, v37;
	[tilespmem:s15+$0xFFFFFF80] =	vst v33;
	s12 =	sadd.s32 $0x100, s12  }
0x39c: {  	v36 =	vmul.f32 $9.238795040e-01, v36;
	v37 =	vmul.f32 $3.826834260e-01, v37;
	v33 =	vld [tilespmem:$0x14200];
	v41 =	vadd.f32 v24, v20;
	[tilespmem:s12+$0xFFFFFF80] =	vst v31  }
0x39d: {  	v42 =	vadd.f32 v23, v7;
	v31 =	vld [tilespmem:$0x14240];
	v39 =	vadd.f32 v40, v39;
	[tilespmem:s15+$0xFFFFFF90] =	vst v38  }
0x39e: {  	v40 =	vadd.f32 v22, v5;
	v36 =	vsub.f32 v37, v36;
	v38 =	vld [tilespmem:$0x14280];
	[tilespmem:s12+$0xFFFFFF90] =	vst v41  }
0x39f: {  	v43 =	vmul.f32 $-3.826834260e-01, v34;
	v44 =	vmul.f32 $9.238795040e-01, v35;
	v37 =	vld [tilespmem:$0x142C0];
	v41 =	vadd.f32 v39, v18;
	[tilespmem:s15+$0xFFFFFFA0] =	vst v42  }
0x3a0: {  	v34 =	vmul.f32 $-9.238795040e-01, v34;
	v35 =	vmul.f32 $3.826834260e-01, v35;
	v45 =	vadd.f32 v36, v17;
	v42 =	vld [tilespmem:$0x14210];
	[tilespmem:s12+$0xFFFFFFA0] =	vst v40  }
0x3a1: {  	v16 =	vsub.f32 v16, v32;
	v32 =	vadd.f32 v44, v43;
	v40 =	vld [tilespmem:$0x14220];
	[tilespmem:s15+$0xFFFFFFB0] =	vst v41  }
0x3a2: {  	v29 =	vadd.f32 v29, v30;
	v34 =	vsub.f32 v34, v35;
	v41 =	vld [tilespmem:$0x14250];
	[tilespmem:s12+$0xFFFFFFB0] =	vst v45  }
0x3a3: {  	v43 =	vmul.f32 $-9.238795040e-01, v25;
	v44 =	vmul.f32 $3.826834260e-01, v16;
	v35 =	vadd.f32 v32, v15;
	v30 =	vld [tilespmem:$0x14260];
	[tilespmem:s15+$0xFFFFFFC0] =	vst v28  }
0x3a4: {  	v25 =	vmul.f32 $-3.826834260e-01, v25;
	v16 =	vmul.f32 $9.238795040e-01, v16;
	v45 =	vadd.f32 v34, v14;
	v28 =	vld [tilespmem:$0x14290];
	[tilespmem:s12+$0xFFFFFFC0] =	vst v27  }
0x3a5: {  	v46 =	vadd.f32 v19, v1;
	v43 =	vadd.f32 v44, v43;
	v27 =	vld [tilespmem:$0x142A0];
	[tilespmem:s15+$0xFFFFFFD0] =	vst v35  }
0x3a6: {  	s18 =	sadd.s32 $0xFFFFFF10, s16;
	v44 =	vadd.f32 v29, v0;
	v16 =	vsub.f32 v25, v16;
	v35 =	vld [tilespmem:$0x142D0];
	[tilespmem:s12+$0xFFFFFFD0] =	vst v45  }
0x3a7: {  	v25 =	vadd.s32 s18, v33;
	v45 =	vadd.f32 v43, v11;
	v33 =	vld [tilespmem:$0x142E0];
	[tilespmem:s15+$0xFFFFFFE0] =	vst v46  }
0x3a8: {  	s18 =	sadd.s32 $0xFFFFFF50, s16;
	v47 =	vadd.f32 v16, v10;
	v46 =	vld [tilespmem:$0x14230];
	[tilespmem:s12+$0xFFFFFFE0] =	vst v44  }
0x3a9: {  	v9 =	vsub.f32 v9, v13;
	v31 =	vadd.s32 s18, v31;
	v44 =	vld [tilespmem:$0x14270];
	[tilespmem:s15+$0xFFFFFFF0] =	vst v45  }
0x3aa: {  	v8 =	vsub.f32 v8, v12;
	s18 =	sadd.s32 $0xFFFFFF90, s16;
	v13 =	vld [tilespmem:$0x142B0];
	[tilespmem:s12+$0xFFFFFFF0] =	vst v47  }
0x3ab: {  	v21 =	vsub.f32 v21, v26;
	v12 =	vadd.s32 s18, v38;
	v38 =	vld [tilespmem:$0x142F0];
	[tilespmem:s15+$0x0] =	vst v9  }
0x3ac: {  	v20 =	vsub.f32 v20, v24;
	s18 =	sadd.s32 $0xFFFFFFD0, s16;
	v9 =	vld.idx.msk [tilespmem:v25+s25+$0x0], $0xffff;
	[tilespmem:s12+$0x0] =	vst v8  }
0x3ad: {  	v7 =	vsub.f32 v7, v23;
	v24 =	vadd.s32 s18, v37;
	v8 =	vld.idx.msk [tilespmem:v25+s26+$0x0], $0xffff;
	[tilespmem:s15+$0x10] =	vst v21  }
0x3ae: {  	v5 =	vsub.f32 v5, v22;
	s18 =	sadd.s32 $0xFFFFFF20, s16;
	v21 =	vld.idx.msk [tilespmem:v31+s25+$0x0], $0xffff;
	[tilespmem:s12+$0x10] =	vst v20  }
0x3af: {  	v18 =	vsub.f32 v18, v39;
	v20 =	vadd.s32 s18, v42;
	v22 =	vld.idx.msk [tilespmem:v31+s26+$0x0], $0xffff;
	[tilespmem:s15+$0x20] =	vst v7  }
0x3b0: {  	v17 =	vsub.f32 v17, v36;
	s18 =	sadd.s32 $0xFFFFFF30, s16;
	v7 =	vld.idx.msk [tilespmem:v12+s25+$0x0], $0xffff;
	[tilespmem:s12+$0x20] =	vst v5  }
0x3b1: {  	v3 =	vsub.f32 v3, v6;
	v5 =	vadd.s32 s18, v40;
	v12 =	vld.idx.msk [tilespmem:v12+s26+$0x0], $0xffff;
	[tilespmem:s15+$0x30] =	vst v18  }
0x3b2: {  	v2 =	vadd.f32 v4, v2;
	s18 =	sadd.s32 $0xFFFFFF60, s16;
	v6 =	vld.idx.msk [tilespmem:v24+s25+$0x0], $0xffff;
	[tilespmem:s12+$0x30] =	vst v17  }
0x3b3: {  	v15 =	vsub.f32 v15, v32;
	v4 =	vadd.s32 s18, v41;
	v17 =	vld.idx.msk [tilespmem:v24+s26+$0x0], $0xffff;
	[tilespmem:s15+$0x40] =	vst v3  }
0x3b4: {  	v14 =	vsub.f32 v14, v34;
	s18 =	sadd.s32 $0xFFFFFF70, s16;
	v3 =	vld.idx.msk [tilespmem:v20+s25+$0x0], $0xffff;
	[tilespmem:s12+$0x40] =	vst v2  }
0x3b5: {  	v1 =	vsub.f32 v1, v19;
	v18 =	vadd.s32 s18, v30;
	v2 =	vld.idx.msk [tilespmem:v20+s26+$0x0], $0xffff;
	[tilespmem:s15+$0x50] =	vst v15  }
0x3b6: {  	v0 =	vsub.f32 v0, v29;
	s18 =	sadd.s32 $0xFFFFFFA0, s16;
	v15 =	vld.idx.msk [tilespmem:v5+s25+$0x0], $0xffff;
	[tilespmem:s12+$0x50] =	vst v14  }
0x3b7: {  	v11 =	vsub.f32 v11, v43;
	v14 =	vadd.s32 s18, v28;
	v5 =	vld.idx.msk [tilespmem:v5+s26+$0x0], $0xffff;
	[tilespmem:s15+$0x60] =	vst v1  }
0x3b8: {  	v10 =	vsub.f32 v10, v16;
	s18 =	sadd.s32 $0xFFFFFFB0, s16;
	v1 =	vld.idx.msk [tilespmem:v4+s25+$0x0], $0xffff;
	[tilespmem:s12+$0x60] =	vst v0  }
0x3b9: {  	v0 =	vld.idx.msk [tilespmem:v4+s26+$0x0], $0xffff;
	v4 =	vadd.s32 s18, v27;
	[tilespmem:s15+$0x70] =	vst v11  }
0x3ba: {  	s18 =	sadd.s32 $0xFFFFFFE0, s16;
	v11 =	vld.idx.msk [tilespmem:v18+s25+$0x0], $0xffff;
	[tilespmem:s12+$0x70] =	vst v10  }
0x3bb: {  	v16 =	vadd.s32 s18, v35;
	v10 =	vld.idx.msk [tilespmem:v18+s26+$0x0], $0xffff  }
0x3bc: {  	s18 =	sadd.s32 $0xFFFFFFF0, s16;
	v18 =	vld.idx.msk [tilespmem:v14+s25+$0x0], $0xffff  }
0x3bd: {  	v19 =	vadd.s32 s18, v33;
	v14 =	vld.idx.msk [tilespmem:v14+s26+$0x0], $0xffff  }
0x3be: {  	s18 =	sadd.s32 $0xFFFFFF40, s16;
	v20 =	vld.idx.msk [tilespmem:v4+s25+$0x0], $0xffff  }
0x3bf: {  	v23 =	vadd.s32 s18, v46;
	v4 =	vld.idx.msk [tilespmem:v4+s26+$0x0], $0xffff  }
0x3c0: {  	s18 =	sadd.s32 $0xFFFFFF80, s16;
	v24 =	vld.idx.msk [tilespmem:v16+s25+$0x0], $0xffff  }
0x3c1: {  	v25 =	vadd.s32 s18, v44;
	v16 =	vld.idx.msk [tilespmem:v16+s26+$0x0], $0xffff  }
0x3c2: {  	s18 =	sadd.s32 $0xFFFFFFC0, s16;
	v26 =	vld.idx.msk [tilespmem:v19+s25+$0x0], $0xffff  }
0x3c3: {  	v27 =	vadd.f32 v7, v9;
	v13 =	vadd.s32 s18, v13;
	v19 =	vld.idx.msk [tilespmem:v19+s26+$0x0], $0xffff  }
0x3c4: {  	v29 =	vadd.f32 v12, v8;
	v7 =	vsub.f32 v9, v7;
	v28 =	vld.idx.msk [tilespmem:v23+s25+$0x0], $0xffff  }
0x3c5: {  	v8 =	vsub.f32 v8, v12;
	v12 =	vadd.f32 v6, v21;
	v9 =	vld.idx.msk [tilespmem:v23+s26+$0x0], $0xffff;
	v23 =	vadd.s32 s16, v38  }
0x3c6: {  	v6 =	vsub.f32 v21, v6;
	v31 =	vadd.f32 v17, v22;
	v30 =	vld.idx.msk [tilespmem:v25+s25+$0x0], $0xffff  }
0x3c7: {  	v17 =	vsub.f32 v22, v17;
	v22 =	vadd.f32 v20, v15;
	v21 =	vld.idx.msk [tilespmem:v25+s26+$0x0], $0xffff  }
0x3c8: {  	v32 =	vadd.f32 v4, v5;
	v33 =	vadd.f32 v26, v11;
	v25 =	vld.idx.msk [tilespmem:v13+s25+$0x0], $0xffff  }
0x3c9: {  	v15 =	vsub.f32 v15, v20;
	v20 =	vadd.f32 v19, v10;
	v13 =	vld.idx.msk [tilespmem:v13+s26+$0x0], $0xffff  }
0x3ca: {  	v4 =	vsub.f32 v5, v4;
	v5 =	vsub.f32 v11, v26;
	v34 =	vld.idx.msk [tilespmem:v23+s25+$0x0], $0xffff  }
0x3cb: {  	v10 =	vsub.f32 v10, v19;
	v19 =	vadd.f32 v18, v3;
	v11 =	vld.idx.msk [tilespmem:v23+s26+$0x0], $0xffff  }
0x3cc: {  	v3 =	vsub.f32 v3, v18;
	v23 =	vadd.f32 v14, v2  }
0x3cd: {  	v2 =	vsub.f32 v2, v14;
	v14 =	vadd.f32 v24, v1  }
0x3ce: {  	v18 =	vadd.f32 v16, v0;
	v1 =	vsub.f32 v1, v24  }
0x3cf: {  	v0 =	vsub.f32 v0, v16;
	v24 =	vadd.f32 v25, v28  }
0x3d0: {  	v26 =	vadd.f32 v13, v9;
	v35 =	vadd.f32 v34, v30  }
0x3d1: {  	v25 =	vsub.f32 v28, v25;
	v28 =	vadd.f32 v11, v21  }
0x3d2: {  	v9 =	vsub.f32 v9, v13;
	v13 =	vsub.f32 v30, v34  }
0x3d3: {  	v11 =	vsub.f32 v21, v11;
	v21 =	vadd.f32 v12, v27  }
0x3d4: {  	v30 =	vadd.f32 v31, v29;
	v12 =	vsub.f32 v27, v12  }
0x3d5: {  	v27 =	vsub.f32 v29, v31;
	v29 =	vadd.f32 v17, v7  }
0x3d6: {  	v36 =	vsub.f32 v7, v17;
	v34 =	vsub.f32 v8, v6  }
0x3d7: {  	v37 =	vadd.f32 v6, v8;
	v6 =	vadd.f32 v33, v22  }
0x3d8: {  	v7 =	vadd.f32 v20, v32;
	v17 =	vsub.f32 v22, v33  }
0x3d9: {  	v20 =	vsub.f32 v32, v20;
	v22 =	vadd.f32 v14, v19  }
0x3da: {  	v31 =	vadd.f32 v18, v23;
	v32 =	vadd.f32 v35, v24  }
0x3db: {  	v33 =	vadd.f32 v10, v15;
	v38 =	vadd.f32 v28, v26  }
0x3dc: {  	v39 =	vsub.f32 v4, v5;
	v10 =	vsub.f32 v15, v10  }
0x3dd: {  	v15 =	vadd.f32 v5, v4;
	v14 =	vsub.f32 v19, v14  }
0x3de: {  	v18 =	vsub.f32 v23, v18;
	v19 =	vadd.f32 v0, v3  }
0x3df: {  	v41 =	vsub.f32 v3, v0;
	v40 =	vsub.f32 v2, v1  }
0x3e0: {  	v16 =	vadd.f32 v1, v2;
	v23 =	vsub.f32 v24, v35  }
0x3e1: {  	v24 =	vsub.f32 v26, v28;
	v26 =	vadd.f32 v11, v25  }
0x3e2: {  	v28 =	vsub.f32 v9, v13;
	v11 =	vsub.f32 v25, v11  }
0x3e3: {  	v25 =	vadd.f32 v13, v9;
	v9 =	vadd.f32 v6, v21  }
0x3e4: {  	v8 =	vadd.f32 v7, v30;
	v3 =	vsub.f32 v21, v6  }
0x3e5: {  	v2 =	vsub.f32 v30, v7;
	v7 =	vadd.f32 v20, v12  }
0x3e6: {  	v5 =	vsub.f32 v27, v17;
	v1 =	vsub.f32 v12, v20  }
0x3e7: {  	v0 =	vadd.f32 v17, v27;
	v13 =	vadd.f32 v32, v22  }
0x3e8: {  	v4 =	vsub.f32 v22, v32;
	v12 =	vadd.f32 v38, v31  }
0x3e9: {  	v17 =	vmul.f32 $7.071067690e-01, v33;
	v20 =	vmul.f32 $7.071067690e-01, v39;
	v6 =	vsub.f32 v31, v38  }
0x3ea: {  	v10 =	vmul.f32 $-7.071067690e-01, v10;
	v30 =	vsub.f32 v18, v23;
	v22 =	vadd.f32 v24, v14  }
0x3eb: {  	v15 =	vmul.f32 $-7.071067690e-01, v15;
	v35 =	vadd.f32 v23, v18;
	v24 =	vsub.f32 v14, v24  }
0x3ec: {  	v14 =	vmul.f32 $7.071067690e-01, v26;
	v33 =	vadd.f32 v13, v9;
	v31 =	vadd.f32 v12, v8  }
0x3ed: {  	v18 =	vmul.f32 $7.071067690e-01, v28;
	v27 =	vsub.f32 v2, v4;
	v28 =	vadd.f32 v6, v3  }
0x3ee: {  	v23 =	vadd.f32 v20, v17;
	v17 =	vsub.f32 v20, v17;
	v11 =	vmul.f32 $-7.071067690e-01, v11  }
0x3ef: {  	v26 =	vsub.f32 v10, v15;
	v10 =	vadd.f32 v10, v15;
	v15 =	vmul.f32 $-7.071067690e-01, v25  }
0x3f0: {  	v25 =	vadd.f32 v18, v14;
	v38 =	vsub.f32 v18, v14  }
0x3f1: {  	v39 =	vsub.f32 v11, v15;
	v32 =	vadd.f32 v11, v15  }
0x3f2: {  	v21 =	vadd.f32 v23, v29;
	v20 =	vadd.f32 v17, v34  }
0x3f3: {  	v15 =	vsub.f32 v29, v23;
	v14 =	vsub.f32 v34, v17;
	v22 =	vmul.f32 $7.071067690e-01, v22  }
0x3f4: {  	v30 =	vmul.f32 $7.071067690e-01, v30;
	v18 =	vadd.f32 v26, v36;
	v17 =	vadd.f32 v10, v37  }
0x3f5: {  	v11 =	vsub.f32 v36, v26;
	v10 =	vsub.f32 v37, v10;
	v29 =	vmul.f32 $-7.071067690e-01, v24  }
0x3f6: {  	v23 =	vadd.f32 v30, v22;
	v22 =	vsub.f32 v30, v22;
	v30 =	vmul.f32 $-7.071067690e-01, v35  }
0x3f7: {  	v24 =	vadd.f32 v25, v19;
	v26 =	vadd.f32 v38, v40  }
.Ltmp1:
0x3f8: {  	v34 =	vsub.f32 v19, v25;
	v19 =	vsub.f32 v29, v30;
	(pc) =	sbr.rel @p0 .LBB2_5-.Ltmp1, $4  }
0x3f9: {  	v35 =	vsub.f32 v40, v38;
	v25 =	vmul.f32 $9.238795040e-01, v24;
	v38 =	vmul.f32 $3.826834260e-01, v26  }
0x3fa: {  	v36 =	vadd.f32 v39, v41;
	v24 =	vmul.f32 $3.826834260e-01, v24;
	v40 =	vmul.f32 $9.238795040e-01, v26  }
0x3fb: {  	v37 =	vadd.f32 v32, v16;
	v26 =	vadd.f32 v38, v25  }
0x3fc: {  	s15 =	sadd.s32 $0x100, s15;
	s16 =	sadd.s32 $0x100, s16;
	v25 =	vsub.f32 v41, v39;
	v24 =	vsub.f32 v40, v24  }
0x3fd: {  	v38 =	vadd.f32 v26, v21;
	v39 =	vmul.f32 $3.826834260e-01, v36;
	v40 =	vmul.f32 $9.238795040e-01, v37;
	[tilespmem:s15+$0xFFFFFF80] =	vst v33;
	s12 =	sadd.s32 $0x100, s12  }
0x3fe: {  	v53 =	vmul.f32 $9.238795040e-01, v36;
	v54 =	vmul.f32 $3.826834260e-01, v37;
	v52 =	vadd.f32 v24, v20;
	[tilespmem:s12+$0xFFFFFF80] =	vst v31  }
0x3ff: {  	v31 =	vadd.f32 v23, v7;
	v39 =	vadd.f32 v40, v39;
	[tilespmem:s15+$0xFFFFFF90] =	vst v38  }
0x400: {  	v55 =	vadd.f32 v22, v5;
	v36 =	vsub.f32 v54, v53;
	[tilespmem:s12+$0xFFFFFF90] =	vst v52  }
0x401: {  	v57 =	vmul.f32 $-3.826834260e-01, v34;
	v58 =	vmul.f32 $9.238795040e-01, v35;
	v56 =	vadd.f32 v39, v18;
	[tilespmem:s15+$0xFFFFFFA0] =	vst v31  }
0x402: {  	v59 =	vmul.f32 $-9.238795040e-01, v34;
	v60 =	vmul.f32 $3.826834260e-01, v35;
	v31 =	vadd.f32 v36, v17;
	[tilespmem:s12+$0xFFFFFFA0] =	vst v55  }
0x403: {  	v16 =	vsub.f32 v16, v32;
	v61 =	vadd.f32 v58, v57;
	[tilespmem:s15+$0xFFFFFFB0] =	vst v56  }
0x404: {  	v29 =	vadd.f32 v29, v30;
	v62 =	vsub.f32 v59, v60;
	[tilespmem:s12+$0xFFFFFFB0] =	vst v31  }
0x405: {  	v63 =	vmul.f32 $3.826834260e-01, v16;
	v30 =	vadd.f32 v61, v15;
	v31 =	vmul.f32 $-9.238795040e-01, v25;
	[tilespmem:s15+$0xFFFFFFC0] =	vst v28  }
0x406: {  	v16 =	vmul.f32 $9.238795040e-01, v16;
	v25 =	vmul.f32 $-3.826834260e-01, v25;
	v28 =	vadd.f32 v62, v14;
	[tilespmem:s12+$0xFFFFFFC0] =	vst v27  }
0x407: {  	v27 =	vadd.f32 v19, v1;
	v31 =	vadd.f32 v63, v31;
	[tilespmem:s15+$0xFFFFFFD0] =	vst v30  }
0x408: {  	v16 =	vsub.f32 v25, v16;
	v30 =	vadd.f32 v29, v0;
	[tilespmem:s12+$0xFFFFFFD0] =	vst v28  }
0x409: {  	v25 =	vadd.f32 v31, v11;
	[tilespmem:s15+$0xFFFFFFE0] =	vst v27  }
0x40a: {  	v27 =	vadd.f32 v16, v10;
	[tilespmem:s12+$0xFFFFFFE0] =	vst v30  }
0x40b: {  	v9 =	vsub.f32 v9, v13;
	[tilespmem:s15+$0xFFFFFFF0] =	vst v25  }
0x40c: {  	v8 =	vsub.f32 v8, v12;
	[tilespmem:s12+$0xFFFFFFF0] =	vst v27  }
0x40d: {  	v12 =	vsub.f32 v21, v26;
	[tilespmem:s15+$0x0] =	vst v9  }
0x40e: {  	v9 =	vsub.f32 v20, v24;
	[tilespmem:s12+$0x0] =	vst v8  }
0x40f: {  	v7 =	vsub.f32 v7, v23;
	[tilespmem:s15+$0x10] =	vst v12  }
0x410: {  	v5 =	vsub.f32 v5, v22;
	[tilespmem:s12+$0x10] =	vst v9  }
0x411: {  	v8 =	vsub.f32 v18, v39;
	[tilespmem:s15+$0x20] =	vst v7  }
0x412: {  	v7 =	vsub.f32 v17, v36;
	[tilespmem:s12+$0x20] =	vst v5  }
0x413: {  	v3 =	vsub.f32 v3, v6;
	[tilespmem:s15+$0x30] =	vst v8  }
0x414: {  	v2 =	vadd.f32 v4, v2;
	[tilespmem:s12+$0x30] =	vst v7  }
0x415: {  	v4 =	vsub.f32 v15, v61;
	[tilespmem:s15+$0x40] =	vst v3  }
0x416: {  	v3 =	vsub.f32 v14, v62;
	[tilespmem:s12+$0x40] =	vst v2  }
0x417: {  	v1 =	vsub.f32 v1, v19;
	[tilespmem:s15+$0x50] =	vst v4  }
0x418: {  	v0 =	vsub.f32 v0, v29;
	[tilespmem:s12+$0x50] =	vst v3  }
0x419: {  	v2 =	vsub.f32 v11, v31;
	[tilespmem:s15+$0x60] =	vst v1  }
0x41a: {  	s16 =	sadd.s32 s13, s11;
	v1 =	vsub.f32 v10, v16;
	[tilespmem:s12+$0x60] =	vst v0  }
0x41b: {  	s18 =	sshll.u32 s16, $0xA;
	[tilespmem:s15+$0x70] =	vst v2  }
0x41c: {  	s16 =	sadd.s32 s2, s18;
	[tilespmem:s12+$0x70] =	vst v1  }
0x41d: {  	[hbm4b:s16+s3] =	stream.linear.scatter [tilespmem:s28], [sflag:$0x5], $0x2000, $0x38;
	[tilespmem:$0x14300] =	vst v63  }
0x41e: {  	s18 =	sadd.s32 s9, s18  }
0x41f: {  	[hbm4b:s18+s3] =	stream.linear.scatter [tilespmem:s29], [sflag:$0x6], $0x2000, $0x38;
	[tilespmem:$0x14300] =	vst v63  }
0x420: {  	_ =	swait.ge [sflag:s30], $0x2000  }
0x421: {  	p0 =	seq.s32 s7, $0xF;
	[sflag:s30] =	ssyncset.done $0x0  }
0x422: {  	s11 =	sadd.s32 @!p0 s11, s14;
	[sflag:s30] =	ssyncadd.s32 $0xFFFFE000  }
0x423: {  	s11 =	sshll.u32 @!p0 s11, $0xA;
	_ =	swait.ge [sflag:s31], $0x2000  }
0x424: {  	s11 =	sand.u32 @!p0 $0x1FFFF800, s11;
	[sflag:s31] =	ssyncset.done $0x0  }
0x425: {  	s15 =	simm.s32 @!p0 $0x0;
	s12 =	sadd.s32 @!p0 s5, s11;
	[sflag:s31] =	ssyncadd.s32 $0xFFFFE000  }
0x426: {  	[tilespmem:s15], [sflag:$0x1] =	stream.linear.gather @!p0 [hbm4b:s12+s15], $0x2000, $0x38;
	[tilespmem:$0x14300] =	vst v63  }
0x427: {  	p1 =	seq.s32 @!p0 s7, $0x0;
	s11 =	sadd.s32 @!p0 s1, s11;
	s12 =	simm.s32 @!p0 $0x2000  }
0x428: {  	[tilespmem:s12], [sflag:$0x2] =	stream.linear.gather @!p0 [hbm4b:s11+s15], $0x2000, $0x38;
	[tilespmem:$0x14300] =	vst v63  }
0x429: {  	p0 =	por p0, !p1  }
0x42a: {  	_ =	swait.ge @p0 [sflag:s19], $0x2000  }
0x42b: {  	[sflag:s19] =	ssyncset.done @p0 $0x0  }
0x42c: {  	[sflag:s19] =	ssyncadd.s32 @p0 $0xFFFFE000  }
0x42d: {  	_ =	swait.ge @p0 [sflag:s20], $0x2000  }
0x42e: {  	[sflag:s20] =	ssyncset.done @p0 $0x0  }
0x42f: {  	s12 =	simm.s32 $0x4080;
	[sflag:s20] =	ssyncadd.s32 @p0 $0xFFFFE000  }
0x430: {  	v0 =	vld [tilespmem:s12+$0xFFFFFF80]  }
0x431: {  	v1 =	vld [tilespmem:s12+$0xFFFFFFA0]  }
0x432: {  	v2 =	vld [tilespmem:s12+$0xFFFFFFC0]  }
0x433: {  	v3 =	vld [tilespmem:s12+$0xFFFFFFE0]  }
0x434: {  	v4 =	vld [tilespmem:s12+$0x0]  }
0x435: {  	v5 =	vld [tilespmem:s12+$0x20]  }
0x436: {  	v6 =	vld [tilespmem:s12+$0x40]  }
0x437: {  	s15 =	simm.s32 $0x6080;
	v7 =	vld [tilespmem:s12+$0x60]  }
0x438: {  	v8 =	vld [tilespmem:s15+$0xFFFFFF80]  }
0x439: {  	v9 =	vld [tilespmem:s15+$0x0]  }
0x43a: {  	v10 =	vld [tilespmem:s15+$0xFFFFFFA0]  }
0x43b: {  	v11 =	vld [tilespmem:s15+$0xFFFFFFC0]  }
0x43c: {  	v12 =	vld [tilespmem:s15+$0xFFFFFFE0]  }
0x43d: {  	v13 =	vld [tilespmem:s15+$0x40]  }
0x43e: {  	v14 =	vld [tilespmem:s15+$0x20]  }
0x43f: {  	v15 =	vld [tilespmem:s15+$0x60]  }
0x440: {  	v17 =	vld [tilespmem:s12+$0xFFFFFF90]  }
0x441: {  	v19 =	vld [tilespmem:s12+$0x10]  }
0x442: {  	v22 =	vld [tilespmem:s12+$0xFFFFFFD0]  }
0x443: {  	v23 =	vld [tilespmem:s12+$0x50]  }
0x444: {  	v29 =	vld [tilespmem:s15+$0xFFFFFF90]  }
0x445: {  	v30 =	vld [tilespmem:s15+$0x10]  }
0x446: {  	v32 =	vld [tilespmem:s15+$0xFFFFFFD0]  }
0x447: {  	v33 =	vld [tilespmem:s15+$0x50]  }
0x448: {  	v35 =	vld [tilespmem:s12+$0xFFFFFFB0]  }
0x449: {  	v36 =	vld [tilespmem:s12+$0xFFFFFFF0]  }
0x44a: {  	v37 =	vld [tilespmem:s12+$0x30]  }
0x44b: {  	v38 =	vld [tilespmem:s12+$0x70]  }
0x44c: {  	v39 =	vld [tilespmem:s15+$0xFFFFFFB0]  }
0x44d: {  	v34 =	vld [tilespmem:s15+$0x30]  }
0x44e: {  	v41 =	vld [tilespmem:s15+$0xFFFFFFF0]  }
0x44f: {  	v42 =	vld [tilespmem:s15+$0x70]  }
0x450: {  	v43 =	vld [tilespmem:$0x14010]  }
0x451: {  	v16 =	vld [tilespmem:$0x14040]  }
0x452: {  	v44 =	vld [tilespmem:$0x14110]  }
0x453: {  	v28 =	vld [tilespmem:$0x14020]  }
0x454: {  	v31 =	vld [tilespmem:$0x14120]  }
0x455: {  	v20 =	vld [tilespmem:$0x14030]  }
0x456: {  	v21 =	vld [tilespmem:$0x14130];
	[tilespmem:$0x1F750] =	vst v16  }
0x457: {  	v26 =	vsub.f32 v0, v4;
	v52 =	vadd.f32 v4, v0;
	v0 =	vld [tilespmem:$0x14140];
	_ =	sdelay $0x4  }
0x458: {  	[tilespmem:$0x1F760] =	vst v0  }
0x459: {  	v0 =	vld [tilespmem:$0x14050];
	_ =	sdelay $0x4  }
0x45a: {  	[tilespmem:$0x1F7B0] =	vst v0  }
0x45b: {  	v0 =	vld [tilespmem:$0x14150];
	_ =	sdelay $0x4  }
0x45c: {  	[tilespmem:$0x1F7C0] =	vst v0  }
0x45d: {  	v0 =	vld [tilespmem:$0x14060];
	_ =	sdelay $0x4  }
0x45e: {  	[tilespmem:$0x1F810] =	vst v0  }
0x45f: {  	v0 =	vld [tilespmem:$0x14070];
	_ =	sdelay $0x4  }
0x460: {  	v49 =	vsub.f32 v17, v19;
	v60 =	vadd.f32 v19, v17;
	v19 =	vld [tilespmem:$0x14160];
	[tilespmem:$0x1F860] =	vst v0  }
0x461: {  	v0 =	vld [tilespmem:$0x14170];
	_ =	sdelay $0x4  }
0x462: {  	[tilespmem:$0x1F870] =	vst v0  }
0x463: {  	v0 =	vld [tilespmem:$0x14080];
	_ =	sdelay $0x4  }
0x464: {  	[tilespmem:$0x1F8D0] =	vst v0  }
0x465: {  	v0 =	vld [tilespmem:$0x14180];
	_ =	sdelay $0x4  }
0x466: {  	[tilespmem:$0x1F8E0] =	vst v0  }
0x467: {  	v0 =	vld [tilespmem:$0x14090];
	_ =	sdelay $0x4  }
0x468: {  	[tilespmem:$0x1F980] =	vst v0  }
0x469: {  	v0 =	vld [tilespmem:$0x14190];
	_ =	sdelay $0x4  }
0x46a: {  	[tilespmem:$0x1F990] =	vst v0  }
0x46b: {  	v0 =	vld [tilespmem:$0x140A0];
	_ =	sdelay $0x4  }
0x46c: {  	v45 =	vsub.f32 v1, v5;
	v56 =	vadd.f32 v5, v1;
	v5 =	vld [tilespmem:$0x14200];
	[tilespmem:$0x1F5F0] =	vst v0  }
0x46d: {  	v0 =	vld [tilespmem:$0x141A0];
	_ =	sdelay $0x4  }
0x46e: {  	[tilespmem:$0x1F600] =	vst v0  }
0x46f: {  	v0 =	vld [tilespmem:$0x140B0];
	_ =	sdelay $0x4  }
0x470: {  	[tilespmem:$0x1F610] =	vst v0  }
0x471: {  	v0 =	vld [tilespmem:$0x141B0];
	_ =	sdelay $0x4  }
0x472: {  	[tilespmem:$0x1F620] =	vst v0  }
0x473: {  	v0 =	vld [tilespmem:$0x140C0];
	_ =	sdelay $0x3  }
0x474: {  	v24 =	vsub.f32 v8, v9;
	v25 =	vsub.f32 v2, v6  }
0x475: {  	v46 =	vsub.f32 v10, v14;
	v47 =	vsub.f32 v3, v7;
	[tilespmem:$0x1F630] =	vst v0  }
0x476: {  	v48 =	vsub.f32 v12, v15;
	v51 =	vsub.f32 v32, v33;
	v0 =	vld [tilespmem:$0x141C0]  }
0x477: {  	v53 =	vadd.f32 v9, v8;
	v54 =	vadd.f32 v6, v2  }
0x478: {  	v57 =	vadd.f32 v14, v10;
	v58 =	vadd.f32 v7, v3  }
0x479: {  	v7 =	vadd.f32 v34, v39;
	v10 =	vadd.f32 v38, v36  }
0x47a: {  	v9 =	vsub.f32 v35, v37;
	v39 =	vsub.f32 v39, v34  }
0x47b: {  	v36 =	vsub.f32 v36, v38;
	v38 =	vsub.f32 v41, v42;
	[tilespmem:$0x1F640] =	vst v0;
	v0 =	vld [tilespmem:$0x1FFF0]  }
0x47c: {  	v59 =	vadd.f32 v15, v12;
	v8 =	vadd.f32 v37, v35  }
0x47d: {  	v1 =	vadd.f32 v38, v9;
	v14 =	vsub.f32 v39, v36  }
0x47e: {  	v6 =	vadd.f32 v42, v41;
	v42 =	vsub.f32 v45, v48  }
0x47f: {  	s16 =	simm.s32 $0x0;
	v12 =	vadd.f32 v48, v45;
	v1 =	vmul.f32 $7.071067690e-01, v1;
	v14 =	vmul.f32 $7.071067690e-01, v14  }
0x480: {  	v35 =	vadd.f32 v54, v52;
	v48 =	vadd.f32 v58, v56;
	v34 =	vor.u32 s16, v0;
	v0 =	vld [tilespmem:$0x140D0]  }
0x481: {  	v63 =	vadd.f32 v33, v32;
	v33 =	vadd.f32 v14, v1  }
0x482: {  	v32 =	vsub.f32 v14, v1;
	v1 =	vadd.f32 v48, v35;
	_ =	sdelay $0x1  }
0x483: {  	v62 =	vadd.f32 v23, v22;
	[tilespmem:$0x1F8A0] =	vst v1  }
0x484: {  	[tilespmem:$0x1F650] =	vst v0  }
0x485: {  	v16 =	vadd.f32 v62, v60;
	v14 =	vadd.f32 v10, v8;
	v0 =	vld [tilespmem:$0x141D0];
	_ =	sdelay $0x1  }
0x486: {  	v2 =	vadd.f32 v14, v16;
	_ =	sdelay $0x1  }
0x487: {  	[tilespmem:$0x1F890] =	vst v2  }
0x488: {  	[tilespmem:$0x1F660] =	vst v0  }
0x489: {  	v0 =	vld [tilespmem:$0x140E0];
	_ =	sdelay $0x4  }
0x48a: {  	[tilespmem:$0x1F670] =	vst v0  }
0x48b: {  	v0 =	vld [tilespmem:$0x141E0];
	_ =	sdelay $0x4  }
0x48c: {  	[tilespmem:$0x1F680] =	vst v0  }
0x48d: {  	v0 =	vld [tilespmem:$0x140F0];
	_ =	sdelay $0x1  }
0x48e: {  	v27 =	vsub.f32 v11, v13  }
0x48f: {  	v18 =	vsub.f32 v29, v30;
	v50 =	vsub.f32 v22, v23  }
0x490: {  	v55 =	vadd.f32 v13, v11;
	v61 =	vadd.f32 v30, v29  }
0x491: {  	v13 =	vsub.f32 v46, v47;
	v29 =	vadd.f32 v51, v49;
	[tilespmem:$0x1F690] =	vst v0  }
0x492: {  	v45 =	vadd.f32 v55, v53;
	v15 =	vadd.f32 v59, v57;
	v11 =	vld [tilespmem:$0x141F0]  }
0x493: {  	v22 =	vadd.f32 v63, v61;
	v17 =	vadd.s32 v34, v5;
	v5 =	vadd.f32 v6, v7  }
0x494: {  	v30 =	vsub.f32 v18, v50;
	v41 =	vadd.f32 v15, v45  }
0x495: {  	v37 =	vmul.f32 $7.071067690e-01, v12;
	v40 =	vadd.f32 v33, v29;
	v23 =	vadd.f32 v5, v22  }
0x496: {  	v13 =	vmul.f32 $7.071067690e-01, v13;
	v3 =	vadd.f32 v2, v1;
	v0 =	vadd.f32 v32, v30  }
0x497: {  	v4 =	vmul.f32 $9.238795040e-01, v40;
	v40 =	vmul.f32 $3.826834260e-01, v40;
	v2 =	vadd.f32 v23, v41;
	[tilespmem:$0x1F6A0] =	vst v11  }
0x498: {  	v12 =	vadd.f32 v13, v37;
	[tilespmem:v17+s25+$0x0] =	vst.idx.msk $0xffff, v3;
	v3 =	vmul.f32 $3.826834260e-01, v0;
	v0 =	vmul.f32 $9.238795040e-01, v0  }
0x499: {  	v37 =	vsub.f32 v13, v37;
	v11 =	vsub.f32 v24, v25;
	[tilespmem:v17+s26+$0x0] =	vst.idx.msk $0xffff, v2  }
0x49a: {  	v2 =	vadd.f32 v27, v26;
	v40 =	vsub.f32 v0, v40;
	v0 =	vld [tilespmem:$0x14210]  }
0x49b: {  	v8 =	vsub.f32 v8, v10;
	v17 =	vadd.f32 v37, v11  }
0x49c: {  	v3 =	vadd.f32 v3, v4;
	v13 =	vadd.f32 v12, v2  }
0x49d: {  	v4 =	vadd.f32 v46, v47;
	v46 =	vsub.f32 v49, v51  }
0x49e: {  	v49 =	vadd.f32 v40, v17;
	v47 =	vadd.f32 v3, v13  }
0x49f: {  	v51 =	vsub.f32 v60, v62;
	v60 =	vsub.f32 v61, v63;
	v0 =	vadd.s32 v34, v0  }
0x4a0: {  	v6 =	vsub.f32 v7, v6;
	v62 =	vmul.f32 v49, v44;
	v61 =	vmul.f32 v47, v43  }
0x4a1: {  	v63 =	vsub.f32 v60, v8;
	v10 =	vmul.f32 v49, v43;
	v7 =	vmul.f32 v47, v44  }
0x4a2: {  	v61 =	vsub.f32 v61, v62;
	v62 =	vadd.f32 v6, v51  }
0x4a3: {  	v49 =	vsub.f32 v52, v54;
	v7 =	vadd.f32 v10, v7  }
0x4a4: {  	v10 =	vsub.f32 v53, v55;
	[tilespmem:v0+s25+$0x0] =	vst.idx.msk $0xffff, v61;
	v61 =	vmul.f32 $7.071067690e-01, v62;
	v62 =	vmul.f32 $7.071067690e-01, v63  }
0x4a5: {  	[tilespmem:v0+s26+$0x0] =	vst.idx.msk $0xffff, v7;
	v0 =	vsub.f32 v57, v59;
	v7 =	vsub.f32 v56, v58  }
0x4a6: {  	v57 =	vadd.f32 v62, v61;
	v44 =	vsub.f32 v62, v61;
	v63 =	vld [tilespmem:$0x14220]  }
0x4a7: {  	v53 =	vadd.f32 v0, v49;
	v56 =	vsub.f32 v10, v7  }
0x4a8: {  	v9 =	vsub.f32 v9, v38;
	v36 =	vadd.f32 v39, v36  }
0x4a9: {  	v58 =	vadd.f32 v57, v53;
	v59 =	vadd.f32 v44, v56  }
0x4aa: {  	v9 =	vmul.f32 $-7.071067690e-01, v9;
	v36 =	vmul.f32 $-7.071067690e-01, v36  }
0x4ab: {  	v43 =	vadd.s32 v34, v63;
	v61 =	vmul.f32 v58, v28;
	v47 =	vmul.f32 v59, v31  }
0x4ac: {  	v50 =	vadd.f32 v18, v50;
	v31 =	vmul.f32 v58, v31;
	v28 =	vmul.f32 v59, v28  }
0x4ad: {  	v38 =	vsub.f32 v9, v36;
	v9 =	vadd.f32 v9, v36  }
0x4ae: {  	v4 =	vmul.f32 $-7.071067690e-01, v4;
	[tilespmem:$0x1F6B0] =	vst v44;
	v62 =	vsub.f32 v61, v47;
	v28 =	vadd.f32 v28, v31  }
0x4af: {  	[tilespmem:$0x1F6C0] =	vst v56;
	v63 =	vmul.f32 $-7.071067690e-01, v42;
	v31 =	vadd.f32 v38, v46;
	v47 =	vadd.f32 v9, v50  }
0x4b0: {  	v24 =	vadd.f32 v24, v25;
	v27 =	vsub.f32 v26, v27;
	[tilespmem:v43+s25+$0x0] =	vst.idx.msk $0xffff, v62  }
0x4b1: {  	v25 =	vsub.f32 v63, v4;
	v26 =	vmul.f32 $3.826834260e-01, v31;
	v52 =	vmul.f32 $9.238795040e-01, v47;
	[tilespmem:v43+s26+$0x0] =	vst.idx.msk $0xffff, v28  }
0x4b2: {  	v31 =	vmul.f32 $9.238795040e-01, v31;
	v42 =	vmul.f32 $3.826834260e-01, v47;
	v28 =	vadd.f32 v63, v4;
	v4 =	vld [tilespmem:$0x14230]  }
0x4b3: {  	v36 =	vadd.f32 v52, v26;
	v26 =	vadd.f32 v25, v27  }
0x4b4: {  	v54 =	vsub.f32 v42, v31;
	v31 =	vadd.f32 v28, v24  }
0x4b5: {  	[tilespmem:$0x1F6D0] =	vst v26  }
0x4b6: {  	v26 =	vadd.f32 v36, v26;
	[tilespmem:$0x1F6F0] =	vst v31;
	v31 =	vadd.f32 v54, v31  }
0x4b7: {  	v4 =	vadd.s32 v34, v4  }
0x4b8: {  	[tilespmem:$0x1F6E0] =	vst v36;
	v36 =	vmul.f32 v26, v20;
	v39 =	vmul.f32 v31, v21  }
0x4b9: {  	v21 =	vmul.f32 v26, v21;
	v20 =	vmul.f32 v31, v20  }
0x4ba: {  	v26 =	vsub.f32 v36, v39  }
0x4bb: {  	[tilespmem:$0x1F700] =	vst v54;
	v20 =	vadd.f32 v20, v21  }
0x4bc: {  	[tilespmem:v4+s25+$0x0] =	vst.idx.msk $0xffff, v26  }
0x4bd: {  	[tilespmem:v4+s26+$0x0] =	vst.idx.msk $0xffff, v20  }
0x4be: {  	v5 =	vsub.f32 v22, v5;
	v4 =	vld [tilespmem:$0x14240]  }
0x4bf: {  	v15 =	vsub.f32 v45, v15;
	v1 =	vld [tilespmem:$0x1F750]  }
0x4c0: {  	v14 =	vsub.f32 v16, v14;
	[tilespmem:$0x1F720] =	vst v5;
	v18 =	vld [tilespmem:$0x1F760]  }
0x4c1: {  	v20 =	vsub.f32 v35, v48;
	[tilespmem:$0x1F730] =	vst v15  }
0x4c2: {  	[tilespmem:$0x1F740] =	vst v14  }
0x4c3: {  	s11 =	simm.s32 $0x4180;
	v14 =	vsub.f32 v15, v14;
	[tilespmem:$0x1F710] =	vst v20;
	v5 =	vadd.f32 v5, v20  }
0x4c4: {  	v15 =	vld [tilespmem:s11+$0xFFFFFF80];
	v4 =	vadd.s32 v34, v4  }
0x4c5: {  	s12 =	simm.s32 $0x6180;
	v21 =	vsub.f32 v29, v33;
	v26 =	vld [tilespmem:s11+$0x0];
	v16 =	vmul.f32 v1, v5;
	v20 =	vmul.f32 v18, v14  }
0x4c6: {  	v29 =	vsub.f32 v11, v37;
	v11 =	vld [tilespmem:s12+$0xFFFFFF80];
	v5 =	vmul.f32 v18, v5;
	v14 =	vmul.f32 v1, v14  }
0x4c7: {  	v18 =	vld [tilespmem:s11+$0xFFFFFFA0];
	v16 =	vsub.f32 v16, v20  }
0x4c8: {  	v22 =	vsub.f32 v30, v32;
	v20 =	vld [tilespmem:s11+$0xFFFFFFC0];
	v5 =	vadd.f32 v5, v14  }
0x4c9: {  	v14 =	vld [tilespmem:s11+$0xFFFFFFE0];
	[tilespmem:v4+s25+$0x0] =	vst.idx.msk $0xffff, v16;
	v16 =	vmul.f32 $-3.826834260e-01, v21  }
0x4ca: {  	[tilespmem:v4+s26+$0x0] =	vst.idx.msk $0xffff, v5;
	v4 =	vmul.f32 $9.238795040e-01, v22;
	v5 =	vmul.f32 $3.826834260e-01, v22;
	v22 =	vld [tilespmem:s11+$0x20]  }
0x4cb: {  	v12 =	vsub.f32 v2, v12;
	v21 =	vmul.f32 $-9.238795040e-01, v21;
	v2 =	vld [tilespmem:$0x14250]  }
0x4cc: {  	v16 =	vadd.f32 v4, v16;
	v4 =	vld [tilespmem:s11+$0x40]  }
0x4cd: {  	v1 =	vsub.f32 v21, v5;
	v5 =	vld [tilespmem:s11+$0x60];
	[tilespmem:$0x1F770] =	vst v12  }
0x4ce: {  	[tilespmem:$0x1F790] =	vst v29  }
0x4cf: {  	v55 =	vld [tilespmem:$0x1F7C0];
	[tilespmem:$0x1F780] =	vst v16  }
0x4d0: {  	v12 =	vadd.f32 v16, v12;
	[tilespmem:$0x1F7A0] =	vst v1;
	v16 =	vadd.f32 v1, v29;
	v1 =	vld [tilespmem:$0x1F7B0]  }
0x4d1: {  	v8 =	vadd.f32 v60, v8;
	v6 =	vsub.f32 v51, v6;
	v21 =	vld [tilespmem:s12+$0x0];
	_ =	sdelay $0x1  }
0x4d2: {  	v8 =	vmul.f32 $-7.071067690e-01, v8;
	v6 =	vmul.f32 $-7.071067690e-01, v6;
	v30 =	vld [tilespmem:s12+$0xFFFFFFA0]  }
0x4d3: {  	v35 =	vsub.f32 v15, v26;
	v56 =	vld [tilespmem:s12+$0xFFFFFFC0];
	v2 =	vadd.s32 v34, v2;
	v31 =	vmul.f32 v55, v16  }
0x4d4: {  	v58 =	vld [tilespmem:s12+$0xFFFFFFE0];
	v29 =	vmul.f32 v1, v12;
	v16 =	vmul.f32 v1, v16;
	v1 =	vsub.f32 v49, v0  }
0x4d5: {  	v12 =	vmul.f32 v55, v12;
	v0 =	vld [tilespmem:s12+$0x60];
	v37 =	vsub.f32 v11, v21;
	v42 =	vadd.f32 v21, v11  }
0x4d6: {  	v21 =	vadd.f32 v6, v8;
	v11 =	vld [tilespmem:s11+$0xFFFFFFD0];
	v31 =	vsub.f32 v29, v31  }
0x4d7: {  	v29 =	vadd.f32 v26, v15;
	v12 =	vadd.f32 v12, v16;
	v15 =	vld [tilespmem:s12+$0x40]  }
0x4d8: {  	v26 =	vld [tilespmem:s12+$0x20];
	v16 =	vadd.f32 v10, v7;
	v10 =	vadd.f32 v4, v20  }
0x4d9: {  	[tilespmem:v2+s25+$0x0] =	vst.idx.msk $0xffff, v31;
	v31 =	vsub.f32 v6, v8;
	v6 =	vsub.f32 v20, v4;
	v4 =	vld [tilespmem:s11+$0x10]  }
0x4da: {  	[tilespmem:v2+s26+$0x0] =	vst.idx.msk $0xffff, v12;
	v2 =	vld [tilespmem:s11+$0xFFFFFF90]  }
0x4db: {  	v7 =	vld [tilespmem:$0x14260];
	[tilespmem:$0x1F7D0] =	vst v31  }
0x4dc: {  	[tilespmem:$0x1F7E0] =	vst v1;
	v8 =	vadd.f32 v31, v1;
	v1 =	vld [tilespmem:$0x1F810]  }
0x4dd: {  	[tilespmem:$0x1F7F0] =	vst v16  }
0x4de: {  	[tilespmem:$0x1F800] =	vst v21  }
0x4df: {  	v20 =	vadd.f32 v21, v16;
	v59 =	vld [tilespmem:s11+$0x50]  }
0x4e0: {  	v60 =	vadd.f32 v22, v18;
	v31 =	vsub.f32 v18, v22;
	v18 =	vld [tilespmem:s12+$0xFFFFFF90]  }
0x4e1: {  	v22 =	vmul.f32 v19, v20;
	v61 =	vld [tilespmem:s12+$0x10];
	v21 =	vmul.f32 v1, v8  }
0x4e2: {  	v62 =	vld [tilespmem:s12+$0xFFFFFFD0];
	v8 =	vmul.f32 v19, v8;
	v19 =	vmul.f32 v1, v20;
	v20 =	vadd.s32 v34, v7  }
0x4e3: {  	v63 =	vld [tilespmem:s11+$0xFFFFFFB0]  }
0x4e4: {  	v38 =	vsub.f32 v46, v38;
	v52 =	vld [tilespmem:s11+$0x70]  }
0x4e5: {  	v54 =	vsub.f32 v24, v28;
	v24 =	vld [tilespmem:s12+$0xFFFFFFB0];
	v22 =	vsub.f32 v21, v22  }
0x4e6: {  	v9 =	vsub.f32 v50, v9;
	v28 =	vld [tilespmem:s12+$0x70];
	v8 =	vadd.f32 v8, v19  }
0x4e7: {  	v44 =	vsub.f32 v14, v5;
	v7 =	vadd.f32 v5, v14;
	v5 =	vld [tilespmem:s11+$0xFFFFFFF0];
	[tilespmem:v20+s25+$0x0] =	vst.idx.msk $0xffff, v22  }
0x4e8: {  	v33 =	vsub.f32 v2, v4;
	v2 =	vadd.f32 v4, v2;
	v19 =	vld [tilespmem:s12+$0x50];
	[tilespmem:v20+s26+$0x0] =	vst.idx.msk $0xffff, v8  }
0x4e9: {  	v4 =	vmul.f32 $3.826834260e-01, v9;
	v1 =	vsub.f32 v30, v26;
	v14 =	vsub.f32 v58, v0;
	v22 =	vld [tilespmem:$0x14270]  }
0x4ea: {  	v21 =	vadd.f32 v26, v30;
	v26 =	vadd.f32 v0, v58;
	v0 =	vld [tilespmem:s11+$0x30];
	v20 =	vmul.f32 $-9.238795040e-01, v38  }
0x4eb: {  	v30 =	vsub.f32 v27, v25;
	v25 =	vld [tilespmem:s12+$0xFFFFFFF0]  }
0x4ec: {  	v55 =	vadd.f32 v4, v20;
	v4 =	vld [tilespmem:s12+$0x30]  }
0x4ed: {  	v9 =	vmul.f32 $9.238795040e-01, v9;
	v8 =	vmul.f32 $-3.826834260e-01, v38;
	v20 =	vld [tilespmem:$0x1F860]  }
0x4ee: {  	v12 =	vsub.f32 v56, v15;
	v15 =	vadd.f32 v15, v56;
	[tilespmem:$0x1F820] =	vst v30;
	v56 =	vadd.s32 v34, v22;
	v22 =	vld [tilespmem:$0x1F870]  }
0x4ef: {  	v16 =	vsub.f32 v18, v61;
	v8 =	vsub.f32 v8, v9;
	[tilespmem:$0x1F840] =	vst v54  }
0x4f0: {  	v32 =	vadd.f32 v59, v11;
	v27 =	vadd.f32 v61, v18;
	[tilespmem:$0x1F830] =	vst v55  }
0x4f1: {  	v9 =	vadd.f32 v55, v30;
	[tilespmem:$0x1F850] =	vst v8;
	v30 =	vadd.f32 v8, v54  }
0x4f2: {  	v49 =	vadd.f32 v0, v63;
	v43 =	vsub.f32 v63, v0;
	v18 =	vld [tilespmem:$0x14010]  }
0x4f3: {  	v0 =	vld [tilespmem:$0x14040];
	v8 =	vmovc v16;
	v16 =	vsub.f32 v11, v59;
	v11 =	vmul.f32 v20, v9;
	v38 =	vmul.f32 v22, v30  }
0x4f4: {  	v36 =	vld [tilespmem:$0x14110]  }
0x4f5: {  	v58 =	vmul.f32 v20, v30;
	v9 =	vmul.f32 v22, v9;
	v22 =	vld [tilespmem:$0x14020];
	v59 =	vsub.f32 v11, v38  }
0x4f6: {  	v30 =	vld [tilespmem:$0x14120]  }
0x4f7: {  	v39 =	vadd.f32 v9, v58;
	v9 =	vld [tilespmem:$0x14030];
	[tilespmem:v56+s25+$0x0] =	vst.idx.msk $0xffff, v59  }
0x4f8: {  	v11 =	vld [tilespmem:$0x14130];
	[tilespmem:$0x1F880] =	vst v0  }
0x4f9: {  	[tilespmem:v56+s26+$0x0] =	vst.idx.msk $0xffff, v39  }
0x4fa: {  	v0 =	vld [tilespmem:$0x1F890]  }
0x4fb: {  	v38 =	vadd.f32 v4, v24;
	v24 =	vsub.f32 v24, v4;
	v4 =	vld [tilespmem:$0x1F8A0];
	_ =	sdelay $0x4  }
0x4fc: {  	v61 =	vsub.f32 v4, v0;
	v0 =	vld [tilespmem:$0x14140];
	_ =	sdelay $0x4  }
0x4fd: {  	[tilespmem:$0x1F8B0] =	vst v0  }
0x4fe: {  	v0 =	vld [tilespmem:$0x14050];
	_ =	sdelay $0x3  }
0x4ff: {  	v39 =	vadd.f32 v28, v25;
	v28 =	vsub.f32 v25, v28;
	v25 =	vld [tilespmem:$0x14280]  }
0x500: {  	[tilespmem:$0x1F8C0] =	vst v0;
	v0 =	vld [tilespmem:$0x1F8E0];
	_ =	sdelay $0x2  }
0x501: {  	v23 =	vsub.f32 v41, v23;
	v50 =	vadd.f32 v52, v5  }
0x502: {  	v45 =	vsub.f32 v5, v52;
	v52 =	vsub.f32 v35, v12  }
0x503: {  	v55 =	vadd.f32 v12, v35;
	v63 =	vmul.f32 v0, v23;
	v12 =	vmul.f32 v0, v61;
	v0 =	vld [tilespmem:$0x14150];
	_ =	sdelay $0x4  }
0x504: {  	[tilespmem:$0x1F8F0] =	vst v0  }
0x505: {  	v0 =	vld [tilespmem:$0x14060];
	_ =	sdelay $0x4  }
0x506: {  	[tilespmem:$0x1F900] =	vst v0  }
0x507: {  	v0 =	vld [tilespmem:$0x14160];
	_ =	sdelay $0x4  }
0x508: {  	[tilespmem:$0x1F910] =	vst v0  }
0x509: {  	v0 =	vld [tilespmem:$0x14070];
	_ =	sdelay $0x4  }
0x50a: {  	[tilespmem:$0x1F920] =	vst v0  }
0x50b: {  	v0 =	vld [tilespmem:$0x14170];
	_ =	sdelay $0x4  }
0x50c: {  	[tilespmem:$0x1F930] =	vst v0  }
0x50d: {  	v0 =	vld [tilespmem:$0x14080];
	_ =	sdelay $0x4  }
0x50e: {  	[tilespmem:$0x1F940] =	vst v0  }
0x50f: {  	v0 =	vld [tilespmem:$0x14180];
	_ =	sdelay $0x4  }
0x510: {  	[tilespmem:$0x1F950] =	vst v0  }
0x511: {  	v0 =	vld [tilespmem:$0x14090]  }
0x512: {  	v4 =	vld [tilespmem:$0x1F8D0];
	_ =	sdelay $0x3  }
0x513: {  	v51 =	vadd.s32 v34, v25;
	[tilespmem:$0x1F960] =	vst v0  }
0x514: {  	v47 =	vsub.f32 v62, v19;
	v19 =	vadd.f32 v19, v62;
	v62 =	vmul.f32 v4, v61;
	v0 =	vld [tilespmem:$0x14190];
	_ =	sdelay $0x1  }
0x515: {  	v23 =	vmul.f32 v4, v23;
	v48 =	vsub.f32 v62, v63  }
0x516: {  	v41 =	vadd.f32 v14, v31  }
0x517: {  	v56 =	vsub.f32 v31, v14;
	v31 =	vadd.f32 v12, v23;
	[tilespmem:v51+s25+$0x0] =	vst.idx.msk $0xffff, v48  }
0x518: {  	[tilespmem:$0x1F970] =	vst v0  }
0x519: {  	[tilespmem:v51+s26+$0x0] =	vst.idx.msk $0xffff, v31  }
0x51a: {  	v46 =	vsub.f32 v1, v44;
	v0 =	vld [tilespmem:$0x1F980]  }
0x51b: {  	v20 =	vsub.f32 v2, v32;
	v4 =	vadd.f32 v1, v44;
	v1 =	vld [tilespmem:$0x1F990]  }
0x51c: {  	v58 =	vsub.f32 v29, v10;
	v25 =	vadd.f32 v10, v29  }
0x51d: {  	v29 =	vadd.f32 v32, v2;
	v2 =	vsub.f32 v13, v3  }
0x51e: {  	v59 =	vsub.f32 v43, v28;
	v10 =	vsub.f32 v17, v40  }
0x51f: {  	v62 =	vsub.f32 v42, v15;
	v23 =	vadd.f32 v15, v42;
	v17 =	vmul.f32 v0, v2  }
0x520: {  	v15 =	vadd.f32 v28, v43;
	v28 =	vmul.f32 v1, v10;
	v10 =	vmul.f32 v0, v10;
	v0 =	vld [tilespmem:$0x140B0];
	_ =	sdelay $0x1  }
0x521: {  	v3 =	vld [tilespmem:$0x14200]  }
0x522: {  	v32 =	vadd.f32 v19, v27;
	v12 =	vsub.f32 v27, v19;
	v19 =	vld [tilespmem:$0x140A0]  }
0x523: {  	v54 =	vadd.f32 v37, v6;
	v6 =	vsub.f32 v37, v6;
	v37 =	vld [tilespmem:$0x141A0]  }
0x524: {  	v13 =	vld [tilespmem:$0x14290];
	[tilespmem:$0x1F9A0] =	vst v0  }
0x525: {  	v0 =	vld [tilespmem:$0x141B0];
	_ =	sdelay $0x4  }
0x526: {  	[tilespmem:$0x1F9B0] =	vst v0  }
0x527: {  	v0 =	vld [tilespmem:$0x140C0];
	_ =	sdelay $0x3  }
0x528: {  	v2 =	vmul.f32 v1, v2  }
0x529: {  	[tilespmem:$0x1F9C0] =	vst v0  }
0x52a: {  	v43 =	vadd.f32 v2, v10;
	v2 =	vld [tilespmem:$0x140D0];
	_ =	sdelay $0x3  }
0x52b: {  	v0 =	vld [tilespmem:$0x1FFF0]  }
0x52c: {  	v40 =	vsub.f32 v17, v28;
	v28 =	vld [tilespmem:$0x141C0];
	[tilespmem:$0x1F9D0] =	vst v2  }
0x52d: {  	v10 =	vld [tilespmem:$0x141E0]  }
0x52e: {  	v42 =	vadd.f32 v24, v45;
	v24 =	vsub.f32 v24, v45;
	v45 =	vadd.s32 v34, v13;
	_ =	sdelay $0x1  }
0x52f: {  	v5 =	vsub.f32 v33, v47;
	v1 =	vmov v34;
	v34 =	vadd.f32 v7, v60  }
0x530: {  	s18 =	simm.s32 $0x100;
	v14 =	vadd.f32 v47, v33;
	v31 =	vadd.f32 v50, v49;
	v51 =	vld [tilespmem:$0x141D0]  }
0x531: {  	v33 =	vadd.f32 v26, v21;
	v44 =	vor.u32 s18, v0;
	v0 =	vadd.f32 v34, v25;
	v17 =	vld [tilespmem:$0x140E0];
	[tilespmem:$0x1F9E0] =	vst v10  }
0x532: {  	v47 =	vadd.f32 v31, v29;
	v13 =	vadd.f32 v39, v38;
	[tilespmem:v45+s25+$0x0] =	vst.idx.msk $0xffff, v40  }
0x533: {  	v2 =	vadd.f32 v33, v23;
	[tilespmem:$0x1F9F0] =	vst v0  }
0x534: {  	v61 =	vadd.f32 v13, v32;
	[tilespmem:$0x1FA00] =	vst v47  }
0x535: {  	[tilespmem:$0x1FA10] =	vst v2  }
0x536: {  	[tilespmem:$0x1FA20] =	vst v61  }
0x537: {  	v47 =	vadd.f32 v47, v0;
	v0 =	vld [tilespmem:$0x140F0];
	_ =	sdelay $0x4  }
0x538: {  	v15 =	vmul.f32 $7.071067690e-01, v15;
	v24 =	vmul.f32 $7.071067690e-01, v24;
	[tilespmem:$0x1FA30] =	vst v0  }
0x539: {  	v0 =	vld [tilespmem:$0x141F0]  }
0x53a: {  	v63 =	vsub.f32 v49, v50;
	v35 =	vsub.f32 v24, v15;
	v3 =	vadd.s32 v44, v3  }
0x53b: {  	v50 =	vadd.f32 v24, v15;
	v24 =	vsub.f32 v8, v16  }
0x53c: {  	v41 =	vmul.f32 $7.071067690e-01, v41  }
0x53d: {  	v48 =	vadd.f32 v61, v2;
	v40 =	vmul.f32 $7.071067690e-01, v46;
	v61 =	vadd.f32 v35, v24;
	[tilespmem:v45+s26+$0x0] =	vst.idx.msk $0xffff, v43  }
0x53e: {  	v45 =	vadd.f32 v50, v14;
	[tilespmem:$0x1FA40] =	vst v0  }
0x53f: {  	v27 =	vmov v16;
	v15 =	vadd.f32 v40, v41;
	v46 =	vsub.f32 v40, v41;
	[tilespmem:v3+s25+$0x0] =	vst.idx.msk $0xffff, v47  }
0x540: {  	v41 =	vsub.f32 v53, v57;
	v53 =	vmovc v5;
	v43 =	vmul.f32 $3.826834260e-01, v61;
	v40 =	vld [tilespmem:$0x142A0];
	v47 =	vmul.f32 $3.826834260e-01, v45;
	[tilespmem:v3+s26+$0x0] =	vst.idx.msk $0xffff, v48  }
0x541: {  	s15 =	simm.s32 $0x200;
	v5 =	vmovc v51;
	v45 =	vmul.f32 $9.238795040e-01, v45;
	v48 =	vmul.f32 $9.238795040e-01, v61;
	v61 =	vmovc v55;
	v55 =	vadd.f32 v15, v55;
	v3 =	vld [tilespmem:$0x14210]  }
.LBB2_7:
0x542: {  	v0 =	vld [tilespmem:$0x1F6B0]  }
0x543: {  	v2 =	vld [tilespmem:$0x1F6C0];
	_ =	sdelay $0x4  }
0x544: {  	v49 =	vsub.f32 v2, v0;
	v2 =	vld [tilespmem:$0x1F5F0]  }
0x545: {  	v0 =	vadd.f32 v43, v45;
	v45 =	vsub.f32 v48, v47;
	v47 =	vld [tilespmem:$0x1F600];
	_ =	sdelay $0x2  }
0x546: {  	v57 =	vmov v28;
	v28 =	vadd.f32 v46, v6  }
0x547: {  	v38 =	vsub.f32 v38, v39;
	v40 =	vadd.s32 v1, v40;
	v48 =	vmovc v37;
	v37 =	vadd.f32 v0, v55  }
0x548: {  	[tilespmem:$0x1F5A0] =	vst v55;
	v43 =	vadd.f32 v45, v28;
	v51 =	vmul.f32 v2, v41;
	v39 =	vmul.f32 v47, v49  }
0x549: {  	v3 =	vadd.s32 v44, v3;
	[tilespmem:$0x1F5B0] =	vst v45;
	v41 =	vmul.f32 v47, v41;
	v45 =	vmul.f32 v2, v49  }
0x54a: {  	v55 =	vmul.f32 v43, v36;
	v2 =	vmovc v19;
	v47 =	vmul.f32 v37, v18;
	v39 =	vsub.f32 v51, v39  }
0x54b: {  	v18 =	vmul.f32 v43, v18;
	[tilespmem:$0x1F5F0] =	vst v2;
	v41 =	vadd.f32 v41, v45;
	v45 =	vmul.f32 v37, v36  }
0x54c: {  	v51 =	vsub.f32 v47, v55;
	[tilespmem:v40+s25+$0x0] =	vst.idx.msk $0xffff, v39  }
0x54d: {  	v26 =	vsub.f32 v21, v26;
	v2 =	vld [tilespmem:$0x1F6D0];
	v21 =	vadd.f32 v18, v45;
	[tilespmem:v40+s26+$0x0] =	vst.idx.msk $0xffff, v41  }
0x54e: {  	v55 =	vld [tilespmem:$0x142B0];
	[tilespmem:v3+s25+$0x0] =	vst.idx.msk $0xffff, v51  }
0x54f: {  	[tilespmem:v3+s26+$0x0] =	vst.idx.msk $0xffff, v21;
	v21 =	vld [tilespmem:$0x1F6E0];
	_ =	sdelay $0x1  }
0x550: {  	v19 =	vadd.f32 v38, v20;
	v49 =	vsub.f32 v12, v63;
	_ =	sdelay $0x1  }
0x551: {  	[tilespmem:$0x1F520] =	vst v20;
	v16 =	vsub.f32 v60, v7;
	v19 =	vmul.f32 $7.071067690e-01, v19;
	v20 =	vmul.f32 $7.071067690e-01, v49  }
0x552: {  	v40 =	vsub.f32 v2, v21;
	v2 =	vld [tilespmem:$0x1F6F0]  }
0x553: {  	[tilespmem:$0x1F590] =	vst v0;
	v0 =	vsub.f32 v20, v19;
	v51 =	vsub.f32 v62, v16;
	v21 =	vld [tilespmem:$0x1F700];
	_ =	sdelay $0x1  }
0x554: {  	v60 =	vmov v62;
	[tilespmem:$0x1F6B0] =	vst v0;
	v62 =	vadd.f32 v0, v51;
	v0 =	vld [tilespmem:$0x1F9A0]  }
0x555: {  	[tilespmem:$0x1F510] =	vst v17;
	v36 =	vld [tilespmem:$0x1F620];
	v17 =	vadd.f32 v20, v19  }
0x556: {  	v49 =	vadd.f32 v8, v27;
	v8 =	vld [tilespmem:$0x14220]  }
0x557: {  	s11 =	sadd.s32 $0x100, s11;
	v27 =	vadd.f32 v26, v58;
	v41 =	vsub.f32 v2, v21;
	v2 =	vld [tilespmem:$0x1F610]  }
0x558: {  	v7 =	vmul.f32 $-7.071067690e-01, v59;
	v59 =	vld [tilespmem:s11+$0xFFFFFF80]  }
0x559: {  	[tilespmem:$0x1F5E0] =	vst v17;
	v43 =	vadd.f32 v17, v27;
	v17 =	vmov v0;
	v0 =	vld [tilespmem:$0x1F9B0]  }
0x55a: {  	v10 =	vmov v1;
	v39 =	vld [tilespmem:s11+$0xFFFFFFA0]  }
0x55b: {  	v37 =	vmul.f32 $-7.071067690e-01, v56;
	v3 =	vmul.f32 $-7.071067690e-01, v42;
	v56 =	vld [tilespmem:s11+$0xFFFFFFC0];
	v19 =	vadd.s32 v10, v55  }
0x55c: {  	v1 =	vmovc v12;
	v12 =	vmov v58;
	v58 =	vld [tilespmem:s11+$0xFFFFFFE0];
	v55 =	vmul.f32 v36, v41;
	v42 =	vmul.f32 v2, v40  }
0x55d: {  	[tilespmem:$0x1F5C0] =	vst v28;
	v45 =	vld [tilespmem:s11+$0x0];
	v21 =	vsub.f32 v7, v3;
	v40 =	vmul.f32 v36, v40;
	v41 =	vmul.f32 v2, v41  }
0x55e: {  	[tilespmem:$0x1F5D0] =	vst v27;
	v47 =	vld [tilespmem:s11+$0x40];
	v36 =	vadd.f32 v7, v3;
	v2 =	vmov v0;
	v7 =	vsub.f32 v42, v55  }
0x55f: {  	v3 =	vadd.s32 v44, v8;
	[tilespmem:$0x1F620] =	vst v2;
	v2 =	vld [tilespmem:$0x1F710];
	v28 =	vadd.f32 v40, v41  }
0x560: {  	v27 =	vmul.f32 v62, v30;
	v8 =	vmul.f32 v43, v22;
	v42 =	vld [tilespmem:s11+$0x20];
	[tilespmem:v19+s25+$0x0] =	vst.idx.msk $0xffff, v7  }
0x561: {  	v55 =	vmul.f32 v62, v22;
	v22 =	vld [tilespmem:s11+$0x60];
	[tilespmem:v19+s26+$0x0] =	vst.idx.msk $0xffff, v28  }
0x562: {  	s12 =	sadd.s32 $0x100, s12;
	v8 =	vsub.f32 v8, v27;
	v28 =	vld [tilespmem:$0x142C0]  }
0x563: {  	[tilespmem:$0x1F6C0] =	vst v51;
	v51 =	vld [tilespmem:s12+$0xFFFFFF80]  }
0x564: {  	[tilespmem:v3+s25+$0x0] =	vst.idx.msk $0xffff, v8;
	v8 =	vld [tilespmem:$0x1F720];
	_ =	sdelay $0x3  }
0x565: {  	[tilespmem:$0x1F540] =	vst v49;
	v19 =	vadd.f32 v36, v49;
	v49 =	vld [tilespmem:$0x1F740]  }
0x566: {  	[tilespmem:$0x1F530] =	vst v53;
	v30 =	vmul.f32 v43, v30;
	v7 =	vmul.f32 $-7.071067690e-01, v4;
	v8 =	vsub.f32 v2, v8;
	v2 =	vld [tilespmem:$0x1F730]  }
0x567: {  	[tilespmem:$0x1F550] =	vst v52;
	v41 =	vadd.f32 v21, v53  }
0x568: {  	[tilespmem:$0x1F560] =	vst v54;
	v27 =	vadd.f32 v55, v30;
	v20 =	vsub.f32 v37, v7  }
0x569: {  	[tilespmem:$0x1F600] =	vst v48;
	v55 =	vld [tilespmem:$0x1F640];
	v30 =	vadd.f32 v37, v7;
	v7 =	vmul.f32 $3.826834260e-01, v41;
	v62 =	vmul.f32 $9.238795040e-01, v19  }
0x56a: {  	v53 =	vld [tilespmem:s12+$0x0];
	[tilespmem:v3+s26+$0x0] =	vst.idx.msk $0xffff, v27;
	v3 =	vmul.f32 $9.238795040e-01, v41;
	v19 =	vmul.f32 $3.826834260e-01, v19;
	v48 =	vadd.f32 v20, v52  }
0x56b: {  	[tilespmem:$0x1F610] =	vst v17;
	v52 =	vadd.f32 v62, v7;
	v40 =	vadd.f32 v2, v49;
	v2 =	vld [tilespmem:$0x1F630]  }
0x56c: {  	v0 =	vld [tilespmem:$0x1F9C0];
	v62 =	vsub.f32 v19, v3;
	[tilespmem:$0x1F6D0] =	vst v48  }
0x56d: {  	v27 =	vld [tilespmem:$0x14230];
	[tilespmem:$0x1F6E0] =	vst v52;
	v49 =	vadd.f32 v30, v54  }
0x56e: {  	[tilespmem:$0x1F700] =	vst v62  }
0x56f: {  	v43 =	vld [tilespmem:s12+$0xFFFFFFA0];
	v7 =	vadd.s32 v10, v28;
	v17 =	vadd.f32 v52, v48;
	v28 =	vmul.f32 v55, v40;
	[tilespmem:$0x1F6F0] =	vst v49  }
0x570: {  	v3 =	vld [tilespmem:s12+$0xFFFFFFE0];
	v62 =	vadd.f32 v62, v49;
	v41 =	vmul.f32 v2, v8;
	v8 =	vmul.f32 v55, v8;
	v55 =	vmovc v57  }
0x571: {  	v48 =	vld [tilespmem:s12+$0x20];
	v40 =	vmul.f32 v2, v40;
	v2 =	vmov v0;
	v0 =	vsub.f32 v51, v53;
	[tilespmem:$0x1F640] =	vst v55  }
0x572: {  	v54 =	vld [tilespmem:s12+$0xFFFFFFC0];
	[tilespmem:$0x1F630] =	vst v2;
	v2 =	vadd.s32 v44, v27;
	v27 =	vsub.f32 v41, v28  }
0x573: {  	v49 =	vld [tilespmem:s12+$0x60];
	v52 =	vmul.f32 v62, v11;
	[tilespmem:$0x1F570] =	vst v0;
	v0 =	vsub.f32 v56, v47  }
0x574: {  	v55 =	vld [tilespmem:s12+$0x40];
	v28 =	vmul.f32 v17, v9;
	v8 =	vadd.f32 v8, v40;
	[tilespmem:v7+s25+$0x0] =	vst.idx.msk $0xffff, v27  }
0x575: {  	v11 =	vmul.f32 v17, v11;
	[tilespmem:$0x1F580] =	vst v0  }
0x576: {  	v9 =	vmul.f32 v62, v9;
	v57 =	vsub.f32 v28, v52;
	v0 =	vld [tilespmem:$0x1F780];
	[tilespmem:v7+s26+$0x0] =	vst.idx.msk $0xffff, v8  }
0x577: {  	v8 =	vld [tilespmem:$0x142D0]  }
0x578: {  	v7 =	vadd.f32 v9, v11;
	v9 =	vld [tilespmem:s11+$0xFFFFFF90];
	[tilespmem:v2+s25+$0x0] =	vst.idx.msk $0xffff, v57  }
0x579: {  	v52 =	vld [tilespmem:s11+$0x10]  }
0x57a: {  	[tilespmem:v2+s26+$0x0] =	vst.idx.msk $0xffff, v7;
	v2 =	vld [tilespmem:$0x1F770];
	_ =	sdelay $0x2  }
0x57b: {  	v32 =	vsub.f32 v32, v13  }
0x57c: {  	v4 =	vld [tilespmem:$0x1F7A0];
	v37 =	vsub.f32 v58, v22;
	v17 =	vmov v58;
	v58 =	vsub.f32 v25, v34  }
0x57d: {  	v2 =	vsub.f32 v2, v0;
	v0 =	vld [tilespmem:$0x1F790]  }
0x57e: {  	[tilespmem:$0x1F720] =	vst v32;
	v34 =	vsub.f32 v23, v33;
	v23 =	vadd.f32 v32, v58;
	v32 =	vld [tilespmem:$0x1F650]  }
0x57f: {  	v57 =	vld [tilespmem:$0x1F660];
	_ =	sdelay $0x1  }
0x580: {  	v7 =	vld [tilespmem:$0x14240]  }
0x581: {  	v13 =	vsub.f32 v0, v4;
	v0 =	vld [tilespmem:$0x1F9D0];
	_ =	sdelay $0x1  }
0x582: {  	v4 =	vmul.f32 v32, v2;
	v33 =	vmul.f32 v57, v13  }
0x583: {  	v62 =	vsub.f32 v29, v31;
	v29 =	vmov v5;
	v5 =	vld [tilespmem:$0x1F7E0]  }
0x584: {  	[tilespmem:$0x1F710] =	vst v58;
	v8 =	vadd.s32 v10, v8;
	v58 =	vadd.s32 v44, v7;
	v7 =	vsub.f32 v4, v33;
	v4 =	vld [tilespmem:$0x1F8B0]  }
0x585: {  	v57 =	vmul.f32 v57, v2;
	v2 =	vmov v0;
	v0 =	vld [tilespmem:$0x1F880]  }
0x586: {  	v11 =	vld [tilespmem:s11+$0xFFFFFFD0];
	v13 =	vmul.f32 v32, v13  }
0x587: {  	[tilespmem:$0x1F730] =	vst v34;
	v34 =	vsub.f32 v34, v62;
	v25 =	vld [tilespmem:s11+$0x50]  }
0x588: {  	[tilespmem:$0x1F740] =	vst v62;
	v31 =	vld [tilespmem:s12+$0xFFFFFF90];
	v13 =	vadd.f32 v57, v13  }
0x589: {  	v32 =	vld [tilespmem:s12+$0x10];
	[tilespmem:v8+s25+$0x0] =	vst.idx.msk $0xffff, v7;
	v62 =	vmul.f32 v4, v34;
	v4 =	vmul.f32 v4, v23  }
0x58a: {  	[tilespmem:$0x1F660] =	vst v29;
	v29 =	vmul.f32 v0, v23;
	v23 =	vmul.f32 v0, v34;
	v0 =	vld [tilespmem:s12+$0xFFFFFFD0]  }
0x58b: {  	[tilespmem:v8+s26+$0x0] =	vst.idx.msk $0xffff, v13;
	v13 =	vsub.f32 v24, v35;
	v35 =	vsub.f32 v61, v15;
	v15 =	vld [tilespmem:$0x1F800]  }
0x58c: {  	v61 =	vld [tilespmem:$0x1F670];
	v29 =	vsub.f32 v29, v62  }
0x58d: {  	v24 =	vld [tilespmem:$0x142E0];
	v23 =	vadd.f32 v4, v23  }
0x58e: {  	v14 =	vsub.f32 v14, v50;
	v4 =	vld [tilespmem:s12+$0x50];
	[tilespmem:v58+s25+$0x0] =	vst.idx.msk $0xffff, v29  }
0x58f: {  	[tilespmem:v58+s26+$0x0] =	vst.idx.msk $0xffff, v23;
	v23 =	vld [tilespmem:$0x1F7D0]  }
0x590: {  	v50 =	vmul.f32 $9.238795040e-01, v13;
	v29 =	vmul.f32 $-3.826834260e-01, v14;
	v58 =	vsub.f32 v6, v46;
	v6 =	vld [tilespmem:$0x1F7F0]  }
0x591: {  	v62 =	vld [tilespmem:$0x1F9E0]  }
0x592: {  	v33 =	vadd.f32 v50, v29;
	v29 =	vld [tilespmem:$0x1F680];
	_ =	sdelay $0x1  }
0x593: {  	v13 =	vmul.f32 $3.826834260e-01, v13;
	v23 =	vsub.f32 v5, v23;
	v5 =	vmul.f32 $-9.238795040e-01, v14  }
0x594: {  	v6 =	vsub.f32 v6, v15  }
0x595: {  	[tilespmem:$0x1F780] =	vst v33;
	v15 =	vmul.f32 v61, v23;
	v7 =	vsub.f32 v5, v13  }
0x596: {  	v5 =	vadd.s32 v10, v24;
	v24 =	vmul.f32 v29, v6;
	v23 =	vmul.f32 v29, v23;
	v29 =	vmovc v62  }
0x597: {  	v14 =	vld [tilespmem:$0x14250];
	[tilespmem:$0x1F680] =	vst v29  }
0x598: {  	v29 =	vadd.f32 v33, v35;
	[tilespmem:$0x1F7A0] =	vst v7;
	v33 =	vadd.f32 v7, v58;
	v7 =	vld [tilespmem:$0x1F510]  }
0x599: {  	v6 =	vmul.f32 v61, v6;
	v61 =	vld [tilespmem:$0x1F8F0]  }
0x59a: {  	[tilespmem:$0x1F790] =	vst v58;
	v58 =	vld [tilespmem:$0x1F8C0];
	_ =	sdelay $0x2  }
0x59b: {  	v15 =	vsub.f32 v15, v24;
	v46 =	vmov v7;
	v7 =	vld [tilespmem:$0x1F520]  }
0x59c: {  	v6 =	vadd.f32 v23, v6;
	v14 =	vadd.s32 v44, v14  }
0x59d: {  	v62 =	vmul.f32 v61, v33;
	[tilespmem:v5+s25+$0x0] =	vst.idx.msk $0xffff, v15;
	v24 =	vmul.f32 v58, v29  }
0x59e: {  	[tilespmem:v5+s26+$0x0] =	vst.idx.msk $0xffff, v6;
	v29 =	vmul.f32 v61, v29;
	v33 =	vmul.f32 v58, v33  }
0x59f: {  	[tilespmem:$0x1F670] =	vst v46;
	v46 =	vadd.f32 v1, v63;
	v24 =	vsub.f32 v24, v62  }
0x5a0: {  	v6 =	vld [tilespmem:$0x142F0];
	v5 =	vadd.f32 v29, v33;
	v50 =	vsub.f32 v7, v38  }
0x5a1: {  	v1 =	vsub.f32 v12, v26;
	v26 =	vld [tilespmem:$0x1F830];
	[tilespmem:v14+s25+$0x0] =	vst.idx.msk $0xffff, v24  }
0x5a2: {  	v15 =	vadd.f32 v53, v51;
	v51 =	vmul.f32 $-7.071067690e-01, v46;
	[tilespmem:v14+s26+$0x0] =	vst.idx.msk $0xffff, v5;
	v14 =	vld [tilespmem:$0x1F820];
	v50 =	vmul.f32 $-7.071067690e-01, v50;
	_ =	sdelay $0x1  }
0x5a3: {  	v53 =	vsub.f32 v50, v51  }
0x5a4: {  	v40 =	vsub.f32 v54, v55;
	v29 =	vadd.f32 v55, v54;
	v54 =	vld [tilespmem:$0x1F850]  }
0x5a5: {  	[tilespmem:$0x1F7E0] =	vst v1;
	v58 =	vadd.f32 v53, v1;
	v1 =	vld [tilespmem:$0x1FA40]  }
0x5a6: {  	v14 =	vsub.f32 v14, v26;
	v26 =	vld [tilespmem:$0x1F840]  }
0x5a7: {  	v63 =	vld [tilespmem:$0x1F6A0]  }
0x5a8: {  	v55 =	vadd.f32 v60, v16;
	v16 =	vld [tilespmem:$0x1F690];
	_ =	sdelay $0x1  }
0x5a9: {  	v24 =	vadd.f32 v47, v56;
	v56 =	vadd.f32 v50, v51;
	v51 =	vmov v1;
	v1 =	vld [tilespmem:$0x1F530]  }
0x5aa: {  	v26 =	vsub.f32 v26, v54  }
0x5ab: {  	v19 =	vsub.f32 v59, v45;
	v23 =	vadd.f32 v45, v59  }
0x5ac: {  	v18 =	vld [tilespmem:$0x1F910];
	v6 =	vadd.s32 v10, v6;
	v59 =	vmul.f32 v16, v14;
	v7 =	vmul.f32 v63, v26  }
0x5ad: {  	[tilespmem:$0x1F770] =	vst v35;
	v35 =	vld [tilespmem:$0x1FA30]  }
0x5ae: {  	v34 =	vsub.f32 v59, v7;
	v59 =	vsub.f32 v1, v21;
	v1 =	vld [tilespmem:$0x1F540]  }
0x5af: {  	v5 =	vld [tilespmem:$0x14260];
	[tilespmem:$0x1F7D0] =	vst v53;
	v14 =	vmul.f32 v63, v14;
	v26 =	vmul.f32 v16, v26  }
0x5b0: {  	[tilespmem:$0x1F800] =	vst v56;
	v53 =	vld [tilespmem:$0x1F900]  }
0x5b1: {  	v38 =	vadd.f32 v56, v55;
	v56 =	vld [tilespmem:s11+$0xFFFFFFB0];
	v14 =	vadd.f32 v14, v26;
	[tilespmem:v6+s25+$0x0] =	vst.idx.msk $0xffff, v34  }
0x5b2: {  	v41 =	vsub.f32 v3, v49;
	v27 =	vsub.f32 v43, v48;
	v34 =	vld [tilespmem:s11+$0xFFFFFFF0]  }
0x5b3: {  	v57 =	vsub.f32 v11, v25;
	[tilespmem:v6+s26+$0x0] =	vst.idx.msk $0xffff, v14;
	v14 =	vsub.f32 v1, v36;
	v1 =	vld [tilespmem:$0x1F550]  }
0x5b4: {  	[tilespmem:$0x1F650] =	vst v2;
	v2 =	vsub.f32 v9, v52;
	v8 =	vsub.f32 v31, v32;
	v50 =	vmov v44  }
0x5b5: {  	[tilespmem:$0x1F7F0] =	vst v55;
	v5 =	vadd.s32 v50, v5;
	v55 =	vmul.f32 v18, v38;
	v54 =	vmul.f32 v53, v58  }
0x5b6: {  	v31 =	vadd.f32 v32, v31;
	v32 =	vadd.f32 v25, v11  }
0x5b7: {  	v11 =	vld [tilespmem:$0x1F920];
	v16 =	vmovc v35;
	v35 =	vsub.f32 v54, v55;
	v26 =	vmul.f32 v18, v58;
	v58 =	vmul.f32 v53, v38  }
0x5b8: {  	v7 =	vadd.f32 v22, v17;
	v63 =	vsub.f32 v1, v20;
	v1 =	vld [tilespmem:$0x1F560]  }
0x5b9: {  	v18 =	vadd.f32 v26, v58;
	v21 =	vadd.f32 v48, v43;
	v6 =	vld [tilespmem:s11+$0x30]  }
0x5ba: {  	v26 =	vadd.f32 v49, v3;
	v61 =	vld [tilespmem:s11+$0x70];
	[tilespmem:v5+s25+$0x0] =	vst.idx.msk $0xffff, v35;
	v3 =	vmul.f32 $-9.238795040e-01, v59;
	v22 =	vmul.f32 $3.826834260e-01, v14  }
0x5bb: {  	v43 =	vadd.f32 v52, v9;
	v35 =	vld [tilespmem:s12+$0xFFFFFFB0];
	[tilespmem:v5+s26+$0x0] =	vst.idx.msk $0xffff, v18;
	v5 =	vmul.f32 $-3.826834260e-01, v59;
	v9 =	vmul.f32 $9.238795040e-01, v14  }
0x5bc: {  	v25 =	vld [tilespmem:$0x1F930];
	v22 =	vadd.f32 v22, v3  }
0x5bd: {  	v14 =	vld [tilespmem:$0x14270];
	v9 =	vsub.f32 v5, v9;
	v30 =	vsub.f32 v1, v30  }
0x5be: {  	v62 =	vld [tilespmem:s12+$0x30]  }
0x5bf: {  	v12 =	vld [tilespmem:s12+$0xFFFFFFF0];
	[tilespmem:$0x1F850] =	vst v9;
	v5 =	vadd.f32 v22, v63;
	v9 =	vadd.f32 v9, v30  }
0x5c0: {  	v13 =	vsub.f32 v0, v4;
	v18 =	vld [tilespmem:$0x14010]  }
0x5c1: {  	v45 =	vadd.f32 v4, v0;
	v36 =	vld [tilespmem:$0x14110];
	v0 =	vmul.f32 v11, v5;
	v4 =	vmul.f32 v25, v9  }
0x5c2: {  	v3 =	vld [tilespmem:s12+$0x70];
	v14 =	vadd.s32 v50, v14  }
0x5c3: {  	v4 =	vsub.f32 v0, v4;
	v0 =	vld [tilespmem:$0x14040]  }
0x5c4: {  	[tilespmem:$0x1F830] =	vst v22;
	v22 =	vld [tilespmem:$0x14020]  }
0x5c5: {  	[tilespmem:$0x1F840] =	vst v30;
	v30 =	vld [tilespmem:$0x14120]  }
0x5c6: {  	v5 =	vmul.f32 v25, v5;
	v25 =	vmul.f32 v11, v9;
	v9 =	vld [tilespmem:$0x14030]  }
0x5c7: {  	v11 =	vld [tilespmem:$0x14130];
	[tilespmem:v14+s25+$0x0] =	vst.idx.msk $0xffff, v4  }
0x5c8: {  	[tilespmem:$0x1F880] =	vst v0;
	v0 =	vld [tilespmem:$0x14140];
	_ =	sdelay $0x1  }
0x5c9: {  	v5 =	vadd.f32 v5, v25;
	_ =	sdelay $0x1  }
0x5ca: {  	[tilespmem:v14+s26+$0x0] =	vst.idx.msk $0xffff, v5  }
0x5cb: {  	[tilespmem:$0x1F8B0] =	vst v0;
	v0 =	vld [tilespmem:$0x14050];
	_ =	sdelay $0x4  }
0x5cc: {  	[tilespmem:$0x1F8C0] =	vst v0;
	v0 =	vld [tilespmem:$0x14150];
	_ =	sdelay $0x4  }
0x5cd: {  	[tilespmem:$0x1F8F0] =	vst v0;
	v0 =	vld [tilespmem:$0x14060];
	_ =	sdelay $0x4  }
0x5ce: {  	[tilespmem:$0x1F900] =	vst v0;
	v0 =	vld [tilespmem:$0x14160];
	_ =	sdelay $0x3  }
0x5cf: {  	v46 =	vadd.f32 v6, v56;
	v48 =	vsub.f32 v56, v6;
	v6 =	vld [tilespmem:$0x1FA00]  }
0x5d0: {  	[tilespmem:$0x1F910] =	vst v0;
	v0 =	vld [tilespmem:$0x1F9F0];
	_ =	sdelay $0x3  }
0x5d1: {  	v14 =	vld [tilespmem:$0x1FA20]  }
0x5d2: {  	v6 =	vsub.f32 v0, v6;
	v0 =	vld [tilespmem:$0x1FA10];
	_ =	sdelay $0x4  }
0x5d3: {  	v14 =	vsub.f32 v0, v14;
	v0 =	vld [tilespmem:$0x14070];
	_ =	sdelay $0x3  }
0x5d4: {  	v5 =	vld [tilespmem:$0x14280]  }
0x5d5: {  	[tilespmem:$0x1F920] =	vst v0;
	v0 =	vld [tilespmem:$0x14170];
	_ =	sdelay $0x3  }
0x5d6: {  	v44 =	vadd.s32 v50, v5;
	v5 =	vld [tilespmem:$0x1F950]  }
0x5d7: {  	[tilespmem:$0x1F930] =	vst v0;
	v0 =	vld [tilespmem:$0x1F940];
	_ =	sdelay $0x2  }
0x5d8: {  	v10 =	vld [tilespmem:$0x1F580]  }
0x5d9: {  	v1 =	vld [tilespmem:$0x1F570];
	v55 =	vmul.f32 v5, v14  }
0x5da: {  	v25 =	vmul.f32 v0, v6;
	v14 =	vmul.f32 v0, v14;
	v0 =	vld [tilespmem:$0x14080];
	_ =	sdelay $0x2  }
0x5db: {  	v28 =	vsub.f32 v39, v42  }
0x5dc: {  	[tilespmem:$0x1F690] =	vst v16;
	v16 =	vadd.f32 v40, v19;
	v52 =	vsub.f32 v19, v40  }
0x5dd: {  	v40 =	vadd.f32 v41, v28;
	v54 =	vadd.f32 v1, v10;
	v19 =	vmul.f32 v5, v6;
	[tilespmem:$0x1F940] =	vst v0;
	v0 =	vld [tilespmem:$0x14180]  }
0x5de: {  	v6 =	vsub.f32 v1, v10;
	v10 =	vsub.f32 v25, v55  }
0x5df: {  	v56 =	vsub.f32 v28, v41;
	v41 =	vld [tilespmem:$0x14090];
	v17 =	vadd.f32 v19, v14  }
0x5e0: {  	v53 =	vsub.f32 v2, v13;
	v14 =	vadd.f32 v13, v2;
	v2 =	vld [tilespmem:$0x14190];
	[tilespmem:v44+s25+$0x0] =	vst.idx.msk $0xffff, v10  }
0x5e1: {  	v10 =	vld [tilespmem:$0x14200];
	[tilespmem:v44+s26+$0x0] =	vst.idx.msk $0xffff, v17  }
0x5e2: {  	[tilespmem:$0x1F950] =	vst v0;
	v0 =	vld [tilespmem:$0x140B0];
	_ =	sdelay $0x4  }
0x5e3: {  	[tilespmem:$0x1F9A0] =	vst v0;
	v0 =	vld [tilespmem:$0x1FFF0];
	_ =	sdelay $0x4  }
0x5e4: {  	v44 =	vor.u32 s15, v0;
	v0 =	vld [tilespmem:$0x141B0];
	_ =	sdelay $0x3  }
0x5e5: {  	v1 =	vld [tilespmem:$0x1F5A0]  }
0x5e6: {  	[tilespmem:$0x1F9B0] =	vst v0;
	v0 =	vld [tilespmem:$0x1F590]  }
0x5e7: {  	v58 =	vsub.f32 v23, v24  }
0x5e8: {  	v38 =	vadd.f32 v62, v35;
	v35 =	vsub.f32 v35, v62  }
0x5e9: {  	v62 =	vsub.f32 v15, v29;
	v20 =	vsub.f32 v43, v32  }
0x5ea: {  	v25 =	vadd.f32 v24, v23;
	v23 =	vadd.f32 v29, v15  }
0x5eb: {  	v29 =	vadd.f32 v32, v43;
	v43 =	vsub.f32 v1, v0;
	v0 =	vld [tilespmem:$0x1F5B0]  }
0x5ec: {  	v1 =	vld [tilespmem:$0x1F5C0];
	_ =	sdelay $0x2  }
0x5ed: {  	v60 =	vadd.f32 v42, v39;
	v39 =	vadd.f32 v3, v12  }
0x5ee: {  	v3 =	vsub.f32 v12, v3;
	v12 =	vsub.f32 v31, v45  }
0x5ef: {  	v32 =	vadd.f32 v45, v31;
	v45 =	vsub.f32 v1, v0;
	v0 =	vld [tilespmem:$0x140C0];
	_ =	sdelay $0x1  }
0x5f0: {  	[tilespmem:$0x1F6A0] =	vst v51;
	v51 =	vsub.f32 v27, v37  }
0x5f1: {  	v33 =	vadd.f32 v26, v21;
	v49 =	vsub.f32 v34, v61;
	v5 =	vld [tilespmem:$0x1F970]  }
0x5f2: {  	v47 =	vadd.f32 v61, v34;
	v34 =	vadd.f32 v7, v60;
	v15 =	vld [tilespmem:$0x14290]  }
0x5f3: {  	v42 =	vadd.f32 v35, v49;
	v35 =	vsub.f32 v35, v49;
	[tilespmem:$0x1F9C0] =	vst v0;
	v0 =	vld [tilespmem:$0x1F960]  }
0x5f4: {  	v59 =	vsub.f32 v48, v3;
	v3 =	vadd.f32 v3, v48  }
0x5f5: {  	[tilespmem:$0x1F820] =	vst v63;
	v63 =	vsub.f32 v46, v47;
	v35 =	vmul.f32 $7.071067690e-01, v35;
	v31 =	vadd.f32 v47, v46  }
0x5f6: {  	v3 =	vmul.f32 $7.071067690e-01, v3;
	v4 =	vadd.f32 v27, v37;
	v24 =	vsub.f32 v8, v57;
	v19 =	vld [tilespmem:$0x140A0]  }
0x5f7: {  	v13 =	vadd.f32 v39, v38;
	v55 =	vadd.f32 v31, v29;
	v37 =	vld [tilespmem:$0x141A0];
	v15 =	vadd.s32 v50, v15  }
0x5f8: {  	v49 =	vadd.f32 v34, v25;
	v28 =	vld [tilespmem:$0x141C0];
	v61 =	vmul.f32 v5, v45;
	v46 =	vmul.f32 v0, v43  }
0x5f9: {  	v27 =	vmovc v57;
	v57 =	vadd.f32 v33, v23;
	[tilespmem:$0x1FA00] =	vst v55;
	v17 =	vld [tilespmem:$0x140E0];
	v47 =	vadd.s32 v44, v10;
	v1 =	vmov v50  }
0x5fa: {  	v10 =	vld [tilespmem:$0x140D0];
	v50 =	vadd.f32 v35, v3;
	v45 =	vmul.f32 v0, v45;
	v0 =	vmovc v2;
	v61 =	vsub.f32 v46, v61  }
0x5fb: {  	v35 =	vsub.f32 v35, v3;
	v3 =	vld [tilespmem:$0x141E0];
	[tilespmem:$0x1F970] =	vst v0;
	v0 =	vadd.f32 v13, v32  }
0x5fc: {  	v43 =	vmul.f32 v5, v43;
	v5 =	vld [tilespmem:$0x141D0];
	[tilespmem:v15+s25+$0x0] =	vst.idx.msk $0xffff, v61  }
0x5fd: {  	[tilespmem:$0x1FA20] =	vst v0;
	v61 =	vadd.f32 v55, v49;
	v55 =	vadd.f32 v0, v57;
	v0 =	vld [tilespmem:$0x140F0];
	_ =	sdelay $0x1  }
0x5fe: {  	v2 =	vadd.f32 v43, v45;
	_ =	sdelay $0x1  }
0x5ff: {  	[tilespmem:v15+s26+$0x0] =	vst.idx.msk $0xffff, v2  }
0x600: {  	[tilespmem:$0x1FA30] =	vst v0;
	v0 =	vld [tilespmem:$0x141F0];
	_ =	sdelay $0x1  }
0x601: {  	[tilespmem:$0x1F9E0] =	vst v3;
	v3 =	vmul.f32 $7.071067690e-01, v51;
	v46 =	vmul.f32 $7.071067690e-01, v40;
	_ =	sdelay $0x1  }
0x602: {  	[tilespmem:$0x1F9F0] =	vst v49;
	v15 =	vadd.f32 v3, v46;
	v46 =	vsub.f32 v3, v46;
	v3 =	vld [tilespmem:$0x1F5E0]  }
0x603: {  	p0 =	sne.s32 s15, $0x1F00;
	[tilespmem:$0x1FA40] =	vst v0;
	v0 =	vld [tilespmem:$0x1F5D0]  }
.Ltmp2:
0x604: {  	[tilespmem:$0x1FA10] =	vst v57;
	v57 =	vadd.f32 v35, v24;
	(pc) =	sbr.rel @p0 .LBB2_7-.Ltmp2, $4  }
0x605: {  	[tilespmem:$0x1F9D0] =	vst v10;
	v2 =	vadd.f32 v50, v14  }
0x606: {  	v40 =	vld [tilespmem:$0x142A0];
	v43 =	vmul.f32 $3.826834260e-01, v57;
	[tilespmem:v47+s25+$0x0] =	vst.idx.msk $0xffff, v61  }
0x607: {  	v10 =	vmov v41;
	v48 =	vmul.f32 $9.238795040e-01, v57;
	v45 =	vmul.f32 $9.238795040e-01, v2;
	[tilespmem:v47+s26+$0x0] =	vst.idx.msk $0xffff, v55  }
0x608: {  	s15 =	sadd.s32 $0x100, s15;
	[tilespmem:$0x1F960] =	vst v10;
	v61 =	vmovc v16;
	v55 =	vadd.f32 v15, v16;
	v47 =	vmul.f32 $3.826834260e-01, v2;
	v41 =	vsub.f32 v0, v3;
	v3 =	vld [tilespmem:$0x14210]  }
0x609: {  	v16 =	vadd.f32 v43, v45  }
0x60a: {  	v0 =	vadd.f32 v46, v6;
	v57 =	vsub.f32 v48, v47;
	_ =	sdelay $0x1  }
0x60b: {  	v2 =	vadd.f32 v16, v55;
	v48 =	vadd.f32 v57, v0  }
0x60c: {  	v3 =	vadd.s32 v44, v3  }
0x60d: {  	v45 =	vmovc v52;
	v52 =	vsub.f32 v38, v39;
	v49 =	vmul.f32 v2, v18;
	v51 =	vmul.f32 v48, v36  }
0x60e: {  	v2 =	vmul.f32 v2, v36;
	v18 =	vmul.f32 v48, v18  }
0x60f: {  	v38 =	vadd.f32 v52, v20;
	v48 =	vsub.f32 v49, v51  }
0x610: {  	[tilespmem:$0x1F4C0] =	vst v0;
	v49 =	vsub.f32 v12, v63;
	v2 =	vadd.f32 v18, v2  }
0x611: {  	[tilespmem:v3+s25+$0x0] =	vst.idx.msk $0xffff, v48  }
0x612: {  	v18 =	vmul.f32 $7.071067690e-01, v38;
	v51 =	vmul.f32 $7.071067690e-01, v49;
	[tilespmem:v3+s26+$0x0] =	vst.idx.msk $0xffff, v2  }
0x613: {  	v2 =	vsub.f32 v21, v26;
	v3 =	vsub.f32 v60, v7;
	v0 =	vld [tilespmem:$0x14220]  }
0x614: {  	v26 =	vadd.f32 v51, v18;
	v47 =	vsub.f32 v51, v18  }
0x615: {  	v38 =	vadd.f32 v2, v58;
	v36 =	vsub.f32 v62, v3  }
0x616: {  	v39 =	vmul.f32 $-7.071067690e-01, v42  }
0x617: {  	v43 =	vmovc v12;
	v12 =	vmul.f32 $-7.071067690e-01, v4;
	v21 =	vmovc v20;
	v18 =	vadd.f32 v26, v38;
	v20 =	vadd.f32 v47, v36  }
0x618: {  	v7 =	vadd.f32 v8, v27;
	v8 =	vmul.f32 $-7.071067690e-01, v59;
	v0 =	vadd.s32 v44, v0  }
0x619: {  	v60 =	vmul.f32 v18, v22;
	v59 =	vmul.f32 v20, v30  }
0x61a: {  	v49 =	vsub.f32 v8, v39;
	v18 =	vmul.f32 v18, v30;
	v20 =	vmul.f32 v20, v22  }
0x61b: {  	v51 =	vadd.f32 v8, v39;
	v22 =	vmul.f32 $-7.071067690e-01, v56;
	v8 =	vsub.f32 v60, v59  }
0x61c: {  	v18 =	vadd.f32 v20, v18;
	v20 =	vadd.f32 v49, v53  }
0x61d: {  	v30 =	vadd.f32 v51, v7;
	v56 =	vmov v54;
	v54 =	vadd.f32 v22, v12;
	[tilespmem:v0+s25+$0x0] =	vst.idx.msk $0xffff, v8  }
0x61e: {  	v59 =	vmovc v53;
	v53 =	vsub.f32 v22, v12;
	v8 =	vmul.f32 $3.826834260e-01, v20;
	v20 =	vmul.f32 $9.238795040e-01, v20;
	[tilespmem:v0+s26+$0x0] =	vst.idx.msk $0xffff, v18  }
0x61f: {  	v0 =	vmul.f32 $9.238795040e-01, v30;
	v18 =	vmul.f32 $3.826834260e-01, v30;
	v12 =	vld [tilespmem:$0x14230]  }
0x620: {  	v60 =	vadd.f32 v54, v56;
	v42 =	vadd.f32 v53, v45  }
0x621: {  	v30 =	vadd.f32 v0, v8;
	v39 =	vsub.f32 v18, v20;
	_ =	sdelay $0x1  }
0x622: {  	v8 =	vadd.f32 v30, v42;
	v0 =	vadd.f32 v39, v60  }
0x623: {  	v12 =	vadd.s32 v44, v12  }
0x624: {  	v18 =	vmul.f32 v8, v9;
	v20 =	vmul.f32 v0, v11  }
0x625: {  	v8 =	vmul.f32 v8, v11;
	v9 =	vmul.f32 v0, v9  }
0x626: {  	v11 =	vsub.f32 v18, v20  }
0x627: {  	v8 =	vadd.f32 v9, v8  }
0x628: {  	[tilespmem:v12+s25+$0x0] =	vst.idx.msk $0xffff, v11  }
0x629: {  	[tilespmem:v12+s26+$0x0] =	vst.idx.msk $0xffff, v8  }
0x62a: {  	v8 =	vld [tilespmem:$0x14240]  }
0x62b: {  	v0 =	vld [tilespmem:$0x1F880]  }
0x62c: {  	v34 =	vsub.f32 v25, v34;
	v22 =	vsub.f32 v29, v31;
	v4 =	vld [tilespmem:$0x1F8B0]  }
0x62d: {  	v18 =	vsub.f32 v32, v13;
	v20 =	vsub.f32 v23, v33;
	_ =	sdelay $0x1  }
0x62e: {  	v9 =	vadd.f32 v18, v34;
	v11 =	vsub.f32 v20, v22  }
0x62f: {  	v8 =	vadd.s32 v44, v8  }
0x630: {  	v12 =	vmul.f32 v0, v9;
	v13 =	vmul.f32 v4, v11  }
0x631: {  	v4 =	vmul.f32 v4, v9;
	v0 =	vmul.f32 v0, v11  }
0x632: {  	v9 =	vsub.f32 v12, v13  }
0x633: {  	v0 =	vadd.f32 v4, v0  }
0x634: {  	v11 =	vsub.f32 v14, v50;
	v4 =	vsub.f32 v24, v35;
	[tilespmem:v8+s25+$0x0] =	vst.idx.msk $0xffff, v9  }
0x635: {  	[tilespmem:v8+s26+$0x0] =	vst.idx.msk $0xffff, v0  }
0x636: {  	v9 =	vmul.f32 $9.238795040e-01, v4;
	v0 =	vmul.f32 $-3.826834260e-01, v11;
	v23 =	vld [tilespmem:$0x14250]  }
0x637: {  	v4 =	vmul.f32 $3.826834260e-01, v4;
	v8 =	vmul.f32 $-9.238795040e-01, v11;
	v10 =	vld [tilespmem:$0x1F8F0]  }
0x638: {  	v12 =	vsub.f32 v6, v46;
	v13 =	vadd.f32 v9, v0;
	v9 =	vld [tilespmem:$0x1F8C0]  }
0x639: {  	v11 =	vsub.f32 v61, v15;
	v14 =	vsub.f32 v8, v4;
	_ =	sdelay $0x1  }
0x63a: {  	v0 =	vadd.f32 v13, v11;
	v4 =	vadd.f32 v14, v12  }
0x63b: {  	v61 =	vmov v5;
	v5 =	vadd.s32 v44, v23  }
0x63c: {  	v8 =	vmul.f32 v10, v4;
	v6 =	vmul.f32 v9, v0  }
0x63d: {  	v0 =	vmul.f32 v10, v0;
	v4 =	vmul.f32 v9, v4  }
0x63e: {  	v6 =	vsub.f32 v6, v8  }
0x63f: {  	v0 =	vadd.f32 v0, v4  }
0x640: {  	[tilespmem:v5+s25+$0x0] =	vst.idx.msk $0xffff, v6  }
0x641: {  	v4 =	vsub.f32 v21, v52;
	v8 =	vadd.f32 v43, v63;
	[tilespmem:v5+s26+$0x0] =	vst.idx.msk $0xffff, v0  }
0x642: {  	v15 =	vld [tilespmem:$0x14260]  }
0x643: {  	v6 =	vmul.f32 $-7.071067690e-01, v8;
	v0 =	vmul.f32 $-7.071067690e-01, v4;
	v23 =	vld [tilespmem:$0x1F900]  }
0x644: {  	v4 =	vsub.f32 v58, v2;
	v5 =	vadd.f32 v62, v3;
	v10 =	vld [tilespmem:$0x1F910]  }
0x645: {  	v8 =	vsub.f32 v0, v6;
	v9 =	vadd.f32 v0, v6;
	_ =	sdelay $0x1  }
0x646: {  	v0 =	vadd.f32 v8, v4;
	v2 =	vadd.f32 v9, v5  }
0x647: {  	v3 =	vadd.s32 v44, v15  }
0x648: {  	v6 =	vmul.f32 v23, v0;
	v15 =	vmul.f32 v10, v2  }
0x649: {  	v0 =	vmul.f32 v10, v0;
	v2 =	vmul.f32 v23, v2  }
0x64a: {  	v6 =	vsub.f32 v6, v15  }
0x64b: {  	v0 =	vadd.f32 v0, v2  }
0x64c: {  	v15 =	vsub.f32 v59, v49;
	[tilespmem:v3+s25+$0x0] =	vst.idx.msk $0xffff, v6  }
0x64d: {  	v2 =	vsub.f32 v7, v51;
	[tilespmem:v3+s26+$0x0] =	vst.idx.msk $0xffff, v0  }
0x64e: {  	v7 =	vmul.f32 $-3.826834260e-01, v15;
	v6 =	vmul.f32 $-9.238795040e-01, v15;
	v23 =	vld [tilespmem:$0x14270]  }
0x64f: {  	v15 =	vmul.f32 $3.826834260e-01, v2;
	v2 =	vmul.f32 $9.238795040e-01, v2;
	v29 =	vld [tilespmem:$0x1F920]  }
0x650: {  	v0 =	vsub.f32 v45, v53;
	v3 =	vsub.f32 v56, v54;
	v31 =	vld [tilespmem:$0x1F930]  }
0x651: {  	v6 =	vadd.f32 v15, v6;
	v7 =	vsub.f32 v7, v2;
	_ =	sdelay $0x1  }
0x652: {  	v2 =	vadd.f32 v6, v0;
	v15 =	vadd.f32 v7, v3  }
0x653: {  	v23 =	vadd.s32 v44, v23  }
0x654: {  	v24 =	vmul.f32 v29, v2;
	v25 =	vmul.f32 v31, v15  }
0x655: {  	v2 =	vmul.f32 v31, v2;
	v15 =	vmul.f32 v29, v15  }
0x656: {  	v24 =	vsub.f32 v24, v25  }
0x657: {  	v2 =	vadd.f32 v2, v15  }
0x658: {  	[tilespmem:v23+s25+$0x0] =	vst.idx.msk $0xffff, v24  }
0x659: {  	[tilespmem:v23+s26+$0x0] =	vst.idx.msk $0xffff, v2  }
0x65a: {  	v15 =	vld [tilespmem:$0x1F9F0]  }
0x65b: {  	v23 =	vld [tilespmem:$0x1FA00];
	_ =	sdelay $0x2  }
0x65c: {  	v2 =	vld [tilespmem:$0x14280]  }
0x65d: {  	v24 =	vld [tilespmem:$0x1FA20]  }
0x65e: {  	v15 =	vsub.f32 v15, v23;
	v23 =	vld [tilespmem:$0x1FA10]  }
0x65f: {  	v29 =	vld [tilespmem:$0x1F940]  }
0x660: {  	v31 =	vld [tilespmem:$0x1F950];
	_ =	sdelay $0x2  }
0x661: {  	v23 =	vsub.f32 v23, v24  }
0x662: {  	v2 =	vadd.s32 v44, v2  }
0x663: {  	v24 =	vmul.f32 v29, v15;
	v25 =	vmul.f32 v31, v23  }
0x664: {  	v15 =	vmul.f32 v31, v15;
	v23 =	vmul.f32 v29, v23  }
0x665: {  	v24 =	vsub.f32 v24, v25  }
0x666: {  	v15 =	vadd.f32 v15, v23  }
0x667: {  	[tilespmem:v2+s25+$0x0] =	vst.idx.msk $0xffff, v24  }
0x668: {  	[tilespmem:v2+s26+$0x0] =	vst.idx.msk $0xffff, v15  }
0x669: {  	v2 =	vld [tilespmem:$0x14290]  }
0x66a: {  	v10 =	vld [tilespmem:$0x1F4C0]  }
0x66b: {  	v29 =	vld [tilespmem:$0x1F960]  }
0x66c: {  	v31 =	vld [tilespmem:$0x1F970];
	_ =	sdelay $0x2  }
0x66d: {  	v15 =	vsub.f32 v55, v16;
	v23 =	vsub.f32 v10, v57  }
0x66e: {  	v2 =	vadd.s32 v44, v2  }
0x66f: {  	v24 =	vmul.f32 v29, v15;
	v25 =	vmul.f32 v31, v23  }
0x670: {  	v15 =	vmul.f32 v31, v15;
	v23 =	vmul.f32 v29, v23  }
0x671: {  	v24 =	vsub.f32 v24, v25  }
0x672: {  	v15 =	vadd.f32 v15, v23  }
0x673: {  	[tilespmem:v2+s25+$0x0] =	vst.idx.msk $0xffff, v24  }
0x674: {  	[tilespmem:v2+s26+$0x0] =	vst.idx.msk $0xffff, v15  }
0x675: {  	v15 =	vld [tilespmem:$0x1F6B0]  }
0x676: {  	v23 =	vld [tilespmem:$0x1F6C0]  }
0x677: {  	v31 =	vld [tilespmem:$0x1F5F0]  }
0x678: {  	v29 =	vld [tilespmem:$0x1F600]  }
0x679: {  	v2 =	vld [tilespmem:$0x142A0];
	_ =	sdelay $0x1  }
0x67a: {  	v15 =	vsub.f32 v23, v15  }
0x67b: {  	v21 =	vsub.f32 v36, v47;
	v24 =	vadd.s32 v1, v40  }
0x67c: {  	v23 =	vsub.f32 v38, v26;
	v25 =	vmul.f32 v31, v41;
	v26 =	vmul.f32 v29, v15  }
0x67d: {  	v2 =	vadd.s32 v44, v2;
	v29 =	vmul.f32 v29, v41;
	v15 =	vmul.f32 v31, v15  }
0x67e: {  	v31 =	vmul.f32 v37, v21;
	v25 =	vsub.f32 v25, v26;
	v26 =	vmul.f32 v19, v23  }
0x67f: {  	v15 =	vadd.f32 v29, v15;
	v23 =	vmul.f32 v37, v23;
	v19 =	vmul.f32 v19, v21  }
0x680: {  	[tilespmem:v24+s25+$0x0] =	vst.idx.msk $0xffff, v25;
	v21 =	vsub.f32 v26, v31  }
0x681: {  	[tilespmem:v24+s26+$0x0] =	vst.idx.msk $0xffff, v15;
	v15 =	vadd.f32 v23, v19  }
0x682: {  	[tilespmem:v2+s25+$0x0] =	vst.idx.msk $0xffff, v21  }
0x683: {  	[tilespmem:v2+s26+$0x0] =	vst.idx.msk $0xffff, v15  }
0x684: {  	v15 =	vld [tilespmem:$0x1F6D0]  }
0x685: {  	v21 =	vld [tilespmem:$0x1F6E0];
	_ =	sdelay $0x1  }
0x686: {  	v19 =	vld [tilespmem:$0x142B0]  }
0x687: {  	v2 =	vld [tilespmem:$0x142B0]  }
0x688: {  	v23 =	vld [tilespmem:$0x1F700]  }
0x689: {  	v15 =	vsub.f32 v15, v21;
	v21 =	vld [tilespmem:$0x1F6F0]  }
0x68a: {  	v29 =	vld [tilespmem:$0x1F610]  }
0x68b: {  	v31 =	vld [tilespmem:$0x1F620]  }
0x68c: {  	v10 =	vld [tilespmem:$0x1F9B0]  }
0x68d: {  	v46 =	vmov v1;
	v19 =	vadd.s32 v1, v19;
	v1 =	vld [tilespmem:$0x1F9A0]  }
0x68e: {  	v21 =	vsub.f32 v21, v23  }
0x68f: {  	v25 =	vsub.f32 v42, v30  }
0x690: {  	v26 =	vsub.f32 v60, v39;
	v23 =	vmul.f32 v29, v15;
	v24 =	vmul.f32 v31, v21  }
0x691: {  	v2 =	vadd.s32 v44, v2;
	v15 =	vmul.f32 v31, v15;
	v21 =	vmul.f32 v29, v21  }
0x692: {  	v29 =	vmul.f32 v10, v26;
	v23 =	vsub.f32 v23, v24;
	v24 =	vmul.f32 v1, v25  }
0x693: {  	v15 =	vadd.f32 v15, v21;
	v21 =	vmul.f32 v10, v25;
	v25 =	vmul.f32 v1, v26  }
0x694: {  	[tilespmem:v19+s25+$0x0] =	vst.idx.msk $0xffff, v23;
	v23 =	vsub.f32 v24, v29  }
0x695: {  	[tilespmem:v19+s26+$0x0] =	vst.idx.msk $0xffff, v15;
	v15 =	vadd.f32 v21, v25  }
0x696: {  	[tilespmem:v2+s25+$0x0] =	vst.idx.msk $0xffff, v23  }
0x697: {  	[tilespmem:v2+s26+$0x0] =	vst.idx.msk $0xffff, v15  }
0x698: {  	v15 =	vld [tilespmem:$0x1F710]  }
0x699: {  	v21 =	vld [tilespmem:$0x1F720];
	_ =	sdelay $0x2  }
0x69a: {  	v19 =	vld [tilespmem:$0x142C0]  }
0x69b: {  	v23 =	vld [tilespmem:$0x1F740]  }
0x69c: {  	v15 =	vsub.f32 v15, v21;
	v21 =	vld [tilespmem:$0x1F730]  }
0x69d: {  	v25 =	vld [tilespmem:$0x1F630]  }
0x69e: {  	v26 =	vld [tilespmem:$0x1F640]  }
0x69f: {  	v2 =	vld [tilespmem:$0x142C0]  }
0x6a0: {  	v1 =	vld [tilespmem:$0x1F9C0]  }
0x6a1: {  	v21 =	vadd.f32 v21, v23  }
0x6a2: {  	v16 =	vsub.f32 v34, v18;
	v19 =	vadd.s32 v46, v19  }
0x6a3: {  	v18 =	vadd.f32 v20, v22;
	v23 =	vmul.f32 v25, v15;
	v24 =	vmul.f32 v26, v21  }
0x6a4: {  	v2 =	vadd.s32 v44, v2;
	v15 =	vmul.f32 v26, v15;
	v20 =	vmul.f32 v25, v21  }
0x6a5: {  	v22 =	vmul.f32 v1, v16;
	v21 =	vsub.f32 v23, v24;
	v23 =	vmul.f32 v28, v18  }
0x6a6: {  	v16 =	vmul.f32 v28, v16;
	v10 =	vmul.f32 v1, v18;
	v15 =	vadd.f32 v15, v20  }
0x6a7: {  	[tilespmem:v19+s25+$0x0] =	vst.idx.msk $0xffff, v21;
	v1 =	vsub.f32 v22, v23  }
0x6a8: {  	v10 =	vadd.f32 v16, v10;
	[tilespmem:v19+s26+$0x0] =	vst.idx.msk $0xffff, v15  }
0x6a9: {  	[tilespmem:v2+s25+$0x0] =	vst.idx.msk $0xffff, v1  }
0x6aa: {  	[tilespmem:v2+s26+$0x0] =	vst.idx.msk $0xffff, v10  }
0x6ab: {  	v10 =	vld [tilespmem:$0x1F770]  }
0x6ac: {  	v16 =	vld [tilespmem:$0x1F780];
	_ =	sdelay $0x3  }
0x6ad: {  	v1 =	vld [tilespmem:$0x1F7A0]  }
0x6ae: {  	v10 =	vsub.f32 v10, v16;
	v16 =	vld [tilespmem:$0x1F790]  }
0x6af: {  	v19 =	vld [tilespmem:$0x1F650]  }
0x6b0: {  	v20 =	vld [tilespmem:$0x1F660];
	_ =	sdelay $0x2  }
0x6b1: {  	v16 =	vsub.f32 v16, v1  }
0x6b2: {  	v15 =	vld [tilespmem:$0x142D0]  }
0x6b3: {  	v1 =	vmul.f32 v19, v10;
	v18 =	vmul.f32 v20, v16  }
0x6b4: {  	v2 =	vld [tilespmem:$0x142D0]  }
0x6b5: {  	v12 =	vsub.f32 v12, v14;
	v14 =	vsub.f32 v1, v18;
	v1 =	vld [tilespmem:$0x1F9D0];
	_ =	sdelay $0x1  }
0x6b6: {  	v15 =	vadd.s32 v46, v15  }
0x6b7: {  	v11 =	vsub.f32 v11, v13  }
0x6b8: {  	v2 =	vadd.s32 v44, v2;
	v10 =	vmul.f32 v20, v10;
	v13 =	vmul.f32 v19, v16  }
0x6b9: {  	v18 =	vmul.f32 v61, v12;
	v16 =	vmul.f32 v1, v11  }
0x6ba: {  	v10 =	vadd.f32 v10, v13;
	v11 =	vmul.f32 v61, v11;
	v12 =	vmul.f32 v1, v12  }
0x6bb: {  	[tilespmem:v15+s25+$0x0] =	vst.idx.msk $0xffff, v14;
	v13 =	vsub.f32 v16, v18  }
0x6bc: {  	[tilespmem:v15+s26+$0x0] =	vst.idx.msk $0xffff, v10;
	v10 =	vadd.f32 v11, v12  }
0x6bd: {  	[tilespmem:v2+s25+$0x0] =	vst.idx.msk $0xffff, v13  }
0x6be: {  	v11 =	vld [tilespmem:$0x142E0];
	[tilespmem:v2+s26+$0x0] =	vst.idx.msk $0xffff, v10  }
0x6bf: {  	v10 =	vld [tilespmem:$0x1F7D0]  }
0x6c0: {  	v1 =	vld [tilespmem:$0x1F7E0]  }
0x6c1: {  	v12 =	vld [tilespmem:$0x1F7F0]  }
0x6c2: {  	v13 =	vld [tilespmem:$0x1F800]  }
0x6c3: {  	v15 =	vld [tilespmem:$0x1F670]  }
0x6c4: {  	v16 =	vld [tilespmem:$0x1F680]  }
0x6c5: {  	v2 =	vld [tilespmem:$0x142E0]  }
0x6c6: {  	v10 =	vsub.f32 v1, v10;
	v1 =	vld [tilespmem:$0x1F9E0]  }
0x6c7: {  	v12 =	vsub.f32 v12, v13  }
0x6c8: {  	v4 =	vsub.f32 v4, v8;
	v11 =	vadd.s32 v46, v11  }
0x6c9: {  	v5 =	vsub.f32 v5, v9;
	v13 =	vmul.f32 v15, v10;
	v14 =	vmul.f32 v16, v12  }
0x6ca: {  	v2 =	vadd.s32 v44, v2;
	v8 =	vmul.f32 v16, v10;
	v9 =	vmul.f32 v15, v12  }
0x6cb: {  	v12 =	vmul.f32 v17, v4;
	v10 =	vsub.f32 v13, v14;
	v13 =	vmul.f32 v1, v5  }
0x6cc: {  	v8 =	vadd.f32 v8, v9;
	v4 =	vmul.f32 v1, v4;
	v5 =	vmul.f32 v17, v5  }
0x6cd: {  	[tilespmem:v11+s25+$0x0] =	vst.idx.msk $0xffff, v10;
	v9 =	vsub.f32 v12, v13  }
0x6ce: {  	[tilespmem:v11+s26+$0x0] =	vst.idx.msk $0xffff, v8;
	v4 =	vadd.f32 v4, v5  }
0x6cf: {  	[tilespmem:v2+s25+$0x0] =	vst.idx.msk $0xffff, v9  }
0x6d0: {  	[tilespmem:v2+s26+$0x0] =	vst.idx.msk $0xffff, v4  }
0x6d1: {  	v4 =	vld [tilespmem:$0x1F820]  }
0x6d2: {  	v8 =	vld [tilespmem:$0x1F830];
	_ =	sdelay $0x2  }
0x6d3: {  	v5 =	vld [tilespmem:$0x142F0]  }
0x6d4: {  	v9 =	vld [tilespmem:$0x1F850]  }
0x6d5: {  	v4 =	vsub.f32 v4, v8;
	v8 =	vld [tilespmem:$0x1F840]  }
0x6d6: {  	v10 =	vld [tilespmem:$0x1F690]  }
0x6d7: {  	v11 =	vld [tilespmem:$0x1F6A0];
	_ =	sdelay $0x2  }
0x6d8: {  	v8 =	vsub.f32 v8, v9;
	_ =	sdelay $0x1  }
0x6d9: {  	v2 =	vld [tilespmem:$0x142F0];
	v1 =	vadd.s32 v46, v5;
	v5 =	vmul.f32 v10, v4;
	v9 =	vmul.f32 v11, v8  }
0x6da: {  	v0 =	vsub.f32 v0, v6;
	v6 =	vmul.f32 v10, v8;
	v10 =	vld [tilespmem:$0x1FA40]  }
0x6db: {  	v5 =	vsub.f32 v5, v9;
	v9 =	vld [tilespmem:$0x1FA30];
	_ =	sdelay $0x2  }
0x6dc: {  	v3 =	vsub.f32 v3, v7  }
0x6dd: {  	v2 =	vadd.s32 v44, v2;
	v4 =	vmul.f32 v11, v4  }
0x6de: {  	v8 =	vmul.f32 v10, v3;
	v7 =	vmul.f32 v9, v0  }
0x6df: {  	v4 =	vadd.f32 v4, v6;
	v0 =	vmul.f32 v10, v0;
	v3 =	vmul.f32 v9, v3  }
0x6e0: {  	[tilespmem:v1+s25+$0x0] =	vst.idx.msk $0xffff, v5;
	v5 =	vsub.f32 v7, v8  }
0x6e1: {  	[tilespmem:v1+s26+$0x0] =	vst.idx.msk $0xffff, v4;
	v0 =	vadd.f32 v0, v3  }
0x6e2: {  	[tilespmem:v2+s25+$0x0] =	vst.idx.msk $0xffff, v5  }
0x6e3: {  	[tilespmem:v2+s26+$0x0] =	vst.idx.msk $0xffff, v0  }
0x6e4: {  	v0 =	vld [tilespmem:$0x14200]  }
0x6e5: {  	v1 =	vld [tilespmem:$0x14240]  }
0x6e6: {  	v2 =	vld [tilespmem:$0x14280]  }
0x6e7: {  	v3 =	vld [tilespmem:$0x142C0]  }
0x6e8: {  	v4 =	vld [tilespmem:$0x14210]  }
0x6e9: {  	v5 =	vld [tilespmem:$0x14220]  }
0x6ea: {  	v6 =	vld [tilespmem:$0x14250]  }
0x6eb: {  	v7 =	vld [tilespmem:$0x14260]  }
0x6ec: {  	v8 =	vld [tilespmem:$0x14290]  }
0x6ed: {  	v9 =	vld [tilespmem:$0x142A0]  }
0x6ee: {  	s11 =	simm.s32 $0x0;
	v10 =	vld [tilespmem:$0x142D0]  }
0x6ef: {  	v11 =	vld [tilespmem:$0x142E0];
	v0 =	vadd.s32 s11, v0  }
0x6f0: {  	s15 =	simm.s32 $0x40;
	v12 =	vld [tilespmem:$0x14230]  }
0x6f1: {  	v13 =	vld [tilespmem:$0x14270];
	v1 =	vadd.s32 s15, v1  }
0x6f2: {  	s16 =	simm.s32 $0x80;
	v14 =	vld [tilespmem:$0x142B0]  }
0x6f3: {  	v15 =	vld [tilespmem:$0x142F0];
	v2 =	vadd.s32 s16, v2  }
0x6f4: {  	s18 =	simm.s32 $0xC0;
	v16 =	vld.idx.msk [tilespmem:v0+s25+$0x0], $0xffff  }
0x6f5: {  	v3 =	vadd.s32 s18, v3;
	v0 =	vld.idx.msk [tilespmem:v0+s26+$0x0], $0xffff  }
0x6f6: {  	s12 =	simm.s32 $0x10;
	v17 =	vld.idx.msk [tilespmem:v1+s25+$0x0], $0xffff  }
0x6f7: {  	v4 =	vadd.s32 s12, v4;
	v1 =	vld.idx.msk [tilespmem:v1+s26+$0x0], $0xffff  }
0x6f8: {  	s15 =	simm.s32 $0x20;
	v18 =	vld.idx.msk [tilespmem:v2+s25+$0x0], $0xffff  }
0x6f9: {  	v5 =	vadd.s32 s15, v5;
	v2 =	vld.idx.msk [tilespmem:v2+s26+$0x0], $0xffff  }
0x6fa: {  	s16 =	simm.s32 $0x50;
	v19 =	vld.idx.msk [tilespmem:v3+s25+$0x0], $0xffff  }
0x6fb: {  	v6 =	vadd.s32 s16, v6;
	v3 =	vld.idx.msk [tilespmem:v3+s26+$0x0], $0xffff  }
0x6fc: {  	s18 =	simm.s32 $0x60;
	v20 =	vld.idx.msk [tilespmem:v4+s25+$0x0], $0xffff  }
0x6fd: {  	v7 =	vadd.s32 s18, v7;
	v4 =	vld.idx.msk [tilespmem:v4+s26+$0x0], $0xffff  }
0x6fe: {  	s15 =	simm.s32 $0xA0;
	v21 =	vld.idx.msk [tilespmem:v5+s25+$0x0], $0xffff  }
0x6ff: {  	v9 =	vadd.s32 s15, v9;
	v5 =	vld.idx.msk [tilespmem:v5+s26+$0x0], $0xffff  }
0x700: {  	s18 =	simm.s32 $0xE0;
	v22 =	vld.idx.msk [tilespmem:v6+s25+$0x0], $0xffff  }
0x701: {  	v11 =	vadd.s32 s18, v11;
	v6 =	vld.idx.msk [tilespmem:v6+s26+$0x0], $0xffff  }
0x702: {  	s12 =	simm.s32 $0x90;
	v23 =	vld.idx.msk [tilespmem:v7+s25+$0x0], $0xffff  }
0x703: {  	v8 =	vadd.s32 s12, v8;
	v7 =	vld.idx.msk [tilespmem:v7+s26+$0x0], $0xffff  }
0x704: {  	s16 =	simm.s32 $0xD0;
	v25 =	vld.idx.msk [tilespmem:v9+s25+$0x0], $0xffff  }
0x705: {  	v10 =	vadd.s32 s16, v10;
	v9 =	vld.idx.msk [tilespmem:v9+s26+$0x0], $0xffff  }
0x706: {  	s16 =	simm.s32 $0xB0;
	v27 =	vld.idx.msk [tilespmem:v11+s25+$0x0], $0xffff;
	v28 =	vadd.f32 v18, v16;
	v29 =	vadd.f32 v2, v0  }
0x707: {  	v14 =	vadd.s32 s16, v14;
	v11 =	vld.idx.msk [tilespmem:v11+s26+$0x0], $0xffff;
	v16 =	vsub.f32 v16, v18;
	v0 =	vsub.f32 v0, v2  }
0x708: {  	s12 =	simm.s32 $0x30;
	v24 =	vld.idx.msk [tilespmem:v8+s25+$0x0], $0xffff;
	v2 =	vadd.f32 v19, v17;
	v30 =	vadd.f32 v3, v1  }
0x709: {  	v12 =	vadd.s32 s12, v12;
	v8 =	vld.idx.msk [tilespmem:v8+s26+$0x0], $0xffff;
	v17 =	vsub.f32 v17, v19;
	v1 =	vsub.f32 v1, v3  }
0x70a: {  	s15 =	simm.s32 $0x70;
	v26 =	vld.idx.msk [tilespmem:v10+s25+$0x0], $0xffff;
	v3 =	vadd.f32 v25, v21;
	v31 =	vadd.f32 v9, v5  }
0x70b: {  	v13 =	vadd.s32 s15, v13;
	v10 =	vld.idx.msk [tilespmem:v10+s26+$0x0], $0xffff;
	v47 =	vadd.f32 v27, v23;
	v21 =	vsub.f32 v21, v25  }
0x70c: {  	s18 =	simm.s32 $0xF0;
	v48 =	vld.idx.msk [tilespmem:v14+s25+$0x0], $0xffff;
	v25 =	vadd.f32 v11, v7;
	v5 =	vsub.f32 v5, v9  }
0x70d: {  	v15 =	vadd.s32 s18, v15;
	v14 =	vld.idx.msk [tilespmem:v14+s26+$0x0], $0xffff;
	v9 =	vsub.f32 v23, v27;
	v7 =	vsub.f32 v7, v11  }
0x70e: {  	v18 =	vld.idx.msk [tilespmem:v12+s25+$0x0], $0xffff;
	v11 =	vadd.f32 v24, v20;
	v27 =	vadd.f32 v8, v4  }
0x70f: {  	v12 =	vld.idx.msk [tilespmem:v12+s26+$0x0], $0xffff;
	v20 =	vsub.f32 v20, v24;
	v4 =	vsub.f32 v4, v8  }
0x710: {  	v19 =	vld.idx.msk [tilespmem:v13+s25+$0x0], $0xffff;
	v8 =	vadd.f32 v26, v22;
	v24 =	vadd.f32 v10, v6  }
0x711: {  	v13 =	vld.idx.msk [tilespmem:v13+s26+$0x0], $0xffff;
	v22 =	vsub.f32 v22, v26;
	v6 =	vsub.f32 v6, v10  }
0x712: {  	v23 =	vld.idx.msk [tilespmem:v15+s25+$0x0], $0xffff;
	v51 =	vadd.f32 v17, v0;
	v60 =	vadd.f32 v7, v21  }
0x713: {  	v15 =	vld.idx.msk [tilespmem:v15+s26+$0x0], $0xffff;
	v62 =	vsub.f32 v5, v9;
	v7 =	vsub.f32 v21, v7  }
0x714: {  	v5 =	vadd.f32 v9, v5;
	v21 =	vsub.f32 v11, v8  }
0x715: {  	v63 =	vsub.f32 v4, v22;
	v10 =	vadd.f32 v48, v18  }
0x716: {  	v26 =	vadd.f32 v14, v12;
	v18 =	vsub.f32 v18, v48  }
0x717: {  	v12 =	vsub.f32 v12, v14;
	v49 =	vadd.f32 v23, v19  }
0x718: {  	v50 =	vadd.f32 v15, v13;
	v14 =	vsub.f32 v19, v23  }
0x719: {  	v13 =	vsub.f32 v13, v15;
	v15 =	vadd.f32 v2, v28  }
0x71a: {  	v19 =	vadd.f32 v30, v29;
	v2 =	vsub.f32 v28, v2  }
0x71b: {  	v23 =	vsub.f32 v29, v30;
	v28 =	vadd.f32 v1, v16  }
0x71c: {  	v29 =	vsub.f32 v0, v17;
	v30 =	vsub.f32 v16, v1  }
0x71d: {  	v0 =	vadd.f32 v47, v3;
	v1 =	vadd.f32 v25, v31  }
0x71e: {  	v3 =	vsub.f32 v3, v47;
	v16 =	vsub.f32 v31, v25  }
0x71f: {  	v25 =	vadd.f32 v8, v11;
	v31 =	vadd.f32 v24, v27  }
0x720: {  	v24 =	vsub.f32 v27, v24;
	v27 =	vadd.f32 v6, v20  }
0x721: {  	v6 =	vsub.f32 v20, v6;
	v20 =	vadd.f32 v22, v4  }
0x722: {  	v59 =	vadd.f32 v49, v10;
	v61 =	vadd.f32 v50, v26  }
0x723: {  	v4 =	vsub.f32 v10, v49;
	v52 =	vadd.f32 v13, v18  }
0x724: {  	v53 =	vsub.f32 v12, v14;
	v18 =	vsub.f32 v18, v13  }
0x725: {  	v14 =	vadd.f32 v14, v12;
	v11 =	vadd.f32 v0, v15  }
0x726: {  	v10 =	vadd.f32 v1, v19;
	v22 =	vsub.f32 v23, v3  }
0x727: {  	v9 =	vadd.f32 v3, v23;
	v23 =	vadd.f32 v61, v31  }
0x728: {  	v13 =	vsub.f32 v15, v0;
	v12 =	vsub.f32 v19, v1  }
0x729: {  	v19 =	vsub.f32 v31, v61;
	v0 =	vadd.f32 v23, v10  }
0x72a: {  	v17 =	vadd.f32 v16, v2;
	v8 =	vsub.f32 v2, v16  }
0x72b: {  	v16 =	vsub.f32 v25, v59;
	[tilespmem:$0x1F4D0] =	vst v0;
	v0 =	vadd.f32 v19, v13  }
0x72c: {  	v26 =	vsub.f32 v26, v50;
	v3 =	vmul.f32 $7.071067690e-01, v60  }
0x72d: {  	v15 =	vadd.f32 v59, v25;
	v25 =	vmul.f32 $7.071067690e-01, v62;
	[tilespmem:$0x1F4E0] =	vst v0;
	v0 =	vsub.f32 v12, v16  }
0x72e: {  	v7 =	vmul.f32 $-7.071067690e-01, v7;
	v5 =	vmul.f32 $-7.071067690e-01, v5;
	v31 =	vadd.f32 v26, v21  }
0x72f: {  	v18 =	vmul.f32 $-7.071067690e-01, v18;
	v56 =	vadd.f32 v25, v3;
	v3 =	vsub.f32 v25, v3;
	[tilespmem:$0x1F4F0] =	vst v0  }
0x730: {  	v25 =	vsub.f32 v7, v5;
	v5 =	vadd.f32 v7, v5;
	v7 =	vmul.f32 $-7.071067690e-01, v14;
	v14 =	vld [tilespmem:$0x14200]  }
0x731: {  	v54 =	vsub.f32 v24, v4;
	v21 =	vsub.f32 v21, v26;
	v58 =	vld [tilespmem:$0x14240]  }
0x732: {  	v59 =	vsub.f32 v18, v7;
	v18 =	vadd.f32 v18, v7;
	v7 =	vld [tilespmem:$0x14280]  }
0x733: {  	v24 =	vadd.f32 v4, v24;
	v26 =	vmul.f32 $7.071067690e-01, v52;
	v55 =	vmul.f32 $7.071067690e-01, v53;
	v41 =	vld [tilespmem:$0x142C0]  }
0x734: {  	v40 =	vadd.f32 v3, v29;
	v42 =	vsub.f32 v29, v3;
	v29 =	vld [tilespmem:$0x14210]  }
0x735: {  	v4 =	vadd.f32 v15, v11;
	v57 =	vadd.f32 v55, v26;
	v34 =	vld [tilespmem:$0x14220]  }
0x736: {  	v3 =	vmul.f32 $7.071067690e-01, v31;
	v31 =	vadd.f32 v25, v30;
	v44 =	vsub.f32 v30, v25;
	v25 =	vld [tilespmem:$0x14250]  }
0x737: {  	v26 =	vsub.f32 v55, v26;
	v11 =	vsub.f32 v11, v15;
	v35 =	vld [tilespmem:$0x14260]  }
0x738: {  	v21 =	vmul.f32 $-7.071067690e-01, v21;
	v38 =	vadd.f32 v56, v28;
	v28 =	vsub.f32 v28, v56;
	v47 =	vld [tilespmem:$0x14290]  }
0x739: {  	v24 =	vmul.f32 $-7.071067690e-01, v24;
	v43 =	vadd.f32 v5, v51;
	v45 =	vsub.f32 v51, v5;
	v36 =	vld [tilespmem:$0x142A0]  }
0x73a: {  	s12 =	simm.s32 $0x100;
	v32 =	vmul.f32 $7.071067690e-01, v54;
	v5 =	vadd.f32 v57, v27;
	v60 =	vadd.f32 v26, v63;
	v50 =	vld [tilespmem:$0x142D0]  }
0x73b: {  	v27 =	vsub.f32 v27, v57;
	v49 =	vsub.f32 v21, v24;
	v39 =	vld [tilespmem:$0x142E0];
	v14 =	vadd.s32 s12, v14  }
0x73c: {  	s15 =	simm.s32 $0x140;
	v26 =	vsub.f32 v63, v26;
	v30 =	vadd.f32 v32, v3;
	v52 =	vld [tilespmem:$0x14230]  }
0x73d: {  	s16 =	simm.s32 $0x180;
	v62 =	vadd.f32 v59, v6;
	v63 =	vadd.f32 v18, v20;
	v54 =	vld [tilespmem:$0x14270];
	v33 =	vadd.s32 s15, v58  }
0x73e: {  	v61 =	vmul.f32 $3.826834260e-01, v60;
	v46 =	vmul.f32 $9.238795040e-01, v60;
	v37 =	vsub.f32 v6, v59;
	v55 =	vld [tilespmem:$0x142B0]  }
0x73f: {  	v56 =	vmul.f32 $3.826834260e-01, v62;
	v57 =	vmul.f32 $9.238795040e-01, v63;
	v59 =	vld [tilespmem:$0x142F0];
	v58 =	vadd.s32 s16, v7  }
0x740: {  	v48 =	vsub.f32 v32, v3;
	v51 =	vmul.f32 $9.238795040e-01, v62;
	v53 =	vmul.f32 $3.826834260e-01, v63;
	s12 =	simm.s32 $0x110;
	v60 =	vld.idx.msk [tilespmem:v14+s25+$0x0], $0xffff  }
0x741: {  	s18 =	simm.s32 $0x1C0;
	v3 =	vmul.f32 $9.238795040e-01, v5;
	v56 =	vadd.f32 v57, v56;
	v29 =	vadd.s32 s12, v29;
	v57 =	vld.idx.msk [tilespmem:v14+s26+$0x0], $0xffff  }
0x742: {  	v5 =	vmul.f32 $3.826834260e-01, v5;
	s16 =	simm.s32 $0x150;
	v14 =	vadd.s32 s18, v41;
	v41 =	vsub.f32 v53, v51;
	v51 =	vld.idx.msk [tilespmem:v33+s25+$0x0], $0xffff  }
0x743: {  	v20 =	vsub.f32 v20, v18;
	v32 =	vadd.f32 v61, v3;
	v25 =	vadd.s32 s16, v25;
	v62 =	vld.idx.msk [tilespmem:v33+s26+$0x0], $0xffff  }
0x744: {  	v46 =	vsub.f32 v46, v5;
	v61 =	vmul.f32 $9.238795040e-01, v26;
	v26 =	vmul.f32 $3.826834260e-01, v26;
	s12 =	simm.s32 $0x190;
	v63 =	vld.idx.msk [tilespmem:v58+s25+$0x0], $0xffff  }
0x745: {  	s15 =	simm.s32 $0x120;
	v0 =	vadd.s32 s12, v47;
	v53 =	vmul.f32 $-3.826834260e-01, v27;
	v27 =	vmul.f32 $-9.238795040e-01, v27;
	v58 =	vld.idx.msk [tilespmem:v58+s26+$0x0], $0xffff  }
0x746: {  	v3 =	vadd.f32 v32, v38;
	v18 =	vadd.f32 v56, v31;
	v33 =	vadd.s32 s15, v34;
	v2 =	vld.idx.msk [tilespmem:v29+s25+$0x0], $0xffff  }
0x747: {  	v34 =	vmul.f32 $3.826834260e-01, v20;
	v29 =	vld.idx.msk [tilespmem:v29+s26+$0x0], $0xffff;
	v26 =	vsub.f32 v27, v26;
	v27 =	vmul.f32 $-9.238795040e-01, v37  }
0x748: {  	v56 =	vsub.f32 v31, v56;
	v47 =	vsub.f32 v38, v32;
	v38 =	vld.idx.msk [tilespmem:v25+s25+$0x0], $0xffff  }
0x749: {  	v25 =	vld.idx.msk [tilespmem:v25+s26+$0x0], $0xffff;
	v31 =	vsub.f32 v43, v41;
	v27 =	vadd.f32 v34, v27  }
0x74a: {  	s18 =	simm.s32 $0x160;
	v34 =	vadd.f32 v41, v43;
	v43 =	vsub.f32 v13, v19;
	v13 =	vld.idx.msk [tilespmem:v0+s25+$0x0], $0xffff  }
0x74b: {  	v24 =	vadd.f32 v21, v24;
	v5 =	vadd.f32 v46, v40;
	v35 =	vadd.s32 s18, v35;
	v0 =	vld.idx.msk [tilespmem:v0+s26+$0x0], $0xffff  }
0x74c: {  	v20 =	vmul.f32 $9.238795040e-01, v20;
	s15 =	simm.s32 $0x1A0;
	v53 =	vadd.f32 v61, v53;
	v37 =	vmul.f32 $-3.826834260e-01, v37;
	v61 =	vld.idx.msk [tilespmem:v14+s25+$0x0], $0xffff  }
0x74d: {  	v1 =	vld.idx.msk [tilespmem:v14+s26+$0x0], $0xffff;
	v14 =	vsub.f32 v10, v23;
	v10 =	vsub.f32 v40, v46;
	v40 =	vadd.s32 s15, v36  }
0x74e: {  	v6 =	vadd.f32 v30, v17;
	v17 =	vsub.f32 v17, v30;
	s16 =	simm.s32 $0x1D0;
	v15 =	vld.idx.msk [tilespmem:v33+s25+$0x0], $0xffff  }
0x74f: {  	v30 =	vadd.f32 v16, v12;
	v50 =	vadd.s32 s16, v50;
	s18 =	simm.s32 $0x1E0;
	v37 =	vsub.f32 v37, v20;
	v23 =	vld.idx.msk [tilespmem:v33+s26+$0x0], $0xffff  }
0x750: {  	v7 =	vadd.f32 v48, v22;
	v22 =	vsub.f32 v22, v48;
	v19 =	vadd.s32 s18, v39;
	v48 =	vld.idx.msk [tilespmem:v35+s25+$0x0], $0xffff  }
0x751: {  	v32 =	vadd.f32 v49, v8;
	v35 =	vld.idx.msk [tilespmem:v35+s26+$0x0], $0xffff;
	v16 =	vsub.f32 v45, v37  }
0x752: {  	v20 =	vadd.f32 v53, v28;
	v28 =	vsub.f32 v28, v53;
	v12 =	vld.idx.msk [tilespmem:v40+s25+$0x0], $0xffff  }
0x753: {  	v41 =	vsub.f32 v9, v24;
	v33 =	vadd.f32 v24, v9;
	v9 =	vld.idx.msk [tilespmem:v40+s26+$0x0], $0xffff;
	[tilespmem:$0x1F500] =	vst v16  }
0x754: {  	s12 =	simm.s32 $0x130;
	v39 =	vsub.f32 v8, v49;
	v46 =	vadd.f32 v27, v44;
	v16 =	vld.idx.msk [tilespmem:v50+s25+$0x0], $0xffff  }
0x755: {  	s16 =	simm.s32 $0x1B0;
	v8 =	vadd.s32 s12, v52;
	v36 =	vadd.f32 v37, v45;
	v40 =	vsub.f32 v44, v27;
	v37 =	vld.idx.msk [tilespmem:v19+s25+$0x0], $0xffff  }
0x756: {  	v52 =	vadd.s32 s16, v55;
	v44 =	vadd.f32 v58, v57;
	v53 =	vadd.f32 v61, v51;
	v19 =	vld.idx.msk [tilespmem:v19+s26+$0x0], $0xffff  }
0x757: {  	s18 =	simm.s32 $0x1F0;
	v51 =	vsub.f32 v51, v61;
	v45 =	vld.idx.msk [tilespmem:v50+s26+$0x0], $0xffff;
	v50 =	vsub.f32 v57, v58  }
0x758: {  	v57 =	vadd.s32 s18, v59;
	v58 =	vadd.f32 v12, v15;
	v59 =	vadd.f32 v9, v23  }
0x759: {  	v12 =	vsub.f32 v15, v12;
	v9 =	vsub.f32 v23, v9  }
0x75a: {  	v15 =	vadd.f32 v37, v48;
	v23 =	vsub.f32 v48, v37  }
0x75b: {  	v37 =	vld.idx.msk [tilespmem:v52+s25+$0x0], $0xffff;
	v48 =	vadd.f32 v19, v35;
	v19 =	vsub.f32 v35, v19  }
0x75c: {  	v35 =	vld.idx.msk [tilespmem:v52+s26+$0x0], $0xffff;
	v52 =	vadd.f32 v13, v2;
	v2 =	vsub.f32 v2, v13  }
0x75d: {  	v13 =	vadd.f32 v0, v29;
	v0 =	vsub.f32 v29, v0  }
0x75e: {  	s12 =	simm.s32 $0xC080;
	v61 =	vadd.f32 v16, v38;
	v16 =	vsub.f32 v38, v16  }
0x75f: {  	[tilespmem:s12+$0xFFFFFF80] =	vst v4  }
0x760: {  	v24 =	vsub.f32 v0, v16;
	v16 =	vadd.f32 v16, v0;
	v0 =	vld [tilespmem:$0x1F4D0]  }
0x761: {  	s15 =	simm.s32 $0x170  }
0x762: {  	v21 =	vadd.f32 v26, v42;
	v27 =	vadd.s32 s15, v54  }
0x763: {  	v26 =	vsub.f32 v42, v26;
	v42 =	vadd.f32 v63, v60;
	v55 =	vld.idx.msk [tilespmem:v8+s25+$0x0], $0xffff  }
0x764: {  	s11 =	simm.s32 $0xE080;
	v49 =	vsub.f32 v60, v63;
	v54 =	vadd.f32 v1, v62;
	v8 =	vld.idx.msk [tilespmem:v8+s26+$0x0], $0xffff  }
0x765: {  	v1 =	vsub.f32 v62, v1;
	v62 =	vsub.f32 v50, v51;
	v29 =	vld.idx.msk [tilespmem:v57+s25+$0x0], $0xffff;
	[tilespmem:s11+$0xFFFFFF80] =	vst v0  }
0x766: {  	v50 =	vadd.f32 v51, v50;
	v38 =	vld.idx.msk [tilespmem:v57+s26+$0x0], $0xffff;
	v57 =	vadd.f32 v45, v25;
	[tilespmem:s12+$0xFFFFFF90] =	vst v3  }
0x767: {  	v60 =	vld.idx.msk [tilespmem:v27+s25+$0x0], $0xffff;
	v25 =	vsub.f32 v25, v45;
	v51 =	vadd.f32 v48, v59;
	[tilespmem:s11+$0xFFFFFF90] =	vst v5  }
0x768: {  	v27 =	vld.idx.msk [tilespmem:v27+s26+$0x0], $0xffff;
	v48 =	vsub.f32 v59, v48;
	v59 =	vsub.f32 v9, v23;
	[tilespmem:s12+$0xFFFFFFA0] =	vst v6  }
0x769: {  	v23 =	vadd.f32 v23, v9;
	v63 =	vadd.f32 v25, v2;
	[tilespmem:s11+$0xFFFFFFA0] =	vst v7  }
0x76a: {  	v25 =	vsub.f32 v2, v25;
	v45 =	vadd.f32 v37, v55;
	[tilespmem:s12+$0xFFFFFFB0] =	vst v18  }
0x76b: {  	v37 =	vsub.f32 v55, v37;
	v55 =	vadd.f32 v35, v8;
	[tilespmem:s11+$0xFFFFFFB0] =	vst v34  }
0x76c: {  	v8 =	vsub.f32 v8, v35;
	v35 =	vadd.f32 v29, v60;
	v0 =	vld [tilespmem:$0x1F4E0]  }
0x76d: {  	v29 =	vsub.f32 v60, v29;
	v60 =	vadd.f32 v38, v27  }
0x76e: {  	v27 =	vsub.f32 v27, v38;
	v38 =	vadd.f32 v53, v42  }
0x76f: {  	v42 =	vsub.f32 v42, v53;
	v53 =	vadd.f32 v54, v44  }
0x770: {  	v44 =	vsub.f32 v44, v54;
	v54 =	vadd.f32 v1, v49  }
0x771: {  	v49 =	vsub.f32 v49, v1;
	v1 =	vadd.f32 v15, v58;
	[tilespmem:s12+$0xFFFFFFC0] =	vst v0  }
0x772: {  	v15 =	vsub.f32 v58, v15;
	v58 =	vadd.f32 v19, v12;
	v6 =	vld [tilespmem:$0x1F4F0]  }
0x773: {  	v19 =	vsub.f32 v12, v19;
	v12 =	vadd.f32 v61, v52  }
0x774: {  	v52 =	vsub.f32 v52, v61;
	v61 =	vadd.f32 v57, v13  }
0x775: {  	v57 =	vsub.f32 v13, v57;
	v4 =	vadd.f32 v35, v45  }
0x776: {  	v35 =	vsub.f32 v45, v35;
	v45 =	vadd.f32 v60, v55  }
0x777: {  	v55 =	vsub.f32 v55, v60;
	v60 =	vadd.f32 v27, v37;
	[tilespmem:s11+$0xFFFFFFC0] =	vst v6  }
0x778: {  	v27 =	vsub.f32 v37, v27;
	v37 =	vsub.f32 v8, v29;
	[tilespmem:s12+$0xFFFFFFD0] =	vst v20  }
0x779: {  	v29 =	vadd.f32 v29, v8;
	v9 =	vadd.f32 v1, v38;
	[tilespmem:s11+$0xFFFFFFD0] =	vst v21  }
0x77a: {  	v8 =	vadd.f32 v51, v53;
	v2 =	vsub.f32 v53, v51;
	[tilespmem:s12+$0xFFFFFFE0] =	vst v32  }
0x77b: {  	v3 =	vsub.f32 v38, v1;
	v1 =	vsub.f32 v42, v48;
	[tilespmem:s11+$0xFFFFFFE0] =	vst v33  }
0x77c: {  	v5 =	vsub.f32 v44, v15;
	v13 =	vadd.f32 v4, v12;
	[tilespmem:s12+$0xFFFFFFF0] =	vst v46  }
0x77d: {  	v4 =	vsub.f32 v12, v4;
	v12 =	vadd.f32 v45, v61;
	[tilespmem:s11+$0xFFFFFFF0] =	vst v36  }
0x77e: {  	v19 =	vmul.f32 $-7.071067690e-01, v19;
	v51 =	vadd.f32 v55, v52;
	v52 =	vsub.f32 v52, v55;
	[tilespmem:s12+$0x0] =	vst v11  }
0x77f: {  	v53 =	vsub.f32 v57, v35;
	v55 =	vadd.f32 v35, v57;
	v57 =	vmul.f32 $7.071067690e-01, v37;
	[tilespmem:s11+$0x0] =	vst v14  }
0x780: {  	v18 =	vmul.f32 $7.071067690e-01, v59;
	v0 =	vadd.f32 v15, v44;
	v15 =	vmul.f32 $7.071067690e-01, v58;
	[tilespmem:s12+$0x10] =	vst v47  }
0x781: {  	v7 =	vadd.f32 v48, v42;
	v6 =	vsub.f32 v61, v45;
	v20 =	vmul.f32 $-7.071067690e-01, v23;
	[tilespmem:s11+$0x10] =	vst v10  }
0x782: {  	v23 =	vadd.f32 v18, v15;
	v18 =	vsub.f32 v18, v15;
	v21 =	vmul.f32 $7.071067690e-01, v60;
	[tilespmem:s12+$0x20] =	vst v17  }
0x783: {  	v15 =	vmul.f32 $-7.071067690e-01, v27;
	v58 =	vsub.f32 v19, v20;
	v19 =	vadd.f32 v19, v20;
	[tilespmem:s11+$0x20] =	vst v22  }
0x784: {  	v20 =	vmul.f32 $-7.071067690e-01, v29;
	v27 =	vadd.f32 v57, v21;
	v29 =	vsub.f32 v57, v21;
	[tilespmem:s12+$0x30] =	vst v56  }
0x785: {  	v34 =	vmul.f32 $7.071067690e-01, v51;
	v21 =	vadd.f32 v23, v54;
	v33 =	vadd.f32 v13, v9;
	[tilespmem:s11+$0x30] =	vst v31  }
0x786: {  	v60 =	vmul.f32 $7.071067690e-01, v53;
	v59 =	vsub.f32 v15, v20;
	v32 =	vadd.f32 v15, v20;
	[tilespmem:s12+$0x40] =	vst v43  }
0x787: {  	v15 =	vsub.f32 v54, v23;
	v20 =	vadd.f32 v18, v62;
	[tilespmem:s11+$0x40] =	vst v30  }
0x788: {  	v23 =	vadd.f32 v60, v34;
	v61 =	vadd.f32 v29, v24;
	[tilespmem:s12+$0x50] =	vst v28  }
0x789: {  	v35 =	vsub.f32 v24, v29;
	v11 =	vsub.f32 v49, v58;
	[tilespmem:s11+$0x50] =	vst v26  }
0x78a: {  	v36 =	vadd.f32 v59, v25;
	v25 =	vsub.f32 v25, v59;
	[tilespmem:s12+$0x60] =	vst v39  }
0x78b: {  	v37 =	vadd.f32 v32, v16;
	v10 =	vsub.f32 v50, v19;
	[tilespmem:s11+$0x60] =	vst v41  }
0x78c: {  	v17 =	vadd.f32 v19, v50;
	v19 =	vadd.f32 v27, v63;
	[tilespmem:s12+$0x70] =	vst v40  }
0x78d: {  	v29 =	vmul.f32 $-7.071067690e-01, v52;
	v22 =	vsub.f32 v60, v34;
	v34 =	vsub.f32 v63, v27;
	v63 =	vld [tilespmem:$0x1F500]  }
0x78e: {  	v14 =	vsub.f32 v62, v18;
	v27 =	vmul.f32 $9.238795040e-01, v19;
	v30 =	vmul.f32 $3.826834260e-01, v61  }
0x78f: {  	v18 =	vadd.f32 v58, v49;
	v62 =	vmul.f32 $9.238795040e-01, v61;
	v24 =	vmul.f32 $3.826834260e-01, v19  }
0x790: {  	v31 =	vadd.f32 v12, v8;
	v26 =	vadd.f32 v30, v27;
	v30 =	vmul.f32 $-7.071067690e-01, v55  }
0x791: {  	v24 =	vsub.f32 v62, v24;
	v28 =	vadd.f32 v6, v3  }
0x792: {  	s15 =	simm.s32 $0x2F0;
	v27 =	vsub.f32 v2, v4;
	v19 =	vsub.f32 v29, v30;
	s12 =	simm.s32 $0xC180;
	[tilespmem:s11+$0x70] =	vst v63  }
.LBB2_9:
0x793: {  	p0 =	sne.s32 s15, $0x1FF0  }
0x794: {  	v38 =	vadd.f32 v26, v21;
	v39 =	vmul.f32 $3.826834260e-01, v36;
	v40 =	vmul.f32 $9.238795040e-01, v37;
	[tilespmem:s12+$0xFFFFFF80] =	vst v33;
	s11 =	sadd.s32 $0x100, s11  }
0x795: {  	v36 =	vmul.f32 $9.238795040e-01, v36;
	v37 =	vmul.f32 $3.826834260e-01, v37;
	v33 =	vld [tilespmem:$0x14200];
	v41 =	vadd.f32 v24, v20;
	[tilespmem:s11+$0xFFFFFF80] =	vst v31  }
0x796: {  	v42 =	vadd.f32 v23, v7;
	v31 =	vld [tilespmem:$0x14240];
	v39 =	vadd.f32 v40, v39;
	[tilespmem:s12+$0xFFFFFF90] =	vst v38  }
0x797: {  	v40 =	vadd.f32 v22, v5;
	v36 =	vsub.f32 v37, v36;
	v38 =	vld [tilespmem:$0x14280];
	[tilespmem:s11+$0xFFFFFF90] =	vst v41  }
0x798: {  	v43 =	vmul.f32 $-3.826834260e-01, v34;
	v44 =	vmul.f32 $9.238795040e-01, v35;
	v37 =	vld [tilespmem:$0x142C0];
	v41 =	vadd.f32 v39, v18;
	[tilespmem:s12+$0xFFFFFFA0] =	vst v42  }
0x799: {  	v34 =	vmul.f32 $-9.238795040e-01, v34;
	v35 =	vmul.f32 $3.826834260e-01, v35;
	v45 =	vadd.f32 v36, v17;
	v42 =	vld [tilespmem:$0x14210];
	[tilespmem:s11+$0xFFFFFFA0] =	vst v40  }
0x79a: {  	v16 =	vsub.f32 v16, v32;
	v32 =	vadd.f32 v44, v43;
	v40 =	vld [tilespmem:$0x14220];
	[tilespmem:s12+$0xFFFFFFB0] =	vst v41  }
0x79b: {  	v29 =	vadd.f32 v29, v30;
	v34 =	vsub.f32 v34, v35;
	v41 =	vld [tilespmem:$0x14250];
	[tilespmem:s11+$0xFFFFFFB0] =	vst v45  }
0x79c: {  	v43 =	vmul.f32 $-9.238795040e-01, v25;
	v44 =	vmul.f32 $3.826834260e-01, v16;
	v35 =	vadd.f32 v32, v15;
	v30 =	vld [tilespmem:$0x14260];
	[tilespmem:s12+$0xFFFFFFC0] =	vst v28  }
0x79d: {  	v25 =	vmul.f32 $-3.826834260e-01, v25;
	v16 =	vmul.f32 $9.238795040e-01, v16;
	v45 =	vadd.f32 v34, v14;
	v28 =	vld [tilespmem:$0x14290];
	[tilespmem:s11+$0xFFFFFFC0] =	vst v27  }
0x79e: {  	v46 =	vadd.f32 v19, v1;
	v43 =	vadd.f32 v44, v43;
	v27 =	vld [tilespmem:$0x142A0];
	[tilespmem:s12+$0xFFFFFFD0] =	vst v35  }
0x79f: {  	s16 =	sadd.s32 $0xFFFFFF10, s15;
	v44 =	vadd.f32 v29, v0;
	v16 =	vsub.f32 v25, v16;
	v35 =	vld [tilespmem:$0x142D0];
	[tilespmem:s11+$0xFFFFFFD0] =	vst v45  }
0x7a0: {  	v25 =	vadd.s32 s16, v33;
	v45 =	vadd.f32 v43, v11;
	v33 =	vld [tilespmem:$0x142E0];
	[tilespmem:s12+$0xFFFFFFE0] =	vst v46  }
0x7a1: {  	s16 =	sadd.s32 $0xFFFFFF50, s15;
	v47 =	vadd.f32 v16, v10;
	v46 =	vld [tilespmem:$0x14230];
	[tilespmem:s11+$0xFFFFFFE0] =	vst v44  }
0x7a2: {  	v9 =	vsub.f32 v9, v13;
	v31 =	vadd.s32 s16, v31;
	v44 =	vld [tilespmem:$0x14270];
	[tilespmem:s12+$0xFFFFFFF0] =	vst v45  }
0x7a3: {  	v8 =	vsub.f32 v8, v12;
	s16 =	sadd.s32 $0xFFFFFF90, s15;
	v13 =	vld [tilespmem:$0x142B0];
	[tilespmem:s11+$0xFFFFFFF0] =	vst v47  }
0x7a4: {  	v21 =	vsub.f32 v21, v26;
	v12 =	vadd.s32 s16, v38;
	v38 =	vld [tilespmem:$0x142F0];
	[tilespmem:s12+$0x0] =	vst v9  }
0x7a5: {  	v20 =	vsub.f32 v20, v24;
	s16 =	sadd.s32 $0xFFFFFFD0, s15;
	v9 =	vld.idx.msk [tilespmem:v25+s25+$0x0], $0xffff;
	[tilespmem:s11+$0x0] =	vst v8  }
0x7a6: {  	v7 =	vsub.f32 v7, v23;
	v24 =	vadd.s32 s16, v37;
	v8 =	vld.idx.msk [tilespmem:v25+s26+$0x0], $0xffff;
	[tilespmem:s12+$0x10] =	vst v21  }
0x7a7: {  	v5 =	vsub.f32 v5, v22;
	s16 =	sadd.s32 $0xFFFFFF20, s15;
	v21 =	vld.idx.msk [tilespmem:v31+s25+$0x0], $0xffff;
	[tilespmem:s11+$0x10] =	vst v20  }
0x7a8: {  	v18 =	vsub.f32 v18, v39;
	v20 =	vadd.s32 s16, v42;
	v22 =	vld.idx.msk [tilespmem:v31+s26+$0x0], $0xffff;
	[tilespmem:s12+$0x20] =	vst v7  }
0x7a9: {  	v17 =	vsub.f32 v17, v36;
	s16 =	sadd.s32 $0xFFFFFF30, s15;
	v7 =	vld.idx.msk [tilespmem:v12+s25+$0x0], $0xffff;
	[tilespmem:s11+$0x20] =	vst v5  }
0x7aa: {  	v3 =	vsub.f32 v3, v6;
	v5 =	vadd.s32 s16, v40;
	v12 =	vld.idx.msk [tilespmem:v12+s26+$0x0], $0xffff;
	[tilespmem:s12+$0x30] =	vst v18  }
0x7ab: {  	v2 =	vadd.f32 v4, v2;
	s16 =	sadd.s32 $0xFFFFFF60, s15;
	v6 =	vld.idx.msk [tilespmem:v24+s25+$0x0], $0xffff;
	[tilespmem:s11+$0x30] =	vst v17  }
0x7ac: {  	v15 =	vsub.f32 v15, v32;
	v4 =	vadd.s32 s16, v41;
	v17 =	vld.idx.msk [tilespmem:v24+s26+$0x0], $0xffff;
	[tilespmem:s12+$0x40] =	vst v3  }
0x7ad: {  	v14 =	vsub.f32 v14, v34;
	s16 =	sadd.s32 $0xFFFFFF70, s15;
	v3 =	vld.idx.msk [tilespmem:v20+s25+$0x0], $0xffff;
	[tilespmem:s11+$0x40] =	vst v2  }
0x7ae: {  	v1 =	vsub.f32 v1, v19;
	v18 =	vadd.s32 s16, v30;
	v2 =	vld.idx.msk [tilespmem:v20+s26+$0x0], $0xffff;
	[tilespmem:s12+$0x50] =	vst v15  }
0x7af: {  	v0 =	vsub.f32 v0, v29;
	s16 =	sadd.s32 $0xFFFFFFA0, s15;
	v15 =	vld.idx.msk [tilespmem:v5+s25+$0x0], $0xffff;
	[tilespmem:s11+$0x50] =	vst v14  }
0x7b0: {  	v11 =	vsub.f32 v11, v43;
	v14 =	vadd.s32 s16, v28;
	v5 =	vld.idx.msk [tilespmem:v5+s26+$0x0], $0xffff;
	[tilespmem:s12+$0x60] =	vst v1  }
0x7b1: {  	v10 =	vsub.f32 v10, v16;
	s16 =	sadd.s32 $0xFFFFFFB0, s15;
	v1 =	vld.idx.msk [tilespmem:v4+s25+$0x0], $0xffff;
	[tilespmem:s11+$0x60] =	vst v0  }
0x7b2: {  	v0 =	vld.idx.msk [tilespmem:v4+s26+$0x0], $0xffff;
	v4 =	vadd.s32 s16, v27;
	[tilespmem:s12+$0x70] =	vst v11  }
0x7b3: {  	s16 =	sadd.s32 $0xFFFFFFE0, s15;
	v11 =	vld.idx.msk [tilespmem:v18+s25+$0x0], $0xffff;
	[tilespmem:s11+$0x70] =	vst v10  }
0x7b4: {  	v16 =	vadd.s32 s16, v35;
	v10 =	vld.idx.msk [tilespmem:v18+s26+$0x0], $0xffff  }
0x7b5: {  	s16 =	sadd.s32 $0xFFFFFFF0, s15;
	v18 =	vld.idx.msk [tilespmem:v14+s25+$0x0], $0xffff  }
0x7b6: {  	v19 =	vadd.s32 s16, v33;
	v14 =	vld.idx.msk [tilespmem:v14+s26+$0x0], $0xffff  }
0x7b7: {  	s16 =	sadd.s32 $0xFFFFFF40, s15;
	v20 =	vld.idx.msk [tilespmem:v4+s25+$0x0], $0xffff  }
0x7b8: {  	v23 =	vadd.s32 s16, v46;
	v4 =	vld.idx.msk [tilespmem:v4+s26+$0x0], $0xffff  }
0x7b9: {  	s16 =	sadd.s32 $0xFFFFFF80, s15;
	v24 =	vld.idx.msk [tilespmem:v16+s25+$0x0], $0xffff  }
0x7ba: {  	v25 =	vadd.s32 s16, v44;
	v16 =	vld.idx.msk [tilespmem:v16+s26+$0x0], $0xffff  }
0x7bb: {  	s16 =	sadd.s32 $0xFFFFFFC0, s15;
	v26 =	vld.idx.msk [tilespmem:v19+s25+$0x0], $0xffff  }
0x7bc: {  	v27 =	vadd.f32 v7, v9;
	v13 =	vadd.s32 s16, v13;
	v19 =	vld.idx.msk [tilespmem:v19+s26+$0x0], $0xffff  }
0x7bd: {  	v29 =	vadd.f32 v12, v8;
	v7 =	vsub.f32 v9, v7;
	v28 =	vld.idx.msk [tilespmem:v23+s25+$0x0], $0xffff  }
0x7be: {  	v8 =	vsub.f32 v8, v12;
	v12 =	vadd.f32 v6, v21;
	v9 =	vld.idx.msk [tilespmem:v23+s26+$0x0], $0xffff;
	v23 =	vadd.s32 s15, v38  }
0x7bf: {  	v6 =	vsub.f32 v21, v6;
	v31 =	vadd.f32 v17, v22;
	v30 =	vld.idx.msk [tilespmem:v25+s25+$0x0], $0xffff  }
0x7c0: {  	v17 =	vsub.f32 v22, v17;
	v22 =	vadd.f32 v20, v15;
	v21 =	vld.idx.msk [tilespmem:v25+s26+$0x0], $0xffff  }
0x7c1: {  	v32 =	vadd.f32 v4, v5;
	v33 =	vadd.f32 v26, v11;
	v25 =	vld.idx.msk [tilespmem:v13+s25+$0x0], $0xffff  }
0x7c2: {  	v15 =	vsub.f32 v15, v20;
	v20 =	vadd.f32 v19, v10;
	v13 =	vld.idx.msk [tilespmem:v13+s26+$0x0], $0xffff  }
0x7c3: {  	v4 =	vsub.f32 v5, v4;
	v5 =	vsub.f32 v11, v26;
	v34 =	vld.idx.msk [tilespmem:v23+s25+$0x0], $0xffff  }
0x7c4: {  	v10 =	vsub.f32 v10, v19;
	v19 =	vadd.f32 v18, v3;
	v11 =	vld.idx.msk [tilespmem:v23+s26+$0x0], $0xffff  }
0x7c5: {  	v3 =	vsub.f32 v3, v18;
	v23 =	vadd.f32 v14, v2  }
0x7c6: {  	v2 =	vsub.f32 v2, v14;
	v14 =	vadd.f32 v24, v1  }
0x7c7: {  	v18 =	vadd.f32 v16, v0;
	v1 =	vsub.f32 v1, v24  }
0x7c8: {  	v0 =	vsub.f32 v0, v16;
	v24 =	vadd.f32 v25, v28  }
0x7c9: {  	v26 =	vadd.f32 v13, v9;
	v35 =	vadd.f32 v34, v30  }
0x7ca: {  	v25 =	vsub.f32 v28, v25;
	v28 =	vadd.f32 v11, v21  }
0x7cb: {  	v9 =	vsub.f32 v9, v13;
	v13 =	vsub.f32 v30, v34  }
0x7cc: {  	v11 =	vsub.f32 v21, v11;
	v21 =	vadd.f32 v12, v27  }
0x7cd: {  	v30 =	vadd.f32 v31, v29;
	v12 =	vsub.f32 v27, v12  }
0x7ce: {  	v27 =	vsub.f32 v29, v31;
	v29 =	vadd.f32 v17, v7  }
0x7cf: {  	v36 =	vsub.f32 v7, v17;
	v34 =	vsub.f32 v8, v6  }
0x7d0: {  	v37 =	vadd.f32 v6, v8;
	v6 =	vadd.f32 v33, v22  }
0x7d1: {  	v7 =	vadd.f32 v20, v32;
	v17 =	vsub.f32 v22, v33  }
0x7d2: {  	v20 =	vsub.f32 v32, v20;
	v22 =	vadd.f32 v14, v19  }
0x7d3: {  	v31 =	vadd.f32 v18, v23;
	v32 =	vadd.f32 v35, v24  }
0x7d4: {  	v33 =	vadd.f32 v10, v15;
	v38 =	vadd.f32 v28, v26  }
0x7d5: {  	v39 =	vsub.f32 v4, v5;
	v10 =	vsub.f32 v15, v10  }
0x7d6: {  	v15 =	vadd.f32 v5, v4;
	v14 =	vsub.f32 v19, v14  }
0x7d7: {  	v18 =	vsub.f32 v23, v18;
	v19 =	vadd.f32 v0, v3  }
0x7d8: {  	v41 =	vsub.f32 v3, v0;
	v40 =	vsub.f32 v2, v1  }
0x7d9: {  	v16 =	vadd.f32 v1, v2;
	v23 =	vsub.f32 v24, v35  }
0x7da: {  	v24 =	vsub.f32 v26, v28;
	v26 =	vadd.f32 v11, v25  }
0x7db: {  	v28 =	vsub.f32 v9, v13;
	v11 =	vsub.f32 v25, v11  }
0x7dc: {  	v25 =	vadd.f32 v13, v9;
	v9 =	vadd.f32 v6, v21  }
0x7dd: {  	v8 =	vadd.f32 v7, v30;
	v3 =	vsub.f32 v21, v6  }
0x7de: {  	v2 =	vsub.f32 v30, v7;
	v7 =	vadd.f32 v20, v12  }
0x7df: {  	v5 =	vsub.f32 v27, v17;
	v1 =	vsub.f32 v12, v20  }
0x7e0: {  	v0 =	vadd.f32 v17, v27;
	v13 =	vadd.f32 v32, v22  }
0x7e1: {  	v4 =	vsub.f32 v22, v32;
	v12 =	vadd.f32 v38, v31  }
0x7e2: {  	v17 =	vmul.f32 $7.071067690e-01, v33;
	v20 =	vmul.f32 $7.071067690e-01, v39;
	v6 =	vsub.f32 v31, v38  }
0x7e3: {  	v10 =	vmul.f32 $-7.071067690e-01, v10;
	v30 =	vsub.f32 v18, v23;
	v22 =	vadd.f32 v24, v14  }
0x7e4: {  	v15 =	vmul.f32 $-7.071067690e-01, v15;
	v35 =	vadd.f32 v23, v18;
	v24 =	vsub.f32 v14, v24  }
0x7e5: {  	v14 =	vmul.f32 $7.071067690e-01, v26;
	v33 =	vadd.f32 v13, v9;
	v31 =	vadd.f32 v12, v8  }
0x7e6: {  	v18 =	vmul.f32 $7.071067690e-01, v28;
	v27 =	vsub.f32 v2, v4;
	v28 =	vadd.f32 v6, v3  }
0x7e7: {  	v23 =	vadd.f32 v20, v17;
	v17 =	vsub.f32 v20, v17;
	v11 =	vmul.f32 $-7.071067690e-01, v11  }
0x7e8: {  	v26 =	vsub.f32 v10, v15;
	v10 =	vadd.f32 v10, v15;
	v15 =	vmul.f32 $-7.071067690e-01, v25  }
0x7e9: {  	v25 =	vadd.f32 v18, v14;
	v38 =	vsub.f32 v18, v14  }
0x7ea: {  	v39 =	vsub.f32 v11, v15;
	v32 =	vadd.f32 v11, v15  }
0x7eb: {  	v21 =	vadd.f32 v23, v29;
	v20 =	vadd.f32 v17, v34  }
0x7ec: {  	v15 =	vsub.f32 v29, v23;
	v14 =	vsub.f32 v34, v17;
	v22 =	vmul.f32 $7.071067690e-01, v22  }
0x7ed: {  	v30 =	vmul.f32 $7.071067690e-01, v30;
	v18 =	vadd.f32 v26, v36;
	v17 =	vadd.f32 v10, v37  }
0x7ee: {  	v11 =	vsub.f32 v36, v26;
	v10 =	vsub.f32 v37, v10;
	v29 =	vmul.f32 $-7.071067690e-01, v24  }
0x7ef: {  	v23 =	vadd.f32 v30, v22;
	v22 =	vsub.f32 v30, v22;
	v30 =	vmul.f32 $-7.071067690e-01, v35  }
0x7f0: {  	v24 =	vadd.f32 v25, v19;
	v26 =	vadd.f32 v38, v40  }
.Ltmp3:
0x7f1: {  	v34 =	vsub.f32 v19, v25;
	v19 =	vsub.f32 v29, v30;
	(pc) =	sbr.rel @p0 .LBB2_9-.Ltmp3, $4  }
0x7f2: {  	v35 =	vsub.f32 v40, v38;
	v25 =	vmul.f32 $9.238795040e-01, v24;
	v38 =	vmul.f32 $3.826834260e-01, v26  }
0x7f3: {  	v36 =	vadd.f32 v39, v41;
	v24 =	vmul.f32 $3.826834260e-01, v24;
	v40 =	vmul.f32 $9.238795040e-01, v26  }
0x7f4: {  	v37 =	vadd.f32 v32, v16;
	v26 =	vadd.f32 v38, v25  }
0x7f5: {  	s12 =	sadd.s32 $0x100, s12;
	s15 =	sadd.s32 $0x100, s15;
	v25 =	vsub.f32 v41, v39;
	v24 =	vsub.f32 v40, v24  }
0x7f6: {  	v38 =	vadd.f32 v26, v21;
	v39 =	vmul.f32 $3.826834260e-01, v36;
	v40 =	vmul.f32 $9.238795040e-01, v37;
	[tilespmem:s12+$0xFFFFFF80] =	vst v33;
	s11 =	sadd.s32 $0x100, s11  }
0x7f7: {  	v54 =	vmul.f32 $9.238795040e-01, v36;
	v55 =	vmul.f32 $3.826834260e-01, v37;
	v53 =	vadd.f32 v24, v20;
	[tilespmem:s11+$0xFFFFFF80] =	vst v31  }
0x7f8: {  	v56 =	vadd.f32 v23, v7;
	v39 =	vadd.f32 v40, v39;
	[tilespmem:s12+$0xFFFFFF90] =	vst v38  }
0x7f9: {  	v57 =	vadd.f32 v22, v5;
	v36 =	vsub.f32 v55, v54;
	[tilespmem:s11+$0xFFFFFF90] =	vst v53  }
0x7fa: {  	v59 =	vmul.f32 $-3.826834260e-01, v34;
	v60 =	vmul.f32 $9.238795040e-01, v35;
	v58 =	vadd.f32 v39, v18;
	[tilespmem:s12+$0xFFFFFFA0] =	vst v56  }
0x7fb: {  	v62 =	vmul.f32 $-9.238795040e-01, v34;
	v63 =	vmul.f32 $3.826834260e-01, v35;
	v61 =	vadd.f32 v36, v17;
	[tilespmem:s11+$0xFFFFFFA0] =	vst v57  }
0x7fc: {  	v16 =	vsub.f32 v16, v32;
	v41 =	vadd.f32 v60, v59;
	[tilespmem:s12+$0xFFFFFFB0] =	vst v58  }
0x7fd: {  	v29 =	vadd.f32 v29, v30;
	v42 =	vsub.f32 v62, v63;
	[tilespmem:s11+$0xFFFFFFB0] =	vst v61  }
0x7fe: {  	v44 =	vmul.f32 $-9.238795040e-01, v25;
	v45 =	vmul.f32 $3.826834260e-01, v16;
	v43 =	vadd.f32 v41, v15;
	[tilespmem:s12+$0xFFFFFFC0] =	vst v28  }
0x7ff: {  	v47 =	vmul.f32 $-3.826834260e-01, v25;
	v16 =	vmul.f32 $9.238795040e-01, v16;
	v46 =	vadd.f32 v42, v14;
	[tilespmem:s11+$0xFFFFFFC0] =	vst v27  }
0x800: {  	v48 =	vadd.f32 v19, v1;
	v31 =	vadd.f32 v45, v44;
	[tilespmem:s12+$0xFFFFFFD0] =	vst v43  }
0x801: {  	v49 =	vadd.f32 v29, v0;
	v16 =	vsub.f32 v47, v16;
	[tilespmem:s11+$0xFFFFFFD0] =	vst v46  }
0x802: {  	v50 =	vadd.f32 v31, v11;
	[tilespmem:s12+$0xFFFFFFE0] =	vst v48  }
0x803: {  	v51 =	vadd.f32 v16, v10;
	[tilespmem:s11+$0xFFFFFFE0] =	vst v49  }
0x804: {  	v9 =	vsub.f32 v9, v13;
	[tilespmem:s12+$0xFFFFFFF0] =	vst v50  }
0x805: {  	v8 =	vsub.f32 v8, v12;
	[tilespmem:s11+$0xFFFFFFF0] =	vst v51  }
0x806: {  	v52 =	vsub.f32 v21, v26;
	[tilespmem:s12+$0x0] =	vst v9  }
0x807: {  	v53 =	vsub.f32 v20, v24;
	[tilespmem:s11+$0x0] =	vst v8  }
0x808: {  	v54 =	vsub.f32 v7, v23;
	[tilespmem:s12+$0x10] =	vst v52  }
0x809: {  	v55 =	vsub.f32 v5, v22;
	[tilespmem:s11+$0x10] =	vst v53  }
0x80a: {  	v56 =	vsub.f32 v18, v39;
	[tilespmem:s12+$0x20] =	vst v54  }
0x80b: {  	v57 =	vsub.f32 v17, v36;
	[tilespmem:s11+$0x20] =	vst v55  }
0x80c: {  	v3 =	vsub.f32 v3, v6;
	[tilespmem:s12+$0x30] =	vst v56  }
0x80d: {  	v2 =	vadd.f32 v4, v2;
	[tilespmem:s11+$0x30] =	vst v57  }
0x80e: {  	v58 =	vsub.f32 v15, v41;
	[tilespmem:s12+$0x40] =	vst v3  }
0x80f: {  	v59 =	vsub.f32 v14, v42;
	[tilespmem:s11+$0x40] =	vst v2  }
0x810: {  	v60 =	vsub.f32 v1, v19;
	[tilespmem:s12+$0x50] =	vst v58  }
0x811: {  	v61 =	vsub.f32 v0, v29;
	[tilespmem:s11+$0x50] =	vst v59  }
0x812: {  	s8 =	sadd.s32 s13, s8;
	s7 =	sadd.s32 $0x1, s7;
	v62 =	vsub.f32 v11, v31;
	[tilespmem:s12+$0x60] =	vst v60  }
0x813: {  	s8 =	sshll.u32 s8, $0xA;
	p0 =	sne.s32 s7, $0x10;
	v63 =	vsub.f32 v10, v16;
	[tilespmem:s11+$0x60] =	vst v61  }
.Ltmp4:
0x814: {  	s8 =	sand.u32 $0x1FFFFC00, s8;
	[tilespmem:s12+$0x70] =	vst v62;
	(pc) =	sbr.rel @p0 .LBB2_2-.Ltmp4, $4  }
0x815: {  	s18 =	sadd.s32 s2, s8;
	[tilespmem:s11+$0x70] =	vst v63  }
0x816: {  	[hbm4b:s18+s3] =	stream.linear.scatter [tilespmem:s0], [sflag:$0x7], $0x2000, $0x38;
	[tilespmem:$0x14300] =	vst v63  }
0x817: {  	s8 =	sadd.s32 s9, s8  }
0x818: {  	[hbm4b:s8+s3] =	stream.linear.scatter [tilespmem:s4], [sflag:$0x8], $0x2000, $0x38;
	[tilespmem:$0x14300] =	vst v63  }
0x819: {  	s7 =	simm.s32 $0x5  }
0x81a: {  	_ =	swait.ge [sflag:s7], $0x2000  }
0x81b: {  	[sflag:s7] =	ssyncset.done $0x0  }
0x81c: {  	s16 =	simm.s32 $0x6;
	[sflag:s7] =	ssyncadd.s32 $0xFFFFE000  }
0x81d: {  	_ =	swait.ge [sflag:s16], $0x2000  }
0x81e: {  	[sflag:s16] =	ssyncset.done $0x0  }
0x81f: {  	[sflag:s16] =	ssyncadd.s32 $0xFFFFE000  }
0x820: {  	_ =	swait.ge [sflag:s19], $0x2000  }
0x821: {  	[sflag:s19] =	ssyncset.done $0x0  }
0x822: {  	[sflag:s19] =	ssyncadd.s32 $0xFFFFE000  }
0x823: {  	_ =	swait.ge [sflag:s20], $0x2000  }
0x824: {  	s6 =	sadd.s32 $0x1, s6;
	s18 =	rddreg [dreg:$0x9]  }
0x825: {  	p0 =	sne.s32 s6, s18  }
.Ltmp5:
0x826: {  	_ = 	snop;
	(pc) =	sbr.rel @p0 .LBB2_1-.Ltmp5, $3  }
0x827: {  	_ =	sdelay $0x1  }
0x828: {  	[sflag:s20] =	ssyncset.done $0x0  }
0x829: {  	[sflag:s20] =	ssyncadd.s32 $0xFFFFE000  }
0x82a: {  	_ =	sfence.sel $0x180000  }
0x82b: {  	[bflag:$0x0] =	sbarrier.arrive $0xFFFF  }
0x82c: {  	_ =	strace $0x9000004D  }
0x82d: {  	s0 =	stileid.u32;
	[bflag:$0x2] =	sbarrier.arrive $0xFFFF  }
0x82e: {  	p0 =	sne.s32 s0, $0x0;
	s0 =	rddreg [dreg:$0x3]  }
0x82f: {  	s0 =	sadd.s32 @!p0 $0x100000, s0  }
0x830: {  	[sflag:s0] =	ssyncadd.tile.s32 @!p0 $0x1;
	_ =	shalt  }
.Lfunc_end2:
_tile_overlayer_lowered:
.L_overlay_start_2:
0x831: {  	(tag) =	ssettag $0x2  }
0x832: {  	s0 =	rddreg [dreg:$0x0];
	s2 =	stileid.u32  }
0x833: {  	s1 =	rddreg [dreg:$0x1];
	p0 =	sne.s32 s2, $0x0  }
0x834: {  	s3 =	rddreg [dreg:$0x2];
	[bflag:$0x3] =	sbarrier.arrive $0xFFFF;
	s2 =	simm.s32 @!p0 $0x1C09  }
0x835: {  	[timem:s3], [sflag:s2] =	dma.local @!p0 [hbm:s0], s1  }
0x836: {  	s0 =	simm.s32 @!p0 $0x9  }
0x837: {  	_ =	swait.ge @!p0 [sflag:s0], s1  }
0x838: {  	s1 =	ssub.s32 @!p0 $0x0, s1;
	[sflag:s0] =	ssyncset.done @!p0 $0x0  }
0x839: {  	[sflag:s0] =	ssyncadd.s32 @!p0 s1  }
0x83a: {  	[bflag:$0x3] =	sbarrier.arrive $0xFFFF  }
0x83b: {  	_ =	shalt  }

// kernel: sparse-core-data-format-call.1.cloned.1.call-start
scs
called_computation.1_lowered:
.L_overlay_start_0:
0x0: {  	s2 =	sld [smem:$0x3FD9]  }
0x1: {  	s3 =	sld [smem:$0x3FFE];
	_ =	sdelay $0x1  }
0x2: {  	s1 =	srdreg.scid  }
0x3: {  	s0 =	sand.u32 $0x1, s1  }
0x4: {  	s18 =	sshll.u32 s0, $0xA;
	s2 =	sadd.s32 s3, s2  }
0x5: {  	s2 =	sadd.s32 s2, s18  }
0x6: {  	[smem:$0x3FC6] =	sst s2  }
0x7: {  	_ = 	snop  }
0x8: {  	s2 =	sld [smem:$0x3FC9];
	(tm) =	ssettm $0x1  }
0x9: {  	s19 =	sld [smem:$0x3FFB];
	_ =	sdelay $0x3  }
0xa: {  	_ =	strace s19  }
0xb: {  	s3 =	sld [smem:$0x3FFC];
	_ =	sdelay $0x3  }
0xc: {  	_ =	strace s3  }
0xd: {  	s3 =	sld [smem:$0x3FFD];
	_ =	sdelay $0x3  }
0xe: {  	_ =	strace s3  }
0xf: {  	_ =	strace $0x8FFFFFFF  }
0x10: {  	s20 =	sld [smem:$0x3FDB];
	_ =	sdelay $0x1  }
0x11: {  	s4 =	simm.s32 $_scs_section_size  }
0x12: {  	s5 =	simm.s32 $_size__tile_overlayer_lowered;
	s6 =	simm.s32 $_tile_overlayer_lowered  }
0x13: {  	s23 =	simm.s32 $0x1BFF;
	s22 =	sshll.u32 s6, $0x1;
	s3 =	sadd.s32 s4, s20  }
0x14: {  	s7 =	simm.s32 $0x0;
	s21 =	sshll.u32 s5, $0x1;
	s5 =	sadd.s32 s22, s3  }
0x15: {  	[timem:s7], [sflag:s23] =	dma.local [hbm:s5], s21  }
0x16: {  	_ =	swait.ge [sflag:s23], s21  }
0x17: {  	s4 =	ssub.s32 $0x0, s21;
	[sflag:s23] =	ssyncset.done $0x0  }
0x18: {  	[sflag:s23] =	ssyncadd.s32 s4;
	_ =	sdelay $0x1  }
0x19: {  	s24 =	simm.s32 $0x1B8B  }
0x1a: {  	_ =	swait.ge [sflag:s24], $0x1  }
0x1b: {  	[sflag:s24] =	ssyncset.done $0x0  }
0x1c: {  	s26 =	simm.s32 $0x1B8E;
	s25 =	sld [smem:$0x3FFE];
	[sflag:s24] =	ssyncadd.s32 $0xFFFFFFFF  }
0x1d: {  	s27 =	simm.s32 $execute0_lowered;
	[smem:$0x3FD2] =	sst s26  }
0x1e: {  	s5 =	sshll.u32 s27, $0x1;
	_ =	strace $0x80000046;
	[dreg:$0x1] =	wrdreg $0xFFFFFFFF  }
0x1f: {  	s28 =	simm.s32 $_size_execute0_lowered;
	s3 =	sadd.s32 s3, s5;
	[dreg:$0x0] =	wrdreg $0x0  }
0x20: {  	s5 =	sshll.u32 s28, $0x1;
	[dreg:$0x2] =	wrdreg s3  }
0x21: {  	[dreg:$0x3] =	wrdreg s5  }
0x22: {  	[dreg:$0x4] =	wrdreg $0xC0  }
0x23: {  	_ =	task [dreg:s7], $0x5FFFF  }
0x24: {  	[dreg:$0x1] =	wrdreg $0xFFFFFFFF  }
0x25: {  	[dreg:$0x0] =	wrdreg $0x60  }
0x26: {  	[dreg:$0x2] =	wrdreg s2  }
0x27: {  	[dreg:$0x3] =	wrdreg s25  }
0x28: {  	[dreg:$0x4] =	wrdreg $0xA  }
0x29: {  	_ =	task.clear_ibuf [dreg:s7], $0x5FFFF;
	_ =	strace $0x90000046  }
0x2a: {  	s29 =	simm.s32 $0xA;
	_ =	strace $0x80000048  }
0x2b: {  	_ =	swait.ge [sflag:s29], $0x1  }
0x2c: {  	[sflag:s29] =	ssyncadd.s32 $0xFFFFFFFF  }
0x2d: {  	_ =	strace $0x90000048  }
0x2e: {  	_ =	sfence  }
0x2f: {  	s30 =	sld [smem:$0x0];
	_ =	sdelay $0x2  }
0x30: {  	s31 =	sshll.u32 s1, $0xD;
	s1 =	sshrl.u32 s1, $0x2  }
0x31: {  	s3 =	sand.u32 $0x4000, s31;
	s1 =	sadd.s32 s1, s30  }
0x32: {  	s0 =	sor.u32 s3, s0;
	s1 =	sshll.u32 s1, $0x11  }
0x33: {  	s0 =	sor.u32 s1, s0  }
0x34: {  	s0 =	sadd.s32 $0x8F2B, s0  }
0x35: {  	[sflag:s0] =	ssyncadd.remote.s32 $0x1  }
0x36: {  	_ =	sfence.sel $0xFFFF  }
0x37: {  	[dreg:$0x0] =	wrdreg $0xFFFFFFFF;
	(pc) =	sbr.abs _section_cstart, $3  }
0x38: {  	[dreg:$0x1] =	wrdreg $0xFFFFFFFF  }
0x39: {  	_ =	task.clear_ibuf [dreg:s7], $0x2FFFF;
	_ =	strace $0x9FFFFFFF  }
0x3a: {  	(tm) =	ssettm $0x7FFFFFFF  }
0x3b: {  	_ =	shalt  }
tec
execute0_lowered:
.L_overlay_start_1:
0x0: {  	(tag) =	ssettag $0x1  }
0x1: {  	s0 =	srdreg.scid  }
0x2: {  	s1 =	sshll.u32 s0, $0x4  }
0x3: {  	s2 =	rddreg [dreg:$0x0];
	s0 =	stileid.u32;
	s1 =	sand.u32 $0x10, s1  }
0x4: {  	s4 =	rddreg [dreg:$0x1];
	s7 =	simm.s32 $0x1;
	s1 =	sor.u32 s0, s1  }
0x5: {  	s8 =	simm.s32 $0x2;
	s9 =	simm.s32 $0x0;
	s3 =	sshll.u32 s1, $0x3  }
0x6: {  	s12 =	simm.s32 $0x0;
	s11 =	simm.s32 $0x0;
	s6 =	ssub.s32 $0x1000, s3  }
.Ltmp0:
0x7: {  	s4 =	sadd.s32 $0x1600, s4;
	s5 =	sand.u32 $0xF8, s6;
	(pc) =	sbr.rel .LBB1_1-.Ltmp0, $4  }
0x8: {  	s1 =	rddreg [dreg:$0x2];
	_ =	strace $0x80000047;
	p0 =	sne.s32 s5, $0x0  }
0x9: {  	s6 =	sshrl.u32 s6, $0x8;
	s5 =	simm.s32 $0x1;
	s7 =	simm.s32 @!p0 $0x0  }
0xa: {  	s10 =	smov.u32 s3;
	[sflag:s5] =	ssyncpa.u1 $0x0;
	s6 =	sadd.s32 s7, s6  }
0xb: {  	[sflag:s8] =	ssyncpa.u1 $0x0;
	s8 =	simm.s32 $0x0;
	s7 =	sadd.s32 $0x1, s6  }
.LBB1_9:
0xc: {  	s14 =	sadd.s32 $0x100, s10  }
0xd: {  	p1 =	sgt.s32 s14, $0xFFF  }
0xe: {  	s14 =	smov.u32 @p1 s3;
	p1 =	sne.s32 s11, s7  }
.Ltmp1:
0xf: {  	p0 =	slt.u32 s11, $0x2;
	(pc) =	sbr.rel @!p1 .LBB1_10-.Ltmp1, $4  }
0x10: {  	s13 =	simm.s32 @!p0 $0x2  }
0x11: {  	s15 =	sadd.s32 $0x1, s11;
	_ =	swait.ge @!p0 [sflag:s13], $0x4000  }
0x12: {  	s12 =	smov.u32 s10;
	s9 =	sadd.s32 $0x4000, s9;
	[sflag:s13] =	ssyncset.done @!p0 $0x0  }
0x13: {  	s11 =	smov.u32 s15;
	s10 =	smov.u32 s14;
	[sflag:s13] =	ssyncadd.s32 @!p0 $0xFFFFC000  }
.LBB1_1:
0x14: {  	p0 =	sge.u32 s11, s6  }
0x15: {  	s13 =	sxor.u32 @!p0 $0xFFFFFFFF, s11  }
0x16: {  	s31 =	sadd.s32 $0xFFFFFFFF, s11;
	s14 =	sshll.u32 @!p0 s10, $0x8;
	s13 =	sshll.u32 @!p0 s13, $0xE  }
0x17: {  	s15 =	simm.s32 @!p0 $0x0;
	s14 =	sadd.s32 @!p0 s2, s14;
	s13 =	sand.u32 @!p0 $0x4000, s13  }
0x18: {  	[tilespmem:s13], [sflag:$0x1] =	stream.linear.gather @!p0 [hbm4b:s14+s15], $0x4000, $0x38;
	[tilespmem:$0x10000] =	vst v63  }
0x19: {  	p0 =	sge.u32 s31, s6  }
.Ltmp2:
0x1a: {  	_ = 	snop;
	(pc) =	sbr.rel @p0 .LBB1_9-.Ltmp2, $1  }
0x1b: {  	_ =	sdelay $0x3  }
0x1c: {  	s13 =	sshll.u32 s9, $0x2;
	_ =	swait.ge [sflag:s5], $0x4000;
	s14 =	sshll.u32 s11, $0xE  }
0x1d: {  	s16 =	simm.s32 $0x0;
	s17 =	simm.s32 $0x0;
	s15 =	sand.u32 $0x10000, s13  }
0x1e: {  	[sflag:s5] =	ssyncset.done $0x0;
	s31 =	sand.u32 $0x4000, s14;
	s14 =	sshrl.u32 s15, $0x2  }
0x1f: {  	[sflag:s5] =	ssyncadd.s32 $0xFFFFC000;
	s13 =	sor.u32 $0x8000, s31;
	s15 =	sor.u32 $0x8000, s14  }
.LBB1_3:
0x20: {  	s18 =	sshra.s32 s16, $0x2  }
0x21: {  	v0 =	vmov s18;
	_ =	sdelay $0x3  }
0x22: {  	p1 =	por $0x1, $0x1;
	s18 =	simm.s32 $0x0  }
.LBB1_4:
0x23: {  	_ = 	snop  }
0x24: {  	s19 =	sshll.u32 s18, $0xA  }
0x25: {  	s19 =	sand.u32 $0x3FFFFC00, s19  }
0x26: {  	s19 =	sadd.s32 s19, s14  }
0x27: {  	v5 =	vld.idx.msk [tilespmem:v0+s19+$0x70 ss:$0x1], $0xffff  }
0x28: {  	v6 =	vld.idx.msk [tilespmem:v0+s19+$0x10 ss:$0x1], $0xffff  }
0x29: {  	v7 =	vld.idx.msk [tilespmem:v0+s19+$0x20 ss:$0x1], $0xffff  }
0x2a: {  	s31 =	sshll.u32 s18, $0x7;
	v1 =	vld.idx.msk [tilespmem:v0+s19+$0x30 ss:$0x1], $0xffff  }
0x2b: {  	s18 =	sand.u32 $0x3FFFFF80, s31;
	v2 =	vld.idx.msk [tilespmem:v0+s19+$0x40 ss:$0x1], $0xffff  }
0x2c: {  	s18 =	sadd.s32 s18, s15;
	v3 =	vld.idx.msk [tilespmem:v0+s19+$0x50 ss:$0x1], $0xffff  }
0x2d: {  	v4 =	vld.idx.msk [tilespmem:v0+s19+$0x60 ss:$0x1], $0xffff;
	[tilespmem:v0+s18+$0x70 ss:$0x1] =	vst.idx.msk $0xffff, v5  }
0x2e: {  	v5 =	vld.idx.msk [tilespmem:v0+s19+$0x0 ss:$0x1], $0xffff;
	[tilespmem:v0+s18+$0x10 ss:$0x1] =	vst.idx.msk $0xffff, v6;
	s19 =	sadd.s32 $0x80, s19  }
0x2f: {  	p0 =	por p1, p1;
	s20 =	simm.s32 $0x6;
	[tilespmem:v0+s18+$0x20 ss:$0x1] =	vst.idx.msk $0xffff, v7;
	v6 =	vld.idx.msk [tilespmem:v0+s19+$0x70 ss:$0x1], $0xffff  }
.LBB1_5:
0x30: {  	p1 =	sne.s32 s20, $0x1;
	v7 =	vld.idx.msk [tilespmem:v0+s19+$0x10 ss:$0x1], $0xffff;
	[tilespmem:v0+s18+$0x30 ss:$0x1] =	vst.idx.msk $0xffff, v1  }
0x31: {  	v8 =	vld.idx.msk [tilespmem:v0+s19+$0x20 ss:$0x1], $0xffff;
	[tilespmem:v0+s18+$0x40 ss:$0x1] =	vst.idx.msk $0xffff, v2  }
0x32: {  	v1 =	vld.idx.msk [tilespmem:v0+s19+$0x30 ss:$0x1], $0xffff;
	[tilespmem:v0+s18+$0x50 ss:$0x1] =	vst.idx.msk $0xffff, v3  }
.Ltmp3:
0x33: {  	v2 =	vld.idx.msk [tilespmem:v0+s19+$0x40 ss:$0x1], $0xffff;
	[tilespmem:v0+s18+$0x60 ss:$0x1] =	vst.idx.msk $0xffff, v4;
	(pc) =	sbr.rel @p1 .LBB1_5-.Ltmp3, $4  }
0x34: {  	v3 =	vld.idx.msk [tilespmem:v0+s19+$0x50 ss:$0x1], $0xffff;
	[tilespmem:v0+s18+$0x0 ss:$0x1] =	vst.idx.msk $0xffff, v5;
	s18 =	sadd.s32 $0x100, s18  }
0x35: {  	v4 =	vld.idx.msk [tilespmem:v0+s19+$0x60 ss:$0x1], $0xffff;
	[tilespmem:v0+s18+$0x70 ss:$0x1] =	vst.idx.msk $0xffff, v6  }
0x36: {  	v5 =	vld.idx.msk [tilespmem:v0+s19+$0x0 ss:$0x1], $0xffff;
	[tilespmem:v0+s18+$0x10 ss:$0x1] =	vst.idx.msk $0xffff, v7;
	s19 =	sadd.s32 $0x80, s19  }
0x37: {  	s20 =	sadd.s32 $0xFFFFFFFF, s20;
	v6 =	vld.idx.msk [tilespmem:v0+s19+$0x70 ss:$0x1], $0xffff;
	[tilespmem:v0+s18+$0x20 ss:$0x1] =	vst.idx.msk $0xffff, v8  }
0x38: {  	_ =	sdelay $0x3  }
0x39: {  	[tilespmem:v0+s18+$0x30 ss:$0x1] =	vst.idx.msk $0xffff, v1  }
0x3a: {  	v1 =	vld.idx.msk [tilespmem:v0+s19+$0x10 ss:$0x1], $0xffff;
	[tilespmem:v0+s18+$0x40 ss:$0x1] =	vst.idx.msk $0xffff, v2  }
0x3b: {  	v2 =	vld.idx.msk [tilespmem:v0+s19+$0x20 ss:$0x1], $0xffff;
	[tilespmem:v0+s18+$0x50 ss:$0x1] =	vst.idx.msk $0xffff, v3  }
0x3c: {  	v61 =	vld.idx.msk [tilespmem:v0+s19+$0x40 ss:$0x1], $0xffff;
	[tilespmem:v0+s18+$0x60 ss:$0x1] =	vst.idx.msk $0xffff, v4  }
0x3d: {  	s31 =	sadd.s32 $0x100, s18;
	v62 =	vld.idx.msk [tilespmem:v0+s19+$0x50 ss:$0x1], $0xffff;
	[tilespmem:v0+s18+$0x0 ss:$0x1] =	vst.idx.msk $0xffff, v5  }
0x3e: {  	v63 =	vld.idx.msk [tilespmem:v0+s19+$0x60 ss:$0x1], $0xffff;
	[tilespmem:v0+s31+$0x70 ss:$0x1] =	vst.idx.msk $0xffff, v6  }
0x3f: {  	v3 =	vld.idx.msk [tilespmem:v0+s19+$0x30 ss:$0x1], $0xffff;
	[tilespmem:v0+s31+$0x10 ss:$0x1] =	vst.idx.msk $0xffff, v1  }
0x40: {  	v1 =	vld.idx.msk [tilespmem:v0+s19+$0x0 ss:$0x1], $0xffff;
	[tilespmem:v0+s31+$0x20 ss:$0x1] =	vst.idx.msk $0xffff, v2  }
.Ltmp4:
0x41: {  	[tilespmem:v0+s31+$0x40 ss:$0x1] =	vst.idx.msk $0xffff, v61;
	(pc) =	sbr.rel @p0 .LBB1_4-.Ltmp4, $4  }
0x42: {  	[tilespmem:v0+s31+$0x50 ss:$0x1] =	vst.idx.msk $0xffff, v62  }
0x43: {  	[tilespmem:v0+s31+$0x60 ss:$0x1] =	vst.idx.msk $0xffff, v63  }
0x44: {  	[tilespmem:v0+s31+$0x30 ss:$0x1] =	vst.idx.msk $0xffff, v3  }
0x45: {  	p1 =	por $0x0, $0x0;
	s18 =	simm.s32 $0x1;
	[tilespmem:v0+s31+$0x0 ss:$0x1] =	vst.idx.msk $0xffff, v1  }
0x46: {  	s17 =	sadd.s32 $0x1, s17  }
0x47: {  	p0 =	sne.s32 s17, $0x8  }
.Ltmp5:
0x48: {  	_ = 	snop;
	(pc) =	sbr.rel @p0 .LBB1_3-.Ltmp5, $2  }
0x49: {  	_ =	sdelay $0x2  }
0x4a: {  	s16 =	sadd.s32 $0x2000, s16  }
.Ltmp6:
0x4b: {  	(pc) =	sbr.rel .LBB1_9-.Ltmp6, $4  }
0x4c: {  	_ = 	snop  }
0x4d: {  	s12 =	sshll.u32 s12, $0x8  }
0x4e: {  	s12 =	sadd.s32 s4, s12  }
0x4f: {  	[hbm4b:s12+s8] =	stream.linear.scatter [tilespmem:s13], [sflag:$0x2], $0x4000, $0x38;
	[tilespmem:$0x10000] =	vst v63  }
.LBB1_10:
0x50: {  	_ =	sfence.sel $0x180000  }
0x51: {  	s2 =	simm.s32 $0x1;
	[bflag:$0x0] =	sbarrier.arrive $0xFFFF  }
0x52: {  	s31 =	simm.s32 $0x2;
	[sflag:s2] =	ssyncpa.u1 $0x1  }
0x53: {  	[sflag:s31] =	ssyncpa.u1 $0x1  }
0x54: {  	p0 =	sne.s32 s0, $0x0;
	_ =	strace $0x90000047  }
0x55: {  	s0 =	sadd.s32 @!p0 $0x100000, s1;
	[bflag:$0x2] =	sbarrier.arrive $0xFFFF  }
0x56: {  	[sflag:s0] =	ssyncadd.tile.s32 @!p0 $0x1;
	_ =	shalt  }
.Lfunc_end1:
_tile_overlayer_lowered:
.L_overlay_start_2:
0x57: {  	(tag) =	ssettag $0x2  }
0x58: {  	s0 =	rddreg [dreg:$0x0];
	s2 =	stileid.u32  }
0x59: {  	s1 =	rddreg [dreg:$0x1];
	p0 =	sne.s32 s2, $0x0  }
0x5a: {  	s3 =	rddreg [dreg:$0x2];
	[bflag:$0x3] =	sbarrier.arrive $0xFFFF;
	s2 =	simm.s32 @!p0 $0x1C01  }
0x5b: {  	[timem:s3], [sflag:s2] =	dma.local @!p0 [hbm:s0], s1  }
0x5c: {  	s0 =	simm.s32 @!p0 $0x1  }
0x5d: {  	_ =	swait.ge @!p0 [sflag:s0], s1  }
0x5e: {  	s1 =	ssub.s32 @!p0 $0x0, s1;
	[sflag:s0] =	ssyncset.done @!p0 $0x0  }
0x5f: {  	[sflag:s0] =	ssyncadd.s32 @!p0 s1  }
0x60: {  	[bflag:$0x3] =	sbarrier.arrive $0xFFFF  }
0x61: {  	_ =	shalt  }

// kernel: sparse-core-data-format-call.cloned.1.call-start
scs
called_computation_lowered:
.L_overlay_start_0:
0x0: {  	s2 =	sld [smem:$0x3FD9]  }
0x1: {  	s3 =	sld [smem:$0x3FFE];
	_ =	sdelay $0x1  }
0x2: {  	s1 =	srdreg.scid  }
0x3: {  	s0 =	sand.u32 $0x1, s1  }
0x4: {  	s17 =	sshll.u32 s0, $0xA;
	s2 =	sadd.s32 s3, s2  }
0x5: {  	s2 =	sadd.s32 s2, s17  }
0x6: {  	[smem:$0x3FC6] =	sst s2  }
0x7: {  	_ = 	snop  }
0x8: {  	s18 =	sld [smem:$0x3FD0];
	_ =	sdelay $0x2  }
0x9: {  	s4 =	simm.s32 $0xB;
	s5 =	simm.s32 $0x10;
	s2 =	sld [smem:$0x3FC8]  }
0xa: {  	[smem:s5], [sflag:s4] =	dma.local [hbm:s18], $0x1  }
0xb: {  	_ =	swait.eq [sflag:s4], $0x1  }
0xc: {  	[sflag:s4] =	ssyncset.done $0x0  }
0xd: {  	[sflag:s4] =	ssyncadd.s32 $0xFFFFFFFF  }
0xe: {  	s19 =	sld [smem:$0x10];
	(tm) =	ssettm $0x1  }
0xf: {  	s20 =	sld [smem:$0x3FFB];
	_ =	sdelay $0x3  }
0x10: {  	_ =	strace s20  }
0x11: {  	s3 =	sld [smem:$0x3FFC];
	_ =	sdelay $0x3  }
0x12: {  	_ =	strace s3  }
0x13: {  	s3 =	sld [smem:$0x3FFD];
	_ =	sdelay $0x3  }
0x14: {  	_ =	strace s3  }
0x15: {  	_ =	strace $0x8FFFFFFF  }
0x16: {  	s21 =	sld [smem:$0x3FDB];
	_ =	sdelay $0x1  }
0x17: {  	s22 =	simm.s32 $_scs_section_size  }
0x18: {  	s6 =	simm.s32 $_size__tile_overlayer_lowered;
	s7 =	simm.s32 $_tile_overlayer_lowered  }
0x19: {  	s8 =	simm.s32 $0x1BFF;
	s23 =	sshll.u32 s7, $0x1;
	s5 =	sadd.s32 s22, s21  }
0x1a: {  	s24 =	simm.s32 $0x0;
	s6 =	sshll.u32 s6, $0x1;
	s7 =	sadd.s32 s23, s5  }
0x1b: {  	[timem:s24], [sflag:s8] =	dma.local [hbm:s7], s6  }
0x1c: {  	_ =	swait.ge [sflag:s8], s6  }
0x1d: {  	s6 =	ssub.s32 $0x0, s6;
	[sflag:s8] =	ssyncset.done $0x0  }
0x1e: {  	[sflag:s8] =	ssyncadd.s32 s6;
	_ =	sdelay $0x1  }
0x1f: {  	s25 =	simm.s32 $0x1B8B  }
0x20: {  	_ =	swait.ge [sflag:s25], $0x1  }
0x21: {  	[sflag:s25] =	ssyncset.done $0x0  }
0x22: {  	[sflag:s25] =	ssyncadd.s32 $0xFFFFFFFF  }
0x23: {  	s6 =	sld [smem:$0x0]  }
0x24: {  	s7 =	sand.u32 $0xFFFFFFFE, s1  }
0x25: {  	p0 =	sne.s32 s1, s7  }
0x26: {  	s7 =	sshll.u32 @p0 s7, $0xE  }
0x27: {  	s7 =	sadd.s32 @p0 $0x11B8D, s7;
	s8 =	sshll.u32 @p0 s6, $0x11  }
0x28: {  	s7 =	sor.u32 @p0 s8, s7  }
0x29: {  	[sflag:s7] =	ssyncadd.remote.s32 @p0 $0x1;
	_ =	sdelay $0x1  }
0x2a: {  	s7 =	simm.s32 @p0 $0x1B8D  }
0x2b: {  	_ =	swait.eq @p0 [sflag:s7], $0x1  }
0x2c: {  	[sflag:s7] =	ssyncadd.s32 @p0 $0xFFFFFFFF  }
0x2d: {  	s8 =	sshll.u32 @!p0 s1, $0xE  }
0x2e: {  	s8 =	sor.u32 @!p0 $0x4000, s8;
	s7 =	simm.s32 @!p0 $0x1B8D  }
0x2f: {  	s6 =	sshll.u32 @!p0 s6, $0x11;
	s8 =	sadd.s32 @!p0 $0x11B8D, s8;
	_ =	swait.eq @!p0 [sflag:s7], $0x1  }
0x30: {  	s6 =	sor.u32 @!p0 s6, s8;
	[sflag:s7] =	ssyncadd.s32 @!p0 $0xFFFFFFFF  }
0x31: {  	s26 =	simm.s32 $0x1B8E;
	[sflag:s6] =	ssyncadd.remote.s32 @!p0 $0x1  }
0x32: {  	s27 =	simm.s32 $execute0_lowered;
	[smem:$0x3FD2] =	sst s26  }
0x33: {  	s6 =	sshll.u32 s27, $0x1;
	_ =	strace $0x80000049;
	[dreg:$0x1] =	wrdreg $0xFFFFFFFF  }
0x34: {  	s28 =	simm.s32 $_size_execute0_lowered;
	s5 =	sadd.s32 s5, s6;
	[dreg:$0x0] =	wrdreg $0x0  }
0x35: {  	s6 =	sshll.u32 s28, $0x1;
	[dreg:$0x2] =	wrdreg s5  }
0x36: {  	[dreg:$0x3] =	wrdreg s6  }
0x37: {  	[dreg:$0x4] =	wrdreg $0xC0  }
0x38: {  	_ =	task [dreg:s24], $0x5FFFF  }
0x39: {  	[dreg:$0x1] =	wrdreg $0xFFFFFFFF  }
0x3a: {  	[dreg:$0x0] =	wrdreg $0x60  }
0x3b: {  	[dreg:$0x2] =	wrdreg s2  }
0x3c: {  	[dreg:$0x3] =	wrdreg s19  }
0x3d: {  	[dreg:$0x4] =	wrdreg $0x9  }
0x3e: {  	_ =	task.clear_ibuf [dreg:s24], $0x5FFFF;
	_ =	strace $0x90000049  }
0x3f: {  	s29 =	simm.s32 $0x9;
	_ =	strace $0x8000004B  }
0x40: {  	_ =	swait.ge [sflag:s29], $0x1  }
0x41: {  	[sflag:s29] =	ssyncadd.s32 $0xFFFFFFFF  }
0x42: {  	_ =	strace $0x9000004B  }
0x43: {  	_ =	sfence  }
0x44: {  	s30 =	sld [smem:$0x0];
	_ =	sdelay $0x2  }
0x45: {  	s31 =	sshll.u32 s1, $0xD;
	s1 =	sshrl.u32 s1, $0x2  }
0x46: {  	s4 =	sand.u32 $0x4000, s31;
	s1 =	sadd.s32 s1, s30  }
0x47: {  	s0 =	sor.u32 s4, s0;
	s1 =	sshll.u32 s1, $0x11  }
0x48: {  	s0 =	sor.u32 s1, s0  }
0x49: {  	s0 =	sadd.s32 $0x8F2B, s0  }
0x4a: {  	[sflag:s0] =	ssyncadd.remote.s32 $0x1  }
0x4b: {  	_ =	sfence.sel $0xFFFF  }
0x4c: {  	[dreg:$0x0] =	wrdreg $0xFFFFFFFF;
	(pc) =	sbr.abs _section_cstart, $3  }
0x4d: {  	[dreg:$0x1] =	wrdreg $0xFFFFFFFF  }
0x4e: {  	_ =	task.clear_ibuf [dreg:s24], $0x2FFFF;
	_ =	strace $0x9FFFFFFF  }
0x4f: {  	(tm) =	ssettm $0x7FFFFFFF  }
tec
execute0_lowered:
.L_overlay_start_1:
0x0: {  	(tag) =	ssettag $0x1  }
0x1: {  	s0 =	srdreg.scid  }
0x2: {  	s1 =	sshll.u32 s0, $0x4  }
0x3: {  	s2 =	rddreg [dreg:$0x0];
	s0 =	stileid.u32;
	s1 =	sand.u32 $0x10, s1  }
0x4: {  	s4 =	rddreg [dreg:$0x1];
	s1 =	sor.u32 s0, s1  }
0x5: {  	s7 =	simm.s32 $0x1;
	s8 =	simm.s32 $0x2;
	s3 =	sshll.u32 s1, $0x3  }
0x6: {  	s9 =	simm.s32 $0x0;
	s12 =	simm.s32 $0x0;
	s6 =	ssub.s32 $0x1000, s3  }
.Ltmp0:
0x7: {  	s11 =	simm.s32 $0x0;
	s5 =	sand.u32 $0xF8, s6;
	(pc) =	sbr.rel .LBB1_1-.Ltmp0, $4  }
0x8: {  	s1 =	rddreg [dreg:$0x2];
	_ =	strace $0x8000004A;
	p0 =	sne.s32 s5, $0x0  }
0x9: {  	s6 =	sshrl.u32 s6, $0x8;
	s5 =	simm.s32 $0x1;
	s7 =	simm.s32 @!p0 $0x0  }
0xa: {  	s10 =	smov.u32 s3;
	[sflag:s5] =	ssyncpa.u1 $0x0;
	s6 =	sadd.s32 s7, s6  }
0xb: {  	[sflag:s8] =	ssyncpa.u1 $0x0;
	s8 =	simm.s32 $0x0;
	s7 =	sadd.s32 $0x1, s6  }
.LBB1_9:
0xc: {  	s14 =	sadd.s32 $0x100, s10  }
0xd: {  	p1 =	sgt.s32 s14, $0xFFF  }
0xe: {  	s14 =	smov.u32 @p1 s3;
	p1 =	sne.s32 s11, s7  }
.Ltmp1:
0xf: {  	p0 =	slt.u32 s11, $0x2;
	(pc) =	sbr.rel @!p1 .LBB1_10-.Ltmp1, $4  }
0x10: {  	s13 =	simm.s32 @!p0 $0x2  }
0x11: {  	s15 =	sadd.s32 $0x1, s11;
	_ =	swait.ge @!p0 [sflag:s13], $0x4000  }
0x12: {  	s12 =	smov.u32 s10;
	s9 =	sadd.s32 $0x4000, s9;
	[sflag:s13] =	ssyncset.done @!p0 $0x0  }
0x13: {  	s11 =	smov.u32 s15;
	s10 =	smov.u32 s14;
	[sflag:s13] =	ssyncadd.s32 @!p0 $0xFFFFC000  }
.LBB1_1:
0x14: {  	p0 =	sge.u32 s11, s6  }
0x15: {  	s13 =	sxor.u32 @!p0 $0xFFFFFFFF, s11  }
0x16: {  	s31 =	sadd.s32 $0xFFFFFFFF, s11;
	s14 =	sshll.u32 @!p0 s10, $0x8;
	s13 =	sshll.u32 @!p0 s13, $0xE  }
0x17: {  	s15 =	simm.s32 @!p0 $0x0;
	s14 =	sadd.s32 @!p0 s2, s14;
	s13 =	sand.u32 @!p0 $0x4000, s13  }
0x18: {  	[tilespmem:s13], [sflag:$0x1] =	stream.linear.gather @!p0 [hbm4b:s14+s15], $0x4000, $0x38;
	[tilespmem:$0x10000] =	vst v63  }
0x19: {  	p0 =	sge.u32 s31, s6  }
.Ltmp2:
0x1a: {  	_ = 	snop;
	(pc) =	sbr.rel @p0 .LBB1_9-.Ltmp2, $1  }
0x1b: {  	_ =	sdelay $0x3  }
0x1c: {  	s13 =	sshll.u32 s9, $0x2;
	_ =	swait.ge [sflag:s5], $0x4000;
	s14 =	sshll.u32 s11, $0xE  }
0x1d: {  	s16 =	simm.s32 $0x0;
	s17 =	simm.s32 $0x0;
	s15 =	sand.u32 $0x10000, s13  }
0x1e: {  	[sflag:s5] =	ssyncset.done $0x0;
	s31 =	sand.u32 $0x4000, s14;
	s14 =	sshrl.u32 s15, $0x2  }
0x1f: {  	[sflag:s5] =	ssyncadd.s32 $0xFFFFC000;
	s13 =	sor.u32 $0x8000, s31;
	s15 =	sor.u32 $0x8000, s14  }
.LBB1_3:
0x20: {  	s18 =	sshra.s32 s16, $0x2  }
0x21: {  	v0 =	vmov s18;
	_ =	sdelay $0x3  }
0x22: {  	p1 =	por $0x1, $0x1;
	s18 =	simm.s32 $0x0  }
.LBB1_4:
0x23: {  	_ = 	snop  }
0x24: {  	s19 =	sshll.u32 s18, $0xA  }
0x25: {  	s19 =	sand.u32 $0x3FFFFC00, s19  }
0x26: {  	s19 =	sadd.s32 s19, s14  }
0x27: {  	v5 =	vld.idx.msk [tilespmem:v0+s19+$0x70 ss:$0x1], $0xffff  }
0x28: {  	v6 =	vld.idx.msk [tilespmem:v0+s19+$0x10 ss:$0x1], $0xffff  }
0x29: {  	v7 =	vld.idx.msk [tilespmem:v0+s19+$0x20 ss:$0x1], $0xffff  }
0x2a: {  	s31 =	sshll.u32 s18, $0x7;
	v1 =	vld.idx.msk [tilespmem:v0+s19+$0x30 ss:$0x1], $0xffff  }
0x2b: {  	s18 =	sand.u32 $0x3FFFFF80, s31;
	v2 =	vld.idx.msk [tilespmem:v0+s19+$0x40 ss:$0x1], $0xffff  }
0x2c: {  	s18 =	sadd.s32 s18, s15;
	v3 =	vld.idx.msk [tilespmem:v0+s19+$0x50 ss:$0x1], $0xffff  }
0x2d: {  	v4 =	vld.idx.msk [tilespmem:v0+s19+$0x60 ss:$0x1], $0xffff;
	[tilespmem:v0+s18+$0x70 ss:$0x1] =	vst.idx.msk $0xffff, v5  }
0x2e: {  	v5 =	vld.idx.msk [tilespmem:v0+s19+$0x0 ss:$0x1], $0xffff;
	[tilespmem:v0+s18+$0x10 ss:$0x1] =	vst.idx.msk $0xffff, v6;
	s19 =	sadd.s32 $0x80, s19  }
0x2f: {  	p0 =	por p1, p1;
	s20 =	simm.s32 $0x6;
	[tilespmem:v0+s18+$0x20 ss:$0x1] =	vst.idx.msk $0xffff, v7;
	v6 =	vld.idx.msk [tilespmem:v0+s19+$0x70 ss:$0x1], $0xffff  }
.LBB1_5:
0x30: {  	p1 =	sne.s32 s20, $0x1;
	v7 =	vld.idx.msk [tilespmem:v0+s19+$0x10 ss:$0x1], $0xffff;
	[tilespmem:v0+s18+$0x30 ss:$0x1] =	vst.idx.msk $0xffff, v1  }
0x31: {  	v8 =	vld.idx.msk [tilespmem:v0+s19+$0x20 ss:$0x1], $0xffff;
	[tilespmem:v0+s18+$0x40 ss:$0x1] =	vst.idx.msk $0xffff, v2  }
0x32: {  	v1 =	vld.idx.msk [tilespmem:v0+s19+$0x30 ss:$0x1], $0xffff;
	[tilespmem:v0+s18+$0x50 ss:$0x1] =	vst.idx.msk $0xffff, v3  }
.Ltmp3:
0x33: {  	v2 =	vld.idx.msk [tilespmem:v0+s19+$0x40 ss:$0x1], $0xffff;
	[tilespmem:v0+s18+$0x60 ss:$0x1] =	vst.idx.msk $0xffff, v4;
	(pc) =	sbr.rel @p1 .LBB1_5-.Ltmp3, $4  }
0x34: {  	v3 =	vld.idx.msk [tilespmem:v0+s19+$0x50 ss:$0x1], $0xffff;
	[tilespmem:v0+s18+$0x0 ss:$0x1] =	vst.idx.msk $0xffff, v5;
	s18 =	sadd.s32 $0x100, s18  }
0x35: {  	v4 =	vld.idx.msk [tilespmem:v0+s19+$0x60 ss:$0x1], $0xffff;
	[tilespmem:v0+s18+$0x70 ss:$0x1] =	vst.idx.msk $0xffff, v6  }
0x36: {  	v5 =	vld.idx.msk [tilespmem:v0+s19+$0x0 ss:$0x1], $0xffff;
	[tilespmem:v0+s18+$0x10 ss:$0x1] =	vst.idx.msk $0xffff, v7;
	s19 =	sadd.s32 $0x80, s19  }
0x37: {  	s20 =	sadd.s32 $0xFFFFFFFF, s20;
	v6 =	vld.idx.msk [tilespmem:v0+s19+$0x70 ss:$0x1], $0xffff;
	[tilespmem:v0+s18+$0x20 ss:$0x1] =	vst.idx.msk $0xffff, v8  }
0x38: {  	_ =	sdelay $0x3  }
0x39: {  	[tilespmem:v0+s18+$0x30 ss:$0x1] =	vst.idx.msk $0xffff, v1  }
0x3a: {  	v1 =	vld.idx.msk [tilespmem:v0+s19+$0x10 ss:$0x1], $0xffff;
	[tilespmem:v0+s18+$0x40 ss:$0x1] =	vst.idx.msk $0xffff, v2  }
0x3b: {  	v2 =	vld.idx.msk [tilespmem:v0+s19+$0x20 ss:$0x1], $0xffff;
	[tilespmem:v0+s18+$0x50 ss:$0x1] =	vst.idx.msk $0xffff, v3  }
0x3c: {  	v61 =	vld.idx.msk [tilespmem:v0+s19+$0x40 ss:$0x1], $0xffff;
	[tilespmem:v0+s18+$0x60 ss:$0x1] =	vst.idx.msk $0xffff, v4  }
0x3d: {  	s31 =	sadd.s32 $0x100, s18;
	v62 =	vld.idx.msk [tilespmem:v0+s19+$0x50 ss:$0x1], $0xffff;
	[tilespmem:v0+s18+$0x0 ss:$0x1] =	vst.idx.msk $0xffff, v5  }
0x3e: {  	v63 =	vld.idx.msk [tilespmem:v0+s19+$0x60 ss:$0x1], $0xffff;
	[tilespmem:v0+s31+$0x70 ss:$0x1] =	vst.idx.msk $0xffff, v6  }
0x3f: {  	v3 =	vld.idx.msk [tilespmem:v0+s19+$0x30 ss:$0x1], $0xffff;
	[tilespmem:v0+s31+$0x10 ss:$0x1] =	vst.idx.msk $0xffff, v1  }
0x40: {  	v1 =	vld.idx.msk [tilespmem:v0+s19+$0x0 ss:$0x1], $0xffff;
	[tilespmem:v0+s31+$0x20 ss:$0x1] =	vst.idx.msk $0xffff, v2  }
.Ltmp4:
0x41: {  	[tilespmem:v0+s31+$0x40 ss:$0x1] =	vst.idx.msk $0xffff, v61;
	(pc) =	sbr.rel @p0 .LBB1_4-.Ltmp4, $4  }
0x42: {  	[tilespmem:v0+s31+$0x50 ss:$0x1] =	vst.idx.msk $0xffff, v62  }
0x43: {  	[tilespmem:v0+s31+$0x60 ss:$0x1] =	vst.idx.msk $0xffff, v63  }
0x44: {  	[tilespmem:v0+s31+$0x30 ss:$0x1] =	vst.idx.msk $0xffff, v3  }
0x45: {  	p1 =	por $0x0, $0x0;
	s18 =	simm.s32 $0x1;
	[tilespmem:v0+s31+$0x0 ss:$0x1] =	vst.idx.msk $0xffff, v1  }
0x46: {  	s17 =	sadd.s32 $0x1, s17  }
0x47: {  	p0 =	sne.s32 s17, $0x8  }
.Ltmp5:
0x48: {  	_ = 	snop;
	(pc) =	sbr.rel @p0 .LBB1_3-.Ltmp5, $2  }
0x49: {  	_ =	sdelay $0x2  }
0x4a: {  	s16 =	sadd.s32 $0x2000, s16  }
.Ltmp6:
0x4b: {  	(pc) =	sbr.rel .LBB1_9-.Ltmp6, $4  }
0x4c: {  	_ = 	snop  }
0x4d: {  	s12 =	sshll.u32 s12, $0x8  }
0x4e: {  	s12 =	sadd.s32 s4, s12  }
0x4f: {  	[hbm4b:s12+s8] =	stream.linear.scatter [tilespmem:s13], [sflag:$0x2], $0x4000, $0x38;
	[tilespmem:$0x10000] =	vst v63  }
.LBB1_10:
0x50: {  	_ =	sfence.sel $0x180000  }
0x51: {  	s2 =	simm.s32 $0x1;
	[bflag:$0x0] =	sbarrier.arrive $0xFFFF  }
0x52: {  	s31 =	simm.s32 $0x2;
	[sflag:s2] =	ssyncpa.u1 $0x1  }
0x53: {  	[sflag:s31] =	ssyncpa.u1 $0x1  }
0x54: {  	p0 =	sne.s32 s0, $0x0;
	_ =	strace $0x9000004A  }
0x55: {  	s0 =	sadd.s32 @!p0 $0x100000, s1;
	[bflag:$0x2] =	sbarrier.arrive $0xFFFF  }
0x56: {  	[sflag:s0] =	ssyncadd.tile.s32 @!p0 $0x1;
	_ =	shalt  }
.Lfunc_end1:
_tile_overlayer_lowered:
.L_overlay_start_2:
0x57: {  	(tag) =	ssettag $0x2  }
0x58: {  	s0 =	rddreg [dreg:$0x0];
	s2 =	stileid.u32  }
0x59: {  	s1 =	rddreg [dreg:$0x1];
	p0 =	sne.s32 s2, $0x0  }
0x5a: {  	s3 =	rddreg [dreg:$0x2];
	[bflag:$0x3] =	sbarrier.arrive $0xFFFF;
	s2 =	simm.s32 @!p0 $0x1C01  }
0x5b: {  	[timem:s3], [sflag:s2] =	dma.local @!p0 [hbm:s0], s1  }
0x5c: {  	s0 =	simm.s32 @!p0 $0x1  }
0x5d: {  	_ =	swait.ge @!p0 [sflag:s0], s1  }
0x5e: {  	s1 =	ssub.s32 @!p0 $0x0, s1;
	[sflag:s0] =	ssyncset.done @!p0 $0x0  }
0x5f: {  	[sflag:s0] =	ssyncadd.s32 @!p0 s1  }
0x60: {  	[bflag:$0x3] =	sbarrier.arrive $0xFFFF  }
0x61: {  	_ =	shalt  }

</sc_bundles>
